<compile_context>
chip_gen: v7x
topology: tpu7x:2x2x1
jax: 0.10.2.dev20260603
libtpu: 0.0.44.dev20260713+nightly
codegen_flags: <defaults>
</compile_context>

<pallas_src>
import functools

import jax
import jax.numpy as jnp
from jax import lax
from jax.experimental import pallas as pl
from jax.experimental.pallas import tpu as pltpu
from jax.experimental.pallas import tpu_sc as plsc

N = 10000
E = 320000
D = 128

NC = 2
NS = 16
EPT = E // NS
C = 128
EPT_PAD = 20480
NCHUNK = EPT_PAD // C
NBUF = 2
IB = 8
NBLK = NCHUNK // IB
NBLK_PAD = NBLK + 2
NPAD = 10016
ZROWS = NPAD // NS
H = D // 2
DW = 8


@functools.cache
def _make_sc_agg(with_deg):
    mesh = plsc.VectorSubcoreMesh(
        core_axis_name="c", subcore_axis_name="s",
        num_cores=NC, num_subcores=NS)

    out_type = [jax.ShapeDtypeStruct((NC, NPAD, H), jnp.float32)]
    scratch = [
        [pltpu.VMEM((2, IB, C), jnp.int32) for _ in range(2)],
        [pltpu.VMEM((C, H), jnp.float32) for _ in range(NBUF)],
        pltpu.VMEM_SHARED((NPAD, H), jnp.float32),
        pltpu.VMEM_SHARED((NPAD, H), jnp.float32),
        [pltpu.SemaphoreType.DMA for _ in range(NBUF)],
        [pltpu.SemaphoreType.DMA for _ in range(2)],
    ]
    if with_deg:
        out_type.append(jax.ShapeDtypeStruct((NC, NPAD, DW), jnp.float32))
        scratch.append(pltpu.VMEM((C, DW), jnp.float32))
        scratch.append(pltpu.VMEM_SHARED((NPAD, DW), jnp.float32))
        scratch.append(pltpu.SemaphoreType.DMA)

    @functools.partial(
        pl.kernel,
        out_type=out_type,
        mesh=mesh,
        scratch_types=scratch,
        compiler_params=pltpu.CompilerParams(use_tc_tiling_on_sc=False),
    )
    def sc_agg(table, edp, zeros, *rest):
        if with_deg:
            (ones_c, zeros_deg, out, out_deg, ed_blk, rows,
             tab_sh, agg_sh, gsem, isem, ones_v, deg_sh, dsem) = rest
        else:
            out, ed_blk, rows, tab_sh, agg_sh, gsem, isem = rest
        c = lax.axis_index("c")
        s = lax.axis_index("s")

        def load_idx(blk, par):
            pltpu.async_copy(edp.at[s, blk], ed_blk[par], isem[par])

        def wait_idx(par):
            pltpu.make_async_copy(edp.at[s, 0], ed_blk[par],
                                  isem[par]).wait()

        rs = pl.ds(s * ZROWS, ZROWS)
        pltpu.sync_copy(table.at[rs, pl.ds(c * H, H)], tab_sh.at[rs])
        pltpu.sync_copy(zeros, agg_sh.at[rs])
        if with_deg:
            pltpu.sync_copy(ones_c, ones_v)
            pltpu.sync_copy(zeros_deg, deg_sh.at[rs])
        load_idx(0, 0)
        load_idx(1, 1)
        wait_idx(0)
        plsc.subcore_barrier()
        for k in range(NBUF):
            pltpu.async_copy(tab_sh.at[ed_blk[0].at[0, k]], rows[k], gsem[k])

        def body(bi, carry):
            b0 = 2 * bi
            for par in range(2):
                blk = b0 + par
                for k in range(IB):
                    p = k % NBUF
                    if k == IB - NBUF:
                        wait_idx(1 - par)
                    pltpu.make_async_copy(tab_sh.at[ed_blk[par].at[0, k]],
                                          rows[p], gsem[p]).wait()
                    pltpu.sync_copy(rows[p], agg_sh.at[ed_blk[par].at[1, k]],
                                    add=True)
                    if with_deg:
                        @pl.when(c == par)
                        def _():
                            pltpu.async_copy(
                                ones_v, deg_sh.at[ed_blk[par].at[1, k]],
                                dsem, add=True)
                    if k < IB - NBUF:
                        nxt = tab_sh.at[ed_blk[par].at[0, k + NBUF]]
                    else:
                        nxt = tab_sh.at[ed_blk[1 - par].at[0, k - (IB - NBUF)]]
                    pltpu.async_copy(nxt, rows[p], gsem[p])
                load_idx(blk + 2, par)
            return carry

        lax.fori_loop(0, NBLK // 2, body, 0)

        for k in range(NBUF):
            pltpu.make_async_copy(tab_sh.at[ed_blk[0].at[0, 0]], rows[k],
                                  gsem[k]).wait()
        wait_idx(1)
        if with_deg:
            def dwait(i, carry):
                pltpu.make_async_copy(
                    ones_v, deg_sh.at[ed_blk[0].at[1, 0]], dsem).wait()
                return carry
            lax.fori_loop(0, NCHUNK // 2, dwait, 0)

        plsc.subcore_barrier()
        pltpu.sync_copy(agg_sh.at[rs], out.at[c, rs])
        if with_deg:
            pltpu.sync_copy(deg_sh.at[rs], out_deg.at[c, rs])

    return sc_agg


BM = 2504


def _tc0_body(p_ref, degp_ref, x_ref, wl_ref, wr_ref, b_ref,
              h1_ref, invd_ref):
    agg = jnp.concatenate([p_ref[0], p_ref[1]], axis=1)
    deg = degp_ref[0, :, 0:1] + degp_ref[1, :, 0:1]
    invd = 1.0 / jnp.maximum(deg, 1.0)
    mean = agg * invd
    h = jnp.dot(mean, wl_ref[...], preferred_element_type=jnp.float32)
    h = h + jnp.dot(x_ref[...], wr_ref[...], preferred_element_type=jnp.float32)
    h = h + b_ref[...]
    h1_ref[...] = jnp.maximum(h, 0.0)
    invd_ref[...] = invd


def _tc1_body(p_ref, h1_ref, invd_ref, wl_ref, wr_ref, b_ref, out_ref):
    agg = jnp.concatenate([p_ref[0], p_ref[1]], axis=1)
    mean = agg * invd_ref[...]
    o = jnp.dot(mean, wl_ref[...], preferred_element_type=jnp.float32)
    o = o + jnp.dot(h1_ref[...], wr_ref[...], preferred_element_type=jnp.float32)
    out_ref[...] = o + b_ref[...]


_GRID = NPAD // BM
_W_SPEC = pl.BlockSpec((D, D), lambda i: (0, 0))
_B_SPEC = pl.BlockSpec((1, D), lambda i: (0, 0))

_tc0 = pl.pallas_call(
    _tc0_body,
    grid=(_GRID,),
    in_specs=[
        pl.BlockSpec((NC, BM, H), lambda i: (0, i, 0)),
        pl.BlockSpec((NC, BM, DW), lambda i: (0, i, 0)),
        pl.BlockSpec((BM, D), lambda i: (i, 0)),
        _W_SPEC, _W_SPEC, _B_SPEC,
    ],
    out_specs=[
        pl.BlockSpec((BM, D), lambda i: (i, 0)),
        pl.BlockSpec((BM, 1), lambda i: (i, 0)),
    ],
    out_shape=[
        jax.ShapeDtypeStruct((NPAD, D), jnp.float32),
        jax.ShapeDtypeStruct((NPAD, 1), jnp.float32),
    ],
)

_tc1 = pl.pallas_call(
    _tc1_body,
    grid=(_GRID,),
    in_specs=[
        pl.BlockSpec((NC, BM, H), lambda i: (0, i, 0)),
        pl.BlockSpec((BM, D), lambda i: (i, 0)),
        pl.BlockSpec((BM, 1), lambda i: (i, 0)),
        _W_SPEC, _W_SPEC, _B_SPEC,
    ],
    out_specs=pl.BlockSpec((BM, D), lambda i: (i, 0)),
    out_shape=jax.ShapeDtypeStruct((N, D), jnp.float32),
)


def kernel(x, W_l0, W_r0, b0, W_l1, W_r1, b1, edge_index):
    src = edge_index[0].reshape(NS, EPT)
    dst = edge_index[1].reshape(NS, EPT)
    srcp = jnp.pad(src, ((0, 0), (0, EPT_PAD - EPT)))
    srcp = jnp.pad(srcp.reshape(NS, NBLK, IB, C),
                   ((0, 0), (0, 2), (0, 0), (0, 0)))
    dstp = jnp.pad(dst, ((0, 0), (0, EPT_PAD - EPT)), constant_values=N)
    dstp = jnp.pad(dstp.reshape(NS, NBLK, IB, C),
                   ((0, 0), (0, 2), (0, 0), (0, 0)), constant_values=N)
    edp = jnp.stack([srcp, dstp], axis=2)
    x_pad = jnp.pad(x, ((0, NPAD - N), (0, 0)))
    zeros = jnp.zeros((ZROWS, H), jnp.float32)
    ones_c = jnp.ones((C, DW), jnp.float32)
    zeros_deg = jnp.zeros((ZROWS, DW), jnp.float32)

    p0, deg = _make_sc_agg(True)(x_pad, edp, zeros, ones_c, zeros_deg)
    h1, invd = _tc0(p0, deg, x_pad, W_l0, W_r0, b0.reshape(1, D))
    p1, = _make_sc_agg(False)(h1, edp, zeros)
    out = _tc1(p1, h1, invd, W_l1, W_r1, b1.reshape(1, D))
    return out

# --- scband reference (transcript-rebuilt; emitter-appended) ---
"""Pipeline reference for scband-basic-gnn-27599459844666 (READ-ONLY COPY).

The authoritative reference and input builder live on the scoring server;
editing this copy changes nothing except your own understanding.
"""

import jax, jax.numpy as jnp
import numpy as np

N = 10000
E = 320000
D = 128


def setup_inputs(seed: int = 0) -> dict:
    key = jax.random.key(seed)
    ks = jax.random.split(key, 9)
    x = jax.random.normal(ks[0], (N, D), dtype=jnp.float32)
    edge_index = jax.random.randint(ks[1], (2, E), 0, N, dtype=jnp.int32)
    s = 1.0 / np.sqrt(D)
    W_l0 = jax.random.normal(ks[2], (D, D), dtype=jnp.float32) * s
    W_r0 = jax.random.normal(ks[3], (D, D), dtype=jnp.float32) * s
    b0 = jnp.zeros((D,), dtype=jnp.float32)
    W_l1 = jax.random.normal(ks[4], (D, D), dtype=jnp.float32) * s
    W_r1 = jax.random.normal(ks[5], (D, D), dtype=jnp.float32) * s
    b1 = jnp.zeros((D,), dtype=jnp.float32)
    return {
        "x": x,
        "W_l0": W_l0, "W_r0": W_r0, "b0": b0,
        "W_l1": W_l1, "W_r1": W_r1, "b1": b1,
        "edge_index": edge_index,
    }


def _sage_conv(h, edge_index, Wl, Wr, b):
    # GraphSAGE-style mean-aggregation conv (concrete init_conv for BasicGNN)
    src = edge_index[0]
    dst = edge_index[1]
    msg = jnp.take(h, src, axis=0)                       # gather [E, D]
    agg = jax.ops.segment_sum(msg, dst, num_segments=N)  # scatter-add [N, D]
    deg = jax.ops.segment_sum(jnp.ones((E,), h.dtype), dst, num_segments=N)
    mean = agg / jnp.clip(deg, 1.0)[:, None]
    return mean @ Wl + h @ Wr + b


def reference(x, W_l0, W_r0, b0, W_l1, W_r1, b1, edge_index):
    # BasicGNN.forward with num_layers=2, jk=None, dropout=0:
    #   x = conv0(x, edge_index); x = act(x); x = conv1(x, edge_index)
    h = _sage_conv(x, edge_index, W_l0, W_r0, b0)
    h = jax.nn.relu(h)
    h = _sage_conv(h, edge_index, W_l1, W_r1, b1)
    return h

if __name__ == "__main__":
    import jax
    _d = setup_inputs()
    print(jax.jit(kernel)(*tuple(_d.values())))

</pallas_src>

<mosaic_0001>
#map = affine_map<(d0, d1) -> (0, 0)>
#map1 = affine_map<(d0, d1) -> (0, 0, 0, 0, 0)>
#map2 = affine_map<(d0, d1) -> (0, 0, 0)>
module attributes {stable_mosaic.version = 14 : i64} {
  func.func @sc_agg(%arg0: i32, %arg1: i32, %arg2: memref<10016x128xf32, #tpu.memory_space<hbm>>, %arg3: memref<16x22x2x8x128xi32, #tpu.memory_space<hbm>>, %arg4: memref<626x64xf32, #tpu.memory_space<hbm>>, %arg5: memref<128x8xf32, #tpu.memory_space<hbm>>, %arg6: memref<626x8xf32, #tpu.memory_space<hbm>>, %arg7: memref<2x10016x64xf32, #tpu.memory_space<hbm>>, %arg8: memref<2x10016x8xf32, #tpu.memory_space<hbm>>, %arg9: memref<2x8x128xi32, #tpu.memory_space<vmem>>, %arg10: memref<2x8x128xi32, #tpu.memory_space<vmem>>, %arg11: memref<128x64xf32, #tpu.memory_space<vmem>>, %arg12: memref<128x64xf32, #tpu.memory_space<vmem>>, %arg13: memref<10016x64xf32, #tpu.memory_space<vmem_shared>>, %arg14: memref<10016x64xf32, #tpu.memory_space<vmem_shared>>, %arg15: memref<!tpu.dma_semaphore, #tpu.memory_space<semaphore_mem>>, %arg16: memref<!tpu.dma_semaphore, #tpu.memory_space<semaphore_mem>>, %arg17: memref<!tpu.dma_semaphore, #tpu.memory_space<semaphore_mem>>, %arg18: memref<!tpu.dma_semaphore, #tpu.memory_space<semaphore_mem>>, %arg19: memref<128x8xf32, #tpu.memory_space<vmem>>, %arg20: memref<10016x8xf32, #tpu.memory_space<vmem_shared>>, %arg21: memref<!tpu.dma_semaphore, #tpu.memory_space<semaphore_mem>>) attributes {dimension_semantics = [#tpu.dimension_semantics<core_parallel>, #tpu.dimension_semantics<subcore_parallel>], iteration_bounds = array<i64: 2, 16>, scalar_prefetch = 0 : i64, scratch_operands = 13 : i64, tpu.core_type = #tpu.core_type<sc_vector_subcore>, window_params = [{transform_indices = #map}, {transform_indices = #map1}, {transform_indices = #map}, {transform_indices = #map}, {transform_indices = #map}, {transform_indices = #map2}, {transform_indices = #map2}]} {
    %mul3A = arith.constant 626 : i32
    %mul3A_0 = arith.muli %arg1, %mul3A : i32
    %mul3A_1 = arith.constant 64 : i32
    %mul3A_2 = arith.muli %arg0, %mul3A_1 : i32
    "tpu.region"() ({
      %run_scoped3A = tpu.sem_alloc : memref<!tpu.dma_semaphore, #tpu.memory_space<semaphore_mem>>
      %dma_start3A_89 = arith.constant 0 : i32
      %dma_start3A_90 = tpu.memref_slice %arg13[%mul3A_0, %dma_start3A_89] : memref<10016x64xf32, #tpu.memory_space<vmem_shared>> -> memref<626x64xf32, #tpu.memory_space<vmem_shared>>
      %dma_start3A_91 = tpu.memref_slice %arg2[%mul3A_0, %mul3A_2] : memref<10016x128xf32, #tpu.memory_space<hbm>> -> memref<626x64xf32, #tpu.memory_space<hbm>>
      tpu.enqueue_dma source(%dma_start3A_91 : memref<626x64xf32, #tpu.memory_space<hbm>>) target(%dma_start3A_90 : memref<626x64xf32, #tpu.memory_space<vmem_shared>>) target_semaphore(%run_scoped3A : memref<!tpu.dma_semaphore, #tpu.memory_space<semaphore_mem>>)
      %dma_wait3A_92 = arith.constant 0 : i32
      %dma_wait3A_93 = tpu.memref_slice %arg13[%mul3A_0, %dma_wait3A_92] : memref<10016x64xf32, #tpu.memory_space<vmem_shared>> -> memref<626x64xf32, #tpu.memory_space<vmem_shared>>
      %dma_wait3A_94 = tpu.memref_slice %arg2[%mul3A_0, %mul3A_2] : memref<10016x128xf32, #tpu.memory_space<hbm>> -> memref<626x64xf32, #tpu.memory_space<hbm>>
      tpu.wait_dma2 semaphore(%run_scoped3A : memref<!tpu.dma_semaphore, #tpu.memory_space<semaphore_mem>>) src(%dma_wait3A_94 : memref<626x64xf32, #tpu.memory_space<hbm>>) dst(%dma_wait3A_93 : memref<626x64xf32, #tpu.memory_space<vmem_shared>>)
      tpu.yield
    }) : () -> ()
    "tpu.region"() ({
      %run_scoped3A = tpu.sem_alloc : memref<!tpu.dma_semaphore, #tpu.memory_space<semaphore_mem>>
      %dma_start3A_89 = arith.constant 0 : i32
      %dma_start3A_90 = tpu.memref_slice %arg14[%mul3A_0, %dma_start3A_89] : memref<10016x64xf32, #tpu.memory_space<vmem_shared>> -> memref<626x64xf32, #tpu.memory_space<vmem_shared>>
      tpu.enqueue_dma source(%arg4 : memref<626x64xf32, #tpu.memory_space<hbm>>) target(%dma_start3A_90 : memref<626x64xf32, #tpu.memory_space<vmem_shared>>) target_semaphore(%run_scoped3A : memref<!tpu.dma_semaphore, #tpu.memory_space<semaphore_mem>>)
      %dma_wait3A_91 = arith.constant 0 : i32
      %dma_wait3A_92 = tpu.memref_slice %arg14[%mul3A_0, %dma_wait3A_91] : memref<10016x64xf32, #tpu.memory_space<vmem_shared>> -> memref<626x64xf32, #tpu.memory_space<vmem_shared>>
      tpu.wait_dma2 semaphore(%run_scoped3A : memref<!tpu.dma_semaphore, #tpu.memory_space<semaphore_mem>>) src(%arg4 : memref<626x64xf32, #tpu.memory_space<hbm>>) dst(%dma_wait3A_92 : memref<626x64xf32, #tpu.memory_space<vmem_shared>>)
      tpu.yield
    }) : () -> ()
    "tpu.region"() ({
      %run_scoped3A = tpu.sem_alloc : memref<!tpu.dma_semaphore, #tpu.memory_space<semaphore_mem>>
      tpu.enqueue_dma source(%arg5 : memref<128x8xf32, #tpu.memory_space<hbm>>) target(%arg19 : memref<128x8xf32, #tpu.memory_space<vmem>>) target_semaphore(%run_scoped3A : memref<!tpu.dma_semaphore, #tpu.memory_space<semaphore_mem>>)
      tpu.wait_dma2 semaphore(%run_scoped3A : memref<!tpu.dma_semaphore, #tpu.memory_space<semaphore_mem>>) src(%arg5 : memref<128x8xf32, #tpu.memory_space<hbm>>) dst(%arg19 : memref<128x8xf32, #tpu.memory_space<vmem>>)
      tpu.yield
    }) : () -> ()
    "tpu.region"() ({
      %run_scoped3A = tpu.sem_alloc : memref<!tpu.dma_semaphore, #tpu.memory_space<semaphore_mem>>
      %dma_start3A_89 = arith.constant 0 : i32
      %dma_start3A_90 = tpu.memref_slice %arg20[%mul3A_0, %dma_start3A_89] : memref<10016x8xf32, #tpu.memory_space<vmem_shared>> -> memref<626x8xf32, #tpu.memory_space<vmem_shared>>
      tpu.enqueue_dma source(%arg6 : memref<626x8xf32, #tpu.memory_space<hbm>>) target(%dma_start3A_90 : memref<626x8xf32, #tpu.memory_space<vmem_shared>>) target_semaphore(%run_scoped3A : memref<!tpu.dma_semaphore, #tpu.memory_space<semaphore_mem>>)
      %dma_wait3A_91 = arith.constant 0 : i32
      %dma_wait3A_92 = tpu.memref_slice %arg20[%mul3A_0, %dma_wait3A_91] : memref<10016x8xf32, #tpu.memory_space<vmem_shared>> -> memref<626x8xf32, #tpu.memory_space<vmem_shared>>
      tpu.wait_dma2 semaphore(%run_scoped3A : memref<!tpu.dma_semaphore, #tpu.memory_space<semaphore_mem>>) src(%arg6 : memref<626x8xf32, #tpu.memory_space<hbm>>) dst(%dma_wait3A_92 : memref<626x8xf32, #tpu.memory_space<vmem_shared>>)
      tpu.yield
    }) : () -> ()
    %dma_start3A = arith.constant 0 : i32
    %dma_start3A_3 = arith.constant 0 : i32
    %dma_start3A_4 = arith.constant 0 : i32
    %dma_start3A_5 = arith.constant 0 : i32
    %dma_start3A_6 = tpu.memref_slice %arg3[%arg1, %dma_start3A, %dma_start3A_3, %dma_start3A_4, %dma_start3A_5] : memref<16x22x2x8x128xi32, #tpu.memory_space<hbm>> -> memref<1x1x2x8x128xi32, #tpu.memory_space<hbm>>
    %dma_start3A_7 = tpu.memref_squeeze %dma_start3A_6 : memref<1x1x2x8x128xi32, #tpu.memory_space<hbm>> -> memref<2x8x128xi32, #tpu.memory_space<hbm>>
    %dma_start3A_8 = arith.constant 0 : i32
    %dma_start3A_9 = arith.constant 0 : i32
    %dma_start3A_10 = arith.constant 0 : i32
    %dma_start3A_11 = tpu.memref_slice %arg3[%arg1, %dma_start3A, %dma_start3A_8, %dma_start3A_9, %dma_start3A_10] : memref<16x22x2x8x128xi32, #tpu.memory_space<hbm>> -> memref<1x1x2x8x128xi32, #tpu.memory_space<hbm>>
    %dma_start3A_12 = tpu.memref_squeeze %dma_start3A_11 : memref<1x1x2x8x128xi32, #tpu.memory_space<hbm>> -> memref<2x8x128xi32, #tpu.memory_space<hbm>>
    tpu.enqueue_dma source(%dma_start3A_12 : memref<2x8x128xi32, #tpu.memory_space<hbm>>) target(%arg9 : memref<2x8x128xi32, #tpu.memory_space<vmem>>) target_semaphore(%arg17 : memref<!tpu.dma_semaphore, #tpu.memory_space<semaphore_mem>>)
    %dma_start3A_13 = arith.constant 1 : i32
    %dma_start3A_14 = arith.constant 0 : i32
    %dma_start3A_15 = arith.constant 0 : i32
    %dma_start3A_16 = arith.constant 0 : i32
    %dma_start3A_17 = tpu.memref_slice %arg3[%arg1, %dma_start3A_13, %dma_start3A_14, %dma_start3A_15, %dma_start3A_16] : memref<16x22x2x8x128xi32, #tpu.memory_space<hbm>> -> memref<1x1x2x8x128xi32, #tpu.memory_space<hbm>>
    %dma_start3A_18 = tpu.memref_squeeze %dma_start3A_17 : memref<1x1x2x8x128xi32, #tpu.memory_space<hbm>> -> memref<2x8x128xi32, #tpu.memory_space<hbm>>
    %dma_start3A_19 = arith.constant 0 : i32
    %dma_start3A_20 = arith.constant 0 : i32
    %dma_start3A_21 = arith.constant 0 : i32
    %dma_start3A_22 = tpu.memref_slice %arg3[%arg1, %dma_start3A_13, %dma_start3A_19, %dma_start3A_20, %dma_start3A_21] : memref<16x22x2x8x128xi32, #tpu.memory_space<hbm>> -> memref<1x1x2x8x128xi32, #tpu.memory_space<hbm>>
    %dma_start3A_23 = tpu.memref_squeeze %dma_start3A_22 : memref<1x1x2x8x128xi32, #tpu.memory_space<hbm>> -> memref<2x8x128xi32, #tpu.memory_space<hbm>>
    tpu.enqueue_dma source(%dma_start3A_23 : memref<2x8x128xi32, #tpu.memory_space<hbm>>) target(%arg10 : memref<2x8x128xi32, #tpu.memory_space<vmem>>) target_semaphore(%arg18 : memref<!tpu.dma_semaphore, #tpu.memory_space<semaphore_mem>>)
    %dma_wait3A = arith.constant 0 : i32
    %dma_wait3A_24 = arith.constant 0 : i32
    %dma_wait3A_25 = arith.constant 0 : i32
    %dma_wait3A_26 = arith.constant 0 : i32
    %dma_wait3A_27 = tpu.memref_slice %arg3[%arg1, %dma_wait3A, %dma_wait3A_24, %dma_wait3A_25, %dma_wait3A_26] : memref<16x22x2x8x128xi32, #tpu.memory_space<hbm>> -> memref<1x1x2x8x128xi32, #tpu.memory_space<hbm>>
    %dma_wait3A_28 = tpu.memref_squeeze %dma_wait3A_27 : memref<1x1x2x8x128xi32, #tpu.memory_space<hbm>> -> memref<2x8x128xi32, #tpu.memory_space<hbm>>
    %dma_wait3A_29 = arith.constant 0 : i32
    %dma_wait3A_30 = arith.constant 0 : i32
    %dma_wait3A_31 = arith.constant 0 : i32
    %dma_wait3A_32 = tpu.memref_slice %arg3[%arg1, %dma_wait3A, %dma_wait3A_29, %dma_wait3A_30, %dma_wait3A_31] : memref<16x22x2x8x128xi32, #tpu.memory_space<hbm>> -> memref<1x1x2x8x128xi32, #tpu.memory_space<hbm>>
    %dma_wait3A_33 = tpu.memref_squeeze %dma_wait3A_32 : memref<1x1x2x8x128xi32, #tpu.memory_space<hbm>> -> memref<2x8x128xi32, #tpu.memory_space<hbm>>
    tpu.wait_dma2 semaphore(%arg17 : memref<!tpu.dma_semaphore, #tpu.memory_space<semaphore_mem>>) src(%dma_wait3A_33 : memref<2x8x128xi32, #tpu.memory_space<hbm>>) dst(%arg9 : memref<2x8x128xi32, #tpu.memory_space<vmem>>)
    %barrier3A = arith.constant 0 : index
    tpu.barrier barrier_id(%barrier3A)
    %dma_start3A_34 = arith.constant 0 : i32
    %dma_start3A_35 = arith.constant 0 : i32
    %dma_start3A_36 = arith.constant 0 : i32
    %dma_start3A_37 = tpu.memref_slice %arg9[%dma_start3A_34, %dma_start3A_35, %dma_start3A_36] : memref<2x8x128xi32, #tpu.memory_space<vmem>> -> memref<1x1x128xi32, #tpu.memory_space<vmem>>
    %dma_start3A_38 = tpu.memref_squeeze %dma_start3A_37 : memref<1x1x128xi32, #tpu.memory_space<vmem>> -> memref<128xi32, #tpu.memory_space<vmem>>
    %dma_start3A_39 = arith.constant 0 : i32
    %dma_start3A_40 = arith.constant 0 : i32
    %dma_start3A_41 = tpu.memref_slice %arg13[%dma_start3A_39, %dma_start3A_40] : memref<10016x64xf32, #tpu.memory_space<vmem_shared>> -> memref<10016x64xf32, #tpu.memory_space<vmem_shared>>
    tpu.enqueue_indirect_dma source(%dma_start3A_41 : memref<10016x64xf32, #tpu.memory_space<vmem_shared>>) target(%arg11 : memref<128x64xf32, #tpu.memory_space<vmem>>) offsets(%dma_start3A_38 : memref<128xi32, #tpu.memory_space<vmem>>) semaphore(%arg15 : memref<!tpu.dma_semaphore, #tpu.memory_space<semaphore_mem>>)
    %dma_start3A_42 = arith.constant 0 : i32
    %dma_start3A_43 = arith.constant 1 : i32
    %dma_start3A_44 = arith.constant 0 : i32
    %dma_start3A_45 = tpu.memref_slice %arg9[%dma_start3A_42, %dma_start3A_43, %dma_start3A_44] : memref<2x8x128xi32, #tpu.memory_space<vmem>> -> memref<1x1x128xi32, #tpu.memory_space<vmem>>
    %dma_start3A_46 = tpu.memref_squeeze %dma_start3A_45 : memref<1x1x128xi32, #tpu.memory_space<vmem>> -> memref<128xi32, #tpu.memory_space<vmem>>
    %dma_start3A_47 = arith.constant 0 : i32
    %dma_start3A_48 = arith.constant 0 : i32
    %dma_start3A_49 = tpu.memref_slice %arg13[%dma_start3A_47, %dma_start3A_48] : memref<10016x64xf32, #tpu.memory_space<vmem_shared>> -> memref<10016x64xf32, #tpu.memory_space<vmem_shared>>
    tpu.enqueue_indirect_dma source(%dma_start3A_49 : memref<10016x64xf32, #tpu.memory_space<vmem_shared>>) target(%arg12 : memref<128x64xf32, #tpu.memory_space<vmem>>) offsets(%dma_start3A_46 : memref<128xi32, #tpu.memory_space<vmem>>) semaphore(%arg16 : memref<!tpu.dma_semaphore, #tpu.memory_space<semaphore_mem>>)
    %scan3A = arith.constant 0 : i32
    %scan3A_50 = arith.constant 0 : i32
    %scan3A_51 = arith.constant 10 : i32
    %scan3A_52 = arith.addi %scan3A_50, %scan3A_51 : i32
    %scan3A_53 = arith.constant 1 : i32
    scf.for %scan3A_89 = %scan3A_50 to %scan3A_52 step %scan3A_53  : i32 {
      %mul3A_90 = arith.constant 2 : i32
      %mul3A_91 = arith.muli %mul3A_90, %scan3A_89 : i32
      %add3A = arith.constant 0 : i32
      %add3A_92 = arith.addi %mul3A_91, %add3A : i32
      %dma_wait3A_93 = arith.constant 0 : i32
      %dma_wait3A_94 = arith.constant 0 : i32
      %dma_wait3A_95 = arith.constant 0 : i32
      %dma_wait3A_96 = tpu.memref_slice %arg9[%dma_wait3A_93, %dma_wait3A_94, %dma_wait3A_95] : memref<2x8x128xi32, #tpu.memory_space<vmem>> -> memref<1x1x128xi32, #tpu.memory_space<vmem>>
      %dma_wait3A_97 = tpu.memref_squeeze %dma_wait3A_96 : memref<1x1x128xi32, #tpu.memory_space<vmem>> -> memref<128xi32, #tpu.memory_space<vmem>>
      %dma_wait3A_98 = arith.constant 0 : i32
      %dma_wait3A_99 = arith.constant 0 : i32
      %dma_wait3A_100 = tpu.memref_slice %arg13[%dma_wait3A_98, %dma_wait3A_99] : memref<10016x64xf32, #tpu.memory_space<vmem_shared>> -> memref<10016x64xf32, #tpu.memory_space<vmem_shared>>
      tpu.wait_indirect_dma semaphore(%arg15 : memref<!tpu.dma_semaphore, #tpu.memory_space<semaphore_mem>>) src(%dma_wait3A_100 : memref<10016x64xf32, #tpu.memory_space<vmem_shared>>) dst(%arg11 : memref<128x64xf32, #tpu.memory_space<vmem>>)
      %run_scoped3A = arith.constant 1 : i32
      %run_scoped3A_101 = arith.constant 0 : i32
      "tpu.region"() ({
        %run_scoped3A_505 = tpu.sem_alloc : memref<!tpu.dma_semaphore, #tpu.memory_space<semaphore_mem>>
        %dma_start3A_506 = arith.constant 0 : i32
        %dma_start3A_507 = tpu.memref_slice %arg9[%run_scoped3A, %run_scoped3A_101, %dma_start3A_506] : memref<2x8x128xi32, #tpu.memory_space<vmem>> -> memref<1x1x128xi32, #tpu.memory_space<vmem>>
        %dma_start3A_508 = tpu.memref_squeeze %dma_start3A_507 : memref<1x1x128xi32, #tpu.memory_space<vmem>> -> memref<128xi32, #tpu.memory_space<vmem>>
        %dma_start3A_509 = arith.constant 0 : i32
        %dma_start3A_510 = arith.constant 0 : i32
        %dma_start3A_511 = tpu.memref_slice %arg14[%dma_start3A_509, %dma_start3A_510] : memref<10016x64xf32, #tpu.memory_space<vmem_shared>> -> memref<10016x64xf32, #tpu.memory_space<vmem_shared>>
        tpu.enqueue_indirect_dma source(%arg11 : memref<128x64xf32, #tpu.memory_space<vmem>>) target(%dma_start3A_511 : memref<10016x64xf32, #tpu.memory_space<vmem_shared>>) offsets(%dma_start3A_508 : memref<128xi32, #tpu.memory_space<vmem>>) semaphore(%run_scoped3A_505 : memref<!tpu.dma_semaphore, #tpu.memory_space<semaphore_mem>>) {add = true}
        %dma_wait3A_512 = arith.constant 0 : i32
        %dma_wait3A_513 = tpu.memref_slice %arg9[%run_scoped3A, %run_scoped3A_101, %dma_wait3A_512] : memref<2x8x128xi32, #tpu.memory_space<vmem>> -> memref<1x1x128xi32, #tpu.memory_space<vmem>>
        %dma_wait3A_514 = tpu.memref_squeeze %dma_wait3A_513 : memref<1x1x128xi32, #tpu.memory_space<vmem>> -> memref<128xi32, #tpu.memory_space<vmem>>
        %dma_wait3A_515 = arith.constant 0 : i32
        %dma_wait3A_516 = arith.constant 0 : i32
        %dma_wait3A_517 = tpu.memref_slice %arg14[%dma_wait3A_515, %dma_wait3A_516] : memref<10016x64xf32, #tpu.memory_space<vmem_shared>> -> memref<10016x64xf32, #tpu.memory_space<vmem_shared>>
        tpu.wait_indirect_dma semaphore(%run_scoped3A_505 : memref<!tpu.dma_semaphore, #tpu.memory_space<semaphore_mem>>) src(%arg11 : memref<128x64xf32, #tpu.memory_space<vmem>>) dst(%dma_wait3A_517 : memref<10016x64xf32, #tpu.memory_space<vmem_shared>>)
        tpu.yield
      }) : () -> ()
      %eq3A = arith.constant 0 : i32
      %eq3A_102 = arith.cmpi eq, %arg0, %eq3A : i32
      %convert_element_type3A = arith.extui %eq3A_102 : i1 to i32
      %cond3A = arith.constant 0 : i32
      %cond3A_103 = arith.cmpi ne, %convert_element_type3A, %cond3A : i32
      scf.if %cond3A_103 {
        %dma_start3A_505 = arith.constant 1 : i32
        %dma_start3A_506 = arith.constant 0 : i32
        %dma_start3A_507 = arith.constant 0 : i32
        %dma_start3A_508 = tpu.memref_slice %arg9[%dma_start3A_505, %dma_start3A_506, %dma_start3A_507] : memref<2x8x128xi32, #tpu.memory_space<vmem>> -> memref<1x1x128xi32, #tpu.memory_space<vmem>>
        %dma_start3A_509 = tpu.memref_squeeze %dma_start3A_508 : memref<1x1x128xi32, #tpu.memory_space<vmem>> -> memref<128xi32, #tpu.memory_space<vmem>>
        %dma_start3A_510 = arith.constant 0 : i32
        %dma_start3A_511 = arith.constant 0 : i32
        %dma_start3A_512 = tpu.memref_slice %arg20[%dma_start3A_510, %dma_start3A_511] : memref<10016x8xf32, #tpu.memory_space<vmem_shared>> -> memref<10016x8xf32, #tpu.memory_space<vmem_shared>>
        tpu.enqueue_indirect_dma source(%arg19 : memref<128x8xf32, #tpu.memory_space<vmem>>) target(%dma_start3A_512 : memref<10016x8xf32, #tpu.memory_space<vmem_shared>>) offsets(%dma_start3A_509 : memref<128xi32, #tpu.memory_space<vmem>>) semaphore(%arg21 : memref<!tpu.dma_semaphore, #tpu.memory_space<semaphore_mem>>) {add = true}
      } else {
      }
      %dma_start3A_104 = arith.constant 0 : i32
      %dma_start3A_105 = arith.constant 2 : i32
      %dma_start3A_106 = arith.constant 0 : i32
      %dma_start3A_107 = tpu.memref_slice %arg9[%dma_start3A_104, %dma_start3A_105, %dma_start3A_106] : memref<2x8x128xi32, #tpu.memory_space<vmem>> -> memref<1x1x128xi32, #tpu.memory_space<vmem>>
      %dma_start3A_108 = tpu.memref_squeeze %dma_start3A_107 : memref<1x1x128xi32, #tpu.memory_space<vmem>> -> memref<128xi32, #tpu.memory_space<vmem>>
      %dma_start3A_109 = arith.constant 0 : i32
      %dma_start3A_110 = arith.constant 0 : i32
      %dma_start3A_111 = tpu.memref_slice %arg13[%dma_start3A_109, %dma_start3A_110] : memref<10016x64xf32, #tpu.memory_space<vmem_shared>> -> memref<10016x64xf32, #tpu.memory_space<vmem_shared>>
      tpu.enqueue_indirect_dma source(%dma_start3A_111 : memref<10016x64xf32, #tpu.memory_space<vmem_shared>>) target(%arg11 : memref<128x64xf32, #tpu.memory_space<vmem>>) offsets(%dma_start3A_108 : memref<128xi32, #tpu.memory_space<vmem>>) semaphore(%arg15 : memref<!tpu.dma_semaphore, #tpu.memory_space<semaphore_mem>>)
      %dma_wait3A_112 = arith.constant 0 : i32
      %dma_wait3A_113 = arith.constant 1 : i32
      %dma_wait3A_114 = arith.constant 0 : i32
      %dma_wait3A_115 = tpu.memref_slice %arg9[%dma_wait3A_112, %dma_wait3A_113, %dma_wait3A_114] : memref<2x8x128xi32, #tpu.memory_space<vmem>> -> memref<1x1x128xi32, #tpu.memory_space<vmem>>
      %dma_wait3A_116 = tpu.memref_squeeze %dma_wait3A_115 : memref<1x1x128xi32, #tpu.memory_space<vmem>> -> memref<128xi32, #tpu.memory_space<vmem>>
      %dma_wait3A_117 = arith.constant 0 : i32
      %dma_wait3A_118 = arith.constant 0 : i32
      %dma_wait3A_119 = tpu.memref_slice %arg13[%dma_wait3A_117, %dma_wait3A_118] : memref<10016x64xf32, #tpu.memory_space<vmem_shared>> -> memref<10016x64xf32, #tpu.memory_space<vmem_shared>>
      tpu.wait_indirect_dma semaphore(%arg16 : memref<!tpu.dma_semaphore, #tpu.memory_space<semaphore_mem>>) src(%dma_wait3A_119 : memref<10016x64xf32, #tpu.memory_space<vmem_shared>>) dst(%arg12 : memref<128x64xf32, #tpu.memory_space<vmem>>)
      %run_scoped3A_120 = arith.constant 1 : i32
      %run_scoped3A_121 = arith.constant 1 : i32
      "tpu.region"() ({
        %run_scoped3A_505 = tpu.sem_alloc : memref<!tpu.dma_semaphore, #tpu.memory_space<semaphore_mem>>
        %dma_start3A_506 = arith.constant 0 : i32
        %dma_start3A_507 = tpu.memref_slice %arg9[%run_scoped3A_120, %run_scoped3A_121, %dma_start3A_506] : memref<2x8x128xi32, #tpu.memory_space<vmem>> -> memref<1x1x128xi32, #tpu.memory_space<vmem>>
        %dma_start3A_508 = tpu.memref_squeeze %dma_start3A_507 : memref<1x1x128xi32, #tpu.memory_space<vmem>> -> memref<128xi32, #tpu.memory_space<vmem>>
        %dma_start3A_509 = arith.constant 0 : i32
        %dma_start3A_510 = arith.constant 0 : i32
        %dma_start3A_511 = tpu.memref_slice %arg14[%dma_start3A_509, %dma_start3A_510] : memref<10016x64xf32, #tpu.memory_space<vmem_shared>> -> memref<10016x64xf32, #tpu.memory_space<vmem_shared>>
        tpu.enqueue_indirect_dma source(%arg12 : memref<128x64xf32, #tpu.memory_space<vmem>>) target(%dma_start3A_511 : memref<10016x64xf32, #tpu.memory_space<vmem_shared>>) offsets(%dma_start3A_508 : memref<128xi32, #tpu.memory_space<vmem>>) semaphore(%run_scoped3A_505 : memref<!tpu.dma_semaphore, #tpu.memory_space<semaphore_mem>>) {add = true}
        %dma_wait3A_512 = arith.constant 0 : i32
        %dma_wait3A_513 = tpu.memref_slice %arg9[%run_scoped3A_120, %run_scoped3A_121, %dma_wait3A_512] : memref<2x8x128xi32, #tpu.memory_space<vmem>> -> memref<1x1x128xi32, #tpu.memory_space<vmem>>
        %dma_wait3A_514 = tpu.memref_squeeze %dma_wait3A_513 : memref<1x1x128xi32, #tpu.memory_space<vmem>> -> memref<128xi32, #tpu.memory_space<vmem>>
        %dma_wait3A_515 = arith.constant 0 : i32
        %dma_wait3A_516 = arith.constant 0 : i32
        %dma_wait3A_517 = tpu.memref_slice %arg14[%dma_wait3A_515, %dma_wait3A_516] : memref<10016x64xf32, #tpu.memory_space<vmem_shared>> -> memref<10016x64xf32, #tpu.memory_space<vmem_shared>>
        tpu.wait_indirect_dma semaphore(%run_scoped3A_505 : memref<!tpu.dma_semaphore, #tpu.memory_space<semaphore_mem>>) src(%arg12 : memref<128x64xf32, #tpu.memory_space<vmem>>) dst(%dma_wait3A_517 : memref<10016x64xf32, #tpu.memory_space<vmem_shared>>)
        tpu.yield
      }) : () -> ()
      %eq3A_122 = arith.constant 0 : i32
      %eq3A_123 = arith.cmpi eq, %arg0, %eq3A_122 : i32
      %convert_element_type3A_124 = arith.extui %eq3A_123 : i1 to i32
      %cond3A_125 = arith.constant 0 : i32
      %cond3A_126 = arith.cmpi ne, %convert_element_type3A_124, %cond3A_125 : i32
      scf.if %cond3A_126 {
        %dma_start3A_505 = arith.constant 1 : i32
        %dma_start3A_506 = arith.constant 1 : i32
        %dma_start3A_507 = arith.constant 0 : i32
        %dma_start3A_508 = tpu.memref_slice %arg9[%dma_start3A_505, %dma_start3A_506, %dma_start3A_507] : memref<2x8x128xi32, #tpu.memory_space<vmem>> -> memref<1x1x128xi32, #tpu.memory_space<vmem>>
        %dma_start3A_509 = tpu.memref_squeeze %dma_start3A_508 : memref<1x1x128xi32, #tpu.memory_space<vmem>> -> memref<128xi32, #tpu.memory_space<vmem>>
        %dma_start3A_510 = arith.constant 0 : i32
        %dma_start3A_511 = arith.constant 0 : i32
        %dma_start3A_512 = tpu.memref_slice %arg20[%dma_start3A_510, %dma_start3A_511] : memref<10016x8xf32, #tpu.memory_space<vmem_shared>> -> memref<10016x8xf32, #tpu.memory_space<vmem_shared>>
        tpu.enqueue_indirect_dma source(%arg19 : memref<128x8xf32, #tpu.memory_space<vmem>>) target(%dma_start3A_512 : memref<10016x8xf32, #tpu.memory_space<vmem_shared>>) offsets(%dma_start3A_509 : memref<128xi32, #tpu.memory_space<vmem>>) semaphore(%arg21 : memref<!tpu.dma_semaphore, #tpu.memory_space<semaphore_mem>>) {add = true}
      } else {
      }
      %dma_start3A_127 = arith.constant 0 : i32
      %dma_start3A_128 = arith.constant 3 : i32
      %dma_start3A_129 = arith.constant 0 : i32
      %dma_start3A_130 = tpu.memref_slice %arg9[%dma_start3A_127, %dma_start3A_128, %dma_start3A_129] : memref<2x8x128xi32, #tpu.memory_space<vmem>> -> memref<1x1x128xi32, #tpu.memory_space<vmem>>
      %dma_start3A_131 = tpu.memref_squeeze %dma_start3A_130 : memref<1x1x128xi32, #tpu.memory_space<vmem>> -> memref<128xi32, #tpu.memory_space<vmem>>
      %dma_start3A_132 = arith.constant 0 : i32
      %dma_start3A_133 = arith.constant 0 : i32
      %dma_start3A_134 = tpu.memref_slice %arg13[%dma_start3A_132, %dma_start3A_133] : memref<10016x64xf32, #tpu.memory_space<vmem_shared>> -> memref<10016x64xf32, #tpu.memory_space<vmem_shared>>
      tpu.enqueue_indirect_dma source(%dma_start3A_134 : memref<10016x64xf32, #tpu.memory_space<vmem_shared>>) target(%arg12 : memref<128x64xf32, #tpu.memory_space<vmem>>) offsets(%dma_start3A_131 : memref<128xi32, #tpu.memory_space<vmem>>) semaphore(%arg16 : memref<!tpu.dma_semaphore, #tpu.memory_space<semaphore_mem>>)
      %dma_wait3A_135 = arith.constant 0 : i32
      %dma_wait3A_136 = arith.constant 2 : i32
      %dma_wait3A_137 = arith.constant 0 : i32
      %dma_wait3A_138 = tpu.memref_slice %arg9[%dma_wait3A_135, %dma_wait3A_136, %dma_wait3A_137] : memref<2x8x128xi32, #tpu.memory_space<vmem>> -> memref<1x1x128xi32, #tpu.memory_space<vmem>>
      %dma_wait3A_139 = tpu.memref_squeeze %dma_wait3A_138 : memref<1x1x128xi32, #tpu.memory_space<vmem>> -> memref<128xi32, #tpu.memory_space<vmem>>
      %dma_wait3A_140 = arith.constant 0 : i32
      %dma_wait3A_141 = arith.constant 0 : i32
      %dma_wait3A_142 = tpu.memref_slice %arg13[%dma_wait3A_140, %dma_wait3A_141] : memref<10016x64xf32, #tpu.memory_space<vmem_shared>> -> memref<10016x64xf32, #tpu.memory_space<vmem_shared>>
      tpu.wait_indirect_dma semaphore(%arg15 : memref<!tpu.dma_semaphore, #tpu.memory_space<semaphore_mem>>) src(%dma_wait3A_142 : memref<10016x64xf32, #tpu.memory_space<vmem_shared>>) dst(%arg11 : memref<128x64xf32, #tpu.memory_space<vmem>>)
      %run_scoped3A_143 = arith.constant 1 : i32
      %run_scoped3A_144 = arith.constant 2 : i32
      "tpu.region"() ({
        %run_scoped3A_505 = tpu.sem_alloc : memref<!tpu.dma_semaphore, #tpu.memory_space<semaphore_mem>>
        %dma_start3A_506 = arith.constant 0 : i32
        %dma_start3A_507 = tpu.memref_slice %arg9[%run_scoped3A_143, %run_scoped3A_144, %dma_start3A_506] : memref<2x8x128xi32, #tpu.memory_space<vmem>> -> memref<1x1x128xi32, #tpu.memory_space<vmem>>
        %dma_start3A_508 = tpu.memref_squeeze %dma_start3A_507 : memref<1x1x128xi32, #tpu.memory_space<vmem>> -> memref<128xi32, #tpu.memory_space<vmem>>
        %dma_start3A_509 = arith.constant 0 : i32
        %dma_start3A_510 = arith.constant 0 : i32
        %dma_start3A_511 = tpu.memref_slice %arg14[%dma_start3A_509, %dma_start3A_510] : memref<10016x64xf32, #tpu.memory_space<vmem_shared>> -> memref<10016x64xf32, #tpu.memory_space<vmem_shared>>
        tpu.enqueue_indirect_dma source(%arg11 : memref<128x64xf32, #tpu.memory_space<vmem>>) target(%dma_start3A_511 : memref<10016x64xf32, #tpu.memory_space<vmem_shared>>) offsets(%dma_start3A_508 : memref<128xi32, #tpu.memory_space<vmem>>) semaphore(%run_scoped3A_505 : memref<!tpu.dma_semaphore, #tpu.memory_space<semaphore_mem>>) {add = true}
        %dma_wait3A_512 = arith.constant 0 : i32
        %dma_wait3A_513 = tpu.memref_slice %arg9[%run_scoped3A_143, %run_scoped3A_144, %dma_wait3A_512] : memref<2x8x128xi32, #tpu.memory_space<vmem>> -> memref<1x1x128xi32, #tpu.memory_space<vmem>>
        %dma_wait3A_514 = tpu.memref_squeeze %dma_wait3A_513 : memref<1x1x128xi32, #tpu.memory_space<vmem>> -> memref<128xi32, #tpu.memory_space<vmem>>
        %dma_wait3A_515 = arith.constant 0 : i32
        %dma_wait3A_516 = arith.constant 0 : i32
        %dma_wait3A_517 = tpu.memref_slice %arg14[%dma_wait3A_515, %dma_wait3A_516] : memref<10016x64xf32, #tpu.memory_space<vmem_shared>> -> memref<10016x64xf32, #tpu.memory_space<vmem_shared>>
        tpu.wait_indirect_dma semaphore(%run_scoped3A_505 : memref<!tpu.dma_semaphore, #tpu.memory_space<semaphore_mem>>) src(%arg11 : memref<128x64xf32, #tpu.memory_space<vmem>>) dst(%dma_wait3A_517 : memref<10016x64xf32, #tpu.memory_space<vmem_shared>>)
        tpu.yield
      }) : () -> ()
      %eq3A_145 = arith.constant 0 : i32
      %eq3A_146 = arith.cmpi eq, %arg0, %eq3A_145 : i32
      %convert_element_type3A_147 = arith.extui %eq3A_146 : i1 to i32
      %cond3A_148 = arith.constant 0 : i32
      %cond3A_149 = arith.cmpi ne, %convert_element_type3A_147, %cond3A_148 : i32
      scf.if %cond3A_149 {
        %dma_start3A_505 = arith.constant 1 : i32
        %dma_start3A_506 = arith.constant 2 : i32
        %dma_start3A_507 = arith.constant 0 : i32
        %dma_start3A_508 = tpu.memref_slice %arg9[%dma_start3A_505, %dma_start3A_506, %dma_start3A_507] : memref<2x8x128xi32, #tpu.memory_space<vmem>> -> memref<1x1x128xi32, #tpu.memory_space<vmem>>
        %dma_start3A_509 = tpu.memref_squeeze %dma_start3A_508 : memref<1x1x128xi32, #tpu.memory_space<vmem>> -> memref<128xi32, #tpu.memory_space<vmem>>
        %dma_start3A_510 = arith.constant 0 : i32
        %dma_start3A_511 = arith.constant 0 : i32
        %dma_start3A_512 = tpu.memref_slice %arg20[%dma_start3A_510, %dma_start3A_511] : memref<10016x8xf32, #tpu.memory_space<vmem_shared>> -> memref<10016x8xf32, #tpu.memory_space<vmem_shared>>
        tpu.enqueue_indirect_dma source(%arg19 : memref<128x8xf32, #tpu.memory_space<vmem>>) target(%dma_start3A_512 : memref<10016x8xf32, #tpu.memory_space<vmem_shared>>) offsets(%dma_start3A_509 : memref<128xi32, #tpu.memory_space<vmem>>) semaphore(%arg21 : memref<!tpu.dma_semaphore, #tpu.memory_space<semaphore_mem>>) {add = true}
      } else {
      }
      %dma_start3A_150 = arith.constant 0 : i32
      %dma_start3A_151 = arith.constant 4 : i32
      %dma_start3A_152 = arith.constant 0 : i32
      %dma_start3A_153 = tpu.memref_slice %arg9[%dma_start3A_150, %dma_start3A_151, %dma_start3A_152] : memref<2x8x128xi32, #tpu.memory_space<vmem>> -> memref<1x1x128xi32, #tpu.memory_space<vmem>>
      %dma_start3A_154 = tpu.memref_squeeze %dma_start3A_153 : memref<1x1x128xi32, #tpu.memory_space<vmem>> -> memref<128xi32, #tpu.memory_space<vmem>>
      %dma_start3A_155 = arith.constant 0 : i32
      %dma_start3A_156 = arith.constant 0 : i32
      %dma_start3A_157 = tpu.memref_slice %arg13[%dma_start3A_155, %dma_start3A_156] : memref<10016x64xf32, #tpu.memory_space<vmem_shared>> -> memref<10016x64xf32, #tpu.memory_space<vmem_shared>>
      tpu.enqueue_indirect_dma source(%dma_start3A_157 : memref<10016x64xf32, #tpu.memory_space<vmem_shared>>) target(%arg11 : memref<128x64xf32, #tpu.memory_space<vmem>>) offsets(%dma_start3A_154 : memref<128xi32, #tpu.memory_space<vmem>>) semaphore(%arg15 : memref<!tpu.dma_semaphore, #tpu.memory_space<semaphore_mem>>)
      %dma_wait3A_158 = arith.constant 0 : i32
      %dma_wait3A_159 = arith.constant 3 : i32
      %dma_wait3A_160 = arith.constant 0 : i32
      %dma_wait3A_161 = tpu.memref_slice %arg9[%dma_wait3A_158, %dma_wait3A_159, %dma_wait3A_160] : memref<2x8x128xi32, #tpu.memory_space<vmem>> -> memref<1x1x128xi32, #tpu.memory_space<vmem>>
      %dma_wait3A_162 = tpu.memref_squeeze %dma_wait3A_161 : memref<1x1x128xi32, #tpu.memory_space<vmem>> -> memref<128xi32, #tpu.memory_space<vmem>>
      %dma_wait3A_163 = arith.constant 0 : i32
      %dma_wait3A_164 = arith.constant 0 : i32
      %dma_wait3A_165 = tpu.memref_slice %arg13[%dma_wait3A_163, %dma_wait3A_164] : memref<10016x64xf32, #tpu.memory_space<vmem_shared>> -> memref<10016x64xf32, #tpu.memory_space<vmem_shared>>
      tpu.wait_indirect_dma semaphore(%arg16 : memref<!tpu.dma_semaphore, #tpu.memory_space<semaphore_mem>>) src(%dma_wait3A_165 : memref<10016x64xf32, #tpu.memory_space<vmem_shared>>) dst(%arg12 : memref<128x64xf32, #tpu.memory_space<vmem>>)
      %run_scoped3A_166 = arith.constant 1 : i32
      %run_scoped3A_167 = arith.constant 3 : i32
      "tpu.region"() ({
        %run_scoped3A_505 = tpu.sem_alloc : memref<!tpu.dma_semaphore, #tpu.memory_space<semaphore_mem>>
        %dma_start3A_506 = arith.constant 0 : i32
        %dma_start3A_507 = tpu.memref_slice %arg9[%run_scoped3A_166, %run_scoped3A_167, %dma_start3A_506] : memref<2x8x128xi32, #tpu.memory_space<vmem>> -> memref<1x1x128xi32, #tpu.memory_space<vmem>>
        %dma_start3A_508 = tpu.memref_squeeze %dma_start3A_507 : memref<1x1x128xi32, #tpu.memory_space<vmem>> -> memref<128xi32, #tpu.memory_space<vmem>>
        %dma_start3A_509 = arith.constant 0 : i32
        %dma_start3A_510 = arith.constant 0 : i32
        %dma_start3A_511 = tpu.memref_slice %arg14[%dma_start3A_509, %dma_start3A_510] : memref<10016x64xf32, #tpu.memory_space<vmem_shared>> -> memref<10016x64xf32, #tpu.memory_space<vmem_shared>>
        tpu.enqueue_indirect_dma source(%arg12 : memref<128x64xf32, #tpu.memory_space<vmem>>) target(%dma_start3A_511 : memref<10016x64xf32, #tpu.memory_space<vmem_shared>>) offsets(%dma_start3A_508 : memref<128xi32, #tpu.memory_space<vmem>>) semaphore(%run_scoped3A_505 : memref<!tpu.dma_semaphore, #tpu.memory_space<semaphore_mem>>) {add = true}
        %dma_wait3A_512 = arith.constant 0 : i32
        %dma_wait3A_513 = tpu.memref_slice %arg9[%run_scoped3A_166, %run_scoped3A_167, %dma_wait3A_512] : memref<2x8x128xi32, #tpu.memory_space<vmem>> -> memref<1x1x128xi32, #tpu.memory_space<vmem>>
        %dma_wait3A_514 = tpu.memref_squeeze %dma_wait3A_513 : memref<1x1x128xi32, #tpu.memory_space<vmem>> -> memref<128xi32, #tpu.memory_space<vmem>>
        %dma_wait3A_515 = arith.constant 0 : i32
        %dma_wait3A_516 = arith.constant 0 : i32
        %dma_wait3A_517 = tpu.memref_slice %arg14[%dma_wait3A_515, %dma_wait3A_516] : memref<10016x64xf32, #tpu.memory_space<vmem_shared>> -> memref<10016x64xf32, #tpu.memory_space<vmem_shared>>
        tpu.wait_indirect_dma semaphore(%run_scoped3A_505 : memref<!tpu.dma_semaphore, #tpu.memory_space<semaphore_mem>>) src(%arg12 : memref<128x64xf32, #tpu.memory_space<vmem>>) dst(%dma_wait3A_517 : memref<10016x64xf32, #tpu.memory_space<vmem_shared>>)
        tpu.yield
      }) : () -> ()
      %eq3A_168 = arith.constant 0 : i32
      %eq3A_169 = arith.cmpi eq, %arg0, %eq3A_168 : i32
      %convert_element_type3A_170 = arith.extui %eq3A_169 : i1 to i32
      %cond3A_171 = arith.constant 0 : i32
      %cond3A_172 = arith.cmpi ne, %convert_element_type3A_170, %cond3A_171 : i32
      scf.if %cond3A_172 {
        %dma_start3A_505 = arith.constant 1 : i32
        %dma_start3A_506 = arith.constant 3 : i32
        %dma_start3A_507 = arith.constant 0 : i32
        %dma_start3A_508 = tpu.memref_slice %arg9[%dma_start3A_505, %dma_start3A_506, %dma_start3A_507] : memref<2x8x128xi32, #tpu.memory_space<vmem>> -> memref<1x1x128xi32, #tpu.memory_space<vmem>>
        %dma_start3A_509 = tpu.memref_squeeze %dma_start3A_508 : memref<1x1x128xi32, #tpu.memory_space<vmem>> -> memref<128xi32, #tpu.memory_space<vmem>>
        %dma_start3A_510 = arith.constant 0 : i32
        %dma_start3A_511 = arith.constant 0 : i32
        %dma_start3A_512 = tpu.memref_slice %arg20[%dma_start3A_510, %dma_start3A_511] : memref<10016x8xf32, #tpu.memory_space<vmem_shared>> -> memref<10016x8xf32, #tpu.memory_space<vmem_shared>>
        tpu.enqueue_indirect_dma source(%arg19 : memref<128x8xf32, #tpu.memory_space<vmem>>) target(%dma_start3A_512 : memref<10016x8xf32, #tpu.memory_space<vmem_shared>>) offsets(%dma_start3A_509 : memref<128xi32, #tpu.memory_space<vmem>>) semaphore(%arg21 : memref<!tpu.dma_semaphore, #tpu.memory_space<semaphore_mem>>) {add = true}
      } else {
      }
      %dma_start3A_173 = arith.constant 0 : i32
      %dma_start3A_174 = arith.constant 5 : i32
      %dma_start3A_175 = arith.constant 0 : i32
      %dma_start3A_176 = tpu.memref_slice %arg9[%dma_start3A_173, %dma_start3A_174, %dma_start3A_175] : memref<2x8x128xi32, #tpu.memory_space<vmem>> -> memref<1x1x128xi32, #tpu.memory_space<vmem>>
      %dma_start3A_177 = tpu.memref_squeeze %dma_start3A_176 : memref<1x1x128xi32, #tpu.memory_space<vmem>> -> memref<128xi32, #tpu.memory_space<vmem>>
      %dma_start3A_178 = arith.constant 0 : i32
      %dma_start3A_179 = arith.constant 0 : i32
      %dma_start3A_180 = tpu.memref_slice %arg13[%dma_start3A_178, %dma_start3A_179] : memref<10016x64xf32, #tpu.memory_space<vmem_shared>> -> memref<10016x64xf32, #tpu.memory_space<vmem_shared>>
      tpu.enqueue_indirect_dma source(%dma_start3A_180 : memref<10016x64xf32, #tpu.memory_space<vmem_shared>>) target(%arg12 : memref<128x64xf32, #tpu.memory_space<vmem>>) offsets(%dma_start3A_177 : memref<128xi32, #tpu.memory_space<vmem>>) semaphore(%arg16 : memref<!tpu.dma_semaphore, #tpu.memory_space<semaphore_mem>>)
      %dma_wait3A_181 = arith.constant 0 : i32
      %dma_wait3A_182 = arith.constant 4 : i32
      %dma_wait3A_183 = arith.constant 0 : i32
      %dma_wait3A_184 = tpu.memref_slice %arg9[%dma_wait3A_181, %dma_wait3A_182, %dma_wait3A_183] : memref<2x8x128xi32, #tpu.memory_space<vmem>> -> memref<1x1x128xi32, #tpu.memory_space<vmem>>
      %dma_wait3A_185 = tpu.memref_squeeze %dma_wait3A_184 : memref<1x1x128xi32, #tpu.memory_space<vmem>> -> memref<128xi32, #tpu.memory_space<vmem>>
      %dma_wait3A_186 = arith.constant 0 : i32
      %dma_wait3A_187 = arith.constant 0 : i32
      %dma_wait3A_188 = tpu.memref_slice %arg13[%dma_wait3A_186, %dma_wait3A_187] : memref<10016x64xf32, #tpu.memory_space<vmem_shared>> -> memref<10016x64xf32, #tpu.memory_space<vmem_shared>>
      tpu.wait_indirect_dma semaphore(%arg15 : memref<!tpu.dma_semaphore, #tpu.memory_space<semaphore_mem>>) src(%dma_wait3A_188 : memref<10016x64xf32, #tpu.memory_space<vmem_shared>>) dst(%arg11 : memref<128x64xf32, #tpu.memory_space<vmem>>)
      %run_scoped3A_189 = arith.constant 1 : i32
      %run_scoped3A_190 = arith.constant 4 : i32
      "tpu.region"() ({
        %run_scoped3A_505 = tpu.sem_alloc : memref<!tpu.dma_semaphore, #tpu.memory_space<semaphore_mem>>
        %dma_start3A_506 = arith.constant 0 : i32
        %dma_start3A_507 = tpu.memref_slice %arg9[%run_scoped3A_189, %run_scoped3A_190, %dma_start3A_506] : memref<2x8x128xi32, #tpu.memory_space<vmem>> -> memref<1x1x128xi32, #tpu.memory_space<vmem>>
        %dma_start3A_508 = tpu.memref_squeeze %dma_start3A_507 : memref<1x1x128xi32, #tpu.memory_space<vmem>> -> memref<128xi32, #tpu.memory_space<vmem>>
        %dma_start3A_509 = arith.constant 0 : i32
        %dma_start3A_510 = arith.constant 0 : i32
        %dma_start3A_511 = tpu.memref_slice %arg14[%dma_start3A_509, %dma_start3A_510] : memref<10016x64xf32, #tpu.memory_space<vmem_shared>> -> memref<10016x64xf32, #tpu.memory_space<vmem_shared>>
        tpu.enqueue_indirect_dma source(%arg11 : memref<128x64xf32, #tpu.memory_space<vmem>>) target(%dma_start3A_511 : memref<10016x64xf32, #tpu.memory_space<vmem_shared>>) offsets(%dma_start3A_508 : memref<128xi32, #tpu.memory_space<vmem>>) semaphore(%run_scoped3A_505 : memref<!tpu.dma_semaphore, #tpu.memory_space<semaphore_mem>>) {add = true}
        %dma_wait3A_512 = arith.constant 0 : i32
        %dma_wait3A_513 = tpu.memref_slice %arg9[%run_scoped3A_189, %run_scoped3A_190, %dma_wait3A_512] : memref<2x8x128xi32, #tpu.memory_space<vmem>> -> memref<1x1x128xi32, #tpu.memory_space<vmem>>
        %dma_wait3A_514 = tpu.memref_squeeze %dma_wait3A_513 : memref<1x1x128xi32, #tpu.memory_space<vmem>> -> memref<128xi32, #tpu.memory_space<vmem>>
        %dma_wait3A_515 = arith.constant 0 : i32
        %dma_wait3A_516 = arith.constant 0 : i32
        %dma_wait3A_517 = tpu.memref_slice %arg14[%dma_wait3A_515, %dma_wait3A_516] : memref<10016x64xf32, #tpu.memory_space<vmem_shared>> -> memref<10016x64xf32, #tpu.memory_space<vmem_shared>>
        tpu.wait_indirect_dma semaphore(%run_scoped3A_505 : memref<!tpu.dma_semaphore, #tpu.memory_space<semaphore_mem>>) src(%arg11 : memref<128x64xf32, #tpu.memory_space<vmem>>) dst(%dma_wait3A_517 : memref<10016x64xf32, #tpu.memory_space<vmem_shared>>)
        tpu.yield
      }) : () -> ()
      %eq3A_191 = arith.constant 0 : i32
      %eq3A_192 = arith.cmpi eq, %arg0, %eq3A_191 : i32
      %convert_element_type3A_193 = arith.extui %eq3A_192 : i1 to i32
      %cond3A_194 = arith.constant 0 : i32
      %cond3A_195 = arith.cmpi ne, %convert_element_type3A_193, %cond3A_194 : i32
      scf.if %cond3A_195 {
        %dma_start3A_505 = arith.constant 1 : i32
        %dma_start3A_506 = arith.constant 4 : i32
        %dma_start3A_507 = arith.constant 0 : i32
        %dma_start3A_508 = tpu.memref_slice %arg9[%dma_start3A_505, %dma_start3A_506, %dma_start3A_507] : memref<2x8x128xi32, #tpu.memory_space<vmem>> -> memref<1x1x128xi32, #tpu.memory_space<vmem>>
        %dma_start3A_509 = tpu.memref_squeeze %dma_start3A_508 : memref<1x1x128xi32, #tpu.memory_space<vmem>> -> memref<128xi32, #tpu.memory_space<vmem>>
        %dma_start3A_510 = arith.constant 0 : i32
        %dma_start3A_511 = arith.constant 0 : i32
        %dma_start3A_512 = tpu.memref_slice %arg20[%dma_start3A_510, %dma_start3A_511] : memref<10016x8xf32, #tpu.memory_space<vmem_shared>> -> memref<10016x8xf32, #tpu.memory_space<vmem_shared>>
        tpu.enqueue_indirect_dma source(%arg19 : memref<128x8xf32, #tpu.memory_space<vmem>>) target(%dma_start3A_512 : memref<10016x8xf32, #tpu.memory_space<vmem_shared>>) offsets(%dma_start3A_509 : memref<128xi32, #tpu.memory_space<vmem>>) semaphore(%arg21 : memref<!tpu.dma_semaphore, #tpu.memory_space<semaphore_mem>>) {add = true}
      } else {
      }
      %dma_start3A_196 = arith.constant 0 : i32
      %dma_start3A_197 = arith.constant 6 : i32
      %dma_start3A_198 = arith.constant 0 : i32
      %dma_start3A_199 = tpu.memref_slice %arg9[%dma_start3A_196, %dma_start3A_197, %dma_start3A_198] : memref<2x8x128xi32, #tpu.memory_space<vmem>> -> memref<1x1x128xi32, #tpu.memory_space<vmem>>
      %dma_start3A_200 = tpu.memref_squeeze %dma_start3A_199 : memref<1x1x128xi32, #tpu.memory_space<vmem>> -> memref<128xi32, #tpu.memory_space<vmem>>
      %dma_start3A_201 = arith.constant 0 : i32
      %dma_start3A_202 = arith.constant 0 : i32
      %dma_start3A_203 = tpu.memref_slice %arg13[%dma_start3A_201, %dma_start3A_202] : memref<10016x64xf32, #tpu.memory_space<vmem_shared>> -> memref<10016x64xf32, #tpu.memory_space<vmem_shared>>
      tpu.enqueue_indirect_dma source(%dma_start3A_203 : memref<10016x64xf32, #tpu.memory_space<vmem_shared>>) target(%arg11 : memref<128x64xf32, #tpu.memory_space<vmem>>) offsets(%dma_start3A_200 : memref<128xi32, #tpu.memory_space<vmem>>) semaphore(%arg15 : memref<!tpu.dma_semaphore, #tpu.memory_space<semaphore_mem>>)
      %dma_wait3A_204 = arith.constant 0 : i32
      %dma_wait3A_205 = arith.constant 5 : i32
      %dma_wait3A_206 = arith.constant 0 : i32
      %dma_wait3A_207 = tpu.memref_slice %arg9[%dma_wait3A_204, %dma_wait3A_205, %dma_wait3A_206] : memref<2x8x128xi32, #tpu.memory_space<vmem>> -> memref<1x1x128xi32, #tpu.memory_space<vmem>>
      %dma_wait3A_208 = tpu.memref_squeeze %dma_wait3A_207 : memref<1x1x128xi32, #tpu.memory_space<vmem>> -> memref<128xi32, #tpu.memory_space<vmem>>
      %dma_wait3A_209 = arith.constant 0 : i32
      %dma_wait3A_210 = arith.constant 0 : i32
      %dma_wait3A_211 = tpu.memref_slice %arg13[%dma_wait3A_209, %dma_wait3A_210] : memref<10016x64xf32, #tpu.memory_space<vmem_shared>> -> memref<10016x64xf32, #tpu.memory_space<vmem_shared>>
      tpu.wait_indirect_dma semaphore(%arg16 : memref<!tpu.dma_semaphore, #tpu.memory_space<semaphore_mem>>) src(%dma_wait3A_211 : memref<10016x64xf32, #tpu.memory_space<vmem_shared>>) dst(%arg12 : memref<128x64xf32, #tpu.memory_space<vmem>>)
      %run_scoped3A_212 = arith.constant 1 : i32
      %run_scoped3A_213 = arith.constant 5 : i32
      "tpu.region"() ({
        %run_scoped3A_505 = tpu.sem_alloc : memref<!tpu.dma_semaphore, #tpu.memory_space<semaphore_mem>>
        %dma_start3A_506 = arith.constant 0 : i32
        %dma_start3A_507 = tpu.memref_slice %arg9[%run_scoped3A_212, %run_scoped3A_213, %dma_start3A_506] : memref<2x8x128xi32, #tpu.memory_space<vmem>> -> memref<1x1x128xi32, #tpu.memory_space<vmem>>
        %dma_start3A_508 = tpu.memref_squeeze %dma_start3A_507 : memref<1x1x128xi32, #tpu.memory_space<vmem>> -> memref<128xi32, #tpu.memory_space<vmem>>
        %dma_start3A_509 = arith.constant 0 : i32
        %dma_start3A_510 = arith.constant 0 : i32
        %dma_start3A_511 = tpu.memref_slice %arg14[%dma_start3A_509, %dma_start3A_510] : memref<10016x64xf32, #tpu.memory_space<vmem_shared>> -> memref<10016x64xf32, #tpu.memory_space<vmem_shared>>
        tpu.enqueue_indirect_dma source(%arg12 : memref<128x64xf32, #tpu.memory_space<vmem>>) target(%dma_start3A_511 : memref<10016x64xf32, #tpu.memory_space<vmem_shared>>) offsets(%dma_start3A_508 : memref<128xi32, #tpu.memory_space<vmem>>) semaphore(%run_scoped3A_505 : memref<!tpu.dma_semaphore, #tpu.memory_space<semaphore_mem>>) {add = true}
        %dma_wait3A_512 = arith.constant 0 : i32
        %dma_wait3A_513 = tpu.memref_slice %arg9[%run_scoped3A_212, %run_scoped3A_213, %dma_wait3A_512] : memref<2x8x128xi32, #tpu.memory_space<vmem>> -> memref<1x1x128xi32, #tpu.memory_space<vmem>>
        %dma_wait3A_514 = tpu.memref_squeeze %dma_wait3A_513 : memref<1x1x128xi32, #tpu.memory_space<vmem>> -> memref<128xi32, #tpu.memory_space<vmem>>
        %dma_wait3A_515 = arith.constant 0 : i32
        %dma_wait3A_516 = arith.constant 0 : i32
        %dma_wait3A_517 = tpu.memref_slice %arg14[%dma_wait3A_515, %dma_wait3A_516] : memref<10016x64xf32, #tpu.memory_space<vmem_shared>> -> memref<10016x64xf32, #tpu.memory_space<vmem_shared>>
        tpu.wait_indirect_dma semaphore(%run_scoped3A_505 : memref<!tpu.dma_semaphore, #tpu.memory_space<semaphore_mem>>) src(%arg12 : memref<128x64xf32, #tpu.memory_space<vmem>>) dst(%dma_wait3A_517 : memref<10016x64xf32, #tpu.memory_space<vmem_shared>>)
        tpu.yield
      }) : () -> ()
      %eq3A_214 = arith.constant 0 : i32
      %eq3A_215 = arith.cmpi eq, %arg0, %eq3A_214 : i32
      %convert_element_type3A_216 = arith.extui %eq3A_215 : i1 to i32
      %cond3A_217 = arith.constant 0 : i32
      %cond3A_218 = arith.cmpi ne, %convert_element_type3A_216, %cond3A_217 : i32
      scf.if %cond3A_218 {
        %dma_start3A_505 = arith.constant 1 : i32
        %dma_start3A_506 = arith.constant 5 : i32
        %dma_start3A_507 = arith.constant 0 : i32
        %dma_start3A_508 = tpu.memref_slice %arg9[%dma_start3A_505, %dma_start3A_506, %dma_start3A_507] : memref<2x8x128xi32, #tpu.memory_space<vmem>> -> memref<1x1x128xi32, #tpu.memory_space<vmem>>
        %dma_start3A_509 = tpu.memref_squeeze %dma_start3A_508 : memref<1x1x128xi32, #tpu.memory_space<vmem>> -> memref<128xi32, #tpu.memory_space<vmem>>
        %dma_start3A_510 = arith.constant 0 : i32
        %dma_start3A_511 = arith.constant 0 : i32
        %dma_start3A_512 = tpu.memref_slice %arg20[%dma_start3A_510, %dma_start3A_511] : memref<10016x8xf32, #tpu.memory_space<vmem_shared>> -> memref<10016x8xf32, #tpu.memory_space<vmem_shared>>
        tpu.enqueue_indirect_dma source(%arg19 : memref<128x8xf32, #tpu.memory_space<vmem>>) target(%dma_start3A_512 : memref<10016x8xf32, #tpu.memory_space<vmem_shared>>) offsets(%dma_start3A_509 : memref<128xi32, #tpu.memory_space<vmem>>) semaphore(%arg21 : memref<!tpu.dma_semaphore, #tpu.memory_space<semaphore_mem>>) {add = true}
      } else {
      }
      %dma_start3A_219 = arith.constant 0 : i32
      %dma_start3A_220 = arith.constant 7 : i32
      %dma_start3A_221 = arith.constant 0 : i32
      %dma_start3A_222 = tpu.memref_slice %arg9[%dma_start3A_219, %dma_start3A_220, %dma_start3A_221] : memref<2x8x128xi32, #tpu.memory_space<vmem>> -> memref<1x1x128xi32, #tpu.memory_space<vmem>>
      %dma_start3A_223 = tpu.memref_squeeze %dma_start3A_222 : memref<1x1x128xi32, #tpu.memory_space<vmem>> -> memref<128xi32, #tpu.memory_space<vmem>>
      %dma_start3A_224 = arith.constant 0 : i32
      %dma_start3A_225 = arith.constant 0 : i32
      %dma_start3A_226 = tpu.memref_slice %arg13[%dma_start3A_224, %dma_start3A_225] : memref<10016x64xf32, #tpu.memory_space<vmem_shared>> -> memref<10016x64xf32, #tpu.memory_space<vmem_shared>>
      tpu.enqueue_indirect_dma source(%dma_start3A_226 : memref<10016x64xf32, #tpu.memory_space<vmem_shared>>) target(%arg12 : memref<128x64xf32, #tpu.memory_space<vmem>>) offsets(%dma_start3A_223 : memref<128xi32, #tpu.memory_space<vmem>>) semaphore(%arg16 : memref<!tpu.dma_semaphore, #tpu.memory_space<semaphore_mem>>)
      %dma_wait3A_227 = arith.constant 0 : i32
      %dma_wait3A_228 = arith.constant 0 : i32
      %dma_wait3A_229 = arith.constant 0 : i32
      %dma_wait3A_230 = arith.constant 0 : i32
      %dma_wait3A_231 = tpu.memref_slice %arg3[%arg1, %dma_wait3A_227, %dma_wait3A_228, %dma_wait3A_229, %dma_wait3A_230] : memref<16x22x2x8x128xi32, #tpu.memory_space<hbm>> -> memref<1x1x2x8x128xi32, #tpu.memory_space<hbm>>
      %dma_wait3A_232 = tpu.memref_squeeze %dma_wait3A_231 : memref<1x1x2x8x128xi32, #tpu.memory_space<hbm>> -> memref<2x8x128xi32, #tpu.memory_space<hbm>>
      %dma_wait3A_233 = arith.constant 0 : i32
      %dma_wait3A_234 = arith.constant 0 : i32
      %dma_wait3A_235 = arith.constant 0 : i32
      %dma_wait3A_236 = tpu.memref_slice %arg3[%arg1, %dma_wait3A_227, %dma_wait3A_233, %dma_wait3A_234, %dma_wait3A_235] : memref<16x22x2x8x128xi32, #tpu.memory_space<hbm>> -> memref<1x1x2x8x128xi32, #tpu.memory_space<hbm>>
      %dma_wait3A_237 = tpu.memref_squeeze %dma_wait3A_236 : memref<1x1x2x8x128xi32, #tpu.memory_space<hbm>> -> memref<2x8x128xi32, #tpu.memory_space<hbm>>
      tpu.wait_dma2 semaphore(%arg18 : memref<!tpu.dma_semaphore, #tpu.memory_space<semaphore_mem>>) src(%dma_wait3A_237 : memref<2x8x128xi32, #tpu.memory_space<hbm>>) dst(%arg10 : memref<2x8x128xi32, #tpu.memory_space<vmem>>)
      %dma_wait3A_238 = arith.constant 0 : i32
      %dma_wait3A_239 = arith.constant 6 : i32
      %dma_wait3A_240 = arith.constant 0 : i32
      %dma_wait3A_241 = tpu.memref_slice %arg9[%dma_wait3A_238, %dma_wait3A_239, %dma_wait3A_240] : memref<2x8x128xi32, #tpu.memory_space<vmem>> -> memref<1x1x128xi32, #tpu.memory_space<vmem>>
      %dma_wait3A_242 = tpu.memref_squeeze %dma_wait3A_241 : memref<1x1x128xi32, #tpu.memory_space<vmem>> -> memref<128xi32, #tpu.memory_space<vmem>>
      %dma_wait3A_243 = arith.constant 0 : i32
      %dma_wait3A_244 = arith.constant 0 : i32
      %dma_wait3A_245 = tpu.memref_slice %arg13[%dma_wait3A_243, %dma_wait3A_244] : memref<10016x64xf32, #tpu.memory_space<vmem_shared>> -> memref<10016x64xf32, #tpu.memory_space<vmem_shared>>
      tpu.wait_indirect_dma semaphore(%arg15 : memref<!tpu.dma_semaphore, #tpu.memory_space<semaphore_mem>>) src(%dma_wait3A_245 : memref<10016x64xf32, #tpu.memory_space<vmem_shared>>) dst(%arg11 : memref<128x64xf32, #tpu.memory_space<vmem>>)
      %run_scoped3A_246 = arith.constant 1 : i32
      %run_scoped3A_247 = arith.constant 6 : i32
      "tpu.region"() ({
        %run_scoped3A_505 = tpu.sem_alloc : memref<!tpu.dma_semaphore, #tpu.memory_space<semaphore_mem>>
        %dma_start3A_506 = arith.constant 0 : i32
        %dma_start3A_507 = tpu.memref_slice %arg9[%run_scoped3A_246, %run_scoped3A_247, %dma_start3A_506] : memref<2x8x128xi32, #tpu.memory_space<vmem>> -> memref<1x1x128xi32, #tpu.memory_space<vmem>>
        %dma_start3A_508 = tpu.memref_squeeze %dma_start3A_507 : memref<1x1x128xi32, #tpu.memory_space<vmem>> -> memref<128xi32, #tpu.memory_space<vmem>>
        %dma_start3A_509 = arith.constant 0 : i32
        %dma_start3A_510 = arith.constant 0 : i32
        %dma_start3A_511 = tpu.memref_slice %arg14[%dma_start3A_509, %dma_start3A_510] : memref<10016x64xf32, #tpu.memory_space<vmem_shared>> -> memref<10016x64xf32, #tpu.memory_space<vmem_shared>>
        tpu.enqueue_indirect_dma source(%arg11 : memref<128x64xf32, #tpu.memory_space<vmem>>) target(%dma_start3A_511 : memref<10016x64xf32, #tpu.memory_space<vmem_shared>>) offsets(%dma_start3A_508 : memref<128xi32, #tpu.memory_space<vmem>>) semaphore(%run_scoped3A_505 : memref<!tpu.dma_semaphore, #tpu.memory_space<semaphore_mem>>) {add = true}
        %dma_wait3A_512 = arith.constant 0 : i32
        %dma_wait3A_513 = tpu.memref_slice %arg9[%run_scoped3A_246, %run_scoped3A_247, %dma_wait3A_512] : memref<2x8x128xi32, #tpu.memory_space<vmem>> -> memref<1x1x128xi32, #tpu.memory_space<vmem>>
        %dma_wait3A_514 = tpu.memref_squeeze %dma_wait3A_513 : memref<1x1x128xi32, #tpu.memory_space<vmem>> -> memref<128xi32, #tpu.memory_space<vmem>>
        %dma_wait3A_515 = arith.constant 0 : i32
        %dma_wait3A_516 = arith.constant 0 : i32
        %dma_wait3A_517 = tpu.memref_slice %arg14[%dma_wait3A_515, %dma_wait3A_516] : memref<10016x64xf32, #tpu.memory_space<vmem_shared>> -> memref<10016x64xf32, #tpu.memory_space<vmem_shared>>
        tpu.wait_indirect_dma semaphore(%run_scoped3A_505 : memref<!tpu.dma_semaphore, #tpu.memory_space<semaphore_mem>>) src(%arg11 : memref<128x64xf32, #tpu.memory_space<vmem>>) dst(%dma_wait3A_517 : memref<10016x64xf32, #tpu.memory_space<vmem_shared>>)
        tpu.yield
      }) : () -> ()
      %eq3A_248 = arith.constant 0 : i32
      %eq3A_249 = arith.cmpi eq, %arg0, %eq3A_248 : i32
      %convert_element_type3A_250 = arith.extui %eq3A_249 : i1 to i32
      %cond3A_251 = arith.constant 0 : i32
      %cond3A_252 = arith.cmpi ne, %convert_element_type3A_250, %cond3A_251 : i32
      scf.if %cond3A_252 {
        %dma_start3A_505 = arith.constant 1 : i32
        %dma_start3A_506 = arith.constant 6 : i32
        %dma_start3A_507 = arith.constant 0 : i32
        %dma_start3A_508 = tpu.memref_slice %arg9[%dma_start3A_505, %dma_start3A_506, %dma_start3A_507] : memref<2x8x128xi32, #tpu.memory_space<vmem>> -> memref<1x1x128xi32, #tpu.memory_space<vmem>>
        %dma_start3A_509 = tpu.memref_squeeze %dma_start3A_508 : memref<1x1x128xi32, #tpu.memory_space<vmem>> -> memref<128xi32, #tpu.memory_space<vmem>>
        %dma_start3A_510 = arith.constant 0 : i32
        %dma_start3A_511 = arith.constant 0 : i32
        %dma_start3A_512 = tpu.memref_slice %arg20[%dma_start3A_510, %dma_start3A_511] : memref<10016x8xf32, #tpu.memory_space<vmem_shared>> -> memref<10016x8xf32, #tpu.memory_space<vmem_shared>>
        tpu.enqueue_indirect_dma source(%arg19 : memref<128x8xf32, #tpu.memory_space<vmem>>) target(%dma_start3A_512 : memref<10016x8xf32, #tpu.memory_space<vmem_shared>>) offsets(%dma_start3A_509 : memref<128xi32, #tpu.memory_space<vmem>>) semaphore(%arg21 : memref<!tpu.dma_semaphore, #tpu.memory_space<semaphore_mem>>) {add = true}
      } else {
      }
      %dma_start3A_253 = arith.constant 0 : i32
      %dma_start3A_254 = arith.constant 0 : i32
      %dma_start3A_255 = arith.constant 0 : i32
      %dma_start3A_256 = tpu.memref_slice %arg10[%dma_start3A_253, %dma_start3A_254, %dma_start3A_255] : memref<2x8x128xi32, #tpu.memory_space<vmem>> -> memref<1x1x128xi32, #tpu.memory_space<vmem>>
      %dma_start3A_257 = tpu.memref_squeeze %dma_start3A_256 : memref<1x1x128xi32, #tpu.memory_space<vmem>> -> memref<128xi32, #tpu.memory_space<vmem>>
      %dma_start3A_258 = arith.constant 0 : i32
      %dma_start3A_259 = arith.constant 0 : i32
      %dma_start3A_260 = tpu.memref_slice %arg13[%dma_start3A_258, %dma_start3A_259] : memref<10016x64xf32, #tpu.memory_space<vmem_shared>> -> memref<10016x64xf32, #tpu.memory_space<vmem_shared>>
      tpu.enqueue_indirect_dma source(%dma_start3A_260 : memref<10016x64xf32, #tpu.memory_space<vmem_shared>>) target(%arg11 : memref<128x64xf32, #tpu.memory_space<vmem>>) offsets(%dma_start3A_257 : memref<128xi32, #tpu.memory_space<vmem>>) semaphore(%arg15 : memref<!tpu.dma_semaphore, #tpu.memory_space<semaphore_mem>>)
      %dma_wait3A_261 = arith.constant 0 : i32
      %dma_wait3A_262 = arith.constant 7 : i32
      %dma_wait3A_263 = arith.constant 0 : i32
      %dma_wait3A_264 = tpu.memref_slice %arg9[%dma_wait3A_261, %dma_wait3A_262, %dma_wait3A_263] : memref<2x8x128xi32, #tpu.memory_space<vmem>> -> memref<1x1x128xi32, #tpu.memory_space<vmem>>
      %dma_wait3A_265 = tpu.memref_squeeze %dma_wait3A_264 : memref<1x1x128xi32, #tpu.memory_space<vmem>> -> memref<128xi32, #tpu.memory_space<vmem>>
      %dma_wait3A_266 = arith.constant 0 : i32
      %dma_wait3A_267 = arith.constant 0 : i32
      %dma_wait3A_268 = tpu.memref_slice %arg13[%dma_wait3A_266, %dma_wait3A_267] : memref<10016x64xf32, #tpu.memory_space<vmem_shared>> -> memref<10016x64xf32, #tpu.memory_space<vmem_shared>>
      tpu.wait_indirect_dma semaphore(%arg16 : memref<!tpu.dma_semaphore, #tpu.memory_space<semaphore_mem>>) src(%dma_wait3A_268 : memref<10016x64xf32, #tpu.memory_space<vmem_shared>>) dst(%arg12 : memref<128x64xf32, #tpu.memory_space<vmem>>)
      %run_scoped3A_269 = arith.constant 1 : i32
      %run_scoped3A_270 = arith.constant 7 : i32
      "tpu.region"() ({
        %run_scoped3A_505 = tpu.sem_alloc : memref<!tpu.dma_semaphore, #tpu.memory_space<semaphore_mem>>
        %dma_start3A_506 = arith.constant 0 : i32
        %dma_start3A_507 = tpu.memref_slice %arg9[%run_scoped3A_269, %run_scoped3A_270, %dma_start3A_506] : memref<2x8x128xi32, #tpu.memory_space<vmem>> -> memref<1x1x128xi32, #tpu.memory_space<vmem>>
        %dma_start3A_508 = tpu.memref_squeeze %dma_start3A_507 : memref<1x1x128xi32, #tpu.memory_space<vmem>> -> memref<128xi32, #tpu.memory_space<vmem>>
        %dma_start3A_509 = arith.constant 0 : i32
        %dma_start3A_510 = arith.constant 0 : i32
        %dma_start3A_511 = tpu.memref_slice %arg14[%dma_start3A_509, %dma_start3A_510] : memref<10016x64xf32, #tpu.memory_space<vmem_shared>> -> memref<10016x64xf32, #tpu.memory_space<vmem_shared>>
        tpu.enqueue_indirect_dma source(%arg12 : memref<128x64xf32, #tpu.memory_space<vmem>>) target(%dma_start3A_511 : memref<10016x64xf32, #tpu.memory_space<vmem_shared>>) offsets(%dma_start3A_508 : memref<128xi32, #tpu.memory_space<vmem>>) semaphore(%run_scoped3A_505 : memref<!tpu.dma_semaphore, #tpu.memory_space<semaphore_mem>>) {add = true}
        %dma_wait3A_512 = arith.constant 0 : i32
        %dma_wait3A_513 = tpu.memref_slice %arg9[%run_scoped3A_269, %run_scoped3A_270, %dma_wait3A_512] : memref<2x8x128xi32, #tpu.memory_space<vmem>> -> memref<1x1x128xi32, #tpu.memory_space<vmem>>
        %dma_wait3A_514 = tpu.memref_squeeze %dma_wait3A_513 : memref<1x1x128xi32, #tpu.memory_space<vmem>> -> memref<128xi32, #tpu.memory_space<vmem>>
        %dma_wait3A_515 = arith.constant 0 : i32
        %dma_wait3A_516 = arith.constant 0 : i32
        %dma_wait3A_517 = tpu.memref_slice %arg14[%dma_wait3A_515, %dma_wait3A_516] : memref<10016x64xf32, #tpu.memory_space<vmem_shared>> -> memref<10016x64xf32, #tpu.memory_space<vmem_shared>>
        tpu.wait_indirect_dma semaphore(%run_scoped3A_505 : memref<!tpu.dma_semaphore, #tpu.memory_space<semaphore_mem>>) src(%arg12 : memref<128x64xf32, #tpu.memory_space<vmem>>) dst(%dma_wait3A_517 : memref<10016x64xf32, #tpu.memory_space<vmem_shared>>)
        tpu.yield
      }) : () -> ()
      %eq3A_271 = arith.constant 0 : i32
      %eq3A_272 = arith.cmpi eq, %arg0, %eq3A_271 : i32
      %convert_element_type3A_273 = arith.extui %eq3A_272 : i1 to i32
      %cond3A_274 = arith.constant 0 : i32
      %cond3A_275 = arith.cmpi ne, %convert_element_type3A_273, %cond3A_274 : i32
      scf.if %cond3A_275 {
        %dma_start3A_505 = arith.constant 1 : i32
        %dma_start3A_506 = arith.constant 7 : i32
        %dma_start3A_507 = arith.constant 0 : i32
        %dma_start3A_508 = tpu.memref_slice %arg9[%dma_start3A_505, %dma_start3A_506, %dma_start3A_507] : memref<2x8x128xi32, #tpu.memory_space<vmem>> -> memref<1x1x128xi32, #tpu.memory_space<vmem>>
        %dma_start3A_509 = tpu.memref_squeeze %dma_start3A_508 : memref<1x1x128xi32, #tpu.memory_space<vmem>> -> memref<128xi32, #tpu.memory_space<vmem>>
        %dma_start3A_510 = arith.constant 0 : i32
        %dma_start3A_511 = arith.constant 0 : i32
        %dma_start3A_512 = tpu.memref_slice %arg20[%dma_start3A_510, %dma_start3A_511] : memref<10016x8xf32, #tpu.memory_space<vmem_shared>> -> memref<10016x8xf32, #tpu.memory_space<vmem_shared>>
        tpu.enqueue_indirect_dma source(%arg19 : memref<128x8xf32, #tpu.memory_space<vmem>>) target(%dma_start3A_512 : memref<10016x8xf32, #tpu.memory_space<vmem_shared>>) offsets(%dma_start3A_509 : memref<128xi32, #tpu.memory_space<vmem>>) semaphore(%arg21 : memref<!tpu.dma_semaphore, #tpu.memory_space<semaphore_mem>>) {add = true}
      } else {
      }
      %dma_start3A_276 = arith.constant 0 : i32
      %dma_start3A_277 = arith.constant 1 : i32
      %dma_start3A_278 = arith.constant 0 : i32
      %dma_start3A_279 = tpu.memref_slice %arg10[%dma_start3A_276, %dma_start3A_277, %dma_start3A_278] : memref<2x8x128xi32, #tpu.memory_space<vmem>> -> memref<1x1x128xi32, #tpu.memory_space<vmem>>
      %dma_start3A_280 = tpu.memref_squeeze %dma_start3A_279 : memref<1x1x128xi32, #tpu.memory_space<vmem>> -> memref<128xi32, #tpu.memory_space<vmem>>
      %dma_start3A_281 = arith.constant 0 : i32
      %dma_start3A_282 = arith.constant 0 : i32
      %dma_start3A_283 = tpu.memref_slice %arg13[%dma_start3A_281, %dma_start3A_282] : memref<10016x64xf32, #tpu.memory_space<vmem_shared>> -> memref<10016x64xf32, #tpu.memory_space<vmem_shared>>
      tpu.enqueue_indirect_dma source(%dma_start3A_283 : memref<10016x64xf32, #tpu.memory_space<vmem_shared>>) target(%arg12 : memref<128x64xf32, #tpu.memory_space<vmem>>) offsets(%dma_start3A_280 : memref<128xi32, #tpu.memory_space<vmem>>) semaphore(%arg16 : memref<!tpu.dma_semaphore, #tpu.memory_space<semaphore_mem>>)
      %add3A_284 = arith.constant 2 : i32
      %add3A_285 = arith.addi %add3A_92, %add3A_284 : i32
      %dma_start3A_286 = arith.constant 0 : i32
      %dma_start3A_287 = arith.constant 0 : i32
      %dma_start3A_288 = arith.constant 0 : i32
      %dma_start3A_289 = tpu.memref_slice %arg3[%arg1, %add3A_285, %dma_start3A_286, %dma_start3A_287, %dma_start3A_288] : memref<16x22x2x8x128xi32, #tpu.memory_space<hbm>> -> memref<1x1x2x8x128xi32, #tpu.memory_space<hbm>>
      %dma_start3A_290 = tpu.memref_squeeze %dma_start3A_289 : memref<1x1x2x8x128xi32, #tpu.memory_space<hbm>> -> memref<2x8x128xi32, #tpu.memory_space<hbm>>
      %dma_start3A_291 = arith.constant 0 : i32
      %dma_start3A_292 = arith.constant 0 : i32
      %dma_start3A_293 = arith.constant 0 : i32
      %dma_start3A_294 = tpu.memref_slice %arg3[%arg1, %add3A_285, %dma_start3A_291, %dma_start3A_292, %dma_start3A_293] : memref<16x22x2x8x128xi32, #tpu.memory_space<hbm>> -> memref<1x1x2x8x128xi32, #tpu.memory_space<hbm>>
      %dma_start3A_295 = tpu.memref_squeeze %dma_start3A_294 : memref<1x1x2x8x128xi32, #tpu.memory_space<hbm>> -> memref<2x8x128xi32, #tpu.memory_space<hbm>>
      tpu.enqueue_dma source(%dma_start3A_295 : memref<2x8x128xi32, #tpu.memory_space<hbm>>) target(%arg9 : memref<2x8x128xi32, #tpu.memory_space<vmem>>) target_semaphore(%arg17 : memref<!tpu.dma_semaphore, #tpu.memory_space<semaphore_mem>>)
      %add3A_296 = arith.constant 1 : i32
      %add3A_297 = arith.addi %mul3A_91, %add3A_296 : i32
      %dma_wait3A_298 = arith.constant 0 : i32
      %dma_wait3A_299 = arith.constant 0 : i32
      %dma_wait3A_300 = arith.constant 0 : i32
      %dma_wait3A_301 = tpu.memref_slice %arg10[%dma_wait3A_298, %dma_wait3A_299, %dma_wait3A_300] : memref<2x8x128xi32, #tpu.memory_space<vmem>> -> memref<1x1x128xi32, #tpu.memory_space<vmem>>
      %dma_wait3A_302 = tpu.memref_squeeze %dma_wait3A_301 : memref<1x1x128xi32, #tpu.memory_space<vmem>> -> memref<128xi32, #tpu.memory_space<vmem>>
      %dma_wait3A_303 = arith.constant 0 : i32
      %dma_wait3A_304 = arith.constant 0 : i32
      %dma_wait3A_305 = tpu.memref_slice %arg13[%dma_wait3A_303, %dma_wait3A_304] : memref<10016x64xf32, #tpu.memory_space<vmem_shared>> -> memref<10016x64xf32, #tpu.memory_space<vmem_shared>>
      tpu.wait_indirect_dma semaphore(%arg15 : memref<!tpu.dma_semaphore, #tpu.memory_space<semaphore_mem>>) src(%dma_wait3A_305 : memref<10016x64xf32, #tpu.memory_space<vmem_shared>>) dst(%arg11 : memref<128x64xf32, #tpu.memory_space<vmem>>)
      %run_scoped3A_306 = arith.constant 1 : i32
      %run_scoped3A_307 = arith.constant 0 : i32
      "tpu.region"() ({
        %run_scoped3A_505 = tpu.sem_alloc : memref<!tpu.dma_semaphore, #tpu.memory_space<semaphore_mem>>
        %dma_start3A_506 = arith.constant 0 : i32
        %dma_start3A_507 = tpu.memref_slice %arg10[%run_scoped3A_306, %run_scoped3A_307, %dma_start3A_506] : memref<2x8x128xi32, #tpu.memory_space<vmem>> -> memref<1x1x128xi32, #tpu.memory_space<vmem>>
        %dma_start3A_508 = tpu.memref_squeeze %dma_start3A_507 : memref<1x1x128xi32, #tpu.memory_space<vmem>> -> memref<128xi32, #tpu.memory_space<vmem>>
        %dma_start3A_509 = arith.constant 0 : i32
        %dma_start3A_510 = arith.constant 0 : i32
        %dma_start3A_511 = tpu.memref_slice %arg14[%dma_start3A_509, %dma_start3A_510] : memref<10016x64xf32, #tpu.memory_space<vmem_shared>> -> memref<10016x64xf32, #tpu.memory_space<vmem_shared>>
        tpu.enqueue_indirect_dma source(%arg11 : memref<128x64xf32, #tpu.memory_space<vmem>>) target(%dma_start3A_511 : memref<10016x64xf32, #tpu.memory_space<vmem_shared>>) offsets(%dma_start3A_508 : memref<128xi32, #tpu.memory_space<vmem>>) semaphore(%run_scoped3A_505 : memref<!tpu.dma_semaphore, #tpu.memory_space<semaphore_mem>>) {add = true}
        %dma_wait3A_512 = arith.constant 0 : i32
        %dma_wait3A_513 = tpu.memref_slice %arg10[%run_scoped3A_306, %run_scoped3A_307, %dma_wait3A_512] : memref<2x8x128xi32, #tpu.memory_space<vmem>> -> memref<1x1x128xi32, #tpu.memory_space<vmem>>
        %dma_wait3A_514 = tpu.memref_squeeze %dma_wait3A_513 : memref<1x1x128xi32, #tpu.memory_space<vmem>> -> memref<128xi32, #tpu.memory_space<vmem>>
        %dma_wait3A_515 = arith.constant 0 : i32
        %dma_wait3A_516 = arith.constant 0 : i32
        %dma_wait3A_517 = tpu.memref_slice %arg14[%dma_wait3A_515, %dma_wait3A_516] : memref<10016x64xf32, #tpu.memory_space<vmem_shared>> -> memref<10016x64xf32, #tpu.memory_space<vmem_shared>>
        tpu.wait_indirect_dma semaphore(%run_scoped3A_505 : memref<!tpu.dma_semaphore, #tpu.memory_space<semaphore_mem>>) src(%arg11 : memref<128x64xf32, #tpu.memory_space<vmem>>) dst(%dma_wait3A_517 : memref<10016x64xf32, #tpu.memory_space<vmem_shared>>)
        tpu.yield
      }) : () -> ()
      %eq3A_308 = arith.constant 1 : i32
      %eq3A_309 = arith.cmpi eq, %arg0, %eq3A_308 : i32
      %convert_element_type3A_310 = arith.extui %eq3A_309 : i1 to i32
      %cond3A_311 = arith.constant 0 : i32
      %cond3A_312 = arith.cmpi ne, %convert_element_type3A_310, %cond3A_311 : i32
      scf.if %cond3A_312 {
        %dma_start3A_505 = arith.constant 1 : i32
        %dma_start3A_506 = arith.constant 0 : i32
        %dma_start3A_507 = arith.constant 0 : i32
        %dma_start3A_508 = tpu.memref_slice %arg10[%dma_start3A_505, %dma_start3A_506, %dma_start3A_507] : memref<2x8x128xi32, #tpu.memory_space<vmem>> -> memref<1x1x128xi32, #tpu.memory_space<vmem>>
        %dma_start3A_509 = tpu.memref_squeeze %dma_start3A_508 : memref<1x1x128xi32, #tpu.memory_space<vmem>> -> memref<128xi32, #tpu.memory_space<vmem>>
        %dma_start3A_510 = arith.constant 0 : i32
        %dma_start3A_511 = arith.constant 0 : i32
        %dma_start3A_512 = tpu.memref_slice %arg20[%dma_start3A_510, %dma_start3A_511] : memref<10016x8xf32, #tpu.memory_space<vmem_shared>> -> memref<10016x8xf32, #tpu.memory_space<vmem_shared>>
        tpu.enqueue_indirect_dma source(%arg19 : memref<128x8xf32, #tpu.memory_space<vmem>>) target(%dma_start3A_512 : memref<10016x8xf32, #tpu.memory_space<vmem_shared>>) offsets(%dma_start3A_509 : memref<128xi32, #tpu.memory_space<vmem>>) semaphore(%arg21 : memref<!tpu.dma_semaphore, #tpu.memory_space<semaphore_mem>>) {add = true}
      } else {
      }
      %dma_start3A_313 = arith.constant 0 : i32
      %dma_start3A_314 = arith.constant 2 : i32
      %dma_start3A_315 = arith.constant 0 : i32
      %dma_start3A_316 = tpu.memref_slice %arg10[%dma_start3A_313, %dma_start3A_314, %dma_start3A_315] : memref<2x8x128xi32, #tpu.memory_space<vmem>> -> memref<1x1x128xi32, #tpu.memory_space<vmem>>
      %dma_start3A_317 = tpu.memref_squeeze %dma_start3A_316 : memref<1x1x128xi32, #tpu.memory_space<vmem>> -> memref<128xi32, #tpu.memory_space<vmem>>
      %dma_start3A_318 = arith.constant 0 : i32
      %dma_start3A_319 = arith.constant 0 : i32
      %dma_start3A_320 = tpu.memref_slice %arg13[%dma_start3A_318, %dma_start3A_319] : memref<10016x64xf32, #tpu.memory_space<vmem_shared>> -> memref<10016x64xf32, #tpu.memory_space<vmem_shared>>
      tpu.enqueue_indirect_dma source(%dma_start3A_320 : memref<10016x64xf32, #tpu.memory_space<vmem_shared>>) target(%arg11 : memref<128x64xf32, #tpu.memory_space<vmem>>) offsets(%dma_start3A_317 : memref<128xi32, #tpu.memory_space<vmem>>) semaphore(%arg15 : memref<!tpu.dma_semaphore, #tpu.memory_space<semaphore_mem>>)
      %dma_wait3A_321 = arith.constant 0 : i32
      %dma_wait3A_322 = arith.constant 1 : i32
      %dma_wait3A_323 = arith.constant 0 : i32
      %dma_wait3A_324 = tpu.memref_slice %arg10[%dma_wait3A_321, %dma_wait3A_322, %dma_wait3A_323] : memref<2x8x128xi32, #tpu.memory_space<vmem>> -> memref<1x1x128xi32, #tpu.memory_space<vmem>>
      %dma_wait3A_325 = tpu.memref_squeeze %dma_wait3A_324 : memref<1x1x128xi32, #tpu.memory_space<vmem>> -> memref<128xi32, #tpu.memory_space<vmem>>
      %dma_wait3A_326 = arith.constant 0 : i32
      %dma_wait3A_327 = arith.constant 0 : i32
      %dma_wait3A_328 = tpu.memref_slice %arg13[%dma_wait3A_326, %dma_wait3A_327] : memref<10016x64xf32, #tpu.memory_space<vmem_shared>> -> memref<10016x64xf32, #tpu.memory_space<vmem_shared>>
      tpu.wait_indirect_dma semaphore(%arg16 : memref<!tpu.dma_semaphore, #tpu.memory_space<semaphore_mem>>) src(%dma_wait3A_328 : memref<10016x64xf32, #tpu.memory_space<vmem_shared>>) dst(%arg12 : memref<128x64xf32, #tpu.memory_space<vmem>>)
      %run_scoped3A_329 = arith.constant 1 : i32
      %run_scoped3A_330 = arith.constant 1 : i32
      "tpu.region"() ({
        %run_scoped3A_505 = tpu.sem_alloc : memref<!tpu.dma_semaphore, #tpu.memory_space<semaphore_mem>>
        %dma_start3A_506 = arith.constant 0 : i32
        %dma_start3A_507 = tpu.memref_slice %arg10[%run_scoped3A_329, %run_scoped3A_330, %dma_start3A_506] : memref<2x8x128xi32, #tpu.memory_space<vmem>> -> memref<1x1x128xi32, #tpu.memory_space<vmem>>
        %dma_start3A_508 = tpu.memref_squeeze %dma_start3A_507 : memref<1x1x128xi32, #tpu.memory_space<vmem>> -> memref<128xi32, #tpu.memory_space<vmem>>
        %dma_start3A_509 = arith.constant 0 : i32
        %dma_start3A_510 = arith.constant 0 : i32
        %dma_start3A_511 = tpu.memref_slice %arg14[%dma_start3A_509, %dma_start3A_510] : memref<10016x64xf32, #tpu.memory_space<vmem_shared>> -> memref<10016x64xf32, #tpu.memory_space<vmem_shared>>
        tpu.enqueue_indirect_dma source(%arg12 : memref<128x64xf32, #tpu.memory_space<vmem>>) target(%dma_start3A_511 : memref<10016x64xf32, #tpu.memory_space<vmem_shared>>) offsets(%dma_start3A_508 : memref<128xi32, #tpu.memory_space<vmem>>) semaphore(%run_scoped3A_505 : memref<!tpu.dma_semaphore, #tpu.memory_space<semaphore_mem>>) {add = true}
        %dma_wait3A_512 = arith.constant 0 : i32
        %dma_wait3A_513 = tpu.memref_slice %arg10[%run_scoped3A_329, %run_scoped3A_330, %dma_wait3A_512] : memref<2x8x128xi32, #tpu.memory_space<vmem>> -> memref<1x1x128xi32, #tpu.memory_space<vmem>>
        %dma_wait3A_514 = tpu.memref_squeeze %dma_wait3A_513 : memref<1x1x128xi32, #tpu.memory_space<vmem>> -> memref<128xi32, #tpu.memory_space<vmem>>
        %dma_wait3A_515 = arith.constant 0 : i32
        %dma_wait3A_516 = arith.constant 0 : i32
        %dma_wait3A_517 = tpu.memref_slice %arg14[%dma_wait3A_515, %dma_wait3A_516] : memref<10016x64xf32, #tpu.memory_space<vmem_shared>> -> memref<10016x64xf32, #tpu.memory_space<vmem_shared>>
        tpu.wait_indirect_dma semaphore(%run_scoped3A_505 : memref<!tpu.dma_semaphore, #tpu.memory_space<semaphore_mem>>) src(%arg12 : memref<128x64xf32, #tpu.memory_space<vmem>>) dst(%dma_wait3A_517 : memref<10016x64xf32, #tpu.memory_space<vmem_shared>>)
        tpu.yield
      }) : () -> ()
      %eq3A_331 = arith.constant 1 : i32
      %eq3A_332 = arith.cmpi eq, %arg0, %eq3A_331 : i32
      %convert_element_type3A_333 = arith.extui %eq3A_332 : i1 to i32
      %cond3A_334 = arith.constant 0 : i32
      %cond3A_335 = arith.cmpi ne, %convert_element_type3A_333, %cond3A_334 : i32
      scf.if %cond3A_335 {
        %dma_start3A_505 = arith.constant 1 : i32
        %dma_start3A_506 = arith.constant 1 : i32
        %dma_start3A_507 = arith.constant 0 : i32
        %dma_start3A_508 = tpu.memref_slice %arg10[%dma_start3A_505, %dma_start3A_506, %dma_start3A_507] : memref<2x8x128xi32, #tpu.memory_space<vmem>> -> memref<1x1x128xi32, #tpu.memory_space<vmem>>
        %dma_start3A_509 = tpu.memref_squeeze %dma_start3A_508 : memref<1x1x128xi32, #tpu.memory_space<vmem>> -> memref<128xi32, #tpu.memory_space<vmem>>
        %dma_start3A_510 = arith.constant 0 : i32
        %dma_start3A_511 = arith.constant 0 : i32
        %dma_start3A_512 = tpu.memref_slice %arg20[%dma_start3A_510, %dma_start3A_511] : memref<10016x8xf32, #tpu.memory_space<vmem_shared>> -> memref<10016x8xf32, #tpu.memory_space<vmem_shared>>
        tpu.enqueue_indirect_dma source(%arg19 : memref<128x8xf32, #tpu.memory_space<vmem>>) target(%dma_start3A_512 : memref<10016x8xf32, #tpu.memory_space<vmem_shared>>) offsets(%dma_start3A_509 : memref<128xi32, #tpu.memory_space<vmem>>) semaphore(%arg21 : memref<!tpu.dma_semaphore, #tpu.memory_space<semaphore_mem>>) {add = true}
      } else {
      }
      %dma_start3A_336 = arith.constant 0 : i32
      %dma_start3A_337 = arith.constant 3 : i32
      %dma_start3A_338 = arith.constant 0 : i32
      %dma_start3A_339 = tpu.memref_slice %arg10[%dma_start3A_336, %dma_start3A_337, %dma_start3A_338] : memref<2x8x128xi32, #tpu.memory_space<vmem>> -> memref<1x1x128xi32, #tpu.memory_space<vmem>>
      %dma_start3A_340 = tpu.memref_squeeze %dma_start3A_339 : memref<1x1x128xi32, #tpu.memory_space<vmem>> -> memref<128xi32, #tpu.memory_space<vmem>>
      %dma_start3A_341 = arith.constant 0 : i32
      %dma_start3A_342 = arith.constant 0 : i32
      %dma_start3A_343 = tpu.memref_slice %arg13[%dma_start3A_341, %dma_start3A_342] : memref<10016x64xf32, #tpu.memory_space<vmem_shared>> -> memref<10016x64xf32, #tpu.memory_space<vmem_shared>>
      tpu.enqueue_indirect_dma source(%dma_start3A_343 : memref<10016x64xf32, #tpu.memory_space<vmem_shared>>) target(%arg12 : memref<128x64xf32, #tpu.memory_space<vmem>>) offsets(%dma_start3A_340 : memref<128xi32, #tpu.memory_space<vmem>>) semaphore(%arg16 : memref<!tpu.dma_semaphore, #tpu.memory_space<semaphore_mem>>)
      %dma_wait3A_344 = arith.constant 0 : i32
      %dma_wait3A_345 = arith.constant 2 : i32
      %dma_wait3A_346 = arith.constant 0 : i32
      %dma_wait3A_347 = tpu.memref_slice %arg10[%dma_wait3A_344, %dma_wait3A_345, %dma_wait3A_346] : memref<2x8x128xi32, #tpu.memory_space<vmem>> -> memref<1x1x128xi32, #tpu.memory_space<vmem>>
      %dma_wait3A_348 = tpu.memref_squeeze %dma_wait3A_347 : memref<1x1x128xi32, #tpu.memory_space<vmem>> -> memref<128xi32, #tpu.memory_space<vmem>>
      %dma_wait3A_349 = arith.constant 0 : i32
      %dma_wait3A_350 = arith.constant 0 : i32
      %dma_wait3A_351 = tpu.memref_slice %arg13[%dma_wait3A_349, %dma_wait3A_350] : memref<10016x64xf32, #tpu.memory_space<vmem_shared>> -> memref<10016x64xf32, #tpu.memory_space<vmem_shared>>
      tpu.wait_indirect_dma semaphore(%arg15 : memref<!tpu.dma_semaphore, #tpu.memory_space<semaphore_mem>>) src(%dma_wait3A_351 : memref<10016x64xf32, #tpu.memory_space<vmem_shared>>) dst(%arg11 : memref<128x64xf32, #tpu.memory_space<vmem>>)
      %run_scoped3A_352 = arith.constant 1 : i32
      %run_scoped3A_353 = arith.constant 2 : i32
      "tpu.region"() ({
        %run_scoped3A_505 = tpu.sem_alloc : memref<!tpu.dma_semaphore, #tpu.memory_space<semaphore_mem>>
        %dma_start3A_506 = arith.constant 0 : i32
        %dma_start3A_507 = tpu.memref_slice %arg10[%run_scoped3A_352, %run_scoped3A_353, %dma_start3A_506] : memref<2x8x128xi32, #tpu.memory_space<vmem>> -> memref<1x1x128xi32, #tpu.memory_space<vmem>>
        %dma_start3A_508 = tpu.memref_squeeze %dma_start3A_507 : memref<1x1x128xi32, #tpu.memory_space<vmem>> -> memref<128xi32, #tpu.memory_space<vmem>>
        %dma_start3A_509 = arith.constant 0 : i32
        %dma_start3A_510 = arith.constant 0 : i32
        %dma_start3A_511 = tpu.memref_slice %arg14[%dma_start3A_509, %dma_start3A_510] : memref<10016x64xf32, #tpu.memory_space<vmem_shared>> -> memref<10016x64xf32, #tpu.memory_space<vmem_shared>>
        tpu.enqueue_indirect_dma source(%arg11 : memref<128x64xf32, #tpu.memory_space<vmem>>) target(%dma_start3A_511 : memref<10016x64xf32, #tpu.memory_space<vmem_shared>>) offsets(%dma_start3A_508 : memref<128xi32, #tpu.memory_space<vmem>>) semaphore(%run_scoped3A_505 : memref<!tpu.dma_semaphore, #tpu.memory_space<semaphore_mem>>) {add = true}
        %dma_wait3A_512 = arith.constant 0 : i32
        %dma_wait3A_513 = tpu.memref_slice %arg10[%run_scoped3A_352, %run_scoped3A_353, %dma_wait3A_512] : memref<2x8x128xi32, #tpu.memory_space<vmem>> -> memref<1x1x128xi32, #tpu.memory_space<vmem>>
        %dma_wait3A_514 = tpu.memref_squeeze %dma_wait3A_513 : memref<1x1x128xi32, #tpu.memory_space<vmem>> -> memref<128xi32, #tpu.memory_space<vmem>>
        %dma_wait3A_515 = arith.constant 0 : i32
        %dma_wait3A_516 = arith.constant 0 : i32
        %dma_wait3A_517 = tpu.memref_slice %arg14[%dma_wait3A_515, %dma_wait3A_516] : memref<10016x64xf32, #tpu.memory_space<vmem_shared>> -> memref<10016x64xf32, #tpu.memory_space<vmem_shared>>
        tpu.wait_indirect_dma semaphore(%run_scoped3A_505 : memref<!tpu.dma_semaphore, #tpu.memory_space<semaphore_mem>>) src(%arg11 : memref<128x64xf32, #tpu.memory_space<vmem>>) dst(%dma_wait3A_517 : memref<10016x64xf32, #tpu.memory_space<vmem_shared>>)
        tpu.yield
      }) : () -> ()
      %eq3A_354 = arith.constant 1 : i32
      %eq3A_355 = arith.cmpi eq, %arg0, %eq3A_354 : i32
      %convert_element_type3A_356 = arith.extui %eq3A_355 : i1 to i32
      %cond3A_357 = arith.constant 0 : i32
      %cond3A_358 = arith.cmpi ne, %convert_element_type3A_356, %cond3A_357 : i32
      scf.if %cond3A_358 {
        %dma_start3A_505 = arith.constant 1 : i32
        %dma_start3A_506 = arith.constant 2 : i32
        %dma_start3A_507 = arith.constant 0 : i32
        %dma_start3A_508 = tpu.memref_slice %arg10[%dma_start3A_505, %dma_start3A_506, %dma_start3A_507] : memref<2x8x128xi32, #tpu.memory_space<vmem>> -> memref<1x1x128xi32, #tpu.memory_space<vmem>>
        %dma_start3A_509 = tpu.memref_squeeze %dma_start3A_508 : memref<1x1x128xi32, #tpu.memory_space<vmem>> -> memref<128xi32, #tpu.memory_space<vmem>>
        %dma_start3A_510 = arith.constant 0 : i32
        %dma_start3A_511 = arith.constant 0 : i32
        %dma_start3A_512 = tpu.memref_slice %arg20[%dma_start3A_510, %dma_start3A_511] : memref<10016x8xf32, #tpu.memory_space<vmem_shared>> -> memref<10016x8xf32, #tpu.memory_space<vmem_shared>>
        tpu.enqueue_indirect_dma source(%arg19 : memref<128x8xf32, #tpu.memory_space<vmem>>) target(%dma_start3A_512 : memref<10016x8xf32, #tpu.memory_space<vmem_shared>>) offsets(%dma_start3A_509 : memref<128xi32, #tpu.memory_space<vmem>>) semaphore(%arg21 : memref<!tpu.dma_semaphore, #tpu.memory_space<semaphore_mem>>) {add = true}
      } else {
      }
      %dma_start3A_359 = arith.constant 0 : i32
      %dma_start3A_360 = arith.constant 4 : i32
      %dma_start3A_361 = arith.constant 0 : i32
      %dma_start3A_362 = tpu.memref_slice %arg10[%dma_start3A_359, %dma_start3A_360, %dma_start3A_361] : memref<2x8x128xi32, #tpu.memory_space<vmem>> -> memref<1x1x128xi32, #tpu.memory_space<vmem>>
      %dma_start3A_363 = tpu.memref_squeeze %dma_start3A_362 : memref<1x1x128xi32, #tpu.memory_space<vmem>> -> memref<128xi32, #tpu.memory_space<vmem>>
      %dma_start3A_364 = arith.constant 0 : i32
      %dma_start3A_365 = arith.constant 0 : i32
      %dma_start3A_366 = tpu.memref_slice %arg13[%dma_start3A_364, %dma_start3A_365] : memref<10016x64xf32, #tpu.memory_space<vmem_shared>> -> memref<10016x64xf32, #tpu.memory_space<vmem_shared>>
      tpu.enqueue_indirect_dma source(%dma_start3A_366 : memref<10016x64xf32, #tpu.memory_space<vmem_shared>>) target(%arg11 : memref<128x64xf32, #tpu.memory_space<vmem>>) offsets(%dma_start3A_363 : memref<128xi32, #tpu.memory_space<vmem>>) semaphore(%arg15 : memref<!tpu.dma_semaphore, #tpu.memory_space<semaphore_mem>>)
      %dma_wait3A_367 = arith.constant 0 : i32
      %dma_wait3A_368 = arith.constant 3 : i32
      %dma_wait3A_369 = arith.constant 0 : i32
      %dma_wait3A_370 = tpu.memref_slice %arg10[%dma_wait3A_367, %dma_wait3A_368, %dma_wait3A_369] : memref<2x8x128xi32, #tpu.memory_space<vmem>> -> memref<1x1x128xi32, #tpu.memory_space<vmem>>
      %dma_wait3A_371 = tpu.memref_squeeze %dma_wait3A_370 : memref<1x1x128xi32, #tpu.memory_space<vmem>> -> memref<128xi32, #tpu.memory_space<vmem>>
      %dma_wait3A_372 = arith.constant 0 : i32
      %dma_wait3A_373 = arith.constant 0 : i32
      %dma_wait3A_374 = tpu.memref_slice %arg13[%dma_wait3A_372, %dma_wait3A_373] : memref<10016x64xf32, #tpu.memory_space<vmem_shared>> -> memref<10016x64xf32, #tpu.memory_space<vmem_shared>>
      tpu.wait_indirect_dma semaphore(%arg16 : memref<!tpu.dma_semaphore, #tpu.memory_space<semaphore_mem>>) src(%dma_wait3A_374 : memref<10016x64xf32, #tpu.memory_space<vmem_shared>>) dst(%arg12 : memref<128x64xf32, #tpu.memory_space<vmem>>)
      %run_scoped3A_375 = arith.constant 1 : i32
      %run_scoped3A_376 = arith.constant 3 : i32
      "tpu.region"() ({
        %run_scoped3A_505 = tpu.sem_alloc : memref<!tpu.dma_semaphore, #tpu.memory_space<semaphore_mem>>
        %dma_start3A_506 = arith.constant 0 : i32
        %dma_start3A_507 = tpu.memref_slice %arg10[%run_scoped3A_375, %run_scoped3A_376, %dma_start3A_506] : memref<2x8x128xi32, #tpu.memory_space<vmem>> -> memref<1x1x128xi32, #tpu.memory_space<vmem>>
        %dma_start3A_508 = tpu.memref_squeeze %dma_start3A_507 : memref<1x1x128xi32, #tpu.memory_space<vmem>> -> memref<128xi32, #tpu.memory_space<vmem>>
        %dma_start3A_509 = arith.constant 0 : i32
        %dma_start3A_510 = arith.constant 0 : i32
        %dma_start3A_511 = tpu.memref_slice %arg14[%dma_start3A_509, %dma_start3A_510] : memref<10016x64xf32, #tpu.memory_space<vmem_shared>> -> memref<10016x64xf32, #tpu.memory_space<vmem_shared>>
        tpu.enqueue_indirect_dma source(%arg12 : memref<128x64xf32, #tpu.memory_space<vmem>>) target(%dma_start3A_511 : memref<10016x64xf32, #tpu.memory_space<vmem_shared>>) offsets(%dma_start3A_508 : memref<128xi32, #tpu.memory_space<vmem>>) semaphore(%run_scoped3A_505 : memref<!tpu.dma_semaphore, #tpu.memory_space<semaphore_mem>>) {add = true}
        %dma_wait3A_512 = arith.constant 0 : i32
        %dma_wait3A_513 = tpu.memref_slice %arg10[%run_scoped3A_375, %run_scoped3A_376, %dma_wait3A_512] : memref<2x8x128xi32, #tpu.memory_space<vmem>> -> memref<1x1x128xi32, #tpu.memory_space<vmem>>
        %dma_wait3A_514 = tpu.memref_squeeze %dma_wait3A_513 : memref<1x1x128xi32, #tpu.memory_space<vmem>> -> memref<128xi32, #tpu.memory_space<vmem>>
        %dma_wait3A_515 = arith.constant 0 : i32
        %dma_wait3A_516 = arith.constant 0 : i32
        %dma_wait3A_517 = tpu.memref_slice %arg14[%dma_wait3A_515, %dma_wait3A_516] : memref<10016x64xf32, #tpu.memory_space<vmem_shared>> -> memref<10016x64xf32, #tpu.memory_space<vmem_shared>>
        tpu.wait_indirect_dma semaphore(%run_scoped3A_505 : memref<!tpu.dma_semaphore, #tpu.memory_space<semaphore_mem>>) src(%arg12 : memref<128x64xf32, #tpu.memory_space<vmem>>) dst(%dma_wait3A_517 : memref<10016x64xf32, #tpu.memory_space<vmem_shared>>)
        tpu.yield
      }) : () -> ()
      %eq3A_377 = arith.constant 1 : i32
      %eq3A_378 = arith.cmpi eq, %arg0, %eq3A_377 : i32
      %convert_element_type3A_379 = arith.extui %eq3A_378 : i1 to i32
      %cond3A_380 = arith.constant 0 : i32
      %cond3A_381 = arith.cmpi ne, %convert_element_type3A_379, %cond3A_380 : i32
      scf.if %cond3A_381 {
        %dma_start3A_505 = arith.constant 1 : i32
        %dma_start3A_506 = arith.constant 3 : i32
        %dma_start3A_507 = arith.constant 0 : i32
        %dma_start3A_508 = tpu.memref_slice %arg10[%dma_start3A_505, %dma_start3A_506, %dma_start3A_507] : memref<2x8x128xi32, #tpu.memory_space<vmem>> -> memref<1x1x128xi32, #tpu.memory_space<vmem>>
        %dma_start3A_509 = tpu.memref_squeeze %dma_start3A_508 : memref<1x1x128xi32, #tpu.memory_space<vmem>> -> memref<128xi32, #tpu.memory_space<vmem>>
        %dma_start3A_510 = arith.constant 0 : i32
        %dma_start3A_511 = arith.constant 0 : i32
        %dma_start3A_512 = tpu.memref_slice %arg20[%dma_start3A_510, %dma_start3A_511] : memref<10016x8xf32, #tpu.memory_space<vmem_shared>> -> memref<10016x8xf32, #tpu.memory_space<vmem_shared>>
        tpu.enqueue_indirect_dma source(%arg19 : memref<128x8xf32, #tpu.memory_space<vmem>>) target(%dma_start3A_512 : memref<10016x8xf32, #tpu.memory_space<vmem_shared>>) offsets(%dma_start3A_509 : memref<128xi32, #tpu.memory_space<vmem>>) semaphore(%arg21 : memref<!tpu.dma_semaphore, #tpu.memory_space<semaphore_mem>>) {add = true}
      } else {
      }
      %dma_start3A_382 = arith.constant 0 : i32
      %dma_start3A_383 = arith.constant 5 : i32
      %dma_start3A_384 = arith.constant 0 : i32
      %dma_start3A_385 = tpu.memref_slice %arg10[%dma_start3A_382, %dma_start3A_383, %dma_start3A_384] : memref<2x8x128xi32, #tpu.memory_space<vmem>> -> memref<1x1x128xi32, #tpu.memory_space<vmem>>
      %dma_start3A_386 = tpu.memref_squeeze %dma_start3A_385 : memref<1x1x128xi32, #tpu.memory_space<vmem>> -> memref<128xi32, #tpu.memory_space<vmem>>
      %dma_start3A_387 = arith.constant 0 : i32
      %dma_start3A_388 = arith.constant 0 : i32
      %dma_start3A_389 = tpu.memref_slice %arg13[%dma_start3A_387, %dma_start3A_388] : memref<10016x64xf32, #tpu.memory_space<vmem_shared>> -> memref<10016x64xf32, #tpu.memory_space<vmem_shared>>
      tpu.enqueue_indirect_dma source(%dma_start3A_389 : memref<10016x64xf32, #tpu.memory_space<vmem_shared>>) target(%arg12 : memref<128x64xf32, #tpu.memory_space<vmem>>) offsets(%dma_start3A_386 : memref<128xi32, #tpu.memory_space<vmem>>) semaphore(%arg16 : memref<!tpu.dma_semaphore, #tpu.memory_space<semaphore_mem>>)
      %dma_wait3A_390 = arith.constant 0 : i32
      %dma_wait3A_391 = arith.constant 4 : i32
      %dma_wait3A_392 = arith.constant 0 : i32
      %dma_wait3A_393 = tpu.memref_slice %arg10[%dma_wait3A_390, %dma_wait3A_391, %dma_wait3A_392] : memref<2x8x128xi32, #tpu.memory_space<vmem>> -> memref<1x1x128xi32, #tpu.memory_space<vmem>>
      %dma_wait3A_394 = tpu.memref_squeeze %dma_wait3A_393 : memref<1x1x128xi32, #tpu.memory_space<vmem>> -> memref<128xi32, #tpu.memory_space<vmem>>
      %dma_wait3A_395 = arith.constant 0 : i32
      %dma_wait3A_396 = arith.constant 0 : i32
      %dma_wait3A_397 = tpu.memref_slice %arg13[%dma_wait3A_395, %dma_wait3A_396] : memref<10016x64xf32, #tpu.memory_space<vmem_shared>> -> memref<10016x64xf32, #tpu.memory_space<vmem_shared>>
      tpu.wait_indirect_dma semaphore(%arg15 : memref<!tpu.dma_semaphore, #tpu.memory_space<semaphore_mem>>) src(%dma_wait3A_397 : memref<10016x64xf32, #tpu.memory_space<vmem_shared>>) dst(%arg11 : memref<128x64xf32, #tpu.memory_space<vmem>>)
      %run_scoped3A_398 = arith.constant 1 : i32
      %run_scoped3A_399 = arith.constant 4 : i32
      "tpu.region"() ({
        %run_scoped3A_505 = tpu.sem_alloc : memref<!tpu.dma_semaphore, #tpu.memory_space<semaphore_mem>>
        %dma_start3A_506 = arith.constant 0 : i32
        %dma_start3A_507 = tpu.memref_slice %arg10[%run_scoped3A_398, %run_scoped3A_399, %dma_start3A_506] : memref<2x8x128xi32, #tpu.memory_space<vmem>> -> memref<1x1x128xi32, #tpu.memory_space<vmem>>
        %dma_start3A_508 = tpu.memref_squeeze %dma_start3A_507 : memref<1x1x128xi32, #tpu.memory_space<vmem>> -> memref<128xi32, #tpu.memory_space<vmem>>
        %dma_start3A_509 = arith.constant 0 : i32
        %dma_start3A_510 = arith.constant 0 : i32
        %dma_start3A_511 = tpu.memref_slice %arg14[%dma_start3A_509, %dma_start3A_510] : memref<10016x64xf32, #tpu.memory_space<vmem_shared>> -> memref<10016x64xf32, #tpu.memory_space<vmem_shared>>
        tpu.enqueue_indirect_dma source(%arg11 : memref<128x64xf32, #tpu.memory_space<vmem>>) target(%dma_start3A_511 : memref<10016x64xf32, #tpu.memory_space<vmem_shared>>) offsets(%dma_start3A_508 : memref<128xi32, #tpu.memory_space<vmem>>) semaphore(%run_scoped3A_505 : memref<!tpu.dma_semaphore, #tpu.memory_space<semaphore_mem>>) {add = true}
        %dma_wait3A_512 = arith.constant 0 : i32
        %dma_wait3A_513 = tpu.memref_slice %arg10[%run_scoped3A_398, %run_scoped3A_399, %dma_wait3A_512] : memref<2x8x128xi32, #tpu.memory_space<vmem>> -> memref<1x1x128xi32, #tpu.memory_space<vmem>>
        %dma_wait3A_514 = tpu.memref_squeeze %dma_wait3A_513 : memref<1x1x128xi32, #tpu.memory_space<vmem>> -> memref<128xi32, #tpu.memory_space<vmem>>
        %dma_wait3A_515 = arith.constant 0 : i32
        %dma_wait3A_516 = arith.constant 0 : i32
        %dma_wait3A_517 = tpu.memref_slice %arg14[%dma_wait3A_515, %dma_wait3A_516] : memref<10016x64xf32, #tpu.memory_space<vmem_shared>> -> memref<10016x64xf32, #tpu.memory_space<vmem_shared>>
        tpu.wait_indirect_dma semaphore(%run_scoped3A_505 : memref<!tpu.dma_semaphore, #tpu.memory_space<semaphore_mem>>) src(%arg11 : memref<128x64xf32, #tpu.memory_space<vmem>>) dst(%dma_wait3A_517 : memref<10016x64xf32, #tpu.memory_space<vmem_shared>>)
        tpu.yield
      }) : () -> ()
      %eq3A_400 = arith.constant 1 : i32
      %eq3A_401 = arith.cmpi eq, %arg0, %eq3A_400 : i32
      %convert_element_type3A_402 = arith.extui %eq3A_401 : i1 to i32
      %cond3A_403 = arith.constant 0 : i32
      %cond3A_404 = arith.cmpi ne, %convert_element_type3A_402, %cond3A_403 : i32
      scf.if %cond3A_404 {
        %dma_start3A_505 = arith.constant 1 : i32
        %dma_start3A_506 = arith.constant 4 : i32
        %dma_start3A_507 = arith.constant 0 : i32
        %dma_start3A_508 = tpu.memref_slice %arg10[%dma_start3A_505, %dma_start3A_506, %dma_start3A_507] : memref<2x8x128xi32, #tpu.memory_space<vmem>> -> memref<1x1x128xi32, #tpu.memory_space<vmem>>
        %dma_start3A_509 = tpu.memref_squeeze %dma_start3A_508 : memref<1x1x128xi32, #tpu.memory_space<vmem>> -> memref<128xi32, #tpu.memory_space<vmem>>
        %dma_start3A_510 = arith.constant 0 : i32
        %dma_start3A_511 = arith.constant 0 : i32
        %dma_start3A_512 = tpu.memref_slice %arg20[%dma_start3A_510, %dma_start3A_511] : memref<10016x8xf32, #tpu.memory_space<vmem_shared>> -> memref<10016x8xf32, #tpu.memory_space<vmem_shared>>
        tpu.enqueue_indirect_dma source(%arg19 : memref<128x8xf32, #tpu.memory_space<vmem>>) target(%dma_start3A_512 : memref<10016x8xf32, #tpu.memory_space<vmem_shared>>) offsets(%dma_start3A_509 : memref<128xi32, #tpu.memory_space<vmem>>) semaphore(%arg21 : memref<!tpu.dma_semaphore, #tpu.memory_space<semaphore_mem>>) {add = true}
      } else {
      }
      %dma_start3A_405 = arith.constant 0 : i32
      %dma_start3A_406 = arith.constant 6 : i32
      %dma_start3A_407 = arith.constant 0 : i32
      %dma_start3A_408 = tpu.memref_slice %arg10[%dma_start3A_405, %dma_start3A_406, %dma_start3A_407] : memref<2x8x128xi32, #tpu.memory_space<vmem>> -> memref<1x1x128xi32, #tpu.memory_space<vmem>>
      %dma_start3A_409 = tpu.memref_squeeze %dma_start3A_408 : memref<1x1x128xi32, #tpu.memory_space<vmem>> -> memref<128xi32, #tpu.memory_space<vmem>>
      %dma_start3A_410 = arith.constant 0 : i32
      %dma_start3A_411 = arith.constant 0 : i32
      %dma_start3A_412 = tpu.memref_slice %arg13[%dma_start3A_410, %dma_start3A_411] : memref<10016x64xf32, #tpu.memory_space<vmem_shared>> -> memref<10016x64xf32, #tpu.memory_space<vmem_shared>>
      tpu.enqueue_indirect_dma source(%dma_start3A_412 : memref<10016x64xf32, #tpu.memory_space<vmem_shared>>) target(%arg11 : memref<128x64xf32, #tpu.memory_space<vmem>>) offsets(%dma_start3A_409 : memref<128xi32, #tpu.memory_space<vmem>>) semaphore(%arg15 : memref<!tpu.dma_semaphore, #tpu.memory_space<semaphore_mem>>)
      %dma_wait3A_413 = arith.constant 0 : i32
      %dma_wait3A_414 = arith.constant 5 : i32
      %dma_wait3A_415 = arith.constant 0 : i32
      %dma_wait3A_416 = tpu.memref_slice %arg10[%dma_wait3A_413, %dma_wait3A_414, %dma_wait3A_415] : memref<2x8x128xi32, #tpu.memory_space<vmem>> -> memref<1x1x128xi32, #tpu.memory_space<vmem>>
      %dma_wait3A_417 = tpu.memref_squeeze %dma_wait3A_416 : memref<1x1x128xi32, #tpu.memory_space<vmem>> -> memref<128xi32, #tpu.memory_space<vmem>>
      %dma_wait3A_418 = arith.constant 0 : i32
      %dma_wait3A_419 = arith.constant 0 : i32
      %dma_wait3A_420 = tpu.memref_slice %arg13[%dma_wait3A_418, %dma_wait3A_419] : memref<10016x64xf32, #tpu.memory_space<vmem_shared>> -> memref<10016x64xf32, #tpu.memory_space<vmem_shared>>
      tpu.wait_indirect_dma semaphore(%arg16 : memref<!tpu.dma_semaphore, #tpu.memory_space<semaphore_mem>>) src(%dma_wait3A_420 : memref<10016x64xf32, #tpu.memory_space<vmem_shared>>) dst(%arg12 : memref<128x64xf32, #tpu.memory_space<vmem>>)
      %run_scoped3A_421 = arith.constant 1 : i32
      %run_scoped3A_422 = arith.constant 5 : i32
      "tpu.region"() ({
        %run_scoped3A_505 = tpu.sem_alloc : memref<!tpu.dma_semaphore, #tpu.memory_space<semaphore_mem>>
        %dma_start3A_506 = arith.constant 0 : i32
        %dma_start3A_507 = tpu.memref_slice %arg10[%run_scoped3A_421, %run_scoped3A_422, %dma_start3A_506] : memref<2x8x128xi32, #tpu.memory_space<vmem>> -> memref<1x1x128xi32, #tpu.memory_space<vmem>>
        %dma_start3A_508 = tpu.memref_squeeze %dma_start3A_507 : memref<1x1x128xi32, #tpu.memory_space<vmem>> -> memref<128xi32, #tpu.memory_space<vmem>>
        %dma_start3A_509 = arith.constant 0 : i32
        %dma_start3A_510 = arith.constant 0 : i32
        %dma_start3A_511 = tpu.memref_slice %arg14[%dma_start3A_509, %dma_start3A_510] : memref<10016x64xf32, #tpu.memory_space<vmem_shared>> -> memref<10016x64xf32, #tpu.memory_space<vmem_shared>>
        tpu.enqueue_indirect_dma source(%arg12 : memref<128x64xf32, #tpu.memory_space<vmem>>) target(%dma_start3A_511 : memref<10016x64xf32, #tpu.memory_space<vmem_shared>>) offsets(%dma_start3A_508 : memref<128xi32, #tpu.memory_space<vmem>>) semaphore(%run_scoped3A_505 : memref<!tpu.dma_semaphore, #tpu.memory_space<semaphore_mem>>) {add = true}
        %dma_wait3A_512 = arith.constant 0 : i32
        %dma_wait3A_513 = tpu.memref_slice %arg10[%run_scoped3A_421, %run_scoped3A_422, %dma_wait3A_512] : memref<2x8x128xi32, #tpu.memory_space<vmem>> -> memref<1x1x128xi32, #tpu.memory_space<vmem>>
        %dma_wait3A_514 = tpu.memref_squeeze %dma_wait3A_513 : memref<1x1x128xi32, #tpu.memory_space<vmem>> -> memref<128xi32, #tpu.memory_space<vmem>>
        %dma_wait3A_515 = arith.constant 0 : i32
        %dma_wait3A_516 = arith.constant 0 : i32
        %dma_wait3A_517 = tpu.memref_slice %arg14[%dma_wait3A_515, %dma_wait3A_516] : memref<10016x64xf32, #tpu.memory_space<vmem_shared>> -> memref<10016x64xf32, #tpu.memory_space<vmem_shared>>
        tpu.wait_indirect_dma semaphore(%run_scoped3A_505 : memref<!tpu.dma_semaphore, #tpu.memory_space<semaphore_mem>>) src(%arg12 : memref<128x64xf32, #tpu.memory_space<vmem>>) dst(%dma_wait3A_517 : memref<10016x64xf32, #tpu.memory_space<vmem_shared>>)
        tpu.yield
      }) : () -> ()
      %eq3A_423 = arith.constant 1 : i32
      %eq3A_424 = arith.cmpi eq, %arg0, %eq3A_423 : i32
      %convert_element_type3A_425 = arith.extui %eq3A_424 : i1 to i32
      %cond3A_426 = arith.constant 0 : i32
      %cond3A_427 = arith.cmpi ne, %convert_element_type3A_425, %cond3A_426 : i32
      scf.if %cond3A_427 {
        %dma_start3A_505 = arith.constant 1 : i32
        %dma_start3A_506 = arith.constant 5 : i32
        %dma_start3A_507 = arith.constant 0 : i32
        %dma_start3A_508 = tpu.memref_slice %arg10[%dma_start3A_505, %dma_start3A_506, %dma_start3A_507] : memref<2x8x128xi32, #tpu.memory_space<vmem>> -> memref<1x1x128xi32, #tpu.memory_space<vmem>>
        %dma_start3A_509 = tpu.memref_squeeze %dma_start3A_508 : memref<1x1x128xi32, #tpu.memory_space<vmem>> -> memref<128xi32, #tpu.memory_space<vmem>>
        %dma_start3A_510 = arith.constant 0 : i32
        %dma_start3A_511 = arith.constant 0 : i32
        %dma_start3A_512 = tpu.memref_slice %arg20[%dma_start3A_510, %dma_start3A_511] : memref<10016x8xf32, #tpu.memory_space<vmem_shared>> -> memref<10016x8xf32, #tpu.memory_space<vmem_shared>>
        tpu.enqueue_indirect_dma source(%arg19 : memref<128x8xf32, #tpu.memory_space<vmem>>) target(%dma_start3A_512 : memref<10016x8xf32, #tpu.memory_space<vmem_shared>>) offsets(%dma_start3A_509 : memref<128xi32, #tpu.memory_space<vmem>>) semaphore(%arg21 : memref<!tpu.dma_semaphore, #tpu.memory_space<semaphore_mem>>) {add = true}
      } else {
      }
      %dma_start3A_428 = arith.constant 0 : i32
      %dma_start3A_429 = arith.constant 7 : i32
      %dma_start3A_430 = arith.constant 0 : i32
      %dma_start3A_431 = tpu.memref_slice %arg10[%dma_start3A_428, %dma_start3A_429, %dma_start3A_430] : memref<2x8x128xi32, #tpu.memory_space<vmem>> -> memref<1x1x128xi32, #tpu.memory_space<vmem>>
      %dma_start3A_432 = tpu.memref_squeeze %dma_start3A_431 : memref<1x1x128xi32, #tpu.memory_space<vmem>> -> memref<128xi32, #tpu.memory_space<vmem>>
      %dma_start3A_433 = arith.constant 0 : i32
      %dma_start3A_434 = arith.constant 0 : i32
      %dma_start3A_435 = tpu.memref_slice %arg13[%dma_start3A_433, %dma_start3A_434] : memref<10016x64xf32, #tpu.memory_space<vmem_shared>> -> memref<10016x64xf32, #tpu.memory_space<vmem_shared>>
      tpu.enqueue_indirect_dma source(%dma_start3A_435 : memref<10016x64xf32, #tpu.memory_space<vmem_shared>>) target(%arg12 : memref<128x64xf32, #tpu.memory_space<vmem>>) offsets(%dma_start3A_432 : memref<128xi32, #tpu.memory_space<vmem>>) semaphore(%arg16 : memref<!tpu.dma_semaphore, #tpu.memory_space<semaphore_mem>>)
      %dma_wait3A_436 = arith.constant 0 : i32
      %dma_wait3A_437 = arith.constant 0 : i32
      %dma_wait3A_438 = arith.constant 0 : i32
      %dma_wait3A_439 = arith.constant 0 : i32
      %dma_wait3A_440 = tpu.memref_slice %arg3[%arg1, %dma_wait3A_436, %dma_wait3A_437, %dma_wait3A_438, %dma_wait3A_439] : memref<16x22x2x8x128xi32, #tpu.memory_space<hbm>> -> memref<1x1x2x8x128xi32, #tpu.memory_space<hbm>>
      %dma_wait3A_441 = tpu.memref_squeeze %dma_wait3A_440 : memref<1x1x2x8x128xi32, #tpu.memory_space<hbm>> -> memref<2x8x128xi32, #tpu.memory_space<hbm>>
      %dma_wait3A_442 = arith.constant 0 : i32
      %dma_wait3A_443 = arith.constant 0 : i32
      %dma_wait3A_444 = arith.constant 0 : i32
      %dma_wait3A_445 = tpu.memref_slice %arg3[%arg1, %dma_wait3A_436, %dma_wait3A_442, %dma_wait3A_443, %dma_wait3A_444] : memref<16x22x2x8x128xi32, #tpu.memory_space<hbm>> -> memref<1x1x2x8x128xi32, #tpu.memory_space<hbm>>
      %dma_wait3A_446 = tpu.memref_squeeze %dma_wait3A_445 : memref<1x1x2x8x128xi32, #tpu.memory_space<hbm>> -> memref<2x8x128xi32, #tpu.memory_space<hbm>>
      tpu.wait_dma2 semaphore(%arg17 : memref<!tpu.dma_semaphore, #tpu.memory_space<semaphore_mem>>) src(%dma_wait3A_446 : memref<2x8x128xi32, #tpu.memory_space<hbm>>) dst(%arg9 : memref<2x8x128xi32, #tpu.memory_space<vmem>>)
      %dma_wait3A_447 = arith.constant 0 : i32
      %dma_wait3A_448 = arith.constant 6 : i32
      %dma_wait3A_449 = arith.constant 0 : i32
      %dma_wait3A_450 = tpu.memref_slice %arg10[%dma_wait3A_447, %dma_wait3A_448, %dma_wait3A_449] : memref<2x8x128xi32, #tpu.memory_space<vmem>> -> memref<1x1x128xi32, #tpu.memory_space<vmem>>
      %dma_wait3A_451 = tpu.memref_squeeze %dma_wait3A_450 : memref<1x1x128xi32, #tpu.memory_space<vmem>> -> memref<128xi32, #tpu.memory_space<vmem>>
      %dma_wait3A_452 = arith.constant 0 : i32
      %dma_wait3A_453 = arith.constant 0 : i32
      %dma_wait3A_454 = tpu.memref_slice %arg13[%dma_wait3A_452, %dma_wait3A_453] : memref<10016x64xf32, #tpu.memory_space<vmem_shared>> -> memref<10016x64xf32, #tpu.memory_space<vmem_shared>>
      tpu.wait_indirect_dma semaphore(%arg15 : memref<!tpu.dma_semaphore, #tpu.memory_space<semaphore_mem>>) src(%dma_wait3A_454 : memref<10016x64xf32, #tpu.memory_space<vmem_shared>>) dst(%arg11 : memref<128x64xf32, #tpu.memory_space<vmem>>)
      %run_scoped3A_455 = arith.constant 1 : i32
      %run_scoped3A_456 = arith.constant 6 : i32
      "tpu.region"() ({
        %run_scoped3A_505 = tpu.sem_alloc : memref<!tpu.dma_semaphore, #tpu.memory_space<semaphore_mem>>
        %dma_start3A_506 = arith.constant 0 : i32
        %dma_start3A_507 = tpu.memref_slice %arg10[%run_scoped3A_455, %run_scoped3A_456, %dma_start3A_506] : memref<2x8x128xi32, #tpu.memory_space<vmem>> -> memref<1x1x128xi32, #tpu.memory_space<vmem>>
        %dma_start3A_508 = tpu.memref_squeeze %dma_start3A_507 : memref<1x1x128xi32, #tpu.memory_space<vmem>> -> memref<128xi32, #tpu.memory_space<vmem>>
        %dma_start3A_509 = arith.constant 0 : i32
        %dma_start3A_510 = arith.constant 0 : i32
        %dma_start3A_511 = tpu.memref_slice %arg14[%dma_start3A_509, %dma_start3A_510] : memref<10016x64xf32, #tpu.memory_space<vmem_shared>> -> memref<10016x64xf32, #tpu.memory_space<vmem_shared>>
        tpu.enqueue_indirect_dma source(%arg11 : memref<128x64xf32, #tpu.memory_space<vmem>>) target(%dma_start3A_511 : memref<10016x64xf32, #tpu.memory_space<vmem_shared>>) offsets(%dma_start3A_508 : memref<128xi32, #tpu.memory_space<vmem>>) semaphore(%run_scoped3A_505 : memref<!tpu.dma_semaphore, #tpu.memory_space<semaphore_mem>>) {add = true}
        %dma_wait3A_512 = arith.constant 0 : i32
        %dma_wait3A_513 = tpu.memref_slice %arg10[%run_scoped3A_455, %run_scoped3A_456, %dma_wait3A_512] : memref<2x8x128xi32, #tpu.memory_space<vmem>> -> memref<1x1x128xi32, #tpu.memory_space<vmem>>
        %dma_wait3A_514 = tpu.memref_squeeze %dma_wait3A_513 : memref<1x1x128xi32, #tpu.memory_space<vmem>> -> memref<128xi32, #tpu.memory_space<vmem>>
        %dma_wait3A_515 = arith.constant 0 : i32
        %dma_wait3A_516 = arith.constant 0 : i32
        %dma_wait3A_517 = tpu.memref_slice %arg14[%dma_wait3A_515, %dma_wait3A_516] : memref<10016x64xf32, #tpu.memory_space<vmem_shared>> -> memref<10016x64xf32, #tpu.memory_space<vmem_shared>>
        tpu.wait_indirect_dma semaphore(%run_scoped3A_505 : memref<!tpu.dma_semaphore, #tpu.memory_space<semaphore_mem>>) src(%arg11 : memref<128x64xf32, #tpu.memory_space<vmem>>) dst(%dma_wait3A_517 : memref<10016x64xf32, #tpu.memory_space<vmem_shared>>)
        tpu.yield
      }) : () -> ()
      %eq3A_457 = arith.constant 1 : i32
      %eq3A_458 = arith.cmpi eq, %arg0, %eq3A_457 : i32
      %convert_element_type3A_459 = arith.extui %eq3A_458 : i1 to i32
      %cond3A_460 = arith.constant 0 : i32
      %cond3A_461 = arith.cmpi ne, %convert_element_type3A_459, %cond3A_460 : i32
      scf.if %cond3A_461 {
        %dma_start3A_505 = arith.constant 1 : i32
        %dma_start3A_506 = arith.constant 6 : i32
        %dma_start3A_507 = arith.constant 0 : i32
        %dma_start3A_508 = tpu.memref_slice %arg10[%dma_start3A_505, %dma_start3A_506, %dma_start3A_507] : memref<2x8x128xi32, #tpu.memory_space<vmem>> -> memref<1x1x128xi32, #tpu.memory_space<vmem>>
        %dma_start3A_509 = tpu.memref_squeeze %dma_start3A_508 : memref<1x1x128xi32, #tpu.memory_space<vmem>> -> memref<128xi32, #tpu.memory_space<vmem>>
        %dma_start3A_510 = arith.constant 0 : i32
        %dma_start3A_511 = arith.constant 0 : i32
        %dma_start3A_512 = tpu.memref_slice %arg20[%dma_start3A_510, %dma_start3A_511] : memref<10016x8xf32, #tpu.memory_space<vmem_shared>> -> memref<10016x8xf32, #tpu.memory_space<vmem_shared>>
        tpu.enqueue_indirect_dma source(%arg19 : memref<128x8xf32, #tpu.memory_space<vmem>>) target(%dma_start3A_512 : memref<10016x8xf32, #tpu.memory_space<vmem_shared>>) offsets(%dma_start3A_509 : memref<128xi32, #tpu.memory_space<vmem>>) semaphore(%arg21 : memref<!tpu.dma_semaphore, #tpu.memory_space<semaphore_mem>>) {add = true}
      } else {
      }
      %dma_start3A_462 = arith.constant 0 : i32
      %dma_start3A_463 = arith.constant 0 : i32
      %dma_start3A_464 = arith.constant 0 : i32
      %dma_start3A_465 = tpu.memref_slice %arg9[%dma_start3A_462, %dma_start3A_463, %dma_start3A_464] : memref<2x8x128xi32, #tpu.memory_space<vmem>> -> memref<1x1x128xi32, #tpu.memory_space<vmem>>
      %dma_start3A_466 = tpu.memref_squeeze %dma_start3A_465 : memref<1x1x128xi32, #tpu.memory_space<vmem>> -> memref<128xi32, #tpu.memory_space<vmem>>
      %dma_start3A_467 = arith.constant 0 : i32
      %dma_start3A_468 = arith.constant 0 : i32
      %dma_start3A_469 = tpu.memref_slice %arg13[%dma_start3A_467, %dma_start3A_468] : memref<10016x64xf32, #tpu.memory_space<vmem_shared>> -> memref<10016x64xf32, #tpu.memory_space<vmem_shared>>
      tpu.enqueue_indirect_dma source(%dma_start3A_469 : memref<10016x64xf32, #tpu.memory_space<vmem_shared>>) target(%arg11 : memref<128x64xf32, #tpu.memory_space<vmem>>) offsets(%dma_start3A_466 : memref<128xi32, #tpu.memory_space<vmem>>) semaphore(%arg15 : memref<!tpu.dma_semaphore, #tpu.memory_space<semaphore_mem>>)
      %dma_wait3A_470 = arith.constant 0 : i32
      %dma_wait3A_471 = arith.constant 7 : i32
      %dma_wait3A_472 = arith.constant 0 : i32
      %dma_wait3A_473 = tpu.memref_slice %arg10[%dma_wait3A_470, %dma_wait3A_471, %dma_wait3A_472] : memref<2x8x128xi32, #tpu.memory_space<vmem>> -> memref<1x1x128xi32, #tpu.memory_space<vmem>>
      %dma_wait3A_474 = tpu.memref_squeeze %dma_wait3A_473 : memref<1x1x128xi32, #tpu.memory_space<vmem>> -> memref<128xi32, #tpu.memory_space<vmem>>
      %dma_wait3A_475 = arith.constant 0 : i32
      %dma_wait3A_476 = arith.constant 0 : i32
      %dma_wait3A_477 = tpu.memref_slice %arg13[%dma_wait3A_475, %dma_wait3A_476] : memref<10016x64xf32, #tpu.memory_space<vmem_shared>> -> memref<10016x64xf32, #tpu.memory_space<vmem_shared>>
      tpu.wait_indirect_dma semaphore(%arg16 : memref<!tpu.dma_semaphore, #tpu.memory_space<semaphore_mem>>) src(%dma_wait3A_477 : memref<10016x64xf32, #tpu.memory_space<vmem_shared>>) dst(%arg12 : memref<128x64xf32, #tpu.memory_space<vmem>>)
      %run_scoped3A_478 = arith.constant 1 : i32
      %run_scoped3A_479 = arith.constant 7 : i32
      "tpu.region"() ({
        %run_scoped3A_505 = tpu.sem_alloc : memref<!tpu.dma_semaphore, #tpu.memory_space<semaphore_mem>>
        %dma_start3A_506 = arith.constant 0 : i32
        %dma_start3A_507 = tpu.memref_slice %arg10[%run_scoped3A_478, %run_scoped3A_479, %dma_start3A_506] : memref<2x8x128xi32, #tpu.memory_space<vmem>> -> memref<1x1x128xi32, #tpu.memory_space<vmem>>
        %dma_start3A_508 = tpu.memref_squeeze %dma_start3A_507 : memref<1x1x128xi32, #tpu.memory_space<vmem>> -> memref<128xi32, #tpu.memory_space<vmem>>
        %dma_start3A_509 = arith.constant 0 : i32
        %dma_start3A_510 = arith.constant 0 : i32
        %dma_start3A_511 = tpu.memref_slice %arg14[%dma_start3A_509, %dma_start3A_510] : memref<10016x64xf32, #tpu.memory_space<vmem_shared>> -> memref<10016x64xf32, #tpu.memory_space<vmem_shared>>
        tpu.enqueue_indirect_dma source(%arg12 : memref<128x64xf32, #tpu.memory_space<vmem>>) target(%dma_start3A_511 : memref<10016x64xf32, #tpu.memory_space<vmem_shared>>) offsets(%dma_start3A_508 : memref<128xi32, #tpu.memory_space<vmem>>) semaphore(%run_scoped3A_505 : memref<!tpu.dma_semaphore, #tpu.memory_space<semaphore_mem>>) {add = true}
        %dma_wait3A_512 = arith.constant 0 : i32
        %dma_wait3A_513 = tpu.memref_slice %arg10[%run_scoped3A_478, %run_scoped3A_479, %dma_wait3A_512] : memref<2x8x128xi32, #tpu.memory_space<vmem>> -> memref<1x1x128xi32, #tpu.memory_space<vmem>>
        %dma_wait3A_514 = tpu.memref_squeeze %dma_wait3A_513 : memref<1x1x128xi32, #tpu.memory_space<vmem>> -> memref<128xi32, #tpu.memory_space<vmem>>
        %dma_wait3A_515 = arith.constant 0 : i32
        %dma_wait3A_516 = arith.constant 0 : i32
        %dma_wait3A_517 = tpu.memref_slice %arg14[%dma_wait3A_515, %dma_wait3A_516] : memref<10016x64xf32, #tpu.memory_space<vmem_shared>> -> memref<10016x64xf32, #tpu.memory_space<vmem_shared>>
        tpu.wait_indirect_dma semaphore(%run_scoped3A_505 : memref<!tpu.dma_semaphore, #tpu.memory_space<semaphore_mem>>) src(%arg12 : memref<128x64xf32, #tpu.memory_space<vmem>>) dst(%dma_wait3A_517 : memref<10016x64xf32, #tpu.memory_space<vmem_shared>>)
        tpu.yield
      }) : () -> ()
      %eq3A_480 = arith.constant 1 : i32
      %eq3A_481 = arith.cmpi eq, %arg0, %eq3A_480 : i32
      %convert_element_type3A_482 = arith.extui %eq3A_481 : i1 to i32
      %cond3A_483 = arith.constant 0 : i32
      %cond3A_484 = arith.cmpi ne, %convert_element_type3A_482, %cond3A_483 : i32
      scf.if %cond3A_484 {
        %dma_start3A_505 = arith.constant 1 : i32
        %dma_start3A_506 = arith.constant 7 : i32
        %dma_start3A_507 = arith.constant 0 : i32
        %dma_start3A_508 = tpu.memref_slice %arg10[%dma_start3A_505, %dma_start3A_506, %dma_start3A_507] : memref<2x8x128xi32, #tpu.memory_space<vmem>> -> memref<1x1x128xi32, #tpu.memory_space<vmem>>
        %dma_start3A_509 = tpu.memref_squeeze %dma_start3A_508 : memref<1x1x128xi32, #tpu.memory_space<vmem>> -> memref<128xi32, #tpu.memory_space<vmem>>
        %dma_start3A_510 = arith.constant 0 : i32
        %dma_start3A_511 = arith.constant 0 : i32
        %dma_start3A_512 = tpu.memref_slice %arg20[%dma_start3A_510, %dma_start3A_511] : memref<10016x8xf32, #tpu.memory_space<vmem_shared>> -> memref<10016x8xf32, #tpu.memory_space<vmem_shared>>
        tpu.enqueue_indirect_dma source(%arg19 : memref<128x8xf32, #tpu.memory_space<vmem>>) target(%dma_start3A_512 : memref<10016x8xf32, #tpu.memory_space<vmem_shared>>) offsets(%dma_start3A_509 : memref<128xi32, #tpu.memory_space<vmem>>) semaphore(%arg21 : memref<!tpu.dma_semaphore, #tpu.memory_space<semaphore_mem>>) {add = true}
      } else {
      }
      %dma_start3A_485 = arith.constant 0 : i32
      %dma_start3A_486 = arith.constant 1 : i32
      %dma_start3A_487 = arith.constant 0 : i32
      %dma_start3A_488 = tpu.memref_slice %arg9[%dma_start3A_485, %dma_start3A_486, %dma_start3A_487] : memref<2x8x128xi32, #tpu.memory_space<vmem>> -> memref<1x1x128xi32, #tpu.memory_space<vmem>>
      %dma_start3A_489 = tpu.memref_squeeze %dma_start3A_488 : memref<1x1x128xi32, #tpu.memory_space<vmem>> -> memref<128xi32, #tpu.memory_space<vmem>>
      %dma_start3A_490 = arith.constant 0 : i32
      %dma_start3A_491 = arith.constant 0 : i32
      %dma_start3A_492 = tpu.memref_slice %arg13[%dma_start3A_490, %dma_start3A_491] : memref<10016x64xf32, #tpu.memory_space<vmem_shared>> -> memref<10016x64xf32, #tpu.memory_space<vmem_shared>>
      tpu.enqueue_indirect_dma source(%dma_start3A_492 : memref<10016x64xf32, #tpu.memory_space<vmem_shared>>) target(%arg12 : memref<128x64xf32, #tpu.memory_space<vmem>>) offsets(%dma_start3A_489 : memref<128xi32, #tpu.memory_space<vmem>>) semaphore(%arg16 : memref<!tpu.dma_semaphore, #tpu.memory_space<semaphore_mem>>)
      %add3A_493 = arith.constant 2 : i32
      %add3A_494 = arith.addi %add3A_297, %add3A_493 : i32
      %dma_start3A_495 = arith.constant 0 : i32
      %dma_start3A_496 = arith.constant 0 : i32
      %dma_start3A_497 = arith.constant 0 : i32
      %dma_start3A_498 = tpu.memref_slice %arg3[%arg1, %add3A_494, %dma_start3A_495, %dma_start3A_496, %dma_start3A_497] : memref<16x22x2x8x128xi32, #tpu.memory_space<hbm>> -> memref<1x1x2x8x128xi32, #tpu.memory_space<hbm>>
      %dma_start3A_499 = tpu.memref_squeeze %dma_start3A_498 : memref<1x1x2x8x128xi32, #tpu.memory_space<hbm>> -> memref<2x8x128xi32, #tpu.memory_space<hbm>>
      %dma_start3A_500 = arith.constant 0 : i32
      %dma_start3A_501 = arith.constant 0 : i32
      %dma_start3A_502 = arith.constant 0 : i32
      %dma_start3A_503 = tpu.memref_slice %arg3[%arg1, %add3A_494, %dma_start3A_500, %dma_start3A_501, %dma_start3A_502] : memref<16x22x2x8x128xi32, #tpu.memory_space<hbm>> -> memref<1x1x2x8x128xi32, #tpu.memory_space<hbm>>
      %dma_start3A_504 = tpu.memref_squeeze %dma_start3A_503 : memref<1x1x2x8x128xi32, #tpu.memory_space<hbm>> -> memref<2x8x128xi32, #tpu.memory_space<hbm>>
      tpu.enqueue_dma source(%dma_start3A_504 : memref<2x8x128xi32, #tpu.memory_space<hbm>>) target(%arg10 : memref<2x8x128xi32, #tpu.memory_space<vmem>>) target_semaphore(%arg18 : memref<!tpu.dma_semaphore, #tpu.memory_space<semaphore_mem>>)
    }
    %scan3A_54 = arith.constant 10 : i32
    %dma_wait3A_55 = arith.constant 0 : i32
    %dma_wait3A_56 = arith.constant 0 : i32
    %dma_wait3A_57 = arith.constant 0 : i32
    %dma_wait3A_58 = tpu.memref_slice %arg9[%dma_wait3A_55, %dma_wait3A_56, %dma_wait3A_57] : memref<2x8x128xi32, #tpu.memory_space<vmem>> -> memref<1x1x128xi32, #tpu.memory_space<vmem>>
    %dma_wait3A_59 = tpu.memref_squeeze %dma_wait3A_58 : memref<1x1x128xi32, #tpu.memory_space<vmem>> -> memref<128xi32, #tpu.memory_space<vmem>>
    %dma_wait3A_60 = arith.constant 0 : i32
    %dma_wait3A_61 = arith.constant 0 : i32
    %dma_wait3A_62 = tpu.memref_slice %arg13[%dma_wait3A_60, %dma_wait3A_61] : memref<10016x64xf32, #tpu.memory_space<vmem_shared>> -> memref<10016x64xf32, #tpu.memory_space<vmem_shared>>
    tpu.wait_indirect_dma semaphore(%arg15 : memref<!tpu.dma_semaphore, #tpu.memory_space<semaphore_mem>>) src(%dma_wait3A_62 : memref<10016x64xf32, #tpu.memory_space<vmem_shared>>) dst(%arg11 : memref<128x64xf32, #tpu.memory_space<vmem>>)
    %dma_wait3A_63 = arith.constant 0 : i32
    %dma_wait3A_64 = arith.constant 0 : i32
    %dma_wait3A_65 = arith.constant 0 : i32
    %dma_wait3A_66 = tpu.memref_slice %arg9[%dma_wait3A_63, %dma_wait3A_64, %dma_wait3A_65] : memref<2x8x128xi32, #tpu.memory_space<vmem>> -> memref<1x1x128xi32, #tpu.memory_space<vmem>>
    %dma_wait3A_67 = tpu.memref_squeeze %dma_wait3A_66 : memref<1x1x128xi32, #tpu.memory_space<vmem>> -> memref<128xi32, #tpu.memory_space<vmem>>
    %dma_wait3A_68 = arith.constant 0 : i32
    %dma_wait3A_69 = arith.constant 0 : i32
    %dma_wait3A_70 = tpu.memref_slice %arg13[%dma_wait3A_68, %dma_wait3A_69] : memref<10016x64xf32, #tpu.memory_space<vmem_shared>> -> memref<10016x64xf32, #tpu.memory_space<vmem_shared>>
    tpu.wait_indirect_dma semaphore(%arg16 : memref<!tpu.dma_semaphore, #tpu.memory_space<semaphore_mem>>) src(%dma_wait3A_70 : memref<10016x64xf32, #tpu.memory_space<vmem_shared>>) dst(%arg12 : memref<128x64xf32, #tpu.memory_space<vmem>>)
    %dma_wait3A_71 = arith.constant 0 : i32
    %dma_wait3A_72 = arith.constant 0 : i32
    %dma_wait3A_73 = arith.constant 0 : i32
    %dma_wait3A_74 = arith.constant 0 : i32
    %dma_wait3A_75 = tpu.memref_slice %arg3[%arg1, %dma_wait3A_71, %dma_wait3A_72, %dma_wait3A_73, %dma_wait3A_74] : memref<16x22x2x8x128xi32, #tpu.memory_space<hbm>> -> memref<1x1x2x8x128xi32, #tpu.memory_space<hbm>>
    %dma_wait3A_76 = tpu.memref_squeeze %dma_wait3A_75 : memref<1x1x2x8x128xi32, #tpu.memory_space<hbm>> -> memref<2x8x128xi32, #tpu.memory_space<hbm>>
    %dma_wait3A_77 = arith.constant 0 : i32
    %dma_wait3A_78 = arith.constant 0 : i32
    %dma_wait3A_79 = arith.constant 0 : i32
    %dma_wait3A_80 = tpu.memref_slice %arg3[%arg1, %dma_wait3A_71, %dma_wait3A_77, %dma_wait3A_78, %dma_wait3A_79] : memref<16x22x2x8x128xi32, #tpu.memory_space<hbm>> -> memref<1x1x2x8x128xi32, #tpu.memory_space<hbm>>
    %dma_wait3A_81 = tpu.memref_squeeze %dma_wait3A_80 : memref<1x1x2x8x128xi32, #tpu.memory_space<hbm>> -> memref<2x8x128xi32, #tpu.memory_space<hbm>>
    tpu.wait_dma2 semaphore(%arg18 : memref<!tpu.dma_semaphore, #tpu.memory_space<semaphore_mem>>) src(%dma_wait3A_81 : memref<2x8x128xi32, #tpu.memory_space<hbm>>) dst(%arg10 : memref<2x8x128xi32, #tpu.memory_space<vmem>>)
    %scan3A_82 = arith.constant 0 : i32
    %scan3A_83 = arith.constant 0 : i32
    %scan3A_84 = arith.constant 80 : i32
    %scan3A_85 = arith.addi %scan3A_83, %scan3A_84 : i32
    %scan3A_86 = arith.constant 1 : i32
    scf.for %scan3A_89 = %scan3A_83 to %scan3A_85 step %scan3A_86  : i32 {
      %dma_wait3A_90 = arith.constant 1 : i32
      %dma_wait3A_91 = arith.constant 0 : i32
      %dma_wait3A_92 = arith.constant 0 : i32
      %dma_wait3A_93 = tpu.memref_slice %arg9[%dma_wait3A_90, %dma_wait3A_91, %dma_wait3A_92] : memref<2x8x128xi32, #tpu.memory_space<vmem>> -> memref<1x1x128xi32, #tpu.memory_space<vmem>>
      %dma_wait3A_94 = tpu.memref_squeeze %dma_wait3A_93 : memref<1x1x128xi32, #tpu.memory_space<vmem>> -> memref<128xi32, #tpu.memory_space<vmem>>
      %dma_wait3A_95 = arith.constant 0 : i32
      %dma_wait3A_96 = arith.constant 0 : i32
      %dma_wait3A_97 = tpu.memref_slice %arg20[%dma_wait3A_95, %dma_wait3A_96] : memref<10016x8xf32, #tpu.memory_space<vmem_shared>> -> memref<10016x8xf32, #tpu.memory_space<vmem_shared>>
      tpu.wait_indirect_dma semaphore(%arg21 : memref<!tpu.dma_semaphore, #tpu.memory_space<semaphore_mem>>) src(%arg19 : memref<128x8xf32, #tpu.memory_space<vmem>>) dst(%dma_wait3A_97 : memref<10016x8xf32, #tpu.memory_space<vmem_shared>>)
    }
    %scan3A_87 = arith.constant 80 : i32
    %barrier3A_88 = arith.constant 0 : index
    tpu.barrier barrier_id(%barrier3A_88)
    "tpu.region"() ({
      %run_scoped3A = tpu.sem_alloc : memref<!tpu.dma_semaphore, #tpu.memory_space<semaphore_mem>>
      %dma_start3A_89 = arith.constant 0 : i32
      %dma_start3A_90 = tpu.memref_slice %arg7[%arg0, %mul3A_0, %dma_start3A_89] : memref<2x10016x64xf32, #tpu.memory_space<hbm>> -> memref<1x626x64xf32, #tpu.memory_space<hbm>>
      %dma_start3A_91 = tpu.memref_squeeze %dma_start3A_90 : memref<1x626x64xf32, #tpu.memory_space<hbm>> -> memref<626x64xf32, #tpu.memory_space<hbm>>
      %dma_start3A_92 = arith.constant 0 : i32
      %dma_start3A_93 = tpu.memref_slice %arg14[%mul3A_0, %dma_start3A_92] : memref<10016x64xf32, #tpu.memory_space<vmem_shared>> -> memref<626x64xf32, #tpu.memory_space<vmem_shared>>
      tpu.enqueue_dma source(%dma_start3A_93 : memref<626x64xf32, #tpu.memory_space<vmem_shared>>) target(%dma_start3A_91 : memref<626x64xf32, #tpu.memory_space<hbm>>) target_semaphore(%run_scoped3A : memref<!tpu.dma_semaphore, #tpu.memory_space<semaphore_mem>>)
      %dma_wait3A_94 = arith.constant 0 : i32
      %dma_wait3A_95 = tpu.memref_slice %arg7[%arg0, %mul3A_0, %dma_wait3A_94] : memref<2x10016x64xf32, #tpu.memory_space<hbm>> -> memref<1x626x64xf32, #tpu.memory_space<hbm>>
      %dma_wait3A_96 = tpu.memref_squeeze %dma_wait3A_95 : memref<1x626x64xf32, #tpu.memory_space<hbm>> -> memref<626x64xf32, #tpu.memory_space<hbm>>
      %dma_wait3A_97 = arith.constant 0 : i32
      %dma_wait3A_98 = tpu.memref_slice %arg14[%mul3A_0, %dma_wait3A_97] : memref<10016x64xf32, #tpu.memory_space<vmem_shared>> -> memref<626x64xf32, #tpu.memory_space<vmem_shared>>
      tpu.wait_dma2 semaphore(%run_scoped3A : memref<!tpu.dma_semaphore, #tpu.memory_space<semaphore_mem>>) src(%dma_wait3A_98 : memref<626x64xf32, #tpu.memory_space<vmem_shared>>) dst(%dma_wait3A_96 : memref<626x64xf32, #tpu.memory_space<hbm>>)
      tpu.yield
    }) : () -> ()
    "tpu.region"() ({
      %run_scoped3A = tpu.sem_alloc : memref<!tpu.dma_semaphore, #tpu.memory_space<semaphore_mem>>
      %dma_start3A_89 = arith.constant 0 : i32
      %dma_start3A_90 = tpu.memref_slice %arg8[%arg0, %mul3A_0, %dma_start3A_89] : memref<2x10016x8xf32, #tpu.memory_space<hbm>> -> memref<1x626x8xf32, #tpu.memory_space<hbm>>
      %dma_start3A_91 = tpu.memref_squeeze %dma_start3A_90 : memref<1x626x8xf32, #tpu.memory_space<hbm>> -> memref<626x8xf32, #tpu.memory_space<hbm>>
      %dma_start3A_92 = arith.constant 0 : i32
      %dma_start3A_93 = tpu.memref_slice %arg20[%mul3A_0, %dma_start3A_92] : memref<10016x8xf32, #tpu.memory_space<vmem_shared>> -> memref<626x8xf32, #tpu.memory_space<vmem_shared>>
      tpu.enqueue_dma source(%dma_start3A_93 : memref<626x8xf32, #tpu.memory_space<vmem_shared>>) target(%dma_start3A_91 : memref<626x8xf32, #tpu.memory_space<hbm>>) target_semaphore(%run_scoped3A : memref<!tpu.dma_semaphore, #tpu.memory_space<semaphore_mem>>)
      %dma_wait3A_94 = arith.constant 0 : i32
      %dma_wait3A_95 = tpu.memref_slice %arg8[%arg0, %mul3A_0, %dma_wait3A_94] : memref<2x10016x8xf32, #tpu.memory_space<hbm>> -> memref<1x626x8xf32, #tpu.memory_space<hbm>>
      %dma_wait3A_96 = tpu.memref_squeeze %dma_wait3A_95 : memref<1x626x8xf32, #tpu.memory_space<hbm>> -> memref<626x8xf32, #tpu.memory_space<hbm>>
      %dma_wait3A_97 = arith.constant 0 : i32
      %dma_wait3A_98 = tpu.memref_slice %arg20[%mul3A_0, %dma_wait3A_97] : memref<10016x8xf32, #tpu.memory_space<vmem_shared>> -> memref<626x8xf32, #tpu.memory_space<vmem_shared>>
      tpu.wait_dma2 semaphore(%run_scoped3A : memref<!tpu.dma_semaphore, #tpu.memory_space<semaphore_mem>>) src(%dma_wait3A_98 : memref<626x8xf32, #tpu.memory_space<vmem_shared>>) dst(%dma_wait3A_96 : memref<626x8xf32, #tpu.memory_space<hbm>>)
      tpu.yield
    }) : () -> ()
    return
  }
}

#map = affine_map<(d0, d1) -> (0, 0)>
#map1 = affine_map<(d0, d1) -> (0, 0, 0, 0, 0)>
#map2 = affine_map<(d0, d1) -> (0, 0, 0)>
module attributes {stable_mosaic.version = 14 : i64} {
  func.func @sc_agg(%arg0: i32, %arg1: i32, %arg2: memref<10016x128xf32, #tpu.memory_space<hbm>>, %arg3: memref<16x22x2x8x128xi32, #tpu.memory_space<hbm>>, %arg4: memref<626x64xf32, #tpu.memory_space<hbm>>, %arg5: memref<2x10016x64xf32, #tpu.memory_space<hbm>>, %arg6: memref<2x8x128xi32, #tpu.memory_space<vmem>>, %arg7: memref<2x8x128xi32, #tpu.memory_space<vmem>>, %arg8: memref<128x64xf32, #tpu.memory_space<vmem>>, %arg9: memref<128x64xf32, #tpu.memory_space<vmem>>, %arg10: memref<10016x64xf32, #tpu.memory_space<vmem_shared>>, %arg11: memref<10016x64xf32, #tpu.memory_space<vmem_shared>>, %arg12: memref<!tpu.dma_semaphore, #tpu.memory_space<semaphore_mem>>, %arg13: memref<!tpu.dma_semaphore, #tpu.memory_space<semaphore_mem>>, %arg14: memref<!tpu.dma_semaphore, #tpu.memory_space<semaphore_mem>>, %arg15: memref<!tpu.dma_semaphore, #tpu.memory_space<semaphore_mem>>) attributes {dimension_semantics = [#tpu.dimension_semantics<core_parallel>, #tpu.dimension_semantics<subcore_parallel>], iteration_bounds = array<i64: 2, 16>, scalar_prefetch = 0 : i64, scratch_operands = 10 : i64, tpu.core_type = #tpu.core_type<sc_vector_subcore>, window_params = [{transform_indices = #map}, {transform_indices = #map1}, {transform_indices = #map}, {transform_indices = #map2}]} {
    %mul3A = arith.constant 626 : i32
    %mul3A_0 = arith.muli %arg1, %mul3A : i32
    %mul3A_1 = arith.constant 64 : i32
    %mul3A_2 = arith.muli %arg0, %mul3A_1 : i32
    "tpu.region"() ({
      %run_scoped3A = tpu.sem_alloc : memref<!tpu.dma_semaphore, #tpu.memory_space<semaphore_mem>>
      %dma_start3A_83 = arith.constant 0 : i32
      %dma_start3A_84 = tpu.memref_slice %arg10[%mul3A_0, %dma_start3A_83] : memref<10016x64xf32, #tpu.memory_space<vmem_shared>> -> memref<626x64xf32, #tpu.memory_space<vmem_shared>>
      %dma_start3A_85 = tpu.memref_slice %arg2[%mul3A_0, %mul3A_2] : memref<10016x128xf32, #tpu.memory_space<hbm>> -> memref<626x64xf32, #tpu.memory_space<hbm>>
      tpu.enqueue_dma source(%dma_start3A_85 : memref<626x64xf32, #tpu.memory_space<hbm>>) target(%dma_start3A_84 : memref<626x64xf32, #tpu.memory_space<vmem_shared>>) target_semaphore(%run_scoped3A : memref<!tpu.dma_semaphore, #tpu.memory_space<semaphore_mem>>)
      %dma_wait3A_86 = arith.constant 0 : i32
      %dma_wait3A_87 = tpu.memref_slice %arg10[%mul3A_0, %dma_wait3A_86] : memref<10016x64xf32, #tpu.memory_space<vmem_shared>> -> memref<626x64xf32, #tpu.memory_space<vmem_shared>>
      %dma_wait3A_88 = tpu.memref_slice %arg2[%mul3A_0, %mul3A_2] : memref<10016x128xf32, #tpu.memory_space<hbm>> -> memref<626x64xf32, #tpu.memory_space<hbm>>
      tpu.wait_dma2 semaphore(%run_scoped3A : memref<!tpu.dma_semaphore, #tpu.memory_space<semaphore_mem>>) src(%dma_wait3A_88 : memref<626x64xf32, #tpu.memory_space<hbm>>) dst(%dma_wait3A_87 : memref<626x64xf32, #tpu.memory_space<vmem_shared>>)
      tpu.yield
    }) : () -> ()
    "tpu.region"() ({
      %run_scoped3A = tpu.sem_alloc : memref<!tpu.dma_semaphore, #tpu.memory_space<semaphore_mem>>
      %dma_start3A_83 = arith.constant 0 : i32
      %dma_start3A_84 = tpu.memref_slice %arg11[%mul3A_0, %dma_start3A_83] : memref<10016x64xf32, #tpu.memory_space<vmem_shared>> -> memref<626x64xf32, #tpu.memory_space<vmem_shared>>
      tpu.enqueue_dma source(%arg4 : memref<626x64xf32, #tpu.memory_space<hbm>>) target(%dma_start3A_84 : memref<626x64xf32, #tpu.memory_space<vmem_shared>>) target_semaphore(%run_scoped3A : memref<!tpu.dma_semaphore, #tpu.memory_space<semaphore_mem>>)
      %dma_wait3A_85 = arith.constant 0 : i32
      %dma_wait3A_86 = tpu.memref_slice %arg11[%mul3A_0, %dma_wait3A_85] : memref<10016x64xf32, #tpu.memory_space<vmem_shared>> -> memref<626x64xf32, #tpu.memory_space<vmem_shared>>
      tpu.wait_dma2 semaphore(%run_scoped3A : memref<!tpu.dma_semaphore, #tpu.memory_space<semaphore_mem>>) src(%arg4 : memref<626x64xf32, #tpu.memory_space<hbm>>) dst(%dma_wait3A_86 : memref<626x64xf32, #tpu.memory_space<vmem_shared>>)
      tpu.yield
    }) : () -> ()
    %dma_start3A = arith.constant 0 : i32
    %dma_start3A_3 = arith.constant 0 : i32
    %dma_start3A_4 = arith.constant 0 : i32
    %dma_start3A_5 = arith.constant 0 : i32
    %dma_start3A_6 = tpu.memref_slice %arg3[%arg1, %dma_start3A, %dma_start3A_3, %dma_start3A_4, %dma_start3A_5] : memref<16x22x2x8x128xi32, #tpu.memory_space<hbm>> -> memref<1x1x2x8x128xi32, #tpu.memory_space<hbm>>
    %dma_start3A_7 = tpu.memref_squeeze %dma_start3A_6 : memref<1x1x2x8x128xi32, #tpu.memory_space<hbm>> -> memref<2x8x128xi32, #tpu.memory_space<hbm>>
    %dma_start3A_8 = arith.constant 0 : i32
    %dma_start3A_9 = arith.constant 0 : i32
    %dma_start3A_10 = arith.constant 0 : i32
    %dma_start3A_11 = tpu.memref_slice %arg3[%arg1, %dma_start3A, %dma_start3A_8, %dma_start3A_9, %dma_start3A_10] : memref<16x22x2x8x128xi32, #tpu.memory_space<hbm>> -> memref<1x1x2x8x128xi32, #tpu.memory_space<hbm>>
    %dma_start3A_12 = tpu.memref_squeeze %dma_start3A_11 : memref<1x1x2x8x128xi32, #tpu.memory_space<hbm>> -> memref<2x8x128xi32, #tpu.memory_space<hbm>>
    tpu.enqueue_dma source(%dma_start3A_12 : memref<2x8x128xi32, #tpu.memory_space<hbm>>) target(%arg6 : memref<2x8x128xi32, #tpu.memory_space<vmem>>) target_semaphore(%arg14 : memref<!tpu.dma_semaphore, #tpu.memory_space<semaphore_mem>>)
    %dma_start3A_13 = arith.constant 1 : i32
    %dma_start3A_14 = arith.constant 0 : i32
    %dma_start3A_15 = arith.constant 0 : i32
    %dma_start3A_16 = arith.constant 0 : i32
    %dma_start3A_17 = tpu.memref_slice %arg3[%arg1, %dma_start3A_13, %dma_start3A_14, %dma_start3A_15, %dma_start3A_16] : memref<16x22x2x8x128xi32, #tpu.memory_space<hbm>> -> memref<1x1x2x8x128xi32, #tpu.memory_space<hbm>>
    %dma_start3A_18 = tpu.memref_squeeze %dma_start3A_17 : memref<1x1x2x8x128xi32, #tpu.memory_space<hbm>> -> memref<2x8x128xi32, #tpu.memory_space<hbm>>
    %dma_start3A_19 = arith.constant 0 : i32
    %dma_start3A_20 = arith.constant 0 : i32
    %dma_start3A_21 = arith.constant 0 : i32
    %dma_start3A_22 = tpu.memref_slice %arg3[%arg1, %dma_start3A_13, %dma_start3A_19, %dma_start3A_20, %dma_start3A_21] : memref<16x22x2x8x128xi32, #tpu.memory_space<hbm>> -> memref<1x1x2x8x128xi32, #tpu.memory_space<hbm>>
    %dma_start3A_23 = tpu.memref_squeeze %dma_start3A_22 : memref<1x1x2x8x128xi32, #tpu.memory_space<hbm>> -> memref<2x8x128xi32, #tpu.memory_space<hbm>>
    tpu.enqueue_dma source(%dma_start3A_23 : memref<2x8x128xi32, #tpu.memory_space<hbm>>) target(%arg7 : memref<2x8x128xi32, #tpu.memory_space<vmem>>) target_semaphore(%arg15 : memref<!tpu.dma_semaphore, #tpu.memory_space<semaphore_mem>>)
    %dma_wait3A = arith.constant 0 : i32
    %dma_wait3A_24 = arith.constant 0 : i32
    %dma_wait3A_25 = arith.constant 0 : i32
    %dma_wait3A_26 = arith.constant 0 : i32
    %dma_wait3A_27 = tpu.memref_slice %arg3[%arg1, %dma_wait3A, %dma_wait3A_24, %dma_wait3A_25, %dma_wait3A_26] : memref<16x22x2x8x128xi32, #tpu.memory_space<hbm>> -> memref<1x1x2x8x128xi32, #tpu.memory_space<hbm>>
    %dma_wait3A_28 = tpu.memref_squeeze %dma_wait3A_27 : memref<1x1x2x8x128xi32, #tpu.memory_space<hbm>> -> memref<2x8x128xi32, #tpu.memory_space<hbm>>
    %dma_wait3A_29 = arith.constant 0 : i32
    %dma_wait3A_30 = arith.constant 0 : i32
    %dma_wait3A_31 = arith.constant 0 : i32
    %dma_wait3A_32 = tpu.memref_slice %arg3[%arg1, %dma_wait3A, %dma_wait3A_29, %dma_wait3A_30, %dma_wait3A_31] : memref<16x22x2x8x128xi32, #tpu.memory_space<hbm>> -> memref<1x1x2x8x128xi32, #tpu.memory_space<hbm>>
    %dma_wait3A_33 = tpu.memref_squeeze %dma_wait3A_32 : memref<1x1x2x8x128xi32, #tpu.memory_space<hbm>> -> memref<2x8x128xi32, #tpu.memory_space<hbm>>
    tpu.wait_dma2 semaphore(%arg14 : memref<!tpu.dma_semaphore, #tpu.memory_space<semaphore_mem>>) src(%dma_wait3A_33 : memref<2x8x128xi32, #tpu.memory_space<hbm>>) dst(%arg6 : memref<2x8x128xi32, #tpu.memory_space<vmem>>)
    %barrier3A = arith.constant 0 : index
    tpu.barrier barrier_id(%barrier3A)
    %dma_start3A_34 = arith.constant 0 : i32
    %dma_start3A_35 = arith.constant 0 : i32
    %dma_start3A_36 = arith.constant 0 : i32
    %dma_start3A_37 = tpu.memref_slice %arg6[%dma_start3A_34, %dma_start3A_35, %dma_start3A_36] : memref<2x8x128xi32, #tpu.memory_space<vmem>> -> memref<1x1x128xi32, #tpu.memory_space<vmem>>
    %dma_start3A_38 = tpu.memref_squeeze %dma_start3A_37 : memref<1x1x128xi32, #tpu.memory_space<vmem>> -> memref<128xi32, #tpu.memory_space<vmem>>
    %dma_start3A_39 = arith.constant 0 : i32
    %dma_start3A_40 = arith.constant 0 : i32
    %dma_start3A_41 = tpu.memref_slice %arg10[%dma_start3A_39, %dma_start3A_40] : memref<10016x64xf32, #tpu.memory_space<vmem_shared>> -> memref<10016x64xf32, #tpu.memory_space<vmem_shared>>
    tpu.enqueue_indirect_dma source(%dma_start3A_41 : memref<10016x64xf32, #tpu.memory_space<vmem_shared>>) target(%arg8 : memref<128x64xf32, #tpu.memory_space<vmem>>) offsets(%dma_start3A_38 : memref<128xi32, #tpu.memory_space<vmem>>) semaphore(%arg12 : memref<!tpu.dma_semaphore, #tpu.memory_space<semaphore_mem>>)
    %dma_start3A_42 = arith.constant 0 : i32
    %dma_start3A_43 = arith.constant 1 : i32
    %dma_start3A_44 = arith.constant 0 : i32
    %dma_start3A_45 = tpu.memref_slice %arg6[%dma_start3A_42, %dma_start3A_43, %dma_start3A_44] : memref<2x8x128xi32, #tpu.memory_space<vmem>> -> memref<1x1x128xi32, #tpu.memory_space<vmem>>
    %dma_start3A_46 = tpu.memref_squeeze %dma_start3A_45 : memref<1x1x128xi32, #tpu.memory_space<vmem>> -> memref<128xi32, #tpu.memory_space<vmem>>
    %dma_start3A_47 = arith.constant 0 : i32
    %dma_start3A_48 = arith.constant 0 : i32
    %dma_start3A_49 = tpu.memref_slice %arg10[%dma_start3A_47, %dma_start3A_48] : memref<10016x64xf32, #tpu.memory_space<vmem_shared>> -> memref<10016x64xf32, #tpu.memory_space<vmem_shared>>
    tpu.enqueue_indirect_dma source(%dma_start3A_49 : memref<10016x64xf32, #tpu.memory_space<vmem_shared>>) target(%arg9 : memref<128x64xf32, #tpu.memory_space<vmem>>) offsets(%dma_start3A_46 : memref<128xi32, #tpu.memory_space<vmem>>) semaphore(%arg13 : memref<!tpu.dma_semaphore, #tpu.memory_space<semaphore_mem>>)
    %scan3A = arith.constant 0 : i32
    %scan3A_50 = arith.constant 0 : i32
    %scan3A_51 = arith.constant 10 : i32
    %scan3A_52 = arith.addi %scan3A_50, %scan3A_51 : i32
    %scan3A_53 = arith.constant 1 : i32
    scf.for %scan3A_83 = %scan3A_50 to %scan3A_52 step %scan3A_53  : i32 {
      %mul3A_84 = arith.constant 2 : i32
      %mul3A_85 = arith.muli %mul3A_84, %scan3A_83 : i32
      %add3A = arith.constant 0 : i32
      %add3A_86 = arith.addi %mul3A_85, %add3A : i32
      %dma_wait3A_87 = arith.constant 0 : i32
      %dma_wait3A_88 = arith.constant 0 : i32
      %dma_wait3A_89 = arith.constant 0 : i32
      %dma_wait3A_90 = tpu.memref_slice %arg6[%dma_wait3A_87, %dma_wait3A_88, %dma_wait3A_89] : memref<2x8x128xi32, #tpu.memory_space<vmem>> -> memref<1x1x128xi32, #tpu.memory_space<vmem>>
      %dma_wait3A_91 = tpu.memref_squeeze %dma_wait3A_90 : memref<1x1x128xi32, #tpu.memory_space<vmem>> -> memref<128xi32, #tpu.memory_space<vmem>>
      %dma_wait3A_92 = arith.constant 0 : i32
      %dma_wait3A_93 = arith.constant 0 : i32
      %dma_wait3A_94 = tpu.memref_slice %arg10[%dma_wait3A_92, %dma_wait3A_93] : memref<10016x64xf32, #tpu.memory_space<vmem_shared>> -> memref<10016x64xf32, #tpu.memory_space<vmem_shared>>
      tpu.wait_indirect_dma semaphore(%arg12 : memref<!tpu.dma_semaphore, #tpu.memory_space<semaphore_mem>>) src(%dma_wait3A_94 : memref<10016x64xf32, #tpu.memory_space<vmem_shared>>) dst(%arg8 : memref<128x64xf32, #tpu.memory_space<vmem>>)
      %run_scoped3A = arith.constant 1 : i32
      %run_scoped3A_95 = arith.constant 0 : i32
      "tpu.region"() ({
        %run_scoped3A_422 = tpu.sem_alloc : memref<!tpu.dma_semaphore, #tpu.memory_space<semaphore_mem>>
        %dma_start3A_423 = arith.constant 0 : i32
        %dma_start3A_424 = tpu.memref_slice %arg6[%run_scoped3A, %run_scoped3A_95, %dma_start3A_423] : memref<2x8x128xi32, #tpu.memory_space<vmem>> -> memref<1x1x128xi32, #tpu.memory_space<vmem>>
        %dma_start3A_425 = tpu.memref_squeeze %dma_start3A_424 : memref<1x1x128xi32, #tpu.memory_space<vmem>> -> memref<128xi32, #tpu.memory_space<vmem>>
        %dma_start3A_426 = arith.constant 0 : i32
        %dma_start3A_427 = arith.constant 0 : i32
        %dma_start3A_428 = tpu.memref_slice %arg11[%dma_start3A_426, %dma_start3A_427] : memref<10016x64xf32, #tpu.memory_space<vmem_shared>> -> memref<10016x64xf32, #tpu.memory_space<vmem_shared>>
        tpu.enqueue_indirect_dma source(%arg8 : memref<128x64xf32, #tpu.memory_space<vmem>>) target(%dma_start3A_428 : memref<10016x64xf32, #tpu.memory_space<vmem_shared>>) offsets(%dma_start3A_425 : memref<128xi32, #tpu.memory_space<vmem>>) semaphore(%run_scoped3A_422 : memref<!tpu.dma_semaphore, #tpu.memory_space<semaphore_mem>>) {add = true}
        %dma_wait3A_429 = arith.constant 0 : i32
        %dma_wait3A_430 = tpu.memref_slice %arg6[%run_scoped3A, %run_scoped3A_95, %dma_wait3A_429] : memref<2x8x128xi32, #tpu.memory_space<vmem>> -> memref<1x1x128xi32, #tpu.memory_space<vmem>>
        %dma_wait3A_431 = tpu.memref_squeeze %dma_wait3A_430 : memref<1x1x128xi32, #tpu.memory_space<vmem>> -> memref<128xi32, #tpu.memory_space<vmem>>
        %dma_wait3A_432 = arith.constant 0 : i32
        %dma_wait3A_433 = arith.constant 0 : i32
        %dma_wait3A_434 = tpu.memref_slice %arg11[%dma_wait3A_432, %dma_wait3A_433] : memref<10016x64xf32, #tpu.memory_space<vmem_shared>> -> memref<10016x64xf32, #tpu.memory_space<vmem_shared>>
        tpu.wait_indirect_dma semaphore(%run_scoped3A_422 : memref<!tpu.dma_semaphore, #tpu.memory_space<semaphore_mem>>) src(%arg8 : memref<128x64xf32, #tpu.memory_space<vmem>>) dst(%dma_wait3A_434 : memref<10016x64xf32, #tpu.memory_space<vmem_shared>>)
        tpu.yield
      }) : () -> ()
      %dma_start3A_96 = arith.constant 0 : i32
      %dma_start3A_97 = arith.constant 2 : i32
      %dma_start3A_98 = arith.constant 0 : i32
      %dma_start3A_99 = tpu.memref_slice %arg6[%dma_start3A_96, %dma_start3A_97, %dma_start3A_98] : memref<2x8x128xi32, #tpu.memory_space<vmem>> -> memref<1x1x128xi32, #tpu.memory_space<vmem>>
      %dma_start3A_100 = tpu.memref_squeeze %dma_start3A_99 : memref<1x1x128xi32, #tpu.memory_space<vmem>> -> memref<128xi32, #tpu.memory_space<vmem>>
      %dma_start3A_101 = arith.constant 0 : i32
      %dma_start3A_102 = arith.constant 0 : i32
      %dma_start3A_103 = tpu.memref_slice %arg10[%dma_start3A_101, %dma_start3A_102] : memref<10016x64xf32, #tpu.memory_space<vmem_shared>> -> memref<10016x64xf32, #tpu.memory_space<vmem_shared>>
      tpu.enqueue_indirect_dma source(%dma_start3A_103 : memref<10016x64xf32, #tpu.memory_space<vmem_shared>>) target(%arg8 : memref<128x64xf32, #tpu.memory_space<vmem>>) offsets(%dma_start3A_100 : memref<128xi32, #tpu.memory_space<vmem>>) semaphore(%arg12 : memref<!tpu.dma_semaphore, #tpu.memory_space<semaphore_mem>>)
      %dma_wait3A_104 = arith.constant 0 : i32
      %dma_wait3A_105 = arith.constant 1 : i32
      %dma_wait3A_106 = arith.constant 0 : i32
      %dma_wait3A_107 = tpu.memref_slice %arg6[%dma_wait3A_104, %dma_wait3A_105, %dma_wait3A_106] : memref<2x8x128xi32, #tpu.memory_space<vmem>> -> memref<1x1x128xi32, #tpu.memory_space<vmem>>
      %dma_wait3A_108 = tpu.memref_squeeze %dma_wait3A_107 : memref<1x1x128xi32, #tpu.memory_space<vmem>> -> memref<128xi32, #tpu.memory_space<vmem>>
      %dma_wait3A_109 = arith.constant 0 : i32
      %dma_wait3A_110 = arith.constant 0 : i32
      %dma_wait3A_111 = tpu.memref_slice %arg10[%dma_wait3A_109, %dma_wait3A_110] : memref<10016x64xf32, #tpu.memory_space<vmem_shared>> -> memref<10016x64xf32, #tpu.memory_space<vmem_shared>>
      tpu.wait_indirect_dma semaphore(%arg13 : memref<!tpu.dma_semaphore, #tpu.memory_space<semaphore_mem>>) src(%dma_wait3A_111 : memref<10016x64xf32, #tpu.memory_space<vmem_shared>>) dst(%arg9 : memref<128x64xf32, #tpu.memory_space<vmem>>)
      %run_scoped3A_112 = arith.constant 1 : i32
      %run_scoped3A_113 = arith.constant 1 : i32
      "tpu.region"() ({
        %run_scoped3A_422 = tpu.sem_alloc : memref<!tpu.dma_semaphore, #tpu.memory_space<semaphore_mem>>
        %dma_start3A_423 = arith.constant 0 : i32
        %dma_start3A_424 = tpu.memref_slice %arg6[%run_scoped3A_112, %run_scoped3A_113, %dma_start3A_423] : memref<2x8x128xi32, #tpu.memory_space<vmem>> -> memref<1x1x128xi32, #tpu.memory_space<vmem>>
        %dma_start3A_425 = tpu.memref_squeeze %dma_start3A_424 : memref<1x1x128xi32, #tpu.memory_space<vmem>> -> memref<128xi32, #tpu.memory_space<vmem>>
        %dma_start3A_426 = arith.constant 0 : i32
        %dma_start3A_427 = arith.constant 0 : i32
        %dma_start3A_428 = tpu.memref_slice %arg11[%dma_start3A_426, %dma_start3A_427] : memref<10016x64xf32, #tpu.memory_space<vmem_shared>> -> memref<10016x64xf32, #tpu.memory_space<vmem_shared>>
        tpu.enqueue_indirect_dma source(%arg9 : memref<128x64xf32, #tpu.memory_space<vmem>>) target(%dma_start3A_428 : memref<10016x64xf32, #tpu.memory_space<vmem_shared>>) offsets(%dma_start3A_425 : memref<128xi32, #tpu.memory_space<vmem>>) semaphore(%run_scoped3A_422 : memref<!tpu.dma_semaphore, #tpu.memory_space<semaphore_mem>>) {add = true}
        %dma_wait3A_429 = arith.constant 0 : i32
        %dma_wait3A_430 = tpu.memref_slice %arg6[%run_scoped3A_112, %run_scoped3A_113, %dma_wait3A_429] : memref<2x8x128xi32, #tpu.memory_space<vmem>> -> memref<1x1x128xi32, #tpu.memory_space<vmem>>
        %dma_wait3A_431 = tpu.memref_squeeze %dma_wait3A_430 : memref<1x1x128xi32, #tpu.memory_space<vmem>> -> memref<128xi32, #tpu.memory_space<vmem>>
        %dma_wait3A_432 = arith.constant 0 : i32
        %dma_wait3A_433 = arith.constant 0 : i32
        %dma_wait3A_434 = tpu.memref_slice %arg11[%dma_wait3A_432, %dma_wait3A_433] : memref<10016x64xf32, #tpu.memory_space<vmem_shared>> -> memref<10016x64xf32, #tpu.memory_space<vmem_shared>>
        tpu.wait_indirect_dma semaphore(%run_scoped3A_422 : memref<!tpu.dma_semaphore, #tpu.memory_space<semaphore_mem>>) src(%arg9 : memref<128x64xf32, #tpu.memory_space<vmem>>) dst(%dma_wait3A_434 : memref<10016x64xf32, #tpu.memory_space<vmem_shared>>)
        tpu.yield
      }) : () -> ()
      %dma_start3A_114 = arith.constant 0 : i32
      %dma_start3A_115 = arith.constant 3 : i32
      %dma_start3A_116 = arith.constant 0 : i32
      %dma_start3A_117 = tpu.memref_slice %arg6[%dma_start3A_114, %dma_start3A_115, %dma_start3A_116] : memref<2x8x128xi32, #tpu.memory_space<vmem>> -> memref<1x1x128xi32, #tpu.memory_space<vmem>>
      %dma_start3A_118 = tpu.memref_squeeze %dma_start3A_117 : memref<1x1x128xi32, #tpu.memory_space<vmem>> -> memref<128xi32, #tpu.memory_space<vmem>>
      %dma_start3A_119 = arith.constant 0 : i32
      %dma_start3A_120 = arith.constant 0 : i32
      %dma_start3A_121 = tpu.memref_slice %arg10[%dma_start3A_119, %dma_start3A_120] : memref<10016x64xf32, #tpu.memory_space<vmem_shared>> -> memref<10016x64xf32, #tpu.memory_space<vmem_shared>>
      tpu.enqueue_indirect_dma source(%dma_start3A_121 : memref<10016x64xf32, #tpu.memory_space<vmem_shared>>) target(%arg9 : memref<128x64xf32, #tpu.memory_space<vmem>>) offsets(%dma_start3A_118 : memref<128xi32, #tpu.memory_space<vmem>>) semaphore(%arg13 : memref<!tpu.dma_semaphore, #tpu.memory_space<semaphore_mem>>)
      %dma_wait3A_122 = arith.constant 0 : i32
      %dma_wait3A_123 = arith.constant 2 : i32
      %dma_wait3A_124 = arith.constant 0 : i32
      %dma_wait3A_125 = tpu.memref_slice %arg6[%dma_wait3A_122, %dma_wait3A_123, %dma_wait3A_124] : memref<2x8x128xi32, #tpu.memory_space<vmem>> -> memref<1x1x128xi32, #tpu.memory_space<vmem>>
      %dma_wait3A_126 = tpu.memref_squeeze %dma_wait3A_125 : memref<1x1x128xi32, #tpu.memory_space<vmem>> -> memref<128xi32, #tpu.memory_space<vmem>>
      %dma_wait3A_127 = arith.constant 0 : i32
      %dma_wait3A_128 = arith.constant 0 : i32
      %dma_wait3A_129 = tpu.memref_slice %arg10[%dma_wait3A_127, %dma_wait3A_128] : memref<10016x64xf32, #tpu.memory_space<vmem_shared>> -> memref<10016x64xf32, #tpu.memory_space<vmem_shared>>
      tpu.wait_indirect_dma semaphore(%arg12 : memref<!tpu.dma_semaphore, #tpu.memory_space<semaphore_mem>>) src(%dma_wait3A_129 : memref<10016x64xf32, #tpu.memory_space<vmem_shared>>) dst(%arg8 : memref<128x64xf32, #tpu.memory_space<vmem>>)
      %run_scoped3A_130 = arith.constant 1 : i32
      %run_scoped3A_131 = arith.constant 2 : i32
      "tpu.region"() ({
        %run_scoped3A_422 = tpu.sem_alloc : memref<!tpu.dma_semaphore, #tpu.memory_space<semaphore_mem>>
        %dma_start3A_423 = arith.constant 0 : i32
        %dma_start3A_424 = tpu.memref_slice %arg6[%run_scoped3A_130, %run_scoped3A_131, %dma_start3A_423] : memref<2x8x128xi32, #tpu.memory_space<vmem>> -> memref<1x1x128xi32, #tpu.memory_space<vmem>>
        %dma_start3A_425 = tpu.memref_squeeze %dma_start3A_424 : memref<1x1x128xi32, #tpu.memory_space<vmem>> -> memref<128xi32, #tpu.memory_space<vmem>>
        %dma_start3A_426 = arith.constant 0 : i32
        %dma_start3A_427 = arith.constant 0 : i32
        %dma_start3A_428 = tpu.memref_slice %arg11[%dma_start3A_426, %dma_start3A_427] : memref<10016x64xf32, #tpu.memory_space<vmem_shared>> -> memref<10016x64xf32, #tpu.memory_space<vmem_shared>>
        tpu.enqueue_indirect_dma source(%arg8 : memref<128x64xf32, #tpu.memory_space<vmem>>) target(%dma_start3A_428 : memref<10016x64xf32, #tpu.memory_space<vmem_shared>>) offsets(%dma_start3A_425 : memref<128xi32, #tpu.memory_space<vmem>>) semaphore(%run_scoped3A_422 : memref<!tpu.dma_semaphore, #tpu.memory_space<semaphore_mem>>) {add = true}
        %dma_wait3A_429 = arith.constant 0 : i32
        %dma_wait3A_430 = tpu.memref_slice %arg6[%run_scoped3A_130, %run_scoped3A_131, %dma_wait3A_429] : memref<2x8x128xi32, #tpu.memory_space<vmem>> -> memref<1x1x128xi32, #tpu.memory_space<vmem>>
        %dma_wait3A_431 = tpu.memref_squeeze %dma_wait3A_430 : memref<1x1x128xi32, #tpu.memory_space<vmem>> -> memref<128xi32, #tpu.memory_space<vmem>>
        %dma_wait3A_432 = arith.constant 0 : i32
        %dma_wait3A_433 = arith.constant 0 : i32
        %dma_wait3A_434 = tpu.memref_slice %arg11[%dma_wait3A_432, %dma_wait3A_433] : memref<10016x64xf32, #tpu.memory_space<vmem_shared>> -> memref<10016x64xf32, #tpu.memory_space<vmem_shared>>
        tpu.wait_indirect_dma semaphore(%run_scoped3A_422 : memref<!tpu.dma_semaphore, #tpu.memory_space<semaphore_mem>>) src(%arg8 : memref<128x64xf32, #tpu.memory_space<vmem>>) dst(%dma_wait3A_434 : memref<10016x64xf32, #tpu.memory_space<vmem_shared>>)
        tpu.yield
      }) : () -> ()
      %dma_start3A_132 = arith.constant 0 : i32
      %dma_start3A_133 = arith.constant 4 : i32
      %dma_start3A_134 = arith.constant 0 : i32
      %dma_start3A_135 = tpu.memref_slice %arg6[%dma_start3A_132, %dma_start3A_133, %dma_start3A_134] : memref<2x8x128xi32, #tpu.memory_space<vmem>> -> memref<1x1x128xi32, #tpu.memory_space<vmem>>
      %dma_start3A_136 = tpu.memref_squeeze %dma_start3A_135 : memref<1x1x128xi32, #tpu.memory_space<vmem>> -> memref<128xi32, #tpu.memory_space<vmem>>
      %dma_start3A_137 = arith.constant 0 : i32
      %dma_start3A_138 = arith.constant 0 : i32
      %dma_start3A_139 = tpu.memref_slice %arg10[%dma_start3A_137, %dma_start3A_138] : memref<10016x64xf32, #tpu.memory_space<vmem_shared>> -> memref<10016x64xf32, #tpu.memory_space<vmem_shared>>
      tpu.enqueue_indirect_dma source(%dma_start3A_139 : memref<10016x64xf32, #tpu.memory_space<vmem_shared>>) target(%arg8 : memref<128x64xf32, #tpu.memory_space<vmem>>) offsets(%dma_start3A_136 : memref<128xi32, #tpu.memory_space<vmem>>) semaphore(%arg12 : memref<!tpu.dma_semaphore, #tpu.memory_space<semaphore_mem>>)
      %dma_wait3A_140 = arith.constant 0 : i32
      %dma_wait3A_141 = arith.constant 3 : i32
      %dma_wait3A_142 = arith.constant 0 : i32
      %dma_wait3A_143 = tpu.memref_slice %arg6[%dma_wait3A_140, %dma_wait3A_141, %dma_wait3A_142] : memref<2x8x128xi32, #tpu.memory_space<vmem>> -> memref<1x1x128xi32, #tpu.memory_space<vmem>>
      %dma_wait3A_144 = tpu.memref_squeeze %dma_wait3A_143 : memref<1x1x128xi32, #tpu.memory_space<vmem>> -> memref<128xi32, #tpu.memory_space<vmem>>
      %dma_wait3A_145 = arith.constant 0 : i32
      %dma_wait3A_146 = arith.constant 0 : i32
      %dma_wait3A_147 = tpu.memref_slice %arg10[%dma_wait3A_145, %dma_wait3A_146] : memref<10016x64xf32, #tpu.memory_space<vmem_shared>> -> memref<10016x64xf32, #tpu.memory_space<vmem_shared>>
      tpu.wait_indirect_dma semaphore(%arg13 : memref<!tpu.dma_semaphore, #tpu.memory_space<semaphore_mem>>) src(%dma_wait3A_147 : memref<10016x64xf32, #tpu.memory_space<vmem_shared>>) dst(%arg9 : memref<128x64xf32, #tpu.memory_space<vmem>>)
      %run_scoped3A_148 = arith.constant 1 : i32
      %run_scoped3A_149 = arith.constant 3 : i32
      "tpu.region"() ({
        %run_scoped3A_422 = tpu.sem_alloc : memref<!tpu.dma_semaphore, #tpu.memory_space<semaphore_mem>>
        %dma_start3A_423 = arith.constant 0 : i32
        %dma_start3A_424 = tpu.memref_slice %arg6[%run_scoped3A_148, %run_scoped3A_149, %dma_start3A_423] : memref<2x8x128xi32, #tpu.memory_space<vmem>> -> memref<1x1x128xi32, #tpu.memory_space<vmem>>
        %dma_start3A_425 = tpu.memref_squeeze %dma_start3A_424 : memref<1x1x128xi32, #tpu.memory_space<vmem>> -> memref<128xi32, #tpu.memory_space<vmem>>
        %dma_start3A_426 = arith.constant 0 : i32
        %dma_start3A_427 = arith.constant 0 : i32
        %dma_start3A_428 = tpu.memref_slice %arg11[%dma_start3A_426, %dma_start3A_427] : memref<10016x64xf32, #tpu.memory_space<vmem_shared>> -> memref<10016x64xf32, #tpu.memory_space<vmem_shared>>
        tpu.enqueue_indirect_dma source(%arg9 : memref<128x64xf32, #tpu.memory_space<vmem>>) target(%dma_start3A_428 : memref<10016x64xf32, #tpu.memory_space<vmem_shared>>) offsets(%dma_start3A_425 : memref<128xi32, #tpu.memory_space<vmem>>) semaphore(%run_scoped3A_422 : memref<!tpu.dma_semaphore, #tpu.memory_space<semaphore_mem>>) {add = true}
        %dma_wait3A_429 = arith.constant 0 : i32
        %dma_wait3A_430 = tpu.memref_slice %arg6[%run_scoped3A_148, %run_scoped3A_149, %dma_wait3A_429] : memref<2x8x128xi32, #tpu.memory_space<vmem>> -> memref<1x1x128xi32, #tpu.memory_space<vmem>>
        %dma_wait3A_431 = tpu.memref_squeeze %dma_wait3A_430 : memref<1x1x128xi32, #tpu.memory_space<vmem>> -> memref<128xi32, #tpu.memory_space<vmem>>
        %dma_wait3A_432 = arith.constant 0 : i32
        %dma_wait3A_433 = arith.constant 0 : i32
        %dma_wait3A_434 = tpu.memref_slice %arg11[%dma_wait3A_432, %dma_wait3A_433] : memref<10016x64xf32, #tpu.memory_space<vmem_shared>> -> memref<10016x64xf32, #tpu.memory_space<vmem_shared>>
        tpu.wait_indirect_dma semaphore(%run_scoped3A_422 : memref<!tpu.dma_semaphore, #tpu.memory_space<semaphore_mem>>) src(%arg9 : memref<128x64xf32, #tpu.memory_space<vmem>>) dst(%dma_wait3A_434 : memref<10016x64xf32, #tpu.memory_space<vmem_shared>>)
        tpu.yield
      }) : () -> ()
      %dma_start3A_150 = arith.constant 0 : i32
      %dma_start3A_151 = arith.constant 5 : i32
      %dma_start3A_152 = arith.constant 0 : i32
      %dma_start3A_153 = tpu.memref_slice %arg6[%dma_start3A_150, %dma_start3A_151, %dma_start3A_152] : memref<2x8x128xi32, #tpu.memory_space<vmem>> -> memref<1x1x128xi32, #tpu.memory_space<vmem>>
      %dma_start3A_154 = tpu.memref_squeeze %dma_start3A_153 : memref<1x1x128xi32, #tpu.memory_space<vmem>> -> memref<128xi32, #tpu.memory_space<vmem>>
      %dma_start3A_155 = arith.constant 0 : i32
      %dma_start3A_156 = arith.constant 0 : i32
      %dma_start3A_157 = tpu.memref_slice %arg10[%dma_start3A_155, %dma_start3A_156] : memref<10016x64xf32, #tpu.memory_space<vmem_shared>> -> memref<10016x64xf32, #tpu.memory_space<vmem_shared>>
      tpu.enqueue_indirect_dma source(%dma_start3A_157 : memref<10016x64xf32, #tpu.memory_space<vmem_shared>>) target(%arg9 : memref<128x64xf32, #tpu.memory_space<vmem>>) offsets(%dma_start3A_154 : memref<128xi32, #tpu.memory_space<vmem>>) semaphore(%arg13 : memref<!tpu.dma_semaphore, #tpu.memory_space<semaphore_mem>>)
      %dma_wait3A_158 = arith.constant 0 : i32
      %dma_wait3A_159 = arith.constant 4 : i32
      %dma_wait3A_160 = arith.constant 0 : i32
      %dma_wait3A_161 = tpu.memref_slice %arg6[%dma_wait3A_158, %dma_wait3A_159, %dma_wait3A_160] : memref<2x8x128xi32, #tpu.memory_space<vmem>> -> memref<1x1x128xi32, #tpu.memory_space<vmem>>
      %dma_wait3A_162 = tpu.memref_squeeze %dma_wait3A_161 : memref<1x1x128xi32, #tpu.memory_space<vmem>> -> memref<128xi32, #tpu.memory_space<vmem>>
      %dma_wait3A_163 = arith.constant 0 : i32
      %dma_wait3A_164 = arith.constant 0 : i32
      %dma_wait3A_165 = tpu.memref_slice %arg10[%dma_wait3A_163, %dma_wait3A_164] : memref<10016x64xf32, #tpu.memory_space<vmem_shared>> -> memref<10016x64xf32, #tpu.memory_space<vmem_shared>>
      tpu.wait_indirect_dma semaphore(%arg12 : memref<!tpu.dma_semaphore, #tpu.memory_space<semaphore_mem>>) src(%dma_wait3A_165 : memref<10016x64xf32, #tpu.memory_space<vmem_shared>>) dst(%arg8 : memref<128x64xf32, #tpu.memory_space<vmem>>)
      %run_scoped3A_166 = arith.constant 1 : i32
      %run_scoped3A_167 = arith.constant 4 : i32
      "tpu.region"() ({
        %run_scoped3A_422 = tpu.sem_alloc : memref<!tpu.dma_semaphore, #tpu.memory_space<semaphore_mem>>
        %dma_start3A_423 = arith.constant 0 : i32
        %dma_start3A_424 = tpu.memref_slice %arg6[%run_scoped3A_166, %run_scoped3A_167, %dma_start3A_423] : memref<2x8x128xi32, #tpu.memory_space<vmem>> -> memref<1x1x128xi32, #tpu.memory_space<vmem>>
        %dma_start3A_425 = tpu.memref_squeeze %dma_start3A_424 : memref<1x1x128xi32, #tpu.memory_space<vmem>> -> memref<128xi32, #tpu.memory_space<vmem>>
        %dma_start3A_426 = arith.constant 0 : i32
        %dma_start3A_427 = arith.constant 0 : i32
        %dma_start3A_428 = tpu.memref_slice %arg11[%dma_start3A_426, %dma_start3A_427] : memref<10016x64xf32, #tpu.memory_space<vmem_shared>> -> memref<10016x64xf32, #tpu.memory_space<vmem_shared>>
        tpu.enqueue_indirect_dma source(%arg8 : memref<128x64xf32, #tpu.memory_space<vmem>>) target(%dma_start3A_428 : memref<10016x64xf32, #tpu.memory_space<vmem_shared>>) offsets(%dma_start3A_425 : memref<128xi32, #tpu.memory_space<vmem>>) semaphore(%run_scoped3A_422 : memref<!tpu.dma_semaphore, #tpu.memory_space<semaphore_mem>>) {add = true}
        %dma_wait3A_429 = arith.constant 0 : i32
        %dma_wait3A_430 = tpu.memref_slice %arg6[%run_scoped3A_166, %run_scoped3A_167, %dma_wait3A_429] : memref<2x8x128xi32, #tpu.memory_space<vmem>> -> memref<1x1x128xi32, #tpu.memory_space<vmem>>
        %dma_wait3A_431 = tpu.memref_squeeze %dma_wait3A_430 : memref<1x1x128xi32, #tpu.memory_space<vmem>> -> memref<128xi32, #tpu.memory_space<vmem>>
        %dma_wait3A_432 = arith.constant 0 : i32
        %dma_wait3A_433 = arith.constant 0 : i32
        %dma_wait3A_434 = tpu.memref_slice %arg11[%dma_wait3A_432, %dma_wait3A_433] : memref<10016x64xf32, #tpu.memory_space<vmem_shared>> -> memref<10016x64xf32, #tpu.memory_space<vmem_shared>>
        tpu.wait_indirect_dma semaphore(%run_scoped3A_422 : memref<!tpu.dma_semaphore, #tpu.memory_space<semaphore_mem>>) src(%arg8 : memref<128x64xf32, #tpu.memory_space<vmem>>) dst(%dma_wait3A_434 : memref<10016x64xf32, #tpu.memory_space<vmem_shared>>)
        tpu.yield
      }) : () -> ()
      %dma_start3A_168 = arith.constant 0 : i32
      %dma_start3A_169 = arith.constant 6 : i32
      %dma_start3A_170 = arith.constant 0 : i32
      %dma_start3A_171 = tpu.memref_slice %arg6[%dma_start3A_168, %dma_start3A_169, %dma_start3A_170] : memref<2x8x128xi32, #tpu.memory_space<vmem>> -> memref<1x1x128xi32, #tpu.memory_space<vmem>>
      %dma_start3A_172 = tpu.memref_squeeze %dma_start3A_171 : memref<1x1x128xi32, #tpu.memory_space<vmem>> -> memref<128xi32, #tpu.memory_space<vmem>>
      %dma_start3A_173 = arith.constant 0 : i32
      %dma_start3A_174 = arith.constant 0 : i32
      %dma_start3A_175 = tpu.memref_slice %arg10[%dma_start3A_173, %dma_start3A_174] : memref<10016x64xf32, #tpu.memory_space<vmem_shared>> -> memref<10016x64xf32, #tpu.memory_space<vmem_shared>>
      tpu.enqueue_indirect_dma source(%dma_start3A_175 : memref<10016x64xf32, #tpu.memory_space<vmem_shared>>) target(%arg8 : memref<128x64xf32, #tpu.memory_space<vmem>>) offsets(%dma_start3A_172 : memref<128xi32, #tpu.memory_space<vmem>>) semaphore(%arg12 : memref<!tpu.dma_semaphore, #tpu.memory_space<semaphore_mem>>)
      %dma_wait3A_176 = arith.constant 0 : i32
      %dma_wait3A_177 = arith.constant 5 : i32
      %dma_wait3A_178 = arith.constant 0 : i32
      %dma_wait3A_179 = tpu.memref_slice %arg6[%dma_wait3A_176, %dma_wait3A_177, %dma_wait3A_178] : memref<2x8x128xi32, #tpu.memory_space<vmem>> -> memref<1x1x128xi32, #tpu.memory_space<vmem>>
      %dma_wait3A_180 = tpu.memref_squeeze %dma_wait3A_179 : memref<1x1x128xi32, #tpu.memory_space<vmem>> -> memref<128xi32, #tpu.memory_space<vmem>>
      %dma_wait3A_181 = arith.constant 0 : i32
      %dma_wait3A_182 = arith.constant 0 : i32
      %dma_wait3A_183 = tpu.memref_slice %arg10[%dma_wait3A_181, %dma_wait3A_182] : memref<10016x64xf32, #tpu.memory_space<vmem_shared>> -> memref<10016x64xf32, #tpu.memory_space<vmem_shared>>
      tpu.wait_indirect_dma semaphore(%arg13 : memref<!tpu.dma_semaphore, #tpu.memory_space<semaphore_mem>>) src(%dma_wait3A_183 : memref<10016x64xf32, #tpu.memory_space<vmem_shared>>) dst(%arg9 : memref<128x64xf32, #tpu.memory_space<vmem>>)
      %run_scoped3A_184 = arith.constant 1 : i32
      %run_scoped3A_185 = arith.constant 5 : i32
      "tpu.region"() ({
        %run_scoped3A_422 = tpu.sem_alloc : memref<!tpu.dma_semaphore, #tpu.memory_space<semaphore_mem>>
        %dma_start3A_423 = arith.constant 0 : i32
        %dma_start3A_424 = tpu.memref_slice %arg6[%run_scoped3A_184, %run_scoped3A_185, %dma_start3A_423] : memref<2x8x128xi32, #tpu.memory_space<vmem>> -> memref<1x1x128xi32, #tpu.memory_space<vmem>>
        %dma_start3A_425 = tpu.memref_squeeze %dma_start3A_424 : memref<1x1x128xi32, #tpu.memory_space<vmem>> -> memref<128xi32, #tpu.memory_space<vmem>>
        %dma_start3A_426 = arith.constant 0 : i32
        %dma_start3A_427 = arith.constant 0 : i32
        %dma_start3A_428 = tpu.memref_slice %arg11[%dma_start3A_426, %dma_start3A_427] : memref<10016x64xf32, #tpu.memory_space<vmem_shared>> -> memref<10016x64xf32, #tpu.memory_space<vmem_shared>>
        tpu.enqueue_indirect_dma source(%arg9 : memref<128x64xf32, #tpu.memory_space<vmem>>) target(%dma_start3A_428 : memref<10016x64xf32, #tpu.memory_space<vmem_shared>>) offsets(%dma_start3A_425 : memref<128xi32, #tpu.memory_space<vmem>>) semaphore(%run_scoped3A_422 : memref<!tpu.dma_semaphore, #tpu.memory_space<semaphore_mem>>) {add = true}
        %dma_wait3A_429 = arith.constant 0 : i32
        %dma_wait3A_430 = tpu.memref_slice %arg6[%run_scoped3A_184, %run_scoped3A_185, %dma_wait3A_429] : memref<2x8x128xi32, #tpu.memory_space<vmem>> -> memref<1x1x128xi32, #tpu.memory_space<vmem>>
        %dma_wait3A_431 = tpu.memref_squeeze %dma_wait3A_430 : memref<1x1x128xi32, #tpu.memory_space<vmem>> -> memref<128xi32, #tpu.memory_space<vmem>>
        %dma_wait3A_432 = arith.constant 0 : i32
        %dma_wait3A_433 = arith.constant 0 : i32
        %dma_wait3A_434 = tpu.memref_slice %arg11[%dma_wait3A_432, %dma_wait3A_433] : memref<10016x64xf32, #tpu.memory_space<vmem_shared>> -> memref<10016x64xf32, #tpu.memory_space<vmem_shared>>
        tpu.wait_indirect_dma semaphore(%run_scoped3A_422 : memref<!tpu.dma_semaphore, #tpu.memory_space<semaphore_mem>>) src(%arg9 : memref<128x64xf32, #tpu.memory_space<vmem>>) dst(%dma_wait3A_434 : memref<10016x64xf32, #tpu.memory_space<vmem_shared>>)
        tpu.yield
      }) : () -> ()
      %dma_start3A_186 = arith.constant 0 : i32
      %dma_start3A_187 = arith.constant 7 : i32
      %dma_start3A_188 = arith.constant 0 : i32
      %dma_start3A_189 = tpu.memref_slice %arg6[%dma_start3A_186, %dma_start3A_187, %dma_start3A_188] : memref<2x8x128xi32, #tpu.memory_space<vmem>> -> memref<1x1x128xi32, #tpu.memory_space<vmem>>
      %dma_start3A_190 = tpu.memref_squeeze %dma_start3A_189 : memref<1x1x128xi32, #tpu.memory_space<vmem>> -> memref<128xi32, #tpu.memory_space<vmem>>
      %dma_start3A_191 = arith.constant 0 : i32
      %dma_start3A_192 = arith.constant 0 : i32
      %dma_start3A_193 = tpu.memref_slice %arg10[%dma_start3A_191, %dma_start3A_192] : memref<10016x64xf32, #tpu.memory_space<vmem_shared>> -> memref<10016x64xf32, #tpu.memory_space<vmem_shared>>
      tpu.enqueue_indirect_dma source(%dma_start3A_193 : memref<10016x64xf32, #tpu.memory_space<vmem_shared>>) target(%arg9 : memref<128x64xf32, #tpu.memory_space<vmem>>) offsets(%dma_start3A_190 : memref<128xi32, #tpu.memory_space<vmem>>) semaphore(%arg13 : memref<!tpu.dma_semaphore, #tpu.memory_space<semaphore_mem>>)
      %dma_wait3A_194 = arith.constant 0 : i32
      %dma_wait3A_195 = arith.constant 0 : i32
      %dma_wait3A_196 = arith.constant 0 : i32
      %dma_wait3A_197 = arith.constant 0 : i32
      %dma_wait3A_198 = tpu.memref_slice %arg3[%arg1, %dma_wait3A_194, %dma_wait3A_195, %dma_wait3A_196, %dma_wait3A_197] : memref<16x22x2x8x128xi32, #tpu.memory_space<hbm>> -> memref<1x1x2x8x128xi32, #tpu.memory_space<hbm>>
      %dma_wait3A_199 = tpu.memref_squeeze %dma_wait3A_198 : memref<1x1x2x8x128xi32, #tpu.memory_space<hbm>> -> memref<2x8x128xi32, #tpu.memory_space<hbm>>
      %dma_wait3A_200 = arith.constant 0 : i32
      %dma_wait3A_201 = arith.constant 0 : i32
      %dma_wait3A_202 = arith.constant 0 : i32
      %dma_wait3A_203 = tpu.memref_slice %arg3[%arg1, %dma_wait3A_194, %dma_wait3A_200, %dma_wait3A_201, %dma_wait3A_202] : memref<16x22x2x8x128xi32, #tpu.memory_space<hbm>> -> memref<1x1x2x8x128xi32, #tpu.memory_space<hbm>>
      %dma_wait3A_204 = tpu.memref_squeeze %dma_wait3A_203 : memref<1x1x2x8x128xi32, #tpu.memory_space<hbm>> -> memref<2x8x128xi32, #tpu.memory_space<hbm>>
      tpu.wait_dma2 semaphore(%arg15 : memref<!tpu.dma_semaphore, #tpu.memory_space<semaphore_mem>>) src(%dma_wait3A_204 : memref<2x8x128xi32, #tpu.memory_space<hbm>>) dst(%arg7 : memref<2x8x128xi32, #tpu.memory_space<vmem>>)
      %dma_wait3A_205 = arith.constant 0 : i32
      %dma_wait3A_206 = arith.constant 6 : i32
      %dma_wait3A_207 = arith.constant 0 : i32
      %dma_wait3A_208 = tpu.memref_slice %arg6[%dma_wait3A_205, %dma_wait3A_206, %dma_wait3A_207] : memref<2x8x128xi32, #tpu.memory_space<vmem>> -> memref<1x1x128xi32, #tpu.memory_space<vmem>>
      %dma_wait3A_209 = tpu.memref_squeeze %dma_wait3A_208 : memref<1x1x128xi32, #tpu.memory_space<vmem>> -> memref<128xi32, #tpu.memory_space<vmem>>
      %dma_wait3A_210 = arith.constant 0 : i32
      %dma_wait3A_211 = arith.constant 0 : i32
      %dma_wait3A_212 = tpu.memref_slice %arg10[%dma_wait3A_210, %dma_wait3A_211] : memref<10016x64xf32, #tpu.memory_space<vmem_shared>> -> memref<10016x64xf32, #tpu.memory_space<vmem_shared>>
      tpu.wait_indirect_dma semaphore(%arg12 : memref<!tpu.dma_semaphore, #tpu.memory_space<semaphore_mem>>) src(%dma_wait3A_212 : memref<10016x64xf32, #tpu.memory_space<vmem_shared>>) dst(%arg8 : memref<128x64xf32, #tpu.memory_space<vmem>>)
      %run_scoped3A_213 = arith.constant 1 : i32
      %run_scoped3A_214 = arith.constant 6 : i32
      "tpu.region"() ({
        %run_scoped3A_422 = tpu.sem_alloc : memref<!tpu.dma_semaphore, #tpu.memory_space<semaphore_mem>>
        %dma_start3A_423 = arith.constant 0 : i32
        %dma_start3A_424 = tpu.memref_slice %arg6[%run_scoped3A_213, %run_scoped3A_214, %dma_start3A_423] : memref<2x8x128xi32, #tpu.memory_space<vmem>> -> memref<1x1x128xi32, #tpu.memory_space<vmem>>
        %dma_start3A_425 = tpu.memref_squeeze %dma_start3A_424 : memref<1x1x128xi32, #tpu.memory_space<vmem>> -> memref<128xi32, #tpu.memory_space<vmem>>
        %dma_start3A_426 = arith.constant 0 : i32
        %dma_start3A_427 = arith.constant 0 : i32
        %dma_start3A_428 = tpu.memref_slice %arg11[%dma_start3A_426, %dma_start3A_427] : memref<10016x64xf32, #tpu.memory_space<vmem_shared>> -> memref<10016x64xf32, #tpu.memory_space<vmem_shared>>
        tpu.enqueue_indirect_dma source(%arg8 : memref<128x64xf32, #tpu.memory_space<vmem>>) target(%dma_start3A_428 : memref<10016x64xf32, #tpu.memory_space<vmem_shared>>) offsets(%dma_start3A_425 : memref<128xi32, #tpu.memory_space<vmem>>) semaphore(%run_scoped3A_422 : memref<!tpu.dma_semaphore, #tpu.memory_space<semaphore_mem>>) {add = true}
        %dma_wait3A_429 = arith.constant 0 : i32
        %dma_wait3A_430 = tpu.memref_slice %arg6[%run_scoped3A_213, %run_scoped3A_214, %dma_wait3A_429] : memref<2x8x128xi32, #tpu.memory_space<vmem>> -> memref<1x1x128xi32, #tpu.memory_space<vmem>>
        %dma_wait3A_431 = tpu.memref_squeeze %dma_wait3A_430 : memref<1x1x128xi32, #tpu.memory_space<vmem>> -> memref<128xi32, #tpu.memory_space<vmem>>
        %dma_wait3A_432 = arith.constant 0 : i32
        %dma_wait3A_433 = arith.constant 0 : i32
        %dma_wait3A_434 = tpu.memref_slice %arg11[%dma_wait3A_432, %dma_wait3A_433] : memref<10016x64xf32, #tpu.memory_space<vmem_shared>> -> memref<10016x64xf32, #tpu.memory_space<vmem_shared>>
        tpu.wait_indirect_dma semaphore(%run_scoped3A_422 : memref<!tpu.dma_semaphore, #tpu.memory_space<semaphore_mem>>) src(%arg8 : memref<128x64xf32, #tpu.memory_space<vmem>>) dst(%dma_wait3A_434 : memref<10016x64xf32, #tpu.memory_space<vmem_shared>>)
        tpu.yield
      }) : () -> ()
      %dma_start3A_215 = arith.constant 0 : i32
      %dma_start3A_216 = arith.constant 0 : i32
      %dma_start3A_217 = arith.constant 0 : i32
      %dma_start3A_218 = tpu.memref_slice %arg7[%dma_start3A_215, %dma_start3A_216, %dma_start3A_217] : memref<2x8x128xi32, #tpu.memory_space<vmem>> -> memref<1x1x128xi32, #tpu.memory_space<vmem>>
      %dma_start3A_219 = tpu.memref_squeeze %dma_start3A_218 : memref<1x1x128xi32, #tpu.memory_space<vmem>> -> memref<128xi32, #tpu.memory_space<vmem>>
      %dma_start3A_220 = arith.constant 0 : i32
      %dma_start3A_221 = arith.constant 0 : i32
      %dma_start3A_222 = tpu.memref_slice %arg10[%dma_start3A_220, %dma_start3A_221] : memref<10016x64xf32, #tpu.memory_space<vmem_shared>> -> memref<10016x64xf32, #tpu.memory_space<vmem_shared>>
      tpu.enqueue_indirect_dma source(%dma_start3A_222 : memref<10016x64xf32, #tpu.memory_space<vmem_shared>>) target(%arg8 : memref<128x64xf32, #tpu.memory_space<vmem>>) offsets(%dma_start3A_219 : memref<128xi32, #tpu.memory_space<vmem>>) semaphore(%arg12 : memref<!tpu.dma_semaphore, #tpu.memory_space<semaphore_mem>>)
      %dma_wait3A_223 = arith.constant 0 : i32
      %dma_wait3A_224 = arith.constant 7 : i32
      %dma_wait3A_225 = arith.constant 0 : i32
      %dma_wait3A_226 = tpu.memref_slice %arg6[%dma_wait3A_223, %dma_wait3A_224, %dma_wait3A_225] : memref<2x8x128xi32, #tpu.memory_space<vmem>> -> memref<1x1x128xi32, #tpu.memory_space<vmem>>
      %dma_wait3A_227 = tpu.memref_squeeze %dma_wait3A_226 : memref<1x1x128xi32, #tpu.memory_space<vmem>> -> memref<128xi32, #tpu.memory_space<vmem>>
      %dma_wait3A_228 = arith.constant 0 : i32
      %dma_wait3A_229 = arith.constant 0 : i32
      %dma_wait3A_230 = tpu.memref_slice %arg10[%dma_wait3A_228, %dma_wait3A_229] : memref<10016x64xf32, #tpu.memory_space<vmem_shared>> -> memref<10016x64xf32, #tpu.memory_space<vmem_shared>>
      tpu.wait_indirect_dma semaphore(%arg13 : memref<!tpu.dma_semaphore, #tpu.memory_space<semaphore_mem>>) src(%dma_wait3A_230 : memref<10016x64xf32, #tpu.memory_space<vmem_shared>>) dst(%arg9 : memref<128x64xf32, #tpu.memory_space<vmem>>)
      %run_scoped3A_231 = arith.constant 1 : i32
      %run_scoped3A_232 = arith.constant 7 : i32
      "tpu.region"() ({
        %run_scoped3A_422 = tpu.sem_alloc : memref<!tpu.dma_semaphore, #tpu.memory_space<semaphore_mem>>
        %dma_start3A_423 = arith.constant 0 : i32
        %dma_start3A_424 = tpu.memref_slice %arg6[%run_scoped3A_231, %run_scoped3A_232, %dma_start3A_423] : memref<2x8x128xi32, #tpu.memory_space<vmem>> -> memref<1x1x128xi32, #tpu.memory_space<vmem>>
        %dma_start3A_425 = tpu.memref_squeeze %dma_start3A_424 : memref<1x1x128xi32, #tpu.memory_space<vmem>> -> memref<128xi32, #tpu.memory_space<vmem>>
        %dma_start3A_426 = arith.constant 0 : i32
        %dma_start3A_427 = arith.constant 0 : i32
        %dma_start3A_428 = tpu.memref_slice %arg11[%dma_start3A_426, %dma_start3A_427] : memref<10016x64xf32, #tpu.memory_space<vmem_shared>> -> memref<10016x64xf32, #tpu.memory_space<vmem_shared>>
        tpu.enqueue_indirect_dma source(%arg9 : memref<128x64xf32, #tpu.memory_space<vmem>>) target(%dma_start3A_428 : memref<10016x64xf32, #tpu.memory_space<vmem_shared>>) offsets(%dma_start3A_425 : memref<128xi32, #tpu.memory_space<vmem>>) semaphore(%run_scoped3A_422 : memref<!tpu.dma_semaphore, #tpu.memory_space<semaphore_mem>>) {add = true}
        %dma_wait3A_429 = arith.constant 0 : i32
        %dma_wait3A_430 = tpu.memref_slice %arg6[%run_scoped3A_231, %run_scoped3A_232, %dma_wait3A_429] : memref<2x8x128xi32, #tpu.memory_space<vmem>> -> memref<1x1x128xi32, #tpu.memory_space<vmem>>
        %dma_wait3A_431 = tpu.memref_squeeze %dma_wait3A_430 : memref<1x1x128xi32, #tpu.memory_space<vmem>> -> memref<128xi32, #tpu.memory_space<vmem>>
        %dma_wait3A_432 = arith.constant 0 : i32
        %dma_wait3A_433 = arith.constant 0 : i32
        %dma_wait3A_434 = tpu.memref_slice %arg11[%dma_wait3A_432, %dma_wait3A_433] : memref<10016x64xf32, #tpu.memory_space<vmem_shared>> -> memref<10016x64xf32, #tpu.memory_space<vmem_shared>>
        tpu.wait_indirect_dma semaphore(%run_scoped3A_422 : memref<!tpu.dma_semaphore, #tpu.memory_space<semaphore_mem>>) src(%arg9 : memref<128x64xf32, #tpu.memory_space<vmem>>) dst(%dma_wait3A_434 : memref<10016x64xf32, #tpu.memory_space<vmem_shared>>)
        tpu.yield
      }) : () -> ()
      %dma_start3A_233 = arith.constant 0 : i32
      %dma_start3A_234 = arith.constant 1 : i32
      %dma_start3A_235 = arith.constant 0 : i32
      %dma_start3A_236 = tpu.memref_slice %arg7[%dma_start3A_233, %dma_start3A_234, %dma_start3A_235] : memref<2x8x128xi32, #tpu.memory_space<vmem>> -> memref<1x1x128xi32, #tpu.memory_space<vmem>>
      %dma_start3A_237 = tpu.memref_squeeze %dma_start3A_236 : memref<1x1x128xi32, #tpu.memory_space<vmem>> -> memref<128xi32, #tpu.memory_space<vmem>>
      %dma_start3A_238 = arith.constant 0 : i32
      %dma_start3A_239 = arith.constant 0 : i32
      %dma_start3A_240 = tpu.memref_slice %arg10[%dma_start3A_238, %dma_start3A_239] : memref<10016x64xf32, #tpu.memory_space<vmem_shared>> -> memref<10016x64xf32, #tpu.memory_space<vmem_shared>>
      tpu.enqueue_indirect_dma source(%dma_start3A_240 : memref<10016x64xf32, #tpu.memory_space<vmem_shared>>) target(%arg9 : memref<128x64xf32, #tpu.memory_space<vmem>>) offsets(%dma_start3A_237 : memref<128xi32, #tpu.memory_space<vmem>>) semaphore(%arg13 : memref<!tpu.dma_semaphore, #tpu.memory_space<semaphore_mem>>)
      %add3A_241 = arith.constant 2 : i32
      %add3A_242 = arith.addi %add3A_86, %add3A_241 : i32
      %dma_start3A_243 = arith.constant 0 : i32
      %dma_start3A_244 = arith.constant 0 : i32
      %dma_start3A_245 = arith.constant 0 : i32
      %dma_start3A_246 = tpu.memref_slice %arg3[%arg1, %add3A_242, %dma_start3A_243, %dma_start3A_244, %dma_start3A_245] : memref<16x22x2x8x128xi32, #tpu.memory_space<hbm>> -> memref<1x1x2x8x128xi32, #tpu.memory_space<hbm>>
      %dma_start3A_247 = tpu.memref_squeeze %dma_start3A_246 : memref<1x1x2x8x128xi32, #tpu.memory_space<hbm>> -> memref<2x8x128xi32, #tpu.memory_space<hbm>>
      %dma_start3A_248 = arith.constant 0 : i32
      %dma_start3A_249 = arith.constant 0 : i32
      %dma_start3A_250 = arith.constant 0 : i32
      %dma_start3A_251 = tpu.memref_slice %arg3[%arg1, %add3A_242, %dma_start3A_248, %dma_start3A_249, %dma_start3A_250] : memref<16x22x2x8x128xi32, #tpu.memory_space<hbm>> -> memref<1x1x2x8x128xi32, #tpu.memory_space<hbm>>
      %dma_start3A_252 = tpu.memref_squeeze %dma_start3A_251 : memref<1x1x2x8x128xi32, #tpu.memory_space<hbm>> -> memref<2x8x128xi32, #tpu.memory_space<hbm>>
      tpu.enqueue_dma source(%dma_start3A_252 : memref<2x8x128xi32, #tpu.memory_space<hbm>>) target(%arg6 : memref<2x8x128xi32, #tpu.memory_space<vmem>>) target_semaphore(%arg14 : memref<!tpu.dma_semaphore, #tpu.memory_space<semaphore_mem>>)
      %add3A_253 = arith.constant 1 : i32
      %add3A_254 = arith.addi %mul3A_85, %add3A_253 : i32
      %dma_wait3A_255 = arith.constant 0 : i32
      %dma_wait3A_256 = arith.constant 0 : i32
      %dma_wait3A_257 = arith.constant 0 : i32
      %dma_wait3A_258 = tpu.memref_slice %arg7[%dma_wait3A_255, %dma_wait3A_256, %dma_wait3A_257] : memref<2x8x128xi32, #tpu.memory_space<vmem>> -> memref<1x1x128xi32, #tpu.memory_space<vmem>>
      %dma_wait3A_259 = tpu.memref_squeeze %dma_wait3A_258 : memref<1x1x128xi32, #tpu.memory_space<vmem>> -> memref<128xi32, #tpu.memory_space<vmem>>
      %dma_wait3A_260 = arith.constant 0 : i32
      %dma_wait3A_261 = arith.constant 0 : i32
      %dma_wait3A_262 = tpu.memref_slice %arg10[%dma_wait3A_260, %dma_wait3A_261] : memref<10016x64xf32, #tpu.memory_space<vmem_shared>> -> memref<10016x64xf32, #tpu.memory_space<vmem_shared>>
      tpu.wait_indirect_dma semaphore(%arg12 : memref<!tpu.dma_semaphore, #tpu.memory_space<semaphore_mem>>) src(%dma_wait3A_262 : memref<10016x64xf32, #tpu.memory_space<vmem_shared>>) dst(%arg8 : memref<128x64xf32, #tpu.memory_space<vmem>>)
      %run_scoped3A_263 = arith.constant 1 : i32
      %run_scoped3A_264 = arith.constant 0 : i32
      "tpu.region"() ({
        %run_scoped3A_422 = tpu.sem_alloc : memref<!tpu.dma_semaphore, #tpu.memory_space<semaphore_mem>>
        %dma_start3A_423 = arith.constant 0 : i32
        %dma_start3A_424 = tpu.memref_slice %arg7[%run_scoped3A_263, %run_scoped3A_264, %dma_start3A_423] : memref<2x8x128xi32, #tpu.memory_space<vmem>> -> memref<1x1x128xi32, #tpu.memory_space<vmem>>
        %dma_start3A_425 = tpu.memref_squeeze %dma_start3A_424 : memref<1x1x128xi32, #tpu.memory_space<vmem>> -> memref<128xi32, #tpu.memory_space<vmem>>
        %dma_start3A_426 = arith.constant 0 : i32
        %dma_start3A_427 = arith.constant 0 : i32
        %dma_start3A_428 = tpu.memref_slice %arg11[%dma_start3A_426, %dma_start3A_427] : memref<10016x64xf32, #tpu.memory_space<vmem_shared>> -> memref<10016x64xf32, #tpu.memory_space<vmem_shared>>
        tpu.enqueue_indirect_dma source(%arg8 : memref<128x64xf32, #tpu.memory_space<vmem>>) target(%dma_start3A_428 : memref<10016x64xf32, #tpu.memory_space<vmem_shared>>) offsets(%dma_start3A_425 : memref<128xi32, #tpu.memory_space<vmem>>) semaphore(%run_scoped3A_422 : memref<!tpu.dma_semaphore, #tpu.memory_space<semaphore_mem>>) {add = true}
        %dma_wait3A_429 = arith.constant 0 : i32
        %dma_wait3A_430 = tpu.memref_slice %arg7[%run_scoped3A_263, %run_scoped3A_264, %dma_wait3A_429] : memref<2x8x128xi32, #tpu.memory_space<vmem>> -> memref<1x1x128xi32, #tpu.memory_space<vmem>>
        %dma_wait3A_431 = tpu.memref_squeeze %dma_wait3A_430 : memref<1x1x128xi32, #tpu.memory_space<vmem>> -> memref<128xi32, #tpu.memory_space<vmem>>
        %dma_wait3A_432 = arith.constant 0 : i32
        %dma_wait3A_433 = arith.constant 0 : i32
        %dma_wait3A_434 = tpu.memref_slice %arg11[%dma_wait3A_432, %dma_wait3A_433] : memref<10016x64xf32, #tpu.memory_space<vmem_shared>> -> memref<10016x64xf32, #tpu.memory_space<vmem_shared>>
        tpu.wait_indirect_dma semaphore(%run_scoped3A_422 : memref<!tpu.dma_semaphore, #tpu.memory_space<semaphore_mem>>) src(%arg8 : memref<128x64xf32, #tpu.memory_space<vmem>>) dst(%dma_wait3A_434 : memref<10016x64xf32, #tpu.memory_space<vmem_shared>>)
        tpu.yield
      }) : () -> ()
      %dma_start3A_265 = arith.constant 0 : i32
      %dma_start3A_266 = arith.constant 2 : i32
      %dma_start3A_267 = arith.constant 0 : i32
      %dma_start3A_268 = tpu.memref_slice %arg7[%dma_start3A_265, %dma_start3A_266, %dma_start3A_267] : memref<2x8x128xi32, #tpu.memory_space<vmem>> -> memref<1x1x128xi32, #tpu.memory_space<vmem>>
      %dma_start3A_269 = tpu.memref_squeeze %dma_start3A_268 : memref<1x1x128xi32, #tpu.memory_space<vmem>> -> memref<128xi32, #tpu.memory_space<vmem>>
      %dma_start3A_270 = arith.constant 0 : i32
      %dma_start3A_271 = arith.constant 0 : i32
      %dma_start3A_272 = tpu.memref_slice %arg10[%dma_start3A_270, %dma_start3A_271] : memref<10016x64xf32, #tpu.memory_space<vmem_shared>> -> memref<10016x64xf32, #tpu.memory_space<vmem_shared>>
      tpu.enqueue_indirect_dma source(%dma_start3A_272 : memref<10016x64xf32, #tpu.memory_space<vmem_shared>>) target(%arg8 : memref<128x64xf32, #tpu.memory_space<vmem>>) offsets(%dma_start3A_269 : memref<128xi32, #tpu.memory_space<vmem>>) semaphore(%arg12 : memref<!tpu.dma_semaphore, #tpu.memory_space<semaphore_mem>>)
      %dma_wait3A_273 = arith.constant 0 : i32
      %dma_wait3A_274 = arith.constant 1 : i32
      %dma_wait3A_275 = arith.constant 0 : i32
      %dma_wait3A_276 = tpu.memref_slice %arg7[%dma_wait3A_273, %dma_wait3A_274, %dma_wait3A_275] : memref<2x8x128xi32, #tpu.memory_space<vmem>> -> memref<1x1x128xi32, #tpu.memory_space<vmem>>
      %dma_wait3A_277 = tpu.memref_squeeze %dma_wait3A_276 : memref<1x1x128xi32, #tpu.memory_space<vmem>> -> memref<128xi32, #tpu.memory_space<vmem>>
      %dma_wait3A_278 = arith.constant 0 : i32
      %dma_wait3A_279 = arith.constant 0 : i32
      %dma_wait3A_280 = tpu.memref_slice %arg10[%dma_wait3A_278, %dma_wait3A_279] : memref<10016x64xf32, #tpu.memory_space<vmem_shared>> -> memref<10016x64xf32, #tpu.memory_space<vmem_shared>>
      tpu.wait_indirect_dma semaphore(%arg13 : memref<!tpu.dma_semaphore, #tpu.memory_space<semaphore_mem>>) src(%dma_wait3A_280 : memref<10016x64xf32, #tpu.memory_space<vmem_shared>>) dst(%arg9 : memref<128x64xf32, #tpu.memory_space<vmem>>)
      %run_scoped3A_281 = arith.constant 1 : i32
      %run_scoped3A_282 = arith.constant 1 : i32
      "tpu.region"() ({
        %run_scoped3A_422 = tpu.sem_alloc : memref<!tpu.dma_semaphore, #tpu.memory_space<semaphore_mem>>
        %dma_start3A_423 = arith.constant 0 : i32
        %dma_start3A_424 = tpu.memref_slice %arg7[%run_scoped3A_281, %run_scoped3A_282, %dma_start3A_423] : memref<2x8x128xi32, #tpu.memory_space<vmem>> -> memref<1x1x128xi32, #tpu.memory_space<vmem>>
        %dma_start3A_425 = tpu.memref_squeeze %dma_start3A_424 : memref<1x1x128xi32, #tpu.memory_space<vmem>> -> memref<128xi32, #tpu.memory_space<vmem>>
        %dma_start3A_426 = arith.constant 0 : i32
        %dma_start3A_427 = arith.constant 0 : i32
        %dma_start3A_428 = tpu.memref_slice %arg11[%dma_start3A_426, %dma_start3A_427] : memref<10016x64xf32, #tpu.memory_space<vmem_shared>> -> memref<10016x64xf32, #tpu.memory_space<vmem_shared>>
        tpu.enqueue_indirect_dma source(%arg9 : memref<128x64xf32, #tpu.memory_space<vmem>>) target(%dma_start3A_428 : memref<10016x64xf32, #tpu.memory_space<vmem_shared>>) offsets(%dma_start3A_425 : memref<128xi32, #tpu.memory_space<vmem>>) semaphore(%run_scoped3A_422 : memref<!tpu.dma_semaphore, #tpu.memory_space<semaphore_mem>>) {add = true}
        %dma_wait3A_429 = arith.constant 0 : i32
        %dma_wait3A_430 = tpu.memref_slice %arg7[%run_scoped3A_281, %run_scoped3A_282, %dma_wait3A_429] : memref<2x8x128xi32, #tpu.memory_space<vmem>> -> memref<1x1x128xi32, #tpu.memory_space<vmem>>
        %dma_wait3A_431 = tpu.memref_squeeze %dma_wait3A_430 : memref<1x1x128xi32, #tpu.memory_space<vmem>> -> memref<128xi32, #tpu.memory_space<vmem>>
        %dma_wait3A_432 = arith.constant 0 : i32
        %dma_wait3A_433 = arith.constant 0 : i32
        %dma_wait3A_434 = tpu.memref_slice %arg11[%dma_wait3A_432, %dma_wait3A_433] : memref<10016x64xf32, #tpu.memory_space<vmem_shared>> -> memref<10016x64xf32, #tpu.memory_space<vmem_shared>>
        tpu.wait_indirect_dma semaphore(%run_scoped3A_422 : memref<!tpu.dma_semaphore, #tpu.memory_space<semaphore_mem>>) src(%arg9 : memref<128x64xf32, #tpu.memory_space<vmem>>) dst(%dma_wait3A_434 : memref<10016x64xf32, #tpu.memory_space<vmem_shared>>)
        tpu.yield
      }) : () -> ()
      %dma_start3A_283 = arith.constant 0 : i32
      %dma_start3A_284 = arith.constant 3 : i32
      %dma_start3A_285 = arith.constant 0 : i32
      %dma_start3A_286 = tpu.memref_slice %arg7[%dma_start3A_283, %dma_start3A_284, %dma_start3A_285] : memref<2x8x128xi32, #tpu.memory_space<vmem>> -> memref<1x1x128xi32, #tpu.memory_space<vmem>>
      %dma_start3A_287 = tpu.memref_squeeze %dma_start3A_286 : memref<1x1x128xi32, #tpu.memory_space<vmem>> -> memref<128xi32, #tpu.memory_space<vmem>>
      %dma_start3A_288 = arith.constant 0 : i32
      %dma_start3A_289 = arith.constant 0 : i32
      %dma_start3A_290 = tpu.memref_slice %arg10[%dma_start3A_288, %dma_start3A_289] : memref<10016x64xf32, #tpu.memory_space<vmem_shared>> -> memref<10016x64xf32, #tpu.memory_space<vmem_shared>>
      tpu.enqueue_indirect_dma source(%dma_start3A_290 : memref<10016x64xf32, #tpu.memory_space<vmem_shared>>) target(%arg9 : memref<128x64xf32, #tpu.memory_space<vmem>>) offsets(%dma_start3A_287 : memref<128xi32, #tpu.memory_space<vmem>>) semaphore(%arg13 : memref<!tpu.dma_semaphore, #tpu.memory_space<semaphore_mem>>)
      %dma_wait3A_291 = arith.constant 0 : i32
      %dma_wait3A_292 = arith.constant 2 : i32
      %dma_wait3A_293 = arith.constant 0 : i32
      %dma_wait3A_294 = tpu.memref_slice %arg7[%dma_wait3A_291, %dma_wait3A_292, %dma_wait3A_293] : memref<2x8x128xi32, #tpu.memory_space<vmem>> -> memref<1x1x128xi32, #tpu.memory_space<vmem>>
      %dma_wait3A_295 = tpu.memref_squeeze %dma_wait3A_294 : memref<1x1x128xi32, #tpu.memory_space<vmem>> -> memref<128xi32, #tpu.memory_space<vmem>>
      %dma_wait3A_296 = arith.constant 0 : i32
      %dma_wait3A_297 = arith.constant 0 : i32
      %dma_wait3A_298 = tpu.memref_slice %arg10[%dma_wait3A_296, %dma_wait3A_297] : memref<10016x64xf32, #tpu.memory_space<vmem_shared>> -> memref<10016x64xf32, #tpu.memory_space<vmem_shared>>
      tpu.wait_indirect_dma semaphore(%arg12 : memref<!tpu.dma_semaphore, #tpu.memory_space<semaphore_mem>>) src(%dma_wait3A_298 : memref<10016x64xf32, #tpu.memory_space<vmem_shared>>) dst(%arg8 : memref<128x64xf32, #tpu.memory_space<vmem>>)
      %run_scoped3A_299 = arith.constant 1 : i32
      %run_scoped3A_300 = arith.constant 2 : i32
      "tpu.region"() ({
        %run_scoped3A_422 = tpu.sem_alloc : memref<!tpu.dma_semaphore, #tpu.memory_space<semaphore_mem>>
        %dma_start3A_423 = arith.constant 0 : i32
        %dma_start3A_424 = tpu.memref_slice %arg7[%run_scoped3A_299, %run_scoped3A_300, %dma_start3A_423] : memref<2x8x128xi32, #tpu.memory_space<vmem>> -> memref<1x1x128xi32, #tpu.memory_space<vmem>>
        %dma_start3A_425 = tpu.memref_squeeze %dma_start3A_424 : memref<1x1x128xi32, #tpu.memory_space<vmem>> -> memref<128xi32, #tpu.memory_space<vmem>>
        %dma_start3A_426 = arith.constant 0 : i32
        %dma_start3A_427 = arith.constant 0 : i32
        %dma_start3A_428 = tpu.memref_slice %arg11[%dma_start3A_426, %dma_start3A_427] : memref<10016x64xf32, #tpu.memory_space<vmem_shared>> -> memref<10016x64xf32, #tpu.memory_space<vmem_shared>>
        tpu.enqueue_indirect_dma source(%arg8 : memref<128x64xf32, #tpu.memory_space<vmem>>) target(%dma_start3A_428 : memref<10016x64xf32, #tpu.memory_space<vmem_shared>>) offsets(%dma_start3A_425 : memref<128xi32, #tpu.memory_space<vmem>>) semaphore(%run_scoped3A_422 : memref<!tpu.dma_semaphore, #tpu.memory_space<semaphore_mem>>) {add = true}
        %dma_wait3A_429 = arith.constant 0 : i32
        %dma_wait3A_430 = tpu.memref_slice %arg7[%run_scoped3A_299, %run_scoped3A_300, %dma_wait3A_429] : memref<2x8x128xi32, #tpu.memory_space<vmem>> -> memref<1x1x128xi32, #tpu.memory_space<vmem>>
        %dma_wait3A_431 = tpu.memref_squeeze %dma_wait3A_430 : memref<1x1x128xi32, #tpu.memory_space<vmem>> -> memref<128xi32, #tpu.memory_space<vmem>>
        %dma_wait3A_432 = arith.constant 0 : i32
        %dma_wait3A_433 = arith.constant 0 : i32
        %dma_wait3A_434 = tpu.memref_slice %arg11[%dma_wait3A_432, %dma_wait3A_433] : memref<10016x64xf32, #tpu.memory_space<vmem_shared>> -> memref<10016x64xf32, #tpu.memory_space<vmem_shared>>
        tpu.wait_indirect_dma semaphore(%run_scoped3A_422 : memref<!tpu.dma_semaphore, #tpu.memory_space<semaphore_mem>>) src(%arg8 : memref<128x64xf32, #tpu.memory_space<vmem>>) dst(%dma_wait3A_434 : memref<10016x64xf32, #tpu.memory_space<vmem_shared>>)
        tpu.yield
      }) : () -> ()
      %dma_start3A_301 = arith.constant 0 : i32
      %dma_start3A_302 = arith.constant 4 : i32
      %dma_start3A_303 = arith.constant 0 : i32
      %dma_start3A_304 = tpu.memref_slice %arg7[%dma_start3A_301, %dma_start3A_302, %dma_start3A_303] : memref<2x8x128xi32, #tpu.memory_space<vmem>> -> memref<1x1x128xi32, #tpu.memory_space<vmem>>
      %dma_start3A_305 = tpu.memref_squeeze %dma_start3A_304 : memref<1x1x128xi32, #tpu.memory_space<vmem>> -> memref<128xi32, #tpu.memory_space<vmem>>
      %dma_start3A_306 = arith.constant 0 : i32
      %dma_start3A_307 = arith.constant 0 : i32
      %dma_start3A_308 = tpu.memref_slice %arg10[%dma_start3A_306, %dma_start3A_307] : memref<10016x64xf32, #tpu.memory_space<vmem_shared>> -> memref<10016x64xf32, #tpu.memory_space<vmem_shared>>
      tpu.enqueue_indirect_dma source(%dma_start3A_308 : memref<10016x64xf32, #tpu.memory_space<vmem_shared>>) target(%arg8 : memref<128x64xf32, #tpu.memory_space<vmem>>) offsets(%dma_start3A_305 : memref<128xi32, #tpu.memory_space<vmem>>) semaphore(%arg12 : memref<!tpu.dma_semaphore, #tpu.memory_space<semaphore_mem>>)
      %dma_wait3A_309 = arith.constant 0 : i32
      %dma_wait3A_310 = arith.constant 3 : i32
      %dma_wait3A_311 = arith.constant 0 : i32
      %dma_wait3A_312 = tpu.memref_slice %arg7[%dma_wait3A_309, %dma_wait3A_310, %dma_wait3A_311] : memref<2x8x128xi32, #tpu.memory_space<vmem>> -> memref<1x1x128xi32, #tpu.memory_space<vmem>>
      %dma_wait3A_313 = tpu.memref_squeeze %dma_wait3A_312 : memref<1x1x128xi32, #tpu.memory_space<vmem>> -> memref<128xi32, #tpu.memory_space<vmem>>
      %dma_wait3A_314 = arith.constant 0 : i32
      %dma_wait3A_315 = arith.constant 0 : i32
      %dma_wait3A_316 = tpu.memref_slice %arg10[%dma_wait3A_314, %dma_wait3A_315] : memref<10016x64xf32, #tpu.memory_space<vmem_shared>> -> memref<10016x64xf32, #tpu.memory_space<vmem_shared>>
      tpu.wait_indirect_dma semaphore(%arg13 : memref<!tpu.dma_semaphore, #tpu.memory_space<semaphore_mem>>) src(%dma_wait3A_316 : memref<10016x64xf32, #tpu.memory_space<vmem_shared>>) dst(%arg9 : memref<128x64xf32, #tpu.memory_space<vmem>>)
      %run_scoped3A_317 = arith.constant 1 : i32
      %run_scoped3A_318 = arith.constant 3 : i32
      "tpu.region"() ({
        %run_scoped3A_422 = tpu.sem_alloc : memref<!tpu.dma_semaphore, #tpu.memory_space<semaphore_mem>>
        %dma_start3A_423 = arith.constant 0 : i32
        %dma_start3A_424 = tpu.memref_slice %arg7[%run_scoped3A_317, %run_scoped3A_318, %dma_start3A_423] : memref<2x8x128xi32, #tpu.memory_space<vmem>> -> memref<1x1x128xi32, #tpu.memory_space<vmem>>
        %dma_start3A_425 = tpu.memref_squeeze %dma_start3A_424 : memref<1x1x128xi32, #tpu.memory_space<vmem>> -> memref<128xi32, #tpu.memory_space<vmem>>
        %dma_start3A_426 = arith.constant 0 : i32
        %dma_start3A_427 = arith.constant 0 : i32
        %dma_start3A_428 = tpu.memref_slice %arg11[%dma_start3A_426, %dma_start3A_427] : memref<10016x64xf32, #tpu.memory_space<vmem_shared>> -> memref<10016x64xf32, #tpu.memory_space<vmem_shared>>
        tpu.enqueue_indirect_dma source(%arg9 : memref<128x64xf32, #tpu.memory_space<vmem>>) target(%dma_start3A_428 : memref<10016x64xf32, #tpu.memory_space<vmem_shared>>) offsets(%dma_start3A_425 : memref<128xi32, #tpu.memory_space<vmem>>) semaphore(%run_scoped3A_422 : memref<!tpu.dma_semaphore, #tpu.memory_space<semaphore_mem>>) {add = true}
        %dma_wait3A_429 = arith.constant 0 : i32
        %dma_wait3A_430 = tpu.memref_slice %arg7[%run_scoped3A_317, %run_scoped3A_318, %dma_wait3A_429] : memref<2x8x128xi32, #tpu.memory_space<vmem>> -> memref<1x1x128xi32, #tpu.memory_space<vmem>>
        %dma_wait3A_431 = tpu.memref_squeeze %dma_wait3A_430 : memref<1x1x128xi32, #tpu.memory_space<vmem>> -> memref<128xi32, #tpu.memory_space<vmem>>
        %dma_wait3A_432 = arith.constant 0 : i32
        %dma_wait3A_433 = arith.constant 0 : i32
        %dma_wait3A_434 = tpu.memref_slice %arg11[%dma_wait3A_432, %dma_wait3A_433] : memref<10016x64xf32, #tpu.memory_space<vmem_shared>> -> memref<10016x64xf32, #tpu.memory_space<vmem_shared>>
        tpu.wait_indirect_dma semaphore(%run_scoped3A_422 : memref<!tpu.dma_semaphore, #tpu.memory_space<semaphore_mem>>) src(%arg9 : memref<128x64xf32, #tpu.memory_space<vmem>>) dst(%dma_wait3A_434 : memref<10016x64xf32, #tpu.memory_space<vmem_shared>>)
        tpu.yield
      }) : () -> ()
      %dma_start3A_319 = arith.constant 0 : i32
      %dma_start3A_320 = arith.constant 5 : i32
      %dma_start3A_321 = arith.constant 0 : i32
      %dma_start3A_322 = tpu.memref_slice %arg7[%dma_start3A_319, %dma_start3A_320, %dma_start3A_321] : memref<2x8x128xi32, #tpu.memory_space<vmem>> -> memref<1x1x128xi32, #tpu.memory_space<vmem>>
      %dma_start3A_323 = tpu.memref_squeeze %dma_start3A_322 : memref<1x1x128xi32, #tpu.memory_space<vmem>> -> memref<128xi32, #tpu.memory_space<vmem>>
      %dma_start3A_324 = arith.constant 0 : i32
      %dma_start3A_325 = arith.constant 0 : i32
      %dma_start3A_326 = tpu.memref_slice %arg10[%dma_start3A_324, %dma_start3A_325] : memref<10016x64xf32, #tpu.memory_space<vmem_shared>> -> memref<10016x64xf32, #tpu.memory_space<vmem_shared>>
      tpu.enqueue_indirect_dma source(%dma_start3A_326 : memref<10016x64xf32, #tpu.memory_space<vmem_shared>>) target(%arg9 : memref<128x64xf32, #tpu.memory_space<vmem>>) offsets(%dma_start3A_323 : memref<128xi32, #tpu.memory_space<vmem>>) semaphore(%arg13 : memref<!tpu.dma_semaphore, #tpu.memory_space<semaphore_mem>>)
      %dma_wait3A_327 = arith.constant 0 : i32
      %dma_wait3A_328 = arith.constant 4 : i32
      %dma_wait3A_329 = arith.constant 0 : i32
      %dma_wait3A_330 = tpu.memref_slice %arg7[%dma_wait3A_327, %dma_wait3A_328, %dma_wait3A_329] : memref<2x8x128xi32, #tpu.memory_space<vmem>> -> memref<1x1x128xi32, #tpu.memory_space<vmem>>
      %dma_wait3A_331 = tpu.memref_squeeze %dma_wait3A_330 : memref<1x1x128xi32, #tpu.memory_space<vmem>> -> memref<128xi32, #tpu.memory_space<vmem>>
      %dma_wait3A_332 = arith.constant 0 : i32
      %dma_wait3A_333 = arith.constant 0 : i32
      %dma_wait3A_334 = tpu.memref_slice %arg10[%dma_wait3A_332, %dma_wait3A_333] : memref<10016x64xf32, #tpu.memory_space<vmem_shared>> -> memref<10016x64xf32, #tpu.memory_space<vmem_shared>>
      tpu.wait_indirect_dma semaphore(%arg12 : memref<!tpu.dma_semaphore, #tpu.memory_space<semaphore_mem>>) src(%dma_wait3A_334 : memref<10016x64xf32, #tpu.memory_space<vmem_shared>>) dst(%arg8 : memref<128x64xf32, #tpu.memory_space<vmem>>)
      %run_scoped3A_335 = arith.constant 1 : i32
      %run_scoped3A_336 = arith.constant 4 : i32
      "tpu.region"() ({
        %run_scoped3A_422 = tpu.sem_alloc : memref<!tpu.dma_semaphore, #tpu.memory_space<semaphore_mem>>
        %dma_start3A_423 = arith.constant 0 : i32
        %dma_start3A_424 = tpu.memref_slice %arg7[%run_scoped3A_335, %run_scoped3A_336, %dma_start3A_423] : memref<2x8x128xi32, #tpu.memory_space<vmem>> -> memref<1x1x128xi32, #tpu.memory_space<vmem>>
        %dma_start3A_425 = tpu.memref_squeeze %dma_start3A_424 : memref<1x1x128xi32, #tpu.memory_space<vmem>> -> memref<128xi32, #tpu.memory_space<vmem>>
        %dma_start3A_426 = arith.constant 0 : i32
        %dma_start3A_427 = arith.constant 0 : i32
        %dma_start3A_428 = tpu.memref_slice %arg11[%dma_start3A_426, %dma_start3A_427] : memref<10016x64xf32, #tpu.memory_space<vmem_shared>> -> memref<10016x64xf32, #tpu.memory_space<vmem_shared>>
        tpu.enqueue_indirect_dma source(%arg8 : memref<128x64xf32, #tpu.memory_space<vmem>>) target(%dma_start3A_428 : memref<10016x64xf32, #tpu.memory_space<vmem_shared>>) offsets(%dma_start3A_425 : memref<128xi32, #tpu.memory_space<vmem>>) semaphore(%run_scoped3A_422 : memref<!tpu.dma_semaphore, #tpu.memory_space<semaphore_mem>>) {add = true}
        %dma_wait3A_429 = arith.constant 0 : i32
        %dma_wait3A_430 = tpu.memref_slice %arg7[%run_scoped3A_335, %run_scoped3A_336, %dma_wait3A_429] : memref<2x8x128xi32, #tpu.memory_space<vmem>> -> memref<1x1x128xi32, #tpu.memory_space<vmem>>
        %dma_wait3A_431 = tpu.memref_squeeze %dma_wait3A_430 : memref<1x1x128xi32, #tpu.memory_space<vmem>> -> memref<128xi32, #tpu.memory_space<vmem>>
        %dma_wait3A_432 = arith.constant 0 : i32
        %dma_wait3A_433 = arith.constant 0 : i32
        %dma_wait3A_434 = tpu.memref_slice %arg11[%dma_wait3A_432, %dma_wait3A_433] : memref<10016x64xf32, #tpu.memory_space<vmem_shared>> -> memref<10016x64xf32, #tpu.memory_space<vmem_shared>>
        tpu.wait_indirect_dma semaphore(%run_scoped3A_422 : memref<!tpu.dma_semaphore, #tpu.memory_space<semaphore_mem>>) src(%arg8 : memref<128x64xf32, #tpu.memory_space<vmem>>) dst(%dma_wait3A_434 : memref<10016x64xf32, #tpu.memory_space<vmem_shared>>)
        tpu.yield
      }) : () -> ()
      %dma_start3A_337 = arith.constant 0 : i32
      %dma_start3A_338 = arith.constant 6 : i32
      %dma_start3A_339 = arith.constant 0 : i32
      %dma_start3A_340 = tpu.memref_slice %arg7[%dma_start3A_337, %dma_start3A_338, %dma_start3A_339] : memref<2x8x128xi32, #tpu.memory_space<vmem>> -> memref<1x1x128xi32, #tpu.memory_space<vmem>>
      %dma_start3A_341 = tpu.memref_squeeze %dma_start3A_340 : memref<1x1x128xi32, #tpu.memory_space<vmem>> -> memref<128xi32, #tpu.memory_space<vmem>>
      %dma_start3A_342 = arith.constant 0 : i32
      %dma_start3A_343 = arith.constant 0 : i32
      %dma_start3A_344 = tpu.memref_slice %arg10[%dma_start3A_342, %dma_start3A_343] : memref<10016x64xf32, #tpu.memory_space<vmem_shared>> -> memref<10016x64xf32, #tpu.memory_space<vmem_shared>>
      tpu.enqueue_indirect_dma source(%dma_start3A_344 : memref<10016x64xf32, #tpu.memory_space<vmem_shared>>) target(%arg8 : memref<128x64xf32, #tpu.memory_space<vmem>>) offsets(%dma_start3A_341 : memref<128xi32, #tpu.memory_space<vmem>>) semaphore(%arg12 : memref<!tpu.dma_semaphore, #tpu.memory_space<semaphore_mem>>)
      %dma_wait3A_345 = arith.constant 0 : i32
      %dma_wait3A_346 = arith.constant 5 : i32
      %dma_wait3A_347 = arith.constant 0 : i32
      %dma_wait3A_348 = tpu.memref_slice %arg7[%dma_wait3A_345, %dma_wait3A_346, %dma_wait3A_347] : memref<2x8x128xi32, #tpu.memory_space<vmem>> -> memref<1x1x128xi32, #tpu.memory_space<vmem>>
      %dma_wait3A_349 = tpu.memref_squeeze %dma_wait3A_348 : memref<1x1x128xi32, #tpu.memory_space<vmem>> -> memref<128xi32, #tpu.memory_space<vmem>>
      %dma_wait3A_350 = arith.constant 0 : i32
      %dma_wait3A_351 = arith.constant 0 : i32
      %dma_wait3A_352 = tpu.memref_slice %arg10[%dma_wait3A_350, %dma_wait3A_351] : memref<10016x64xf32, #tpu.memory_space<vmem_shared>> -> memref<10016x64xf32, #tpu.memory_space<vmem_shared>>
      tpu.wait_indirect_dma semaphore(%arg13 : memref<!tpu.dma_semaphore, #tpu.memory_space<semaphore_mem>>) src(%dma_wait3A_352 : memref<10016x64xf32, #tpu.memory_space<vmem_shared>>) dst(%arg9 : memref<128x64xf32, #tpu.memory_space<vmem>>)
      %run_scoped3A_353 = arith.constant 1 : i32
      %run_scoped3A_354 = arith.constant 5 : i32
      "tpu.region"() ({
        %run_scoped3A_422 = tpu.sem_alloc : memref<!tpu.dma_semaphore, #tpu.memory_space<semaphore_mem>>
        %dma_start3A_423 = arith.constant 0 : i32
        %dma_start3A_424 = tpu.memref_slice %arg7[%run_scoped3A_353, %run_scoped3A_354, %dma_start3A_423] : memref<2x8x128xi32, #tpu.memory_space<vmem>> -> memref<1x1x128xi32, #tpu.memory_space<vmem>>
        %dma_start3A_425 = tpu.memref_squeeze %dma_start3A_424 : memref<1x1x128xi32, #tpu.memory_space<vmem>> -> memref<128xi32, #tpu.memory_space<vmem>>
        %dma_start3A_426 = arith.constant 0 : i32
        %dma_start3A_427 = arith.constant 0 : i32
        %dma_start3A_428 = tpu.memref_slice %arg11[%dma_start3A_426, %dma_start3A_427] : memref<10016x64xf32, #tpu.memory_space<vmem_shared>> -> memref<10016x64xf32, #tpu.memory_space<vmem_shared>>
        tpu.enqueue_indirect_dma source(%arg9 : memref<128x64xf32, #tpu.memory_space<vmem>>) target(%dma_start3A_428 : memref<10016x64xf32, #tpu.memory_space<vmem_shared>>) offsets(%dma_start3A_425 : memref<128xi32, #tpu.memory_space<vmem>>) semaphore(%run_scoped3A_422 : memref<!tpu.dma_semaphore, #tpu.memory_space<semaphore_mem>>) {add = true}
        %dma_wait3A_429 = arith.constant 0 : i32
        %dma_wait3A_430 = tpu.memref_slice %arg7[%run_scoped3A_353, %run_scoped3A_354, %dma_wait3A_429] : memref<2x8x128xi32, #tpu.memory_space<vmem>> -> memref<1x1x128xi32, #tpu.memory_space<vmem>>
        %dma_wait3A_431 = tpu.memref_squeeze %dma_wait3A_430 : memref<1x1x128xi32, #tpu.memory_space<vmem>> -> memref<128xi32, #tpu.memory_space<vmem>>
        %dma_wait3A_432 = arith.constant 0 : i32
        %dma_wait3A_433 = arith.constant 0 : i32
        %dma_wait3A_434 = tpu.memref_slice %arg11[%dma_wait3A_432, %dma_wait3A_433] : memref<10016x64xf32, #tpu.memory_space<vmem_shared>> -> memref<10016x64xf32, #tpu.memory_space<vmem_shared>>
        tpu.wait_indirect_dma semaphore(%run_scoped3A_422 : memref<!tpu.dma_semaphore, #tpu.memory_space<semaphore_mem>>) src(%arg9 : memref<128x64xf32, #tpu.memory_space<vmem>>) dst(%dma_wait3A_434 : memref<10016x64xf32, #tpu.memory_space<vmem_shared>>)
        tpu.yield
      }) : () -> ()
      %dma_start3A_355 = arith.constant 0 : i32
      %dma_start3A_356 = arith.constant 7 : i32
      %dma_start3A_357 = arith.constant 0 : i32
      %dma_start3A_358 = tpu.memref_slice %arg7[%dma_start3A_355, %dma_start3A_356, %dma_start3A_357] : memref<2x8x128xi32, #tpu.memory_space<vmem>> -> memref<1x1x128xi32, #tpu.memory_space<vmem>>
      %dma_start3A_359 = tpu.memref_squeeze %dma_start3A_358 : memref<1x1x128xi32, #tpu.memory_space<vmem>> -> memref<128xi32, #tpu.memory_space<vmem>>
      %dma_start3A_360 = arith.constant 0 : i32
      %dma_start3A_361 = arith.constant 0 : i32
      %dma_start3A_362 = tpu.memref_slice %arg10[%dma_start3A_360, %dma_start3A_361] : memref<10016x64xf32, #tpu.memory_space<vmem_shared>> -> memref<10016x64xf32, #tpu.memory_space<vmem_shared>>
      tpu.enqueue_indirect_dma source(%dma_start3A_362 : memref<10016x64xf32, #tpu.memory_space<vmem_shared>>) target(%arg9 : memref<128x64xf32, #tpu.memory_space<vmem>>) offsets(%dma_start3A_359 : memref<128xi32, #tpu.memory_space<vmem>>) semaphore(%arg13 : memref<!tpu.dma_semaphore, #tpu.memory_space<semaphore_mem>>)
      %dma_wait3A_363 = arith.constant 0 : i32
      %dma_wait3A_364 = arith.constant 0 : i32
      %dma_wait3A_365 = arith.constant 0 : i32
      %dma_wait3A_366 = arith.constant 0 : i32
      %dma_wait3A_367 = tpu.memref_slice %arg3[%arg1, %dma_wait3A_363, %dma_wait3A_364, %dma_wait3A_365, %dma_wait3A_366] : memref<16x22x2x8x128xi32, #tpu.memory_space<hbm>> -> memref<1x1x2x8x128xi32, #tpu.memory_space<hbm>>
      %dma_wait3A_368 = tpu.memref_squeeze %dma_wait3A_367 : memref<1x1x2x8x128xi32, #tpu.memory_space<hbm>> -> memref<2x8x128xi32, #tpu.memory_space<hbm>>
      %dma_wait3A_369 = arith.constant 0 : i32
      %dma_wait3A_370 = arith.constant 0 : i32
      %dma_wait3A_371 = arith.constant 0 : i32
      %dma_wait3A_372 = tpu.memref_slice %arg3[%arg1, %dma_wait3A_363, %dma_wait3A_369, %dma_wait3A_370, %dma_wait3A_371] : memref<16x22x2x8x128xi32, #tpu.memory_space<hbm>> -> memref<1x1x2x8x128xi32, #tpu.memory_space<hbm>>
      %dma_wait3A_373 = tpu.memref_squeeze %dma_wait3A_372 : memref<1x1x2x8x128xi32, #tpu.memory_space<hbm>> -> memref<2x8x128xi32, #tpu.memory_space<hbm>>
      tpu.wait_dma2 semaphore(%arg14 : memref<!tpu.dma_semaphore, #tpu.memory_space<semaphore_mem>>) src(%dma_wait3A_373 : memref<2x8x128xi32, #tpu.memory_space<hbm>>) dst(%arg6 : memref<2x8x128xi32, #tpu.memory_space<vmem>>)
      %dma_wait3A_374 = arith.constant 0 : i32
      %dma_wait3A_375 = arith.constant 6 : i32
      %dma_wait3A_376 = arith.constant 0 : i32
      %dma_wait3A_377 = tpu.memref_slice %arg7[%dma_wait3A_374, %dma_wait3A_375, %dma_wait3A_376] : memref<2x8x128xi32, #tpu.memory_space<vmem>> -> memref<1x1x128xi32, #tpu.memory_space<vmem>>
      %dma_wait3A_378 = tpu.memref_squeeze %dma_wait3A_377 : memref<1x1x128xi32, #tpu.memory_space<vmem>> -> memref<128xi32, #tpu.memory_space<vmem>>
      %dma_wait3A_379 = arith.constant 0 : i32
      %dma_wait3A_380 = arith.constant 0 : i32
      %dma_wait3A_381 = tpu.memref_slice %arg10[%dma_wait3A_379, %dma_wait3A_380] : memref<10016x64xf32, #tpu.memory_space<vmem_shared>> -> memref<10016x64xf32, #tpu.memory_space<vmem_shared>>
      tpu.wait_indirect_dma semaphore(%arg12 : memref<!tpu.dma_semaphore, #tpu.memory_space<semaphore_mem>>) src(%dma_wait3A_381 : memref<10016x64xf32, #tpu.memory_space<vmem_shared>>) dst(%arg8 : memref<128x64xf32, #tpu.memory_space<vmem>>)
      %run_scoped3A_382 = arith.constant 1 : i32
      %run_scoped3A_383 = arith.constant 6 : i32
      "tpu.region"() ({
        %run_scoped3A_422 = tpu.sem_alloc : memref<!tpu.dma_semaphore, #tpu.memory_space<semaphore_mem>>
        %dma_start3A_423 = arith.constant 0 : i32
        %dma_start3A_424 = tpu.memref_slice %arg7[%run_scoped3A_382, %run_scoped3A_383, %dma_start3A_423] : memref<2x8x128xi32, #tpu.memory_space<vmem>> -> memref<1x1x128xi32, #tpu.memory_space<vmem>>
        %dma_start3A_425 = tpu.memref_squeeze %dma_start3A_424 : memref<1x1x128xi32, #tpu.memory_space<vmem>> -> memref<128xi32, #tpu.memory_space<vmem>>
        %dma_start3A_426 = arith.constant 0 : i32
        %dma_start3A_427 = arith.constant 0 : i32
        %dma_start3A_428 = tpu.memref_slice %arg11[%dma_start3A_426, %dma_start3A_427] : memref<10016x64xf32, #tpu.memory_space<vmem_shared>> -> memref<10016x64xf32, #tpu.memory_space<vmem_shared>>
        tpu.enqueue_indirect_dma source(%arg8 : memref<128x64xf32, #tpu.memory_space<vmem>>) target(%dma_start3A_428 : memref<10016x64xf32, #tpu.memory_space<vmem_shared>>) offsets(%dma_start3A_425 : memref<128xi32, #tpu.memory_space<vmem>>) semaphore(%run_scoped3A_422 : memref<!tpu.dma_semaphore, #tpu.memory_space<semaphore_mem>>) {add = true}
        %dma_wait3A_429 = arith.constant 0 : i32
        %dma_wait3A_430 = tpu.memref_slice %arg7[%run_scoped3A_382, %run_scoped3A_383, %dma_wait3A_429] : memref<2x8x128xi32, #tpu.memory_space<vmem>> -> memref<1x1x128xi32, #tpu.memory_space<vmem>>
        %dma_wait3A_431 = tpu.memref_squeeze %dma_wait3A_430 : memref<1x1x128xi32, #tpu.memory_space<vmem>> -> memref<128xi32, #tpu.memory_space<vmem>>
        %dma_wait3A_432 = arith.constant 0 : i32
        %dma_wait3A_433 = arith.constant 0 : i32
        %dma_wait3A_434 = tpu.memref_slice %arg11[%dma_wait3A_432, %dma_wait3A_433] : memref<10016x64xf32, #tpu.memory_space<vmem_shared>> -> memref<10016x64xf32, #tpu.memory_space<vmem_shared>>
        tpu.wait_indirect_dma semaphore(%run_scoped3A_422 : memref<!tpu.dma_semaphore, #tpu.memory_space<semaphore_mem>>) src(%arg8 : memref<128x64xf32, #tpu.memory_space<vmem>>) dst(%dma_wait3A_434 : memref<10016x64xf32, #tpu.memory_space<vmem_shared>>)
        tpu.yield
      }) : () -> ()
      %dma_start3A_384 = arith.constant 0 : i32
      %dma_start3A_385 = arith.constant 0 : i32
      %dma_start3A_386 = arith.constant 0 : i32
      %dma_start3A_387 = tpu.memref_slice %arg6[%dma_start3A_384, %dma_start3A_385, %dma_start3A_386] : memref<2x8x128xi32, #tpu.memory_space<vmem>> -> memref<1x1x128xi32, #tpu.memory_space<vmem>>
      %dma_start3A_388 = tpu.memref_squeeze %dma_start3A_387 : memref<1x1x128xi32, #tpu.memory_space<vmem>> -> memref<128xi32, #tpu.memory_space<vmem>>
      %dma_start3A_389 = arith.constant 0 : i32
      %dma_start3A_390 = arith.constant 0 : i32
      %dma_start3A_391 = tpu.memref_slice %arg10[%dma_start3A_389, %dma_start3A_390] : memref<10016x64xf32, #tpu.memory_space<vmem_shared>> -> memref<10016x64xf32, #tpu.memory_space<vmem_shared>>
      tpu.enqueue_indirect_dma source(%dma_start3A_391 : memref<10016x64xf32, #tpu.memory_space<vmem_shared>>) target(%arg8 : memref<128x64xf32, #tpu.memory_space<vmem>>) offsets(%dma_start3A_388 : memref<128xi32, #tpu.memory_space<vmem>>) semaphore(%arg12 : memref<!tpu.dma_semaphore, #tpu.memory_space<semaphore_mem>>)
      %dma_wait3A_392 = arith.constant 0 : i32
      %dma_wait3A_393 = arith.constant 7 : i32
      %dma_wait3A_394 = arith.constant 0 : i32
      %dma_wait3A_395 = tpu.memref_slice %arg7[%dma_wait3A_392, %dma_wait3A_393, %dma_wait3A_394] : memref<2x8x128xi32, #tpu.memory_space<vmem>> -> memref<1x1x128xi32, #tpu.memory_space<vmem>>
      %dma_wait3A_396 = tpu.memref_squeeze %dma_wait3A_395 : memref<1x1x128xi32, #tpu.memory_space<vmem>> -> memref<128xi32, #tpu.memory_space<vmem>>
      %dma_wait3A_397 = arith.constant 0 : i32
      %dma_wait3A_398 = arith.constant 0 : i32
      %dma_wait3A_399 = tpu.memref_slice %arg10[%dma_wait3A_397, %dma_wait3A_398] : memref<10016x64xf32, #tpu.memory_space<vmem_shared>> -> memref<10016x64xf32, #tpu.memory_space<vmem_shared>>
      tpu.wait_indirect_dma semaphore(%arg13 : memref<!tpu.dma_semaphore, #tpu.memory_space<semaphore_mem>>) src(%dma_wait3A_399 : memref<10016x64xf32, #tpu.memory_space<vmem_shared>>) dst(%arg9 : memref<128x64xf32, #tpu.memory_space<vmem>>)
      %run_scoped3A_400 = arith.constant 1 : i32
      %run_scoped3A_401 = arith.constant 7 : i32
      "tpu.region"() ({
        %run_scoped3A_422 = tpu.sem_alloc : memref<!tpu.dma_semaphore, #tpu.memory_space<semaphore_mem>>
        %dma_start3A_423 = arith.constant 0 : i32
        %dma_start3A_424 = tpu.memref_slice %arg7[%run_scoped3A_400, %run_scoped3A_401, %dma_start3A_423] : memref<2x8x128xi32, #tpu.memory_space<vmem>> -> memref<1x1x128xi32, #tpu.memory_space<vmem>>
        %dma_start3A_425 = tpu.memref_squeeze %dma_start3A_424 : memref<1x1x128xi32, #tpu.memory_space<vmem>> -> memref<128xi32, #tpu.memory_space<vmem>>
        %dma_start3A_426 = arith.constant 0 : i32
        %dma_start3A_427 = arith.constant 0 : i32
        %dma_start3A_428 = tpu.memref_slice %arg11[%dma_start3A_426, %dma_start3A_427] : memref<10016x64xf32, #tpu.memory_space<vmem_shared>> -> memref<10016x64xf32, #tpu.memory_space<vmem_shared>>
        tpu.enqueue_indirect_dma source(%arg9 : memref<128x64xf32, #tpu.memory_space<vmem>>) target(%dma_start3A_428 : memref<10016x64xf32, #tpu.memory_space<vmem_shared>>) offsets(%dma_start3A_425 : memref<128xi32, #tpu.memory_space<vmem>>) semaphore(%run_scoped3A_422 : memref<!tpu.dma_semaphore, #tpu.memory_space<semaphore_mem>>) {add = true}
        %dma_wait3A_429 = arith.constant 0 : i32
        %dma_wait3A_430 = tpu.memref_slice %arg7[%run_scoped3A_400, %run_scoped3A_401, %dma_wait3A_429] : memref<2x8x128xi32, #tpu.memory_space<vmem>> -> memref<1x1x128xi32, #tpu.memory_space<vmem>>
        %dma_wait3A_431 = tpu.memref_squeeze %dma_wait3A_430 : memref<1x1x128xi32, #tpu.memory_space<vmem>> -> memref<128xi32, #tpu.memory_space<vmem>>
        %dma_wait3A_432 = arith.constant 0 : i32
        %dma_wait3A_433 = arith.constant 0 : i32
        %dma_wait3A_434 = tpu.memref_slice %arg11[%dma_wait3A_432, %dma_wait3A_433] : memref<10016x64xf32, #tpu.memory_space<vmem_shared>> -> memref<10016x64xf32, #tpu.memory_space<vmem_shared>>
        tpu.wait_indirect_dma semaphore(%run_scoped3A_422 : memref<!tpu.dma_semaphore, #tpu.memory_space<semaphore_mem>>) src(%arg9 : memref<128x64xf32, #tpu.memory_space<vmem>>) dst(%dma_wait3A_434 : memref<10016x64xf32, #tpu.memory_space<vmem_shared>>)
        tpu.yield
      }) : () -> ()
      %dma_start3A_402 = arith.constant 0 : i32
      %dma_start3A_403 = arith.constant 1 : i32
      %dma_start3A_404 = arith.constant 0 : i32
      %dma_start3A_405 = tpu.memref_slice %arg6[%dma_start3A_402, %dma_start3A_403, %dma_start3A_404] : memref<2x8x128xi32, #tpu.memory_space<vmem>> -> memref<1x1x128xi32, #tpu.memory_space<vmem>>
      %dma_start3A_406 = tpu.memref_squeeze %dma_start3A_405 : memref<1x1x128xi32, #tpu.memory_space<vmem>> -> memref<128xi32, #tpu.memory_space<vmem>>
      %dma_start3A_407 = arith.constant 0 : i32
      %dma_start3A_408 = arith.constant 0 : i32
      %dma_start3A_409 = tpu.memref_slice %arg10[%dma_start3A_407, %dma_start3A_408] : memref<10016x64xf32, #tpu.memory_space<vmem_shared>> -> memref<10016x64xf32, #tpu.memory_space<vmem_shared>>
      tpu.enqueue_indirect_dma source(%dma_start3A_409 : memref<10016x64xf32, #tpu.memory_space<vmem_shared>>) target(%arg9 : memref<128x64xf32, #tpu.memory_space<vmem>>) offsets(%dma_start3A_406 : memref<128xi32, #tpu.memory_space<vmem>>) semaphore(%arg13 : memref<!tpu.dma_semaphore, #tpu.memory_space<semaphore_mem>>)
      %add3A_410 = arith.constant 2 : i32
      %add3A_411 = arith.addi %add3A_254, %add3A_410 : i32
      %dma_start3A_412 = arith.constant 0 : i32
      %dma_start3A_413 = arith.constant 0 : i32
      %dma_start3A_414 = arith.constant 0 : i32
      %dma_start3A_415 = tpu.memref_slice %arg3[%arg1, %add3A_411, %dma_start3A_412, %dma_start3A_413, %dma_start3A_414] : memref<16x22x2x8x128xi32, #tpu.memory_space<hbm>> -> memref<1x1x2x8x128xi32, #tpu.memory_space<hbm>>
      %dma_start3A_416 = tpu.memref_squeeze %dma_start3A_415 : memref<1x1x2x8x128xi32, #tpu.memory_space<hbm>> -> memref<2x8x128xi32, #tpu.memory_space<hbm>>
      %dma_start3A_417 = arith.constant 0 : i32
      %dma_start3A_418 = arith.constant 0 : i32
      %dma_start3A_419 = arith.constant 0 : i32
      %dma_start3A_420 = tpu.memref_slice %arg3[%arg1, %add3A_411, %dma_start3A_417, %dma_start3A_418, %dma_start3A_419] : memref<16x22x2x8x128xi32, #tpu.memory_space<hbm>> -> memref<1x1x2x8x128xi32, #tpu.memory_space<hbm>>
      %dma_start3A_421 = tpu.memref_squeeze %dma_start3A_420 : memref<1x1x2x8x128xi32, #tpu.memory_space<hbm>> -> memref<2x8x128xi32, #tpu.memory_space<hbm>>
      tpu.enqueue_dma source(%dma_start3A_421 : memref<2x8x128xi32, #tpu.memory_space<hbm>>) target(%arg7 : memref<2x8x128xi32, #tpu.memory_space<vmem>>) target_semaphore(%arg15 : memref<!tpu.dma_semaphore, #tpu.memory_space<semaphore_mem>>)
    }
    %scan3A_54 = arith.constant 10 : i32
    %dma_wait3A_55 = arith.constant 0 : i32
    %dma_wait3A_56 = arith.constant 0 : i32
    %dma_wait3A_57 = arith.constant 0 : i32
    %dma_wait3A_58 = tpu.memref_slice %arg6[%dma_wait3A_55, %dma_wait3A_56, %dma_wait3A_57] : memref<2x8x128xi32, #tpu.memory_space<vmem>> -> memref<1x1x128xi32, #tpu.memory_space<vmem>>
    %dma_wait3A_59 = tpu.memref_squeeze %dma_wait3A_58 : memref<1x1x128xi32, #tpu.memory_space<vmem>> -> memref<128xi32, #tpu.memory_space<vmem>>
    %dma_wait3A_60 = arith.constant 0 : i32
    %dma_wait3A_61 = arith.constant 0 : i32
    %dma_wait3A_62 = tpu.memref_slice %arg10[%dma_wait3A_60, %dma_wait3A_61] : memref<10016x64xf32, #tpu.memory_space<vmem_shared>> -> memref<10016x64xf32, #tpu.memory_space<vmem_shared>>
    tpu.wait_indirect_dma semaphore(%arg12 : memref<!tpu.dma_semaphore, #tpu.memory_space<semaphore_mem>>) src(%dma_wait3A_62 : memref<10016x64xf32, #tpu.memory_space<vmem_shared>>) dst(%arg8 : memref<128x64xf32, #tpu.memory_space<vmem>>)
    %dma_wait3A_63 = arith.constant 0 : i32
    %dma_wait3A_64 = arith.constant 0 : i32
    %dma_wait3A_65 = arith.constant 0 : i32
    %dma_wait3A_66 = tpu.memref_slice %arg6[%dma_wait3A_63, %dma_wait3A_64, %dma_wait3A_65] : memref<2x8x128xi32, #tpu.memory_space<vmem>> -> memref<1x1x128xi32, #tpu.memory_space<vmem>>
    %dma_wait3A_67 = tpu.memref_squeeze %dma_wait3A_66 : memref<1x1x128xi32, #tpu.memory_space<vmem>> -> memref<128xi32, #tpu.memory_space<vmem>>
    %dma_wait3A_68 = arith.constant 0 : i32
    %dma_wait3A_69 = arith.constant 0 : i32
    %dma_wait3A_70 = tpu.memref_slice %arg10[%dma_wait3A_68, %dma_wait3A_69] : memref<10016x64xf32, #tpu.memory_space<vmem_shared>> -> memref<10016x64xf32, #tpu.memory_space<vmem_shared>>
    tpu.wait_indirect_dma semaphore(%arg13 : memref<!tpu.dma_semaphore, #tpu.memory_space<semaphore_mem>>) src(%dma_wait3A_70 : memref<10016x64xf32, #tpu.memory_space<vmem_shared>>) dst(%arg9 : memref<128x64xf32, #tpu.memory_space<vmem>>)
    %dma_wait3A_71 = arith.constant 0 : i32
    %dma_wait3A_72 = arith.constant 0 : i32
    %dma_wait3A_73 = arith.constant 0 : i32
    %dma_wait3A_74 = arith.constant 0 : i32
    %dma_wait3A_75 = tpu.memref_slice %arg3[%arg1, %dma_wait3A_71, %dma_wait3A_72, %dma_wait3A_73, %dma_wait3A_74] : memref<16x22x2x8x128xi32, #tpu.memory_space<hbm>> -> memref<1x1x2x8x128xi32, #tpu.memory_space<hbm>>
    %dma_wait3A_76 = tpu.memref_squeeze %dma_wait3A_75 : memref<1x1x2x8x128xi32, #tpu.memory_space<hbm>> -> memref<2x8x128xi32, #tpu.memory_space<hbm>>
    %dma_wait3A_77 = arith.constant 0 : i32
    %dma_wait3A_78 = arith.constant 0 : i32
    %dma_wait3A_79 = arith.constant 0 : i32
    %dma_wait3A_80 = tpu.memref_slice %arg3[%arg1, %dma_wait3A_71, %dma_wait3A_77, %dma_wait3A_78, %dma_wait3A_79] : memref<16x22x2x8x128xi32, #tpu.memory_space<hbm>> -> memref<1x1x2x8x128xi32, #tpu.memory_space<hbm>>
    %dma_wait3A_81 = tpu.memref_squeeze %dma_wait3A_80 : memref<1x1x2x8x128xi32, #tpu.memory_space<hbm>> -> memref<2x8x128xi32, #tpu.memory_space<hbm>>
    tpu.wait_dma2 semaphore(%arg15 : memref<!tpu.dma_semaphore, #tpu.memory_space<semaphore_mem>>) src(%dma_wait3A_81 : memref<2x8x128xi32, #tpu.memory_space<hbm>>) dst(%arg7 : memref<2x8x128xi32, #tpu.memory_space<vmem>>)
    %barrier3A_82 = arith.constant 0 : index
    tpu.barrier barrier_id(%barrier3A_82)
    "tpu.region"() ({
      %run_scoped3A = tpu.sem_alloc : memref<!tpu.dma_semaphore, #tpu.memory_space<semaphore_mem>>
      %dma_start3A_83 = arith.constant 0 : i32
      %dma_start3A_84 = tpu.memref_slice %arg5[%arg0, %mul3A_0, %dma_start3A_83] : memref<2x10016x64xf32, #tpu.memory_space<hbm>> -> memref<1x626x64xf32, #tpu.memory_space<hbm>>
      %dma_start3A_85 = tpu.memref_squeeze %dma_start3A_84 : memref<1x626x64xf32, #tpu.memory_space<hbm>> -> memref<626x64xf32, #tpu.memory_space<hbm>>
      %dma_start3A_86 = arith.constant 0 : i32
      %dma_start3A_87 = tpu.memref_slice %arg11[%mul3A_0, %dma_start3A_86] : memref<10016x64xf32, #tpu.memory_space<vmem_shared>> -> memref<626x64xf32, #tpu.memory_space<vmem_shared>>
      tpu.enqueue_dma source(%dma_start3A_87 : memref<626x64xf32, #tpu.memory_space<vmem_shared>>) target(%dma_start3A_85 : memref<626x64xf32, #tpu.memory_space<hbm>>) target_semaphore(%run_scoped3A : memref<!tpu.dma_semaphore, #tpu.memory_space<semaphore_mem>>)
      %dma_wait3A_88 = arith.constant 0 : i32
      %dma_wait3A_89 = tpu.memref_slice %arg5[%arg0, %mul3A_0, %dma_wait3A_88] : memref<2x10016x64xf32, #tpu.memory_space<hbm>> -> memref<1x626x64xf32, #tpu.memory_space<hbm>>
      %dma_wait3A_90 = tpu.memref_squeeze %dma_wait3A_89 : memref<1x626x64xf32, #tpu.memory_space<hbm>> -> memref<626x64xf32, #tpu.memory_space<hbm>>
      %dma_wait3A_91 = arith.constant 0 : i32
      %dma_wait3A_92 = tpu.memref_slice %arg11[%mul3A_0, %dma_wait3A_91] : memref<10016x64xf32, #tpu.memory_space<vmem_shared>> -> memref<626x64xf32, #tpu.memory_space<vmem_shared>>
      tpu.wait_dma2 semaphore(%run_scoped3A : memref<!tpu.dma_semaphore, #tpu.memory_space<semaphore_mem>>) src(%dma_wait3A_92 : memref<626x64xf32, #tpu.memory_space<vmem_shared>>) dst(%dma_wait3A_90 : memref<626x64xf32, #tpu.memory_space<hbm>>)
      tpu.yield
    }) : () -> ()
    return
  }
}

module attributes {stable_mosaic.version = 14 : i64} {
  func.func @_tc0_body(%arg0: i32, %arg1: memref<2x2504x64xf32, #tpu.memory_space<vmem>>, %arg2: memref<2x2504x8xf32, #tpu.memory_space<vmem>>, %arg3: memref<2504x128xf32, #tpu.memory_space<vmem>>, %arg4: memref<128x128xf32, #tpu.memory_space<vmem>>, %arg5: memref<128x128xf32, #tpu.memory_space<vmem>>, %arg6: memref<1x128xf32, #tpu.memory_space<vmem>>, %arg7: memref<2504x128xf32, #tpu.memory_space<vmem>>, %arg8: memref<2504x1xf32, #tpu.memory_space<vmem>>) attributes {dimension_semantics = [#tpu.dimension_semantics<arbitrary>], iteration_bounds = array<i64: 4>, scalar_prefetch = 0 : i64, scratch_operands = 0 : i64, tpu.core_type = #tpu.core_type<tc>, window_params = [{transform_indices = @transform_0, window_bounds = array<i64: 2, 2504, 64>}, {transform_indices = @transform_1, window_bounds = array<i64: 2, 2504, 8>}, {transform_indices = @transform_2, window_bounds = array<i64: 2504, 128>}, {pipeline_mode = #tpu.pipeline_mode<synchronous>, transform_indices = @transform_3, window_bounds = array<i64: 128, 128>}, {pipeline_mode = #tpu.pipeline_mode<synchronous>, transform_indices = @transform_4, window_bounds = array<i64: 128, 128>}, {pipeline_mode = #tpu.pipeline_mode<synchronous>, transform_indices = @transform_5, window_bounds = array<i64: 1, 128>}, {transform_indices = @transform_6, window_bounds = array<i64: 2504, 128>}, {transform_indices = @transform_7, window_bounds = array<i64: 2504, 1>}]} {
    %get3A = arith.constant 0 : index
    %get3A_0 = arith.constant 0 : index
    %get3A_1 = arith.constant 0 : index
    %get3A_2 = vector.load %arg1[%get3A, %get3A_0, %get3A_1] : memref<2x2504x64xf32, #tpu.memory_space<vmem>>, vector<1x2504x64xf32>
    %get3A_3 = vector.shape_cast %get3A_2 : vector<1x2504x64xf32> to vector<2504x64xf32>
    %get3A_4 = arith.constant 1 : index
    %get3A_5 = arith.constant 0 : index
    %get3A_6 = arith.constant 0 : index
    %get3A_7 = vector.load %arg1[%get3A_4, %get3A_5, %get3A_6] : memref<2x2504x64xf32, #tpu.memory_space<vmem>>, vector<1x2504x64xf32>
    %get3A_8 = vector.shape_cast %get3A_7 : vector<1x2504x64xf32> to vector<2504x64xf32>
    %concatenate3A = tpu.concatenate %get3A_3, %get3A_8 in 1 : vector<2504x64xf32>, vector<2504x64xf32> -> vector<2504x128xf32>
    %get3A_9 = arith.constant 0 : index
    %get3A_10 = arith.constant 0 : index
    %get3A_11 = arith.constant 0 : index
    %get3A_12 = vector.load %arg2[%get3A_9, %get3A_10, %get3A_11] : memref<2x2504x8xf32, #tpu.memory_space<vmem>>, vector<1x2504x1xf32>
    %get3A_13 = vector.shape_cast %get3A_12 : vector<1x2504x1xf32> to vector<2504x1xf32>
    %get3A_14 = arith.constant 1 : index
    %get3A_15 = arith.constant 0 : index
    %get3A_16 = arith.constant 0 : index
    %get3A_17 = vector.load %arg2[%get3A_14, %get3A_15, %get3A_16] : memref<2x2504x8xf32, #tpu.memory_space<vmem>>, vector<1x2504x1xf32>
    %get3A_18 = vector.shape_cast %get3A_17 : vector<1x2504x1xf32> to vector<2504x1xf32>
    %add3A = arith.addf %get3A_13, %get3A_18 : vector<2504x1xf32>
    %max3A = arith.constant 1.000000e+00 : f32
    %max3A_19 = vector.broadcast %max3A : f32 to vector<2504x1xf32>
    %max3A_20 = arith.maximumf %add3A, %max3A_19 : vector<2504x1xf32>
    %div3A = arith.constant 1.000000e+00 : f32
    %div3A_21 = vector.broadcast %div3A : f32 to vector<2504x1xf32>
    %div3A_22 = arith.divf %div3A_21, %max3A_20 : vector<2504x1xf32>
    %mul3A = vector.broadcast %div3A_22 : vector<2504x1xf32> to vector<2504x128xf32>
    %mul3A_23 = arith.mulf %concatenate3A, %mul3A : vector<2504x128xf32>
    %get3A_24 = arith.constant 0 : index
    %get3A_25 = arith.constant 0 : index
    %get3A_26 = vector.load %arg4[%get3A_24, %get3A_25] : memref<128x128xf32, #tpu.memory_space<vmem>>, vector<128x128xf32>
    %dot_general3A = arith.constant dense<0.000000e+00> : vector<2504x128xf32>
    %dot_general3A_27 = tpu.matmul %mul3A_23, %get3A_26, %dot_general3A {dimension_numbers = #tpu.dot_dimension_numbers<[1], [0], [0], [1], [0, 0, 1, 1], [], []>, transpose_lhs_hint = false} : vector<2504x128xf32>, vector<128x128xf32>, vector<2504x128xf32> -> vector<2504x128xf32>
    %get3A_28 = arith.constant 0 : index
    %get3A_29 = arith.constant 0 : index
    %get3A_30 = vector.load %arg3[%get3A_28, %get3A_29] : memref<2504x128xf32, #tpu.memory_space<vmem>>, vector<2504x128xf32>
    %get3A_31 = arith.constant 0 : index
    %get3A_32 = arith.constant 0 : index
    %get3A_33 = vector.load %arg5[%get3A_31, %get3A_32] : memref<128x128xf32, #tpu.memory_space<vmem>>, vector<128x128xf32>
    %dot_general3A_34 = arith.constant dense<0.000000e+00> : vector<2504x128xf32>
    %dot_general3A_35 = tpu.matmul %get3A_30, %get3A_33, %dot_general3A_34 {dimension_numbers = #tpu.dot_dimension_numbers<[1], [0], [0], [1], [0, 0, 1, 1], [], []>, transpose_lhs_hint = false} : vector<2504x128xf32>, vector<128x128xf32>, vector<2504x128xf32> -> vector<2504x128xf32>
    %add3A_36 = arith.addf %dot_general3A_27, %dot_general3A_35 : vector<2504x128xf32>
    %get3A_37 = arith.constant 0 : index
    %get3A_38 = arith.constant 0 : index
    %get3A_39 = vector.load %arg6[%get3A_37, %get3A_38] : memref<1x128xf32, #tpu.memory_space<vmem>>, vector<1x128xf32>
    %add3A_40 = vector.broadcast %get3A_39 : vector<1x128xf32> to vector<2504x128xf32>
    %add3A_41 = arith.addf %add3A_36, %add3A_40 : vector<2504x128xf32>
    %max3A_42 = arith.constant 0.000000e+00 : f32
    %max3A_43 = vector.broadcast %max3A_42 : f32 to vector<2504x128xf32>
    %max3A_44 = arith.maximumf %add3A_41, %max3A_43 : vector<2504x128xf32>
    %swap3A = arith.constant 0 : index
    %swap3A_45 = arith.constant 0 : index
    %swap3A_46 = vector.load %arg7[%swap3A, %swap3A_45] : memref<2504x128xf32, #tpu.memory_space<vmem>>, vector<2504x128xf32>
    tpu.vector_store %arg7[%swap3A, %swap3A_45], %max3A_44 {strides = array<i32>} : memref<2504x128xf32, #tpu.memory_space<vmem>>, vector<2504x128xf32>,
    %swap3A_47 = arith.constant 0 : index
    %swap3A_48 = arith.constant 0 : index
    %swap3A_49 = vector.load %arg8[%swap3A_47, %swap3A_48] : memref<2504x1xf32, #tpu.memory_space<vmem>>, vector<2504x1xf32>
    tpu.vector_store %arg8[%swap3A_47, %swap3A_48], %div3A_22 {strides = array<i32>} : memref<2504x1xf32, #tpu.memory_space<vmem>>, vector<2504x1xf32>,
    return
  }
  func.func @transform_0(%arg0: i32) -> (i32, i32, i32) {
    %c0_i32 = arith.constant 0 : i32
    %c0_i32_0 = arith.constant 0 : i32
    %c0_i32_1 = arith.constant 0 : i32
    return %c0_i32, %arg0, %c0_i32_0 : i32, i32, i32
  }
  func.func @transform_1(%arg0: i32) -> (i32, i32, i32) {
    %c0_i32 = arith.constant 0 : i32
    %c0_i32_0 = arith.constant 0 : i32
    %c0_i32_1 = arith.constant 0 : i32
    return %c0_i32, %arg0, %c0_i32_0 : i32, i32, i32
  }
  func.func @transform_2(%arg0: i32) -> (i32, i32) {
    %c0_i32 = arith.constant 0 : i32
    %c0_i32_0 = arith.constant 0 : i32
    return %arg0, %c0_i32 : i32, i32
  }
  func.func @transform_3(%arg0: i32) -> (i32, i32) {
    %c0_i32 = arith.constant 0 : i32
    %c0_i32_0 = arith.constant 0 : i32
    %c0_i32_1 = arith.constant 0 : i32
    return %c0_i32, %c0_i32_0 : i32, i32
  }
  func.func @transform_4(%arg0: i32) -> (i32, i32) {
    %c0_i32 = arith.constant 0 : i32
    %c0_i32_0 = arith.constant 0 : i32
    %c0_i32_1 = arith.constant 0 : i32
    return %c0_i32, %c0_i32_0 : i32, i32
  }
  func.func @transform_5(%arg0: i32) -> (i32, i32) {
    %c0_i32 = arith.constant 0 : i32
    %c0_i32_0 = arith.constant 0 : i32
    %c0_i32_1 = arith.constant 0 : i32
    return %c0_i32, %c0_i32_0 : i32, i32
  }
  func.func @transform_6(%arg0: i32) -> (i32, i32) {
    %c0_i32 = arith.constant 0 : i32
    %c0_i32_0 = arith.constant 0 : i32
    return %arg0, %c0_i32 : i32, i32
  }
  func.func @transform_7(%arg0: i32) -> (i32, i32) {
    %c0_i32 = arith.constant 0 : i32
    %c0_i32_0 = arith.constant 0 : i32
    return %arg0, %c0_i32 : i32, i32
  }
}

module attributes {stable_mosaic.version = 14 : i64} {
  func.func @_tc1_body(%arg0: i32, %arg1: memref<2x2504x64xf32, #tpu.memory_space<vmem>>, %arg2: memref<2504x128xf32, #tpu.memory_space<vmem>>, %arg3: memref<2504x1xf32, #tpu.memory_space<vmem>>, %arg4: memref<128x128xf32, #tpu.memory_space<vmem>>, %arg5: memref<128x128xf32, #tpu.memory_space<vmem>>, %arg6: memref<1x128xf32, #tpu.memory_space<vmem>>, %arg7: memref<2504x128xf32, #tpu.memory_space<vmem>>) attributes {dimension_semantics = [#tpu.dimension_semantics<arbitrary>], iteration_bounds = array<i64: 4>, scalar_prefetch = 0 : i64, scratch_operands = 0 : i64, tpu.core_type = #tpu.core_type<tc>, window_params = [{transform_indices = @transform_0, window_bounds = array<i64: 2, 2504, 64>}, {transform_indices = @transform_1, window_bounds = array<i64: 2504, 128>}, {transform_indices = @transform_2, window_bounds = array<i64: 2504, 1>}, {pipeline_mode = #tpu.pipeline_mode<synchronous>, transform_indices = @transform_3, window_bounds = array<i64: 128, 128>}, {pipeline_mode = #tpu.pipeline_mode<synchronous>, transform_indices = @transform_4, window_bounds = array<i64: 128, 128>}, {pipeline_mode = #tpu.pipeline_mode<synchronous>, transform_indices = @transform_5, window_bounds = array<i64: 1, 128>}, {transform_indices = @transform_6, window_bounds = array<i64: 2504, 128>}]} {
    %get3A = arith.constant 0 : index
    %get3A_0 = arith.constant 0 : index
    %get3A_1 = arith.constant 0 : index
    %get3A_2 = vector.load %arg1[%get3A, %get3A_0, %get3A_1] : memref<2x2504x64xf32, #tpu.memory_space<vmem>>, vector<1x2504x64xf32>
    %get3A_3 = vector.shape_cast %get3A_2 : vector<1x2504x64xf32> to vector<2504x64xf32>
    %get3A_4 = arith.constant 1 : index
    %get3A_5 = arith.constant 0 : index
    %get3A_6 = arith.constant 0 : index
    %get3A_7 = vector.load %arg1[%get3A_4, %get3A_5, %get3A_6] : memref<2x2504x64xf32, #tpu.memory_space<vmem>>, vector<1x2504x64xf32>
    %get3A_8 = vector.shape_cast %get3A_7 : vector<1x2504x64xf32> to vector<2504x64xf32>
    %concatenate3A = tpu.concatenate %get3A_3, %get3A_8 in 1 : vector<2504x64xf32>, vector<2504x64xf32> -> vector<2504x128xf32>
    %get3A_9 = arith.constant 0 : index
    %get3A_10 = arith.constant 0 : index
    %get3A_11 = vector.load %arg3[%get3A_9, %get3A_10] : memref<2504x1xf32, #tpu.memory_space<vmem>>, vector<2504x1xf32>
    %mul3A = vector.broadcast %get3A_11 : vector<2504x1xf32> to vector<2504x128xf32>
    %mul3A_12 = arith.mulf %concatenate3A, %mul3A : vector<2504x128xf32>
    %get3A_13 = arith.constant 0 : index
    %get3A_14 = arith.constant 0 : index
    %get3A_15 = vector.load %arg4[%get3A_13, %get3A_14] : memref<128x128xf32, #tpu.memory_space<vmem>>, vector<128x128xf32>
    %dot_general3A = arith.constant dense<0.000000e+00> : vector<2504x128xf32>
    %dot_general3A_16 = tpu.matmul %mul3A_12, %get3A_15, %dot_general3A {dimension_numbers = #tpu.dot_dimension_numbers<[1], [0], [0], [1], [0, 0, 1, 1], [], []>, transpose_lhs_hint = false} : vector<2504x128xf32>, vector<128x128xf32>, vector<2504x128xf32> -> vector<2504x128xf32>
    %get3A_17 = arith.constant 0 : index
    %get3A_18 = arith.constant 0 : index
    %get3A_19 = vector.load %arg2[%get3A_17, %get3A_18] : memref<2504x128xf32, #tpu.memory_space<vmem>>, vector<2504x128xf32>
    %get3A_20 = arith.constant 0 : index
    %get3A_21 = arith.constant 0 : index
    %get3A_22 = vector.load %arg5[%get3A_20, %get3A_21] : memref<128x128xf32, #tpu.memory_space<vmem>>, vector<128x128xf32>
    %dot_general3A_23 = arith.constant dense<0.000000e+00> : vector<2504x128xf32>
    %dot_general3A_24 = tpu.matmul %get3A_19, %get3A_22, %dot_general3A_23 {dimension_numbers = #tpu.dot_dimension_numbers<[1], [0], [0], [1], [0, 0, 1, 1], [], []>, transpose_lhs_hint = false} : vector<2504x128xf32>, vector<128x128xf32>, vector<2504x128xf32> -> vector<2504x128xf32>
    %add3A = arith.addf %dot_general3A_16, %dot_general3A_24 : vector<2504x128xf32>
    %get3A_25 = arith.constant 0 : index
    %get3A_26 = arith.constant 0 : index
    %get3A_27 = vector.load %arg6[%get3A_25, %get3A_26] : memref<1x128xf32, #tpu.memory_space<vmem>>, vector<1x128xf32>
    %add3A_28 = vector.broadcast %get3A_27 : vector<1x128xf32> to vector<2504x128xf32>
    %add3A_29 = arith.addf %add3A, %add3A_28 : vector<2504x128xf32>
    %swap3A = arith.constant 0 : index
    %swap3A_30 = arith.constant 0 : index
    %swap3A_31 = vector.load %arg7[%swap3A, %swap3A_30] : memref<2504x128xf32, #tpu.memory_space<vmem>>, vector<2504x128xf32>
    tpu.vector_store %arg7[%swap3A, %swap3A_30], %add3A_29 {strides = array<i32>} : memref<2504x128xf32, #tpu.memory_space<vmem>>, vector<2504x128xf32>,
    return
  }
  func.func @transform_0(%arg0: i32) -> (i32, i32, i32) {
    %c0_i32 = arith.constant 0 : i32
    %c0_i32_0 = arith.constant 0 : i32
    %c0_i32_1 = arith.constant 0 : i32
    return %c0_i32, %arg0, %c0_i32_0 : i32, i32, i32
  }
  func.func @transform_1(%arg0: i32) -> (i32, i32) {
    %c0_i32 = arith.constant 0 : i32
    %c0_i32_0 = arith.constant 0 : i32
    return %arg0, %c0_i32 : i32, i32
  }
  func.func @transform_2(%arg0: i32) -> (i32, i32) {
    %c0_i32 = arith.constant 0 : i32
    %c0_i32_0 = arith.constant 0 : i32
    return %arg0, %c0_i32 : i32, i32
  }
  func.func @transform_3(%arg0: i32) -> (i32, i32) {
    %c0_i32 = arith.constant 0 : i32
    %c0_i32_0 = arith.constant 0 : i32
    %c0_i32_1 = arith.constant 0 : i32
    return %c0_i32, %c0_i32_0 : i32, i32
  }
  func.func @transform_4(%arg0: i32) -> (i32, i32) {
    %c0_i32 = arith.constant 0 : i32
    %c0_i32_0 = arith.constant 0 : i32
    %c0_i32_1 = arith.constant 0 : i32
    return %c0_i32, %c0_i32_0 : i32, i32
  }
  func.func @transform_5(%arg0: i32) -> (i32, i32) {
    %c0_i32 = arith.constant 0 : i32
    %c0_i32_0 = arith.constant 0 : i32
    %c0_i32_1 = arith.constant 0 : i32
    return %c0_i32, %c0_i32_0 : i32, i32
  }
  func.func @transform_6(%arg0: i32) -> (i32, i32) {
    %c0_i32 = arith.constant 0 : i32
    %c0_i32_0 = arith.constant 0 : i32
    return %arg0, %c0_i32 : i32, i32
  }
}

</mosaic_0001>

<sc_bundles>
// kernel: kernel.6.cloned.1.call-start
scs
__scs_entry_jumppad:
0x0: {  	(pc) =	sbr.rel $0x88, $3  }
0x1: {  	(tag) =	ssettag $0x0;
	lr =	simm.s32 $0x1  }
0x2: {  	[smem:$0x3F99] =	sst lr;
	_ =	strace $0xD0000000  }
0x3: {  	_ = 	snop  }
0x4: {  	_ = 	snop  }
0x5: {  	_ = 	snop  }
0x6: {  	_ = 	snop  }
0x7: {  	_ = 	snop  }
__scs_overlays_trampoline_lowered:
0x8: {  	[smem:$0x3FA8] =	sst s0  }
0x9: {  	[smem:$0x3FA9] =	sst s1  }
0xa: {  	[smem:$0x3FAA] =	sst s2  }
0xb: {  	[smem:$0x3FAB] =	sst s3  }
0xc: {  	[smem:$0x3FAC] =	sst s4  }
0xd: {  	[smem:$0x3FAD] =	sst s5  }
0xe: {  	[smem:$0x3FAE] =	sst s6  }
0xf: {  	[smem:$0x3FAF] =	sst s7  }
0x10: {  	[smem:$0x3FB0] =	sst s8  }
0x11: {  	[smem:$0x3FB1] =	sst s9;
	s0 =	simm.s32 @!p0 $0x0  }
0x12: {  	s1 =	sld [smem:$0x3F97];
	s0 =	simm.s32 @p0 $0x1  }
0x13: {  	[smem:$0x3FB2] =	sst s0;
	s0 =	simm.s32 @!p1 $0x0  }
0x14: {  	s2 =	sld [smem:$0x3F96];
	s0 =	simm.s32 @p1 $0x1  }
0x15: {  	[smem:$0x3FB3] =	sst s0;
	s0 =	simm.s32 @!p2 $0x0  }
0x16: {  	s3 =	sld [smem:$0x3FDB];
	s0 =	simm.s32 @p2 $0x1  }
0x17: {  	s4 =	simm.s32 $0x1BF5;
	[smem:$0x3FB5] =	sst s0  }
0x18: {  	s0 =	sld [smem:$0x3F98];
	_ =	swait.ge [sflag:s4], $0x0  }
0x19: {  	s7 =	sld [smem:$0x3F99]  }
0x1a: {  	s8 =	sadd.s32 $0xFFFFE003, lr  }
0x1b: {  	s9 =	sadd.s32 $0xFFFFFEF7, lr;
	s5 =	simm.s32 $0xFFFFFFFF;
	p2 =	slt.u32 s8, $0xFFFFF086  }
0x1c: {  	p1 =	slt.u32 s9, $0xF7A;
	s5 =	simm.s32 @!p2 $0x0  }
0x1d: {  	s5 =	simm.s32 @p1 $0x1;
	p0 =	seq.s32 s7, s2  }
0x1e: {  	s7 =	smul.u32 @!p0 $0xF7A, s2;
	p2 =	seq.s32 @!p0 s5, $0x0  }
0x1f: {  	s9 =	smul.u32 $0xF7A, s1;
	s8 =	simm.s32 @!p0 $0x1BF5;
	p2 =	por !p2, p0  }
0x20: {  	[sflag:s8] =	ssyncset.s32 @!p0 $0xFFFFF086;
	s6 =	sadd.s32 @!p0 s3, s7;
	s7 =	simm.s32 @!p0 $0x108  }
0x21: {  	s3 =	sadd.s32 s3, s9;
	s6 =	sadd.s32 @!p0 $0x88, s6;
	s7 =	simm.s32 @p2 $0x1082  }
0x22: {  	[simem:s7], [sflag:s8] =	dma.local @!p0 [hbm:s6], $0xF7A  }
0x23: {  	s9 =	sor.u32 $0xD0000000, s2;
	s6 =	simm.s32 $0x108;
	_ =	swait.ge @!p0 [sflag:s8], $0x0  }
0x24: {  	s3 =	sadd.s32 $0x88, s3;
	s6 =	simm.s32 @!p1 $0x1082;
	[sflag:s4] =	ssyncset.s32 $0xFFFFF086  }
0x25: {  	[simem:s6], [sflag:s4] =	dma.local [hbm:s3], $0xF7A  }
0x26: {  	[smem:$0x3F99] =	sst s1;
	(tag) =	ssettag s2;
	_ =	strace s9  }
0x27: {  	s1 =	sld [smem:$0x3FA9]  }
0x28: {  	s2 =	sld [smem:$0x3FAA]  }
0x29: {  	s4 =	sld [smem:$0x3FAC]  }
0x2a: {  	p0 =	seq.s32 s5, $0x0;
	s5 =	sld [smem:$0x3FAD]  }
0x2b: {  	s6 =	sld [smem:$0x3FAE]  }
0x2c: {  	s7 =	sld [smem:$0x3FAF]  }
0x2d: {  	s3 =	simm.s32 $0x108;
	s8 =	sld [smem:$0x3FB0]  }
0x2e: {  	s3 =	simm.s32 @!p0 $0x1082;
	s9 =	sld [smem:$0x3FB1]  }
0x2f: {  	lr =	sadd.s32 s0, s3;
	s0 =	sld [smem:$0x3FA8]  }
0x30: {  	s3 =	sld [smem:$0x3FAB]  }
0x31: {  	[smem:$0x3FB4] =	sst s10  }
0x32: {  	s10 =	sld [smem:$0x3FB2];
	_ =	sdelay $0x3  }
0x33: {  	p0 =	seq.s32 s10, $0x1;
	s10 =	sld [smem:$0x3FB4];
	_ =	sdelay $0x3  }
0x34: {  	[smem:$0x3FB4] =	sst s10  }
0x35: {  	s10 =	sld [smem:$0x3FB3];
	_ =	sdelay $0x3  }
0x36: {  	p1 =	seq.s32 s10, $0x1;
	s10 =	sld [smem:$0x3FB4];
	_ =	sdelay $0x3  }
0x37: {  	[smem:$0x3FB4] =	sst s10  }
0x38: {  	s10 =	sld [smem:$0x3FB5]  }
0x39: {  	_ = 	snop;
	(pc) =	sbr.ind lr, $3  }
0x3a: {  	_ = 	snop  }
0x3b: {  	_ = 	snop  }
0x3c: {  	p2 =	seq.s32 s10, $0x1;
	s10 =	sld [smem:$0x3FB4]  }
0x3d: {  	_ =	shalt  }
0x3e: {  	_ =	shalt  }
0x3f: {  	_ =	shalt  }
0x40: {  	_ =	shalt  }
0x41: {  	_ =	shalt  }
0x42: {  	_ =	shalt  }
0x43: {  	_ =	shalt  }
0x44: {  	_ =	shalt  }
0x45: {  	_ =	shalt  }
0x46: {  	_ =	shalt  }
0x47: {  	_ =	shalt  }
0x48: {  	_ =	shalt  }
0x49: {  	_ =	shalt  }
0x4a: {  	_ =	shalt  }
0x4b: {  	_ =	shalt  }
0x4c: {  	_ =	shalt  }
0x4d: {  	_ =	shalt  }
0x4e: {  	_ =	shalt  }
0x4f: {  	_ =	shalt  }
0x50: {  	_ =	shalt  }
0x51: {  	_ =	shalt  }
0x52: {  	_ =	shalt  }
0x53: {  	_ =	shalt  }
0x54: {  	_ =	shalt  }
0x55: {  	_ =	shalt  }
0x56: {  	_ =	shalt  }
0x57: {  	_ =	shalt  }
0x58: {  	_ =	shalt  }
0x59: {  	_ =	shalt  }
0x5a: {  	_ =	shalt  }
0x5b: {  	_ =	shalt  }
0x5c: {  	_ =	shalt  }
0x5d: {  	_ =	shalt  }
0x5e: {  	_ =	shalt  }
0x5f: {  	_ =	shalt  }
0x60: {  	_ =	shalt  }
0x61: {  	_ =	shalt  }
0x62: {  	_ =	shalt  }
0x63: {  	_ =	shalt  }
0x64: {  	_ =	shalt  }
0x65: {  	_ =	shalt  }
0x66: {  	_ =	shalt  }
0x67: {  	_ =	shalt  }
0x68: {  	_ =	shalt  }
0x69: {  	_ =	shalt  }
0x6a: {  	_ =	shalt  }
0x6b: {  	_ =	shalt  }
0x6c: {  	_ =	shalt  }
0x6d: {  	_ =	shalt  }
0x6e: {  	_ =	shalt  }
0x6f: {  	_ =	shalt  }
0x70: {  	_ =	shalt  }
0x71: {  	_ =	shalt  }
0x72: {  	_ =	shalt  }
0x73: {  	_ =	shalt  }
0x74: {  	_ =	shalt  }
0x75: {  	_ =	shalt  }
0x76: {  	_ =	shalt  }
0x77: {  	_ =	shalt  }
0x78: {  	_ =	shalt  }
0x79: {  	_ =	shalt  }
0x7a: {  	_ =	shalt  }
0x7b: {  	_ =	shalt  }
0x7c: {  	_ =	shalt  }
0x7d: {  	_ =	shalt  }
0x7e: {  	_ =	shalt  }
0x7f: {  	_ =	shalt  }
0x80: {  	_ =	shalt  }
0x81: {  	_ =	shalt  }
0x82: {  	_ =	shalt  }
0x83: {  	_ =	shalt  }
0x84: {  	_ =	shalt  }
0x85: {  	_ =	shalt  }
0x86: {  	_ =	shalt  }
0x87: {  	_ =	shalt  }
.Lfunc_end0:
.L_simem_size_0:
called_computation_lowered:
.L_overlay_start_0:
0x88: {  	s2 =	sld [smem:$0x3FD9]  }
0x89: {  	s3 =	sld [smem:$0x3FFE];
	_ =	sdelay $0x1  }
0x8a: {  	s1 =	srdreg.scid  }
0x8b: {  	s0 =	sand.u32 $0x1, s1  }
0x8c: {  	s17 =	sshll.u32 s0, $0xA;
	s2 =	sadd.s32 s3, s2  }
0x8d: {  	s2 =	sadd.s32 s2, s17  }
0x8e: {  	[smem:$0x3FC0] =	sst s2  }
0x8f: {  	_ = 	snop  }
0x90: {  	s2 =	sld [smem:$0x3FD0];
	(tm) =	ssettm $0x1  }
0x91: {  	s18 =	sld [smem:$0x3FFB];
	_ =	sdelay $0x3  }
0x92: {  	_ =	strace s18  }
0x93: {  	s3 =	sld [smem:$0x3FFC];
	_ =	sdelay $0x3  }
0x94: {  	_ =	strace s3  }
0x95: {  	s3 =	sld [smem:$0x3FFD];
	_ =	sdelay $0x3  }
0x96: {  	_ =	strace s3  }
0x97: {  	_ =	strace $0x8FFFFFFF  }
0x98: {  	s19 =	sld [smem:$0x3FDB];
	_ =	sdelay $0x1  }
0x99: {  	s4 =	simm.s32 $_scs_section_size  }
0x9a: {  	s5 =	simm.s32 $_size__tile_overlayer_lowered;
	s6 =	simm.s32 $_tile_overlayer_lowered  }
0x9b: {  	s22 =	simm.s32 $0x1BFF;
	s21 =	sshll.u32 s6, $0x1;
	s3 =	sadd.s32 s4, s19  }
0x9c: {  	s7 =	simm.s32 $0x0;
	s20 =	sshll.u32 s5, $0x1;
	s5 =	sadd.s32 s21, s3  }
0x9d: {  	[timem:s7], [sflag:s22] =	dma.local [hbm:s5], s20  }
0x9e: {  	_ =	swait.ge [sflag:s22], s20  }
0x9f: {  	s4 =	ssub.s32 $0x0, s20;
	[sflag:s22] =	ssyncset.done $0x0  }
0xa0: {  	[sflag:s22] =	ssyncadd.s32 s4;
	_ =	sdelay $0x1  }
0xa1: {  	s23 =	simm.s32 $0x1B8B  }
0xa2: {  	_ =	swait.ge [sflag:s23], $0x1  }
0xa3: {  	[sflag:s23] =	ssyncset.done $0x0  }
0xa4: {  	s25 =	simm.s32 $0x1B8E;
	s24 =	sld [smem:$0x3FFE];
	[sflag:s23] =	ssyncadd.s32 $0xFFFFFFFF  }
0xa5: {  	s26 =	simm.s32 $execute0_lowered;
	[smem:$0x3FD2] =	sst s25  }
0xa6: {  	s5 =	sshll.u32 s26, $0x1;
	_ =	strace $0x80000046;
	[dreg:$0x1] =	wrdreg $0xFFFFFFFF  }
0xa7: {  	s28 =	simm.s32 $_size_execute0_lowered;
	s3 =	sadd.s32 s3, s5;
	[dreg:$0x0] =	wrdreg $0x0  }
0xa8: {  	s5 =	sshll.u32 s28, $0x1;
	[dreg:$0x2] =	wrdreg s3  }
0xa9: {  	[dreg:$0x3] =	wrdreg s5  }
0xaa: {  	[dreg:$0x4] =	wrdreg $0xC0  }
0xab: {  	_ =	task [dreg:s7], $0x5FFFF  }
0xac: {  	[dreg:$0x1] =	wrdreg $0xFFFFFFFF  }
0xad: {  	[dreg:$0x0] =	wrdreg $0x60  }
0xae: {  	[dreg:$0x2] =	wrdreg s24  }
0xaf: {  	[dreg:$0x3] =	wrdreg s2  }
0xb0: {  	[dreg:$0x4] =	wrdreg $0x50000  }
0xb1: {  	[dreg:$0x5] =	wrdreg $0xEC800  }
0xb2: {  	[dreg:$0x6] =	wrdreg $0x18D000  }
0xb3: {  	[dreg:$0x7] =	wrdreg $0x9  }
0xb4: {  	_ =	task.clear_ibuf [dreg:s7], $0x8FFFF;
	_ =	strace $0x90000046  }
0xb5: {  	s29 =	simm.s32 $0x9;
	_ =	strace $0x80000048  }
0xb6: {  	_ =	swait.ge [sflag:s29], $0x1  }
0xb7: {  	[sflag:s29] =	ssyncadd.s32 $0xFFFFFFFF  }
0xb8: {  	_ =	strace $0x90000048  }
0xb9: {  	_ =	sfence  }
0xba: {  	s30 =	sld [smem:$0x0];
	_ =	sdelay $0x2  }
0xbb: {  	s31 =	sshll.u32 s1, $0xD;
	s1 =	sshrl.u32 s1, $0x2  }
0xbc: {  	s3 =	sand.u32 $0x4000, s31;
	s1 =	sadd.s32 s1, s30  }
0xbd: {  	s0 =	sor.u32 s3, s0;
	s1 =	sshll.u32 s1, $0x11  }
0xbe: {  	s0 =	sor.u32 s1, s0  }
0xbf: {  	s0 =	sadd.s32 $0x8F2B, s0  }
0xc0: {  	[sflag:s0] =	ssyncadd.remote.s32 $0x1  }
0xc1: {  	_ =	sfence.sel $0xFFFF  }
0xc2: {  	[dreg:$0x0] =	wrdreg $0xFFFFFFFF;
	(pc) =	sbr.abs _section_cstart, $3  }
0xc3: {  	[dreg:$0x1] =	wrdreg $0xFFFFFFFF  }
0xc4: {  	_ =	task.clear_ibuf [dreg:s7], $0x2FFFF;
	_ =	strace $0x9FFFFFFF  }
0xc5: {  	(tm) =	ssettm $0x7FFFFFFF  }
tec
execute0_lowered:
.L_overlay_start_1:
0x0: {  	(tag) =	ssettag $0x1  }
0x1: {  	s1 =	rddreg [dreg:$0x0]  }
0x2: {  	s5 =	rddreg [dreg:$0x1]  }
0x3: {  	s2 =	rddreg [dreg:$0x2]  }
0x4: {  	s3 =	rddreg [dreg:$0x3]  }
0x5: {  	s4 =	rddreg [dreg:$0x4]  }
0x6: {  	s0 =	srdreg.scid;
	s14 =	stileid.u32;
	s17 =	simm.s32 $0x0  }
0x7: {  	s31 =	simm.s32 $0x400;
	s28 =	simm.s32 $0x1000;
	s6 =	smul.u32 $0x13900, s14  }
0x8: {  	s29 =	simm.s32 $0x3000;
	s0 =	sand.u32 $0x1, s0;
	s8 =	smul.u32 $0x9C80, s14  }
0x9: {  	[smem:$0x7FF] =	sst s17;
	s9 =	smul.u32 $0x1390, s14;
	s10 =	sadd.s32 $0x2A800, s1  }
0xa: {  	s11 =	sadd.s32 $0x2A200, s1;
	_ =	strace $0x80000047;
	[dreg:$0x16] =	wrdreg s10  }
0xb: {  	s19 =	sadd.s32 $0x2A400, s1;
	s22 =	smul.u32 $0xB000, s14;
	[dreg:$0x17] =	wrdreg s11  }
0xc: {  	s13 =	sshll.u32 s14, $0x6;
	s14 =	smul.u32 $0x1600, s14;
	[dreg:$0x18] =	wrdreg s19  }
0xd: {  	s7 =	sshll.u32 s0, $0x6;
	[dreg:$0x7] =	wrdreg s31;
	s11 =	simm.s32 $0x500  }
0xe: {  	s16 =	smul.u32 $0x9C800, s0;
	s19 =	simm.s32 $0x380;
	[dreg:$0x9] =	wrdreg s11  }
0xf: {  	s18 =	smul.u32 $0x13900, s0;
	s31 =	simm.s32 $0xF00;
	[dreg:$0xc] =	wrdreg s19  }
0x10: {  	s20 =	ssub.s32 $0x2, s0;
	s13 =	sor.u32 $0x1C06, s13;
	[dreg:$0x15] =	wrdreg s31  }
0x11: {  	s6 =	sor.u32 s7, s6;
	s25 =	sadd.s32 s9, s4;
	[dreg:$0x1a] =	wrdreg s13  }
0x12: {  	s23 =	sadd.s32 s8, s2;
	s30 =	sadd.s32 s14, s5;
	[dreg:$0x1b] =	wrdreg s25  }
0x13: {  	s24 =	sadd.s32 s8, s3;
	s14 =	simm.s32 $0x280;
	[dreg:$0x6] =	wrdreg s30  }
0x14: {  	s26 =	sshrl.u32 s22, $0x3;
	s22 =	simm.s32 $0xC00;
	[dreg:$0xa] =	wrdreg s14  }
0x15: {  	s7 =	sadd.s32 s8, s16;
	s8 =	sadd.s32 s5, s26;
	[dreg:$0xf] =	wrdreg s22  }
0x16: {  	s10 =	sadd.s32 s9, s18;
	s9 =	simm.s32 $0x180;
	[dreg:$0x1c] =	wrdreg s8  }
0x17: {  	p0 =	sne.s32 s0, $0x0;
	s18 =	sshrl.u32 s23, $0x3;
	[dreg:$0x8] =	wrdreg s9  }
0x18: {  	s12 =	sshrl.u32 s20, $0x1;
	s16 =	simm.s32 $0x600;
	[smem:$0x7FC] =	sst s18  }
0x19: {  	s21 =	ssub.s32 s20, s12;
	s20 =	simm.s32 $0x700;
	[dreg:$0xb] =	wrdreg s16  }
0x1a: {  	p1 =	seq.s32 s0, $0x0;
	s23 =	simm.s32 $0x980;
	[dreg:$0xd] =	wrdreg s20  }
0x1b: {  	s11 =	simm.s32 $0x800;
	s25 =	simm.s32 $0xA80;
	[dreg:$0x10] =	wrdreg s23  }
0x1c: {  	s6 =	sshrl.u32 s6, $0x3;
	s26 =	simm.s32 $0xE00;
	[dreg:$0x12] =	wrdreg s25  }
0x1d: {  	s30 =	simm.s32 $0xB80;
	s6 =	sadd.s32 s6, s1;
	[dreg:$0x13] =	wrdreg s26  }
0x1e: {  	s7 =	sshrl.u32 s7, $0x3;
	s8 =	sadd.s32 $0x100, s8;
	[dreg:$0x14] =	wrdreg s30  }
0x1f: {  	s10 =	sshrl.u32 s10, $0x3;
	s15 =	smax.u32 s21, $0x1;
	[dreg:$0x1d] =	wrdreg s8  }
0x20: {  	s18 =	simm.s32 $0x1;
	s21 =	simm.s32 $0x880;
	[smem:$0x7FB] =	sst s15  }
0x21: {  	s7 =	sadd.s32 s7, s1;
	s6 =	sadd.s32 $0x3000, s6;
	[dreg:$0xe] =	wrdreg s21  }
0x22: {  	s1 =	sadd.s32 s10, s1;
	[dreg:$0x19] =	wrdreg s6;
	s7 =	sadd.s32 $0x2BC00, s7  }
0x23: {  	s26 =	simm.s32 $0x80;
	s1 =	sadd.s32 $0x52E00, s1;
	[dreg:$0x1e] =	wrdreg s7  }
0x24: {  	[dreg:$0x1f] =	wrdreg s1;
	s7 =	sshrl.u32 s24, $0x3;
	s24 =	simm.s32 $0xD00  }
0x25: {  	s9 =	simm.s32 $0x4;
	s21 =	simm.s32 $0x6;
	[dreg:$0x11] =	wrdreg s24  }
0x26: {  	s8 =	simm.s32 $0x3;
	s1 =	simm.s32 $0x0;
	[smem:$0x7FD] =	sst s7  }
.LBB2_1:
0x27: {  	s25 =	sld [smem:$0x7FC]  }
0x28: {  	[smem:$0x7F9] =	sst s1  }
0x29: {  	s0 =	rddreg [dreg:$0x19];
	s5 =	simm.s32 $0x8;
	s6 =	simm.s32 $0x10  }
0x2a: {  	[spmem:s25@s5], [sflag:s13] =	dma.strided [hbm:s0@s6], $0x1390, s18, $0x8   }
0x2b: {  	_ =	swait.ge [sflag:s21], $0x1390  }
0x2c: {  	[sflag:s21] =	ssyncset.done $0x0  }
0x2d: {  	s1 =	rddreg [dreg:$0x16];
	[sflag:s21] =	ssyncadd.s32 $0xFFFFEC70  }
0x2e: {  	[spmem:s7], [sflag:s13] =	dma.local [hbm:s1], $0x1390  }
0x2f: {  	_ =	swait.ge [sflag:s21], $0x1390  }
0x30: {  	[sflag:s21] =	ssyncset.done $0x0  }
0x31: {  	s6 =	simm.s32 $0x18900;
	s5 =	rddreg [dreg:$0x17];
	[sflag:s21] =	ssyncadd.s32 $0xFFFFEC70  }
0x32: {  	[tilespmem:s6], [sflag:$0x6] =	stream.linear.gather [hbm4b:s5+s17], $0x400, $0x38;
	[tilespmem:$0x1A090] =	vst v63  }
0x33: {  	_ =	swait.ge [sflag:s21], $0x400  }
0x34: {  	s7 =	rddreg [dreg:$0x1b]  }
0x35: {  	[sflag:s21] =	ssyncset.done $0x0;
	s12 =	rddreg [dreg:$0x18];
	s10 =	sshrl.u32 s7, $0x3  }
0x36: {  	[sflag:s21] =	ssyncadd.s32 $0xFFFFFC00;
	[smem:$0x7FA] =	sst s10  }
0x37: {  	[spmem:s10], [sflag:s13] =	dma.local [hbm:s12], $0x272  }
0x38: {  	_ =	swait.ge [sflag:s21], $0x272  }
0x39: {  	[sflag:s21] =	ssyncset.done $0x0  }
0x3a: {  	s14 =	rddreg [dreg:$0x1c];
	[sflag:s21] =	ssyncadd.s32 $0xFFFFFD8E  }
0x3b: {  	[tilespmem:s17], [sflag:$0x3] =	stream.linear.gather [hbm4b:s14+s17], $0x800, $0x38;
	[tilespmem:$0x1A090] =	vst v63  }
0x3c: {  	s15 =	rddreg [dreg:$0x1d]  }
0x3d: {  	[tilespmem:s11], [sflag:$0x4] =	stream.linear.gather [hbm4b:s15+s17], $0x800, $0x38;
	[tilespmem:$0x1A090] =	vst v63  }
0x3e: {  	_ =	swait.ge [sflag:s8], $0x800  }
0x3f: {  	[sflag:s8] =	ssyncset.done $0x0  }
0x40: {  	[sflag:s8] =	ssyncadd.s32 $0xFFFFF800  }
0x41: {  	[bflag:$0x0] =	sbarrier.arrive $0xFFFF  }
0x42: {  	[tilespmem:s28], [sflag:$0x1] =	stream.indirect.gather [spmem:s2], $0x40, s17, s26, $0xb8;
	[tilespmem:$0x1A090] =	vst v63  }
0x43: {  	_ = 	snop  }
0x44: {  	[tilespmem:s29], [sflag:$0x2] =	stream.indirect.gather [spmem:s2], $0x40, s26, s26, $0xb8;
	[tilespmem:$0x1A090] =	vst v63  }
0x45: {  	_ =	swait.ge [sflag:s18], $0x2000  }
0x46: {  	[sflag:s18] =	ssyncset.done $0x0  }
0x47: {  	s16 =	rddreg [dreg:$0x7];
	[sflag:s18] =	ssyncadd.s32 $0xFFFFE000  }
0x48: {  	[spmem:s3] =	stream.indirect.scatter.add.f32 [tilespmem:s28], [sflag:$0x6], $0x40, s16, s26, $0xb8;
	[tilespmem:$0x1A090] =	vst v63  }
0x49: {  	_ =	swait.ge [sflag:s21], $0x2000  }
0x4a: {  	s23 =	simm.s32 @p0 $0x2;
	s0 =	simm.s32 @p0 $0x100;
	[sflag:s21] =	ssyncset.done $0x0  }
0x4b: {  	s1 =	simm.s32 @p0 $0x1000;
	s6 =	simm.s32 @p0 $0x80;
	[sflag:s21] =	ssyncadd.s32 $0xFFFFE000  }
0x4c: {  	[tilespmem:s1], [sflag:$0x1] =	stream.indirect.gather @p0 [spmem:s2], $0x40, s0, s6, $0xb8;
	[tilespmem:$0x1A090] =	vst v63  }
0x4d: {  	_ =	swait.ge @p0 [sflag:s23], $0x2000  }
0x4e: {  	s5 =	simm.s32 @p0 $0x3000;
	[sflag:s23] =	ssyncset.done @p0 $0x0  }
0x4f: {  	s8 =	simm.s32 @p0 $0x6;
	s0 =	simm.s32 @p0 $0x480;
	[sflag:s23] =	ssyncadd.s32 @p0 $0xFFFFE000  }
0x50: {  	[spmem:s3] =	stream.indirect.scatter.add.f32 @p0 [tilespmem:s5], [sflag:$0x6], $0x40, s0, s6, $0xb8;
	[tilespmem:$0x1A090] =	vst v63  }
0x51: {  	_ =	swait.ge @p0 [sflag:s8], $0x2000  }
0x52: {  	s13 =	simm.s32 @!p0 $0x18900;
	[sflag:s8] =	ssyncset.done @p0 $0x0  }
0x53: {  	s14 =	simm.s32 @!p0 $0x80;
	s0 =	simm.s32 @!p0 $0x400;
	[sflag:s8] =	ssyncadd.s32 @p0 $0xFFFFE000  }
0x54: {  	[spmem:s4] =	stream.indirect.scatter.add.f32 @!p0 [tilespmem:s13], [sflag:$0x5], $0x8, s0, s14, $0xb8;
	[tilespmem:$0x1A090] =	vst v63  }
0x55: {  	s7 =	simm.s32 @!p0 $0x1000;
	s12 =	simm.s32 @!p0 $0x2;
	s0 =	simm.s32 @!p0 $0x100  }
0x56: {  	[tilespmem:s7], [sflag:$0x1] =	stream.indirect.gather @!p0 [spmem:s2], $0x40, s0, s14, $0xb8;
	[tilespmem:$0x1A090] =	vst v63  }
0x57: {  	_ =	swait.ge @!p0 [sflag:s12], $0x2000  }
0x58: {  	s31 =	simm.s32 @!p0 $0x6;
	[sflag:s12] =	ssyncset.done @!p0 $0x0  }
0x59: {  	s10 =	simm.s32 @!p0 $0x480;
	s15 =	simm.s32 @!p0 $0x3000;
	[sflag:s12] =	ssyncadd.s32 @!p0 $0xFFFFE000  }
0x5a: {  	[spmem:s3] =	stream.indirect.scatter.add.f32 @!p0 [tilespmem:s15], [sflag:$0x6], $0x40, s10, s14, $0xb8;
	[tilespmem:$0x1A090] =	vst v63  }
0x5b: {  	_ =	swait.ge @!p0 [sflag:s31], $0x2000  }
0x5c: {  	[sflag:s31] =	ssyncset.done @!p0 $0x0  }
0x5d: {  	[sflag:s31] =	ssyncadd.s32 @!p0 $0xFFFFE000  }
0x5e: {  	[spmem:s4] =	stream.indirect.scatter.add.f32 @!p0 [tilespmem:s13], [sflag:$0x5], $0x8, s10, s14, $0xb8;
	[tilespmem:$0x1A090] =	vst v63  }
0x5f: {  	s19 =	rddreg [dreg:$0x8]  }
0x60: {  	[tilespmem:s29], [sflag:$0x2] =	stream.indirect.gather [spmem:s2], $0x40, s19, s26, $0xb8;
	[tilespmem:$0x1A090] =	vst v63  }
0x61: {  	_ =	swait.ge [sflag:s18], $0x2000  }
0x62: {  	[sflag:s18] =	ssyncset.done $0x0  }
0x63: {  	s20 =	rddreg [dreg:$0x9];
	[sflag:s18] =	ssyncadd.s32 $0xFFFFE000  }
0x64: {  	[spmem:s3] =	stream.indirect.scatter.add.f32 [tilespmem:s28], [sflag:$0x6], $0x40, s20, s26, $0xb8;
	[tilespmem:$0x1A090] =	vst v63  }
0x65: {  	_ =	swait.ge [sflag:s21], $0x2000  }
0x66: {  	[sflag:s21] =	ssyncset.done $0x0  }
0x67: {  	s0 =	simm.s32 @p0 $0x200;
	[sflag:s21] =	ssyncadd.s32 $0xFFFFE000  }
0x68: {  	[tilespmem:s1], [sflag:$0x1] =	stream.indirect.gather @p0 [spmem:s2], $0x40, s0, s6, $0xb8;
	[tilespmem:$0x1A090] =	vst v63  }
0x69: {  	_ =	swait.ge @p0 [sflag:s23], $0x2000  }
0x6a: {  	[sflag:s23] =	ssyncset.done @p0 $0x0  }
0x6b: {  	s0 =	simm.s32 @p0 $0x580;
	[sflag:s23] =	ssyncadd.s32 @p0 $0xFFFFE000  }
0x6c: {  	[spmem:s3] =	stream.indirect.scatter.add.f32 @p0 [tilespmem:s5], [sflag:$0x6], $0x40, s0, s6, $0xb8;
	[tilespmem:$0x1A090] =	vst v63  }
0x6d: {  	_ =	swait.ge @p0 [sflag:s8], $0x2000  }
0x6e: {  	[sflag:s8] =	ssyncset.done @p0 $0x0  }
0x6f: {  	s0 =	simm.s32 @!p0 $0x500;
	[sflag:s8] =	ssyncadd.s32 @p0 $0xFFFFE000  }
0x70: {  	[spmem:s4] =	stream.indirect.scatter.add.f32 @!p0 [tilespmem:s13], [sflag:$0x5], $0x8, s0, s14, $0xb8;
	[tilespmem:$0x1A090] =	vst v63  }
0x71: {  	s0 =	simm.s32 @!p0 $0x200  }
0x72: {  	[tilespmem:s7], [sflag:$0x1] =	stream.indirect.gather @!p0 [spmem:s2], $0x40, s0, s14, $0xb8;
	[tilespmem:$0x1A090] =	vst v63  }
0x73: {  	_ =	swait.ge @!p0 [sflag:s12], $0x2000  }
0x74: {  	[sflag:s12] =	ssyncset.done @!p0 $0x0  }
0x75: {  	s10 =	simm.s32 @!p0 $0x580;
	[sflag:s12] =	ssyncadd.s32 @!p0 $0xFFFFE000  }
0x76: {  	[spmem:s3] =	stream.indirect.scatter.add.f32 @!p0 [tilespmem:s15], [sflag:$0x6], $0x40, s10, s14, $0xb8;
	[tilespmem:$0x1A090] =	vst v63  }
0x77: {  	_ =	swait.ge @!p0 [sflag:s31], $0x2000  }
0x78: {  	[sflag:s31] =	ssyncset.done @!p0 $0x0  }
0x79: {  	[sflag:s31] =	ssyncadd.s32 @!p0 $0xFFFFE000  }
0x7a: {  	[spmem:s4] =	stream.indirect.scatter.add.f32 @!p0 [tilespmem:s13], [sflag:$0x5], $0x8, s10, s14, $0xb8;
	[tilespmem:$0x1A090] =	vst v63  }
0x7b: {  	s22 =	rddreg [dreg:$0xa]  }
0x7c: {  	[tilespmem:s29], [sflag:$0x2] =	stream.indirect.gather [spmem:s2], $0x40, s22, s26, $0xb8;
	[tilespmem:$0x1A090] =	vst v63  }
0x7d: {  	_ =	swait.ge [sflag:s18], $0x2000  }
0x7e: {  	[sflag:s18] =	ssyncset.done $0x0  }
0x7f: {  	s24 =	rddreg [dreg:$0xb];
	[sflag:s18] =	ssyncadd.s32 $0xFFFFE000  }
0x80: {  	[spmem:s3] =	stream.indirect.scatter.add.f32 [tilespmem:s28], [sflag:$0x6], $0x40, s24, s26, $0xb8;
	[tilespmem:$0x1A090] =	vst v63  }
0x81: {  	_ =	swait.ge [sflag:s21], $0x2000  }
0x82: {  	[sflag:s21] =	ssyncset.done $0x0  }
0x83: {  	s0 =	simm.s32 @p0 $0x300;
	[sflag:s21] =	ssyncadd.s32 $0xFFFFE000  }
0x84: {  	[tilespmem:s1], [sflag:$0x1] =	stream.indirect.gather @p0 [spmem:s2], $0x40, s0, s6, $0xb8;
	[tilespmem:$0x1A090] =	vst v63  }
0x85: {  	_ =	swait.ge @p0 [sflag:s23], $0x2000  }
0x86: {  	[sflag:s23] =	ssyncset.done @p0 $0x0  }
0x87: {  	s0 =	simm.s32 @p0 $0x680;
	[sflag:s23] =	ssyncadd.s32 @p0 $0xFFFFE000  }
0x88: {  	[spmem:s3] =	stream.indirect.scatter.add.f32 @p0 [tilespmem:s5], [sflag:$0x6], $0x40, s0, s6, $0xb8;
	[tilespmem:$0x1A090] =	vst v63  }
0x89: {  	_ =	swait.ge @p0 [sflag:s8], $0x2000  }
0x8a: {  	[sflag:s8] =	ssyncset.done @p0 $0x0  }
0x8b: {  	s0 =	simm.s32 @!p0 $0x600;
	[sflag:s8] =	ssyncadd.s32 @p0 $0xFFFFE000  }
0x8c: {  	[spmem:s4] =	stream.indirect.scatter.add.f32 @!p0 [tilespmem:s13], [sflag:$0x5], $0x8, s0, s14, $0xb8;
	[tilespmem:$0x1A090] =	vst v63  }
0x8d: {  	s0 =	simm.s32 @!p0 $0x300  }
0x8e: {  	[tilespmem:s7], [sflag:$0x1] =	stream.indirect.gather @!p0 [spmem:s2], $0x40, s0, s14, $0xb8;
	[tilespmem:$0x1A090] =	vst v63  }
0x8f: {  	_ =	swait.ge @!p0 [sflag:s12], $0x2000  }
0x90: {  	[sflag:s12] =	ssyncset.done @!p0 $0x0  }
0x91: {  	s10 =	simm.s32 @!p0 $0x680;
	[sflag:s12] =	ssyncadd.s32 @!p0 $0xFFFFE000  }
0x92: {  	[spmem:s3] =	stream.indirect.scatter.add.f32 @!p0 [tilespmem:s15], [sflag:$0x6], $0x40, s10, s14, $0xb8;
	[tilespmem:$0x1A090] =	vst v63  }
0x93: {  	_ =	swait.ge @!p0 [sflag:s31], $0x2000  }
0x94: {  	[sflag:s31] =	ssyncset.done @!p0 $0x0  }
0x95: {  	[sflag:s31] =	ssyncadd.s32 @!p0 $0xFFFFE000  }
0x96: {  	[spmem:s4] =	stream.indirect.scatter.add.f32 @!p0 [tilespmem:s13], [sflag:$0x5], $0x8, s10, s14, $0xb8;
	[tilespmem:$0x1A090] =	vst v63  }
0x97: {  	s25 =	rddreg [dreg:$0xc]  }
0x98: {  	[tilespmem:s29], [sflag:$0x2] =	stream.indirect.gather [spmem:s2], $0x40, s25, s26, $0xb8;
	[tilespmem:$0x1A090] =	vst v63  }
0x99: {  	_ =	swait.ge [sflag:s9], $0x800  }
0x9a: {  	[sflag:s9] =	ssyncset.done $0x0  }
0x9b: {  	[sflag:s9] =	ssyncadd.s32 $0xFFFFF800  }
0x9c: {  	_ =	swait.ge [sflag:s18], $0x2000  }
0x9d: {  	[sflag:s18] =	ssyncset.done $0x0  }
0x9e: {  	s16 =	rddreg [dreg:$0xd];
	[sflag:s18] =	ssyncadd.s32 $0xFFFFE000  }
0x9f: {  	[spmem:s3] =	stream.indirect.scatter.add.f32 [tilespmem:s28], [sflag:$0x6], $0x40, s16, s26, $0xb8;
	[tilespmem:$0x1A090] =	vst v63  }
0xa0: {  	_ =	swait.ge [sflag:s21], $0x2000  }
0xa1: {  	[sflag:s21] =	ssyncset.done $0x0  }
0xa2: {  	s0 =	simm.s32 @p0 $0x800;
	[sflag:s21] =	ssyncadd.s32 $0xFFFFE000  }
0xa3: {  	[tilespmem:s1], [sflag:$0x1] =	stream.indirect.gather @p0 [spmem:s2], $0x40, s0, s6, $0xb8;
	[tilespmem:$0x1A090] =	vst v63  }
0xa4: {  	_ =	swait.ge @p0 [sflag:s23], $0x2000  }
0xa5: {  	[sflag:s23] =	ssyncset.done @p0 $0x0  }
0xa6: {  	s0 =	simm.s32 @p0 $0x780;
	[sflag:s23] =	ssyncadd.s32 @p0 $0xFFFFE000  }
0xa7: {  	[spmem:s3] =	stream.indirect.scatter.add.f32 @p0 [tilespmem:s5], [sflag:$0x6], $0x40, s0, s6, $0xb8;
	[tilespmem:$0x1A090] =	vst v63  }
0xa8: {  	_ =	swait.ge @p0 [sflag:s8], $0x2000  }
0xa9: {  	[sflag:s8] =	ssyncset.done @p0 $0x0  }
0xaa: {  	s0 =	simm.s32 @!p0 $0x700;
	[sflag:s8] =	ssyncadd.s32 @p0 $0xFFFFE000  }
0xab: {  	[spmem:s4] =	stream.indirect.scatter.add.f32 @!p0 [tilespmem:s13], [sflag:$0x5], $0x8, s0, s14, $0xb8;
	[tilespmem:$0x1A090] =	vst v63  }
0xac: {  	s0 =	simm.s32 @!p0 $0x800  }
0xad: {  	[tilespmem:s7], [sflag:$0x1] =	stream.indirect.gather @!p0 [spmem:s2], $0x40, s0, s14, $0xb8;
	[tilespmem:$0x1A090] =	vst v63  }
0xae: {  	_ =	swait.ge @!p0 [sflag:s12], $0x2000  }
0xaf: {  	[sflag:s12] =	ssyncset.done @!p0 $0x0  }
0xb0: {  	s0 =	simm.s32 @!p0 $0x780;
	[sflag:s12] =	ssyncadd.s32 @!p0 $0xFFFFE000  }
0xb1: {  	[spmem:s3] =	stream.indirect.scatter.add.f32 @!p0 [tilespmem:s15], [sflag:$0x6], $0x40, s0, s14, $0xb8;
	[tilespmem:$0x1A090] =	vst v63  }
0xb2: {  	_ =	swait.ge @!p0 [sflag:s31], $0x2000  }
0xb3: {  	[sflag:s31] =	ssyncset.done @!p0 $0x0  }
0xb4: {  	s20 =	rddreg [dreg:$0x6];
	[sflag:s31] =	ssyncadd.s32 @!p0 $0xFFFFE000  }
0xb5: {  	[spmem:s4] =	stream.indirect.scatter.add.f32 @!p0 [tilespmem:s13], [sflag:$0x5], $0x8, s0, s14, $0xb8;
	[tilespmem:$0x1A090] =	vst v63  }
0xb6: {  	s19 =	rddreg [dreg:$0xe];
	s0 =	sadd.s32 $0xFFFFEC00, s20  }
0xb7: {  	[tilespmem:s29], [sflag:$0x2] =	stream.indirect.gather [spmem:s2], $0x40, s19, s26, $0xb8;
	[tilespmem:$0x1A090] =	vst v63  }
0xb8: {  	s1 =	sadd.s32 $0x1600, s0  }
0xb9: {  	[tilespmem:s17], [sflag:$0x3] =	stream.linear.gather [hbm4b:s1+s17], $0x800, $0x38;
	[tilespmem:$0x1A090] =	vst v63  }
0xba: {  	_ =	swait.ge [sflag:s18], $0x2000  }
0xbb: {  	[sflag:s18] =	ssyncset.done $0x0  }
0xbc: {  	s22 =	rddreg [dreg:$0xf];
	[sflag:s18] =	ssyncadd.s32 $0xFFFFE000  }
0xbd: {  	[spmem:s3] =	stream.indirect.scatter.add.f32 [tilespmem:s28], [sflag:$0x6], $0x40, s22, s26, $0xb8;
	[tilespmem:$0x1A090] =	vst v63  }
0xbe: {  	_ =	swait.ge [sflag:s21], $0x2000  }
0xbf: {  	s10 =	simm.s32 @p1 $0x2;
	s7 =	simm.s32 @p1 $0x1000;
	[sflag:s21] =	ssyncset.done $0x0  }
0xc0: {  	s15 =	simm.s32 @p1 $0x80;
	s1 =	simm.s32 @p1 $0x900;
	[sflag:s21] =	ssyncadd.s32 $0xFFFFE000  }
0xc1: {  	[tilespmem:s7], [sflag:$0x1] =	stream.indirect.gather @p1 [spmem:s2], $0x40, s1, s15, $0xb8;
	[tilespmem:$0x1A090] =	vst v63  }
0xc2: {  	_ =	swait.ge @p1 [sflag:s10], $0x2000  }
0xc3: {  	s16 =	simm.s32 @p1 $0x3000;
	[sflag:s10] =	ssyncset.done @p1 $0x0  }
0xc4: {  	s5 =	simm.s32 @p1 $0x6;
	s1 =	simm.s32 @p1 $0xC80;
	[sflag:s10] =	ssyncadd.s32 @p1 $0xFFFFE000  }
0xc5: {  	[spmem:s3] =	stream.indirect.scatter.add.f32 @p1 [tilespmem:s16], [sflag:$0x6], $0x40, s1, s15, $0xb8;
	[tilespmem:$0x1A090] =	vst v63  }
0xc6: {  	_ =	swait.ge @p1 [sflag:s5], $0x2000  }
0xc7: {  	s9 =	simm.s32 @!p1 $0x80;
	[sflag:s5] =	ssyncset.done @p1 $0x0  }
0xc8: {  	s22 =	simm.s32 @!p1 $0x18900;
	s1 =	simm.s32 @!p1 $0xC00;
	[sflag:s5] =	ssyncadd.s32 @p1 $0xFFFFE000  }
0xc9: {  	[spmem:s4] =	stream.indirect.scatter.add.f32 @!p1 [tilespmem:s22], [sflag:$0x5], $0x8, s1, s9, $0xb8;
	[tilespmem:$0x1A090] =	vst v63  }
0xca: {  	s19 =	simm.s32 @!p1 $0x1000;
	s1 =	simm.s32 @!p1 $0x900  }
0xcb: {  	[tilespmem:s19], [sflag:$0x1] =	stream.indirect.gather @!p1 [spmem:s2], $0x40, s1, s9, $0xb8;
	[tilespmem:$0x1A090] =	vst v63  }
0xcc: {  	s1 =	simm.s32 @!p1 $0x2  }
0xcd: {  	_ =	swait.ge @!p1 [sflag:s1], $0x2000  }
0xce: {  	s30 =	simm.s32 @!p1 $0x6;
	[sflag:s1] =	ssyncset.done @!p1 $0x0  }
0xcf: {  	s24 =	simm.s32 @!p1 $0xC80;
	s25 =	simm.s32 @!p1 $0x3000;
	[sflag:s1] =	ssyncadd.s32 @!p1 $0xFFFFE000  }
0xd0: {  	[spmem:s3] =	stream.indirect.scatter.add.f32 @!p1 [tilespmem:s25], [sflag:$0x6], $0x40, s24, s9, $0xb8;
	[tilespmem:$0x1A090] =	vst v63  }
0xd1: {  	_ =	swait.ge @!p1 [sflag:s30], $0x2000  }
0xd2: {  	[sflag:s30] =	ssyncset.done @!p1 $0x0  }
0xd3: {  	[sflag:s30] =	ssyncadd.s32 @!p1 $0xFFFFE000  }
0xd4: {  	[spmem:s4] =	stream.indirect.scatter.add.f32 @!p1 [tilespmem:s22], [sflag:$0x5], $0x8, s24, s9, $0xb8;
	[tilespmem:$0x1A090] =	vst v63  }
0xd5: {  	s20 =	rddreg [dreg:$0x10]  }
0xd6: {  	[tilespmem:s29], [sflag:$0x2] =	stream.indirect.gather [spmem:s2], $0x40, s20, s26, $0xb8;
	[tilespmem:$0x1A090] =	vst v63  }
0xd7: {  	_ =	swait.ge [sflag:s18], $0x2000  }
0xd8: {  	[sflag:s18] =	ssyncset.done $0x0  }
0xd9: {  	s24 =	rddreg [dreg:$0x11];
	[sflag:s18] =	ssyncadd.s32 $0xFFFFE000  }
0xda: {  	[spmem:s3] =	stream.indirect.scatter.add.f32 [tilespmem:s28], [sflag:$0x6], $0x40, s24, s26, $0xb8;
	[tilespmem:$0x1A090] =	vst v63  }
0xdb: {  	_ =	swait.ge [sflag:s21], $0x2000  }
0xdc: {  	[sflag:s21] =	ssyncset.done $0x0  }
0xdd: {  	s20 =	simm.s32 @p1 $0xA00;
	[sflag:s21] =	ssyncadd.s32 $0xFFFFE000  }
0xde: {  	[tilespmem:s7], [sflag:$0x1] =	stream.indirect.gather @p1 [spmem:s2], $0x40, s20, s15, $0xb8;
	[tilespmem:$0x1A090] =	vst v63  }
0xdf: {  	_ =	swait.ge @p1 [sflag:s10], $0x2000  }
0xe0: {  	[sflag:s10] =	ssyncset.done @p1 $0x0  }
0xe1: {  	s20 =	simm.s32 @p1 $0xD80;
	[sflag:s10] =	ssyncadd.s32 @p1 $0xFFFFE000  }
0xe2: {  	[spmem:s3] =	stream.indirect.scatter.add.f32 @p1 [tilespmem:s16], [sflag:$0x6], $0x40, s20, s15, $0xb8;
	[tilespmem:$0x1A090] =	vst v63  }
0xe3: {  	_ =	swait.ge @p1 [sflag:s5], $0x2000  }
0xe4: {  	[sflag:s5] =	ssyncset.done @p1 $0x0  }
0xe5: {  	s20 =	simm.s32 @!p1 $0xD00;
	[sflag:s5] =	ssyncadd.s32 @p1 $0xFFFFE000  }
0xe6: {  	[spmem:s4] =	stream.indirect.scatter.add.f32 @!p1 [tilespmem:s22], [sflag:$0x5], $0x8, s20, s9, $0xb8;
	[tilespmem:$0x1A090] =	vst v63  }
0xe7: {  	s20 =	simm.s32 @!p1 $0xA00  }
0xe8: {  	[tilespmem:s19], [sflag:$0x1] =	stream.indirect.gather @!p1 [spmem:s2], $0x40, s20, s9, $0xb8;
	[tilespmem:$0x1A090] =	vst v63  }
0xe9: {  	_ =	swait.ge @!p1 [sflag:s1], $0x2000  }
0xea: {  	[sflag:s1] =	ssyncset.done @!p1 $0x0  }
0xeb: {  	s24 =	simm.s32 @!p1 $0xD80;
	[sflag:s1] =	ssyncadd.s32 @!p1 $0xFFFFE000  }
0xec: {  	[spmem:s3] =	stream.indirect.scatter.add.f32 @!p1 [tilespmem:s25], [sflag:$0x6], $0x40, s24, s9, $0xb8;
	[tilespmem:$0x1A090] =	vst v63  }
0xed: {  	_ =	swait.ge @!p1 [sflag:s30], $0x2000  }
0xee: {  	[sflag:s30] =	ssyncset.done @!p1 $0x0  }
0xef: {  	[sflag:s30] =	ssyncadd.s32 @!p1 $0xFFFFE000  }
0xf0: {  	[spmem:s4] =	stream.indirect.scatter.add.f32 @!p1 [tilespmem:s22], [sflag:$0x5], $0x8, s24, s9, $0xb8;
	[tilespmem:$0x1A090] =	vst v63  }
0xf1: {  	s20 =	rddreg [dreg:$0x12]  }
0xf2: {  	[tilespmem:s29], [sflag:$0x2] =	stream.indirect.gather [spmem:s2], $0x40, s20, s26, $0xb8;
	[tilespmem:$0x1A090] =	vst v63  }
0xf3: {  	_ =	swait.ge [sflag:s18], $0x2000  }
0xf4: {  	[sflag:s18] =	ssyncset.done $0x0  }
0xf5: {  	s24 =	rddreg [dreg:$0x13];
	[sflag:s18] =	ssyncadd.s32 $0xFFFFE000  }
0xf6: {  	[spmem:s3] =	stream.indirect.scatter.add.f32 [tilespmem:s28], [sflag:$0x6], $0x40, s24, s26, $0xb8;
	[tilespmem:$0x1A090] =	vst v63  }
0xf7: {  	_ =	swait.ge [sflag:s21], $0x2000  }
0xf8: {  	[sflag:s21] =	ssyncset.done $0x0  }
0xf9: {  	s20 =	simm.s32 @p1 $0xB00;
	[sflag:s21] =	ssyncadd.s32 $0xFFFFE000  }
0xfa: {  	[tilespmem:s7], [sflag:$0x1] =	stream.indirect.gather @p1 [spmem:s2], $0x40, s20, s15, $0xb8;
	[tilespmem:$0x1A090] =	vst v63  }
0xfb: {  	_ =	swait.ge @p1 [sflag:s10], $0x2000  }
0xfc: {  	[sflag:s10] =	ssyncset.done @p1 $0x0  }
0xfd: {  	s20 =	simm.s32 @p1 $0xE80;
	[sflag:s10] =	ssyncadd.s32 @p1 $0xFFFFE000  }
0xfe: {  	[spmem:s3] =	stream.indirect.scatter.add.f32 @p1 [tilespmem:s16], [sflag:$0x6], $0x40, s20, s15, $0xb8;
	[tilespmem:$0x1A090] =	vst v63  }
0xff: {  	_ =	swait.ge @p1 [sflag:s5], $0x2000  }
0x100: {  	[sflag:s5] =	ssyncset.done @p1 $0x0  }
0x101: {  	s20 =	simm.s32 @!p1 $0xE00;
	[sflag:s5] =	ssyncadd.s32 @p1 $0xFFFFE000  }
0x102: {  	[spmem:s4] =	stream.indirect.scatter.add.f32 @!p1 [tilespmem:s22], [sflag:$0x5], $0x8, s20, s9, $0xb8;
	[tilespmem:$0x1A090] =	vst v63  }
0x103: {  	s20 =	simm.s32 @!p1 $0xB00  }
0x104: {  	[tilespmem:s19], [sflag:$0x1] =	stream.indirect.gather @!p1 [spmem:s2], $0x40, s20, s9, $0xb8;
	[tilespmem:$0x1A090] =	vst v63  }
0x105: {  	_ =	swait.ge @!p1 [sflag:s1], $0x2000  }
0x106: {  	[sflag:s1] =	ssyncset.done @!p1 $0x0  }
0x107: {  	s24 =	simm.s32 @!p1 $0xE80;
	[sflag:s1] =	ssyncadd.s32 @!p1 $0xFFFFE000  }
0x108: {  	[spmem:s3] =	stream.indirect.scatter.add.f32 @!p1 [tilespmem:s25], [sflag:$0x6], $0x40, s24, s9, $0xb8;
	[tilespmem:$0x1A090] =	vst v63  }
0x109: {  	_ =	swait.ge @!p1 [sflag:s30], $0x2000  }
0x10a: {  	[sflag:s30] =	ssyncset.done @!p1 $0x0  }
0x10b: {  	[sflag:s30] =	ssyncadd.s32 @!p1 $0xFFFFE000  }
0x10c: {  	[spmem:s4] =	stream.indirect.scatter.add.f32 @!p1 [tilespmem:s22], [sflag:$0x5], $0x8, s24, s9, $0xb8;
	[tilespmem:$0x1A090] =	vst v63  }
0x10d: {  	s20 =	rddreg [dreg:$0x14];
	s24 =	simm.s32 $0x3  }
0x10e: {  	[tilespmem:s29], [sflag:$0x2] =	stream.indirect.gather [spmem:s2], $0x40, s20, s26, $0xb8;
	[tilespmem:$0x1A090] =	vst v63  }
0x10f: {  	_ =	swait.ge [sflag:s24], $0x800  }
0x110: {  	[sflag:s24] =	ssyncset.done $0x0  }
0x111: {  	[sflag:s24] =	ssyncadd.s32 $0xFFFFF800  }
0x112: {  	_ =	swait.ge [sflag:s18], $0x2000  }
0x113: {  	[sflag:s18] =	ssyncset.done $0x0  }
0x114: {  	s24 =	rddreg [dreg:$0x15];
	[sflag:s18] =	ssyncadd.s32 $0xFFFFE000  }
0x115: {  	[spmem:s3] =	stream.indirect.scatter.add.f32 [tilespmem:s28], [sflag:$0x6], $0x40, s24, s26, $0xb8;
	[tilespmem:$0x1A090] =	vst v63  }
0x116: {  	_ =	swait.ge [sflag:s21], $0x2000  }
0x117: {  	[sflag:s21] =	ssyncset.done $0x0  }
0x118: {  	s20 =	simm.s32 @p1 $0x0;
	[sflag:s21] =	ssyncadd.s32 $0xFFFFE000  }
0x119: {  	[tilespmem:s7], [sflag:$0x1] =	stream.indirect.gather @p1 [spmem:s2], $0x40, s20, s15, $0xb8;
	[tilespmem:$0x1A090] =	vst v63  }
0x11a: {  	_ =	swait.ge @p1 [sflag:s10], $0x2000  }
0x11b: {  	[sflag:s10] =	ssyncset.done @p1 $0x0  }
0x11c: {  	s7 =	simm.s32 @p1 $0xF80;
	[sflag:s10] =	ssyncadd.s32 @p1 $0xFFFFE000  }
0x11d: {  	[spmem:s3] =	stream.indirect.scatter.add.f32 @p1 [tilespmem:s16], [sflag:$0x6], $0x40, s7, s15, $0xb8;
	[tilespmem:$0x1A090] =	vst v63  }
0x11e: {  	_ =	swait.ge @p1 [sflag:s5], $0x2000  }
0x11f: {  	[sflag:s5] =	ssyncset.done @p1 $0x0  }
0x120: {  	s7 =	simm.s32 @!p1 $0xF00;
	[sflag:s5] =	ssyncadd.s32 @p1 $0xFFFFE000  }
0x121: {  	[spmem:s4] =	stream.indirect.scatter.add.f32 @!p1 [tilespmem:s22], [sflag:$0x5], $0x8, s7, s9, $0xb8;
	[tilespmem:$0x1A090] =	vst v63  }
0x122: {  	s7 =	simm.s32 @!p1 $0x0  }
0x123: {  	[tilespmem:s19], [sflag:$0x1] =	stream.indirect.gather @!p1 [spmem:s2], $0x40, s7, s9, $0xb8;
	[tilespmem:$0x1A090] =	vst v63  }
0x124: {  	_ =	swait.ge @!p1 [sflag:s1], $0x2000  }
0x125: {  	[sflag:s1] =	ssyncset.done @!p1 $0x0  }
0x126: {  	s7 =	simm.s32 @!p1 $0xF80;
	[sflag:s1] =	ssyncadd.s32 @!p1 $0xFFFFE000  }
0x127: {  	[spmem:s3] =	stream.indirect.scatter.add.f32 @!p1 [tilespmem:s25], [sflag:$0x6], $0x40, s7, s9, $0xb8;
	[tilespmem:$0x1A090] =	vst v63  }
0x128: {  	_ =	swait.ge @!p1 [sflag:s30], $0x2000  }
0x129: {  	[sflag:s30] =	ssyncset.done @!p1 $0x0  }
0x12a: {  	[sflag:s30] =	ssyncadd.s32 @!p1 $0xFFFFE000  }
0x12b: {  	[spmem:s4] =	stream.indirect.scatter.add.f32 @!p1 [tilespmem:s22], [sflag:$0x5], $0x8, s7, s9, $0xb8;
	[tilespmem:$0x1A090] =	vst v63  }
0x12c: {  	s20 =	sadd.s32 $0x1700, s0;
	s0 =	simm.s32 $0xFFFFEE00  }
0x12d: {  	[tilespmem:s29], [sflag:$0x2] =	stream.indirect.gather [spmem:s2], $0x40, s26, s26, $0xb8;
	[tilespmem:$0x1A090] =	vst v63  }
.LBB2_2:
0x12e: {  	[tilespmem:s11], [sflag:$0x4] =	stream.linear.gather [hbm4b:s20+s17], $0x800, $0x38;
	[tilespmem:$0x1A090] =	vst v63  }
0x12f: {  	_ =	swait.ge [sflag:s18], $0x2000  }
0x130: {  	[sflag:s18] =	ssyncset.done $0x0  }
0x131: {  	s7 =	rddreg [dreg:$0x7];
	[sflag:s18] =	ssyncadd.s32 $0xFFFFE000  }
0x132: {  	[spmem:s3] =	stream.indirect.scatter.add.f32 [tilespmem:s28], [sflag:$0x6], $0x40, s7, s26, $0xb8;
	[tilespmem:$0x1A090] =	vst v63  }
0x133: {  	_ =	swait.ge [sflag:s21], $0x2000  }
0x134: {  	[sflag:s21] =	ssyncset.done $0x0  }
0x135: {  	s17 =	simm.s32 @p0 $0x1000;
	s11 =	simm.s32 @p0 $0x100;
	[sflag:s21] =	ssyncadd.s32 $0xFFFFE000  }
0x136: {  	[tilespmem:s17], [sflag:$0x1] =	stream.indirect.gather @p0 [spmem:s2], $0x40, s11, s6, $0xb8;
	[tilespmem:$0x1A090] =	vst v63  }
0x137: {  	_ =	swait.ge @p0 [sflag:s23], $0x2000  }
0x138: {  	[sflag:s23] =	ssyncset.done @p0 $0x0  }
0x139: {  	s19 =	simm.s32 @p0 $0x3000;
	s11 =	simm.s32 @p0 $0x480;
	[sflag:s23] =	ssyncadd.s32 @p0 $0xFFFFE000  }
0x13a: {  	[spmem:s3] =	stream.indirect.scatter.add.f32 @p0 [tilespmem:s19], [sflag:$0x6], $0x40, s11, s6, $0xb8;
	[tilespmem:$0x1A090] =	vst v63  }
0x13b: {  	_ =	swait.ge @p0 [sflag:s8], $0x2000  }
0x13c: {  	[sflag:s8] =	ssyncset.done @p0 $0x0  }
0x13d: {  	s11 =	simm.s32 @!p0 $0x400;
	[sflag:s8] =	ssyncadd.s32 @p0 $0xFFFFE000  }
0x13e: {  	[spmem:s4] =	stream.indirect.scatter.add.f32 @!p0 [tilespmem:s13], [sflag:$0x5], $0x8, s11, s14, $0xb8;
	[tilespmem:$0x1A090] =	vst v63  }
0x13f: {  	s7 =	simm.s32 @!p0 $0x1000;
	s11 =	simm.s32 @!p0 $0x100  }
0x140: {  	[tilespmem:s7], [sflag:$0x1] =	stream.indirect.gather @!p0 [spmem:s2], $0x40, s11, s14, $0xb8;
	[tilespmem:$0x1A090] =	vst v63  }
0x141: {  	_ =	swait.ge @!p0 [sflag:s12], $0x2000  }
0x142: {  	[sflag:s12] =	ssyncset.done @!p0 $0x0  }
0x143: {  	s16 =	simm.s32 @!p0 $0x480;
	s24 =	simm.s32 @!p0 $0x3000;
	[sflag:s12] =	ssyncadd.s32 @!p0 $0xFFFFE000  }
0x144: {  	[spmem:s3] =	stream.indirect.scatter.add.f32 @!p0 [tilespmem:s24], [sflag:$0x6], $0x40, s16, s14, $0xb8;
	[tilespmem:$0x1A090] =	vst v63  }
0x145: {  	_ =	swait.ge @!p0 [sflag:s31], $0x2000  }
0x146: {  	[sflag:s31] =	ssyncset.done @!p0 $0x0  }
0x147: {  	[sflag:s31] =	ssyncadd.s32 @!p0 $0xFFFFE000  }
0x148: {  	[spmem:s4] =	stream.indirect.scatter.add.f32 @!p0 [tilespmem:s13], [sflag:$0x5], $0x8, s16, s14, $0xb8;
	[tilespmem:$0x1A090] =	vst v63  }
0x149: {  	s11 =	rddreg [dreg:$0x8]  }
0x14a: {  	[tilespmem:s29], [sflag:$0x2] =	stream.indirect.gather [spmem:s2], $0x40, s11, s26, $0xb8;
	[tilespmem:$0x1A090] =	vst v63  }
0x14b: {  	_ =	swait.ge [sflag:s18], $0x2000  }
0x14c: {  	[sflag:s18] =	ssyncset.done $0x0  }
0x14d: {  	s16 =	rddreg [dreg:$0x9];
	[sflag:s18] =	ssyncadd.s32 $0xFFFFE000  }
0x14e: {  	[spmem:s3] =	stream.indirect.scatter.add.f32 [tilespmem:s28], [sflag:$0x6], $0x40, s16, s26, $0xb8;
	[tilespmem:$0x1A090] =	vst v63  }
0x14f: {  	_ =	swait.ge [sflag:s21], $0x2000  }
0x150: {  	[sflag:s21] =	ssyncset.done $0x0  }
0x151: {  	s11 =	simm.s32 @p0 $0x200;
	[sflag:s21] =	ssyncadd.s32 $0xFFFFE000  }
0x152: {  	[tilespmem:s17], [sflag:$0x1] =	stream.indirect.gather @p0 [spmem:s2], $0x40, s11, s6, $0xb8;
	[tilespmem:$0x1A090] =	vst v63  }
0x153: {  	_ =	swait.ge @p0 [sflag:s23], $0x2000  }
0x154: {  	[sflag:s23] =	ssyncset.done @p0 $0x0  }
0x155: {  	s11 =	simm.s32 @p0 $0x580;
	[sflag:s23] =	ssyncadd.s32 @p0 $0xFFFFE000  }
0x156: {  	[spmem:s3] =	stream.indirect.scatter.add.f32 @p0 [tilespmem:s19], [sflag:$0x6], $0x40, s11, s6, $0xb8;
	[tilespmem:$0x1A090] =	vst v63  }
0x157: {  	_ =	swait.ge @p0 [sflag:s8], $0x2000  }
0x158: {  	[sflag:s8] =	ssyncset.done @p0 $0x0  }
0x159: {  	s11 =	simm.s32 @!p0 $0x500;
	[sflag:s8] =	ssyncadd.s32 @p0 $0xFFFFE000  }
0x15a: {  	[spmem:s4] =	stream.indirect.scatter.add.f32 @!p0 [tilespmem:s13], [sflag:$0x5], $0x8, s11, s14, $0xb8;
	[tilespmem:$0x1A090] =	vst v63  }
0x15b: {  	s11 =	simm.s32 @!p0 $0x200  }
0x15c: {  	[tilespmem:s7], [sflag:$0x1] =	stream.indirect.gather @!p0 [spmem:s2], $0x40, s11, s14, $0xb8;
	[tilespmem:$0x1A090] =	vst v63  }
0x15d: {  	_ =	swait.ge @!p0 [sflag:s12], $0x2000  }
0x15e: {  	[sflag:s12] =	ssyncset.done @!p0 $0x0  }
0x15f: {  	s16 =	simm.s32 @!p0 $0x580;
	[sflag:s12] =	ssyncadd.s32 @!p0 $0xFFFFE000  }
0x160: {  	[spmem:s3] =	stream.indirect.scatter.add.f32 @!p0 [tilespmem:s24], [sflag:$0x6], $0x40, s16, s14, $0xb8;
	[tilespmem:$0x1A090] =	vst v63  }
0x161: {  	_ =	swait.ge @!p0 [sflag:s31], $0x2000  }
0x162: {  	[sflag:s31] =	ssyncset.done @!p0 $0x0  }
0x163: {  	[sflag:s31] =	ssyncadd.s32 @!p0 $0xFFFFE000  }
0x164: {  	[spmem:s4] =	stream.indirect.scatter.add.f32 @!p0 [tilespmem:s13], [sflag:$0x5], $0x8, s16, s14, $0xb8;
	[tilespmem:$0x1A090] =	vst v63  }
0x165: {  	s11 =	rddreg [dreg:$0xa]  }
0x166: {  	[tilespmem:s29], [sflag:$0x2] =	stream.indirect.gather [spmem:s2], $0x40, s11, s26, $0xb8;
	[tilespmem:$0x1A090] =	vst v63  }
0x167: {  	_ =	swait.ge [sflag:s18], $0x2000  }
0x168: {  	[sflag:s18] =	ssyncset.done $0x0  }
0x169: {  	s16 =	rddreg [dreg:$0xb];
	[sflag:s18] =	ssyncadd.s32 $0xFFFFE000  }
0x16a: {  	[spmem:s3] =	stream.indirect.scatter.add.f32 [tilespmem:s28], [sflag:$0x6], $0x40, s16, s26, $0xb8;
	[tilespmem:$0x1A090] =	vst v63  }
0x16b: {  	_ =	swait.ge [sflag:s21], $0x2000  }
0x16c: {  	[sflag:s21] =	ssyncset.done $0x0  }
0x16d: {  	s11 =	simm.s32 @p0 $0x300;
	[sflag:s21] =	ssyncadd.s32 $0xFFFFE000  }
0x16e: {  	[tilespmem:s17], [sflag:$0x1] =	stream.indirect.gather @p0 [spmem:s2], $0x40, s11, s6, $0xb8;
	[tilespmem:$0x1A090] =	vst v63  }
0x16f: {  	_ =	swait.ge @p0 [sflag:s23], $0x2000  }
0x170: {  	[sflag:s23] =	ssyncset.done @p0 $0x0  }
0x171: {  	s11 =	simm.s32 @p0 $0x680;
	[sflag:s23] =	ssyncadd.s32 @p0 $0xFFFFE000  }
0x172: {  	[spmem:s3] =	stream.indirect.scatter.add.f32 @p0 [tilespmem:s19], [sflag:$0x6], $0x40, s11, s6, $0xb8;
	[tilespmem:$0x1A090] =	vst v63  }
0x173: {  	_ =	swait.ge @p0 [sflag:s8], $0x2000  }
0x174: {  	[sflag:s8] =	ssyncset.done @p0 $0x0  }
0x175: {  	s11 =	simm.s32 @!p0 $0x600;
	[sflag:s8] =	ssyncadd.s32 @p0 $0xFFFFE000  }
0x176: {  	[spmem:s4] =	stream.indirect.scatter.add.f32 @!p0 [tilespmem:s13], [sflag:$0x5], $0x8, s11, s14, $0xb8;
	[tilespmem:$0x1A090] =	vst v63  }
0x177: {  	s11 =	simm.s32 @!p0 $0x300  }
0x178: {  	[tilespmem:s7], [sflag:$0x1] =	stream.indirect.gather @!p0 [spmem:s2], $0x40, s11, s14, $0xb8;
	[tilespmem:$0x1A090] =	vst v63  }
0x179: {  	_ =	swait.ge @!p0 [sflag:s12], $0x2000  }
0x17a: {  	[sflag:s12] =	ssyncset.done @!p0 $0x0  }
0x17b: {  	s16 =	simm.s32 @!p0 $0x680;
	[sflag:s12] =	ssyncadd.s32 @!p0 $0xFFFFE000  }
0x17c: {  	[spmem:s3] =	stream.indirect.scatter.add.f32 @!p0 [tilespmem:s24], [sflag:$0x6], $0x40, s16, s14, $0xb8;
	[tilespmem:$0x1A090] =	vst v63  }
0x17d: {  	_ =	swait.ge @!p0 [sflag:s31], $0x2000  }
0x17e: {  	[sflag:s31] =	ssyncset.done @!p0 $0x0  }
0x17f: {  	[sflag:s31] =	ssyncadd.s32 @!p0 $0xFFFFE000  }
0x180: {  	[spmem:s4] =	stream.indirect.scatter.add.f32 @!p0 [tilespmem:s13], [sflag:$0x5], $0x8, s16, s14, $0xb8;
	[tilespmem:$0x1A090] =	vst v63  }
0x181: {  	s11 =	rddreg [dreg:$0xc];
	s16 =	simm.s32 $0x4  }
0x182: {  	[tilespmem:s29], [sflag:$0x2] =	stream.indirect.gather [spmem:s2], $0x40, s11, s26, $0xb8;
	[tilespmem:$0x1A090] =	vst v63  }
0x183: {  	_ =	swait.ge [sflag:s16], $0x800  }
0x184: {  	[sflag:s16] =	ssyncset.done $0x0  }
0x185: {  	[sflag:s16] =	ssyncadd.s32 $0xFFFFF800  }
0x186: {  	_ =	swait.ge [sflag:s18], $0x2000  }
0x187: {  	[sflag:s18] =	ssyncset.done $0x0  }
0x188: {  	s16 =	rddreg [dreg:$0xd];
	[sflag:s18] =	ssyncadd.s32 $0xFFFFE000  }
0x189: {  	[spmem:s3] =	stream.indirect.scatter.add.f32 [tilespmem:s28], [sflag:$0x6], $0x40, s16, s26, $0xb8;
	[tilespmem:$0x1A090] =	vst v63  }
0x18a: {  	_ =	swait.ge [sflag:s21], $0x2000  }
0x18b: {  	[sflag:s21] =	ssyncset.done $0x0  }
0x18c: {  	s11 =	simm.s32 @p0 $0x800;
	[sflag:s21] =	ssyncadd.s32 $0xFFFFE000  }
0x18d: {  	[tilespmem:s17], [sflag:$0x1] =	stream.indirect.gather @p0 [spmem:s2], $0x40, s11, s6, $0xb8;
	[tilespmem:$0x1A090] =	vst v63  }
0x18e: {  	_ =	swait.ge @p0 [sflag:s23], $0x2000  }
0x18f: {  	[sflag:s23] =	ssyncset.done @p0 $0x0  }
0x190: {  	s11 =	simm.s32 @p0 $0x780;
	[sflag:s23] =	ssyncadd.s32 @p0 $0xFFFFE000  }
0x191: {  	[spmem:s3] =	stream.indirect.scatter.add.f32 @p0 [tilespmem:s19], [sflag:$0x6], $0x40, s11, s6, $0xb8;
	[tilespmem:$0x1A090] =	vst v63  }
0x192: {  	_ =	swait.ge @p0 [sflag:s8], $0x2000  }
0x193: {  	[sflag:s8] =	ssyncset.done @p0 $0x0  }
0x194: {  	s11 =	simm.s32 @!p0 $0x700;
	[sflag:s8] =	ssyncadd.s32 @p0 $0xFFFFE000  }
0x195: {  	[spmem:s4] =	stream.indirect.scatter.add.f32 @!p0 [tilespmem:s13], [sflag:$0x5], $0x8, s11, s14, $0xb8;
	[tilespmem:$0x1A090] =	vst v63  }
0x196: {  	s11 =	simm.s32 @!p0 $0x800  }
0x197: {  	[tilespmem:s7], [sflag:$0x1] =	stream.indirect.gather @!p0 [spmem:s2], $0x40, s11, s14, $0xb8;
	[tilespmem:$0x1A090] =	vst v63  }
0x198: {  	_ =	swait.ge @!p0 [sflag:s12], $0x2000  }
0x199: {  	[sflag:s12] =	ssyncset.done @!p0 $0x0  }
0x19a: {  	s7 =	simm.s32 @!p0 $0x780;
	[sflag:s12] =	ssyncadd.s32 @!p0 $0xFFFFE000  }
0x19b: {  	[spmem:s3] =	stream.indirect.scatter.add.f32 @!p0 [tilespmem:s24], [sflag:$0x6], $0x40, s7, s14, $0xb8;
	[tilespmem:$0x1A090] =	vst v63  }
0x19c: {  	_ =	swait.ge @!p0 [sflag:s31], $0x2000  }
0x19d: {  	[sflag:s31] =	ssyncset.done @!p0 $0x0  }
0x19e: {  	s20 =	smov.u32 s0;
	s24 =	rddreg [dreg:$0x6];
	[sflag:s31] =	ssyncadd.s32 @!p0 $0xFFFFE000  }
0x19f: {  	[spmem:s4] =	stream.indirect.scatter.add.f32 @!p0 [tilespmem:s13], [sflag:$0x5], $0x8, s7, s14, $0xb8;
	[tilespmem:$0x1A090] =	vst v63  }
0x1a0: {  	s16 =	rddreg [dreg:$0xe];
	s20 =	sadd.s32 s20, s24  }
0x1a1: {  	[tilespmem:s29], [sflag:$0x2] =	stream.indirect.gather [spmem:s2], $0x40, s16, s26, $0xb8;
	[tilespmem:$0x1A090] =	vst v63  }
0x1a2: {  	s17 =	simm.s32 $0x0;
	s11 =	sadd.s32 $0x1600, s20  }
0x1a3: {  	[tilespmem:s17], [sflag:$0x3] =	stream.linear.gather [hbm4b:s11+s17], $0x800, $0x38;
	[tilespmem:$0x1A090] =	vst v63  }
0x1a4: {  	_ =	swait.ge [sflag:s18], $0x2000  }
0x1a5: {  	[sflag:s18] =	ssyncset.done $0x0  }
0x1a6: {  	s19 =	rddreg [dreg:$0xf];
	[sflag:s18] =	ssyncadd.s32 $0xFFFFE000  }
0x1a7: {  	[spmem:s3] =	stream.indirect.scatter.add.f32 [tilespmem:s28], [sflag:$0x6], $0x40, s19, s26, $0xb8;
	[tilespmem:$0x1A090] =	vst v63  }
0x1a8: {  	_ =	swait.ge [sflag:s21], $0x2000  }
0x1a9: {  	[sflag:s21] =	ssyncset.done $0x0  }
0x1aa: {  	s7 =	simm.s32 @p1 $0x1000;
	s11 =	simm.s32 @p1 $0x900;
	[sflag:s21] =	ssyncadd.s32 $0xFFFFE000  }
0x1ab: {  	[tilespmem:s7], [sflag:$0x1] =	stream.indirect.gather @p1 [spmem:s2], $0x40, s11, s15, $0xb8;
	[tilespmem:$0x1A090] =	vst v63  }
0x1ac: {  	_ =	swait.ge @p1 [sflag:s10], $0x2000  }
0x1ad: {  	[sflag:s10] =	ssyncset.done @p1 $0x0  }
0x1ae: {  	s16 =	simm.s32 @p1 $0x3000;
	s11 =	simm.s32 @p1 $0xC80;
	[sflag:s10] =	ssyncadd.s32 @p1 $0xFFFFE000  }
0x1af: {  	[spmem:s3] =	stream.indirect.scatter.add.f32 @p1 [tilespmem:s16], [sflag:$0x6], $0x40, s11, s15, $0xb8;
	[tilespmem:$0x1A090] =	vst v63  }
0x1b0: {  	_ =	swait.ge @p1 [sflag:s5], $0x2000  }
0x1b1: {  	[sflag:s5] =	ssyncset.done @p1 $0x0  }
0x1b2: {  	s11 =	simm.s32 @!p1 $0xC00;
	[sflag:s5] =	ssyncadd.s32 @p1 $0xFFFFE000  }
0x1b3: {  	[spmem:s4] =	stream.indirect.scatter.add.f32 @!p1 [tilespmem:s22], [sflag:$0x5], $0x8, s11, s9, $0xb8;
	[tilespmem:$0x1A090] =	vst v63  }
0x1b4: {  	s19 =	simm.s32 @!p1 $0x1000;
	s11 =	simm.s32 @!p1 $0x900  }
0x1b5: {  	[tilespmem:s19], [sflag:$0x1] =	stream.indirect.gather @!p1 [spmem:s2], $0x40, s11, s9, $0xb8;
	[tilespmem:$0x1A090] =	vst v63  }
0x1b6: {  	_ =	swait.ge @!p1 [sflag:s1], $0x2000  }
0x1b7: {  	[sflag:s1] =	ssyncset.done @!p1 $0x0  }
0x1b8: {  	s24 =	simm.s32 @!p1 $0xC80;
	[sflag:s1] =	ssyncadd.s32 @!p1 $0xFFFFE000  }
0x1b9: {  	[spmem:s3] =	stream.indirect.scatter.add.f32 @!p1 [tilespmem:s25], [sflag:$0x6], $0x40, s24, s9, $0xb8;
	[tilespmem:$0x1A090] =	vst v63  }
0x1ba: {  	_ =	swait.ge @!p1 [sflag:s30], $0x2000  }
0x1bb: {  	[sflag:s30] =	ssyncset.done @!p1 $0x0  }
0x1bc: {  	[sflag:s30] =	ssyncadd.s32 @!p1 $0xFFFFE000  }
0x1bd: {  	[spmem:s4] =	stream.indirect.scatter.add.f32 @!p1 [tilespmem:s22], [sflag:$0x5], $0x8, s24, s9, $0xb8;
	[tilespmem:$0x1A090] =	vst v63  }
0x1be: {  	s11 =	rddreg [dreg:$0x10]  }
0x1bf: {  	[tilespmem:s29], [sflag:$0x2] =	stream.indirect.gather [spmem:s2], $0x40, s11, s26, $0xb8;
	[tilespmem:$0x1A090] =	vst v63  }
0x1c0: {  	_ =	swait.ge [sflag:s18], $0x2000  }
0x1c1: {  	[sflag:s18] =	ssyncset.done $0x0  }
0x1c2: {  	s24 =	rddreg [dreg:$0x11];
	[sflag:s18] =	ssyncadd.s32 $0xFFFFE000  }
0x1c3: {  	[spmem:s3] =	stream.indirect.scatter.add.f32 [tilespmem:s28], [sflag:$0x6], $0x40, s24, s26, $0xb8;
	[tilespmem:$0x1A090] =	vst v63  }
0x1c4: {  	_ =	swait.ge [sflag:s21], $0x2000  }
0x1c5: {  	[sflag:s21] =	ssyncset.done $0x0  }
0x1c6: {  	s11 =	simm.s32 @p1 $0xA00;
	[sflag:s21] =	ssyncadd.s32 $0xFFFFE000  }
0x1c7: {  	[tilespmem:s7], [sflag:$0x1] =	stream.indirect.gather @p1 [spmem:s2], $0x40, s11, s15, $0xb8;
	[tilespmem:$0x1A090] =	vst v63  }
0x1c8: {  	_ =	swait.ge @p1 [sflag:s10], $0x2000  }
0x1c9: {  	[sflag:s10] =	ssyncset.done @p1 $0x0  }
0x1ca: {  	s11 =	simm.s32 @p1 $0xD80;
	[sflag:s10] =	ssyncadd.s32 @p1 $0xFFFFE000  }
0x1cb: {  	[spmem:s3] =	stream.indirect.scatter.add.f32 @p1 [tilespmem:s16], [sflag:$0x6], $0x40, s11, s15, $0xb8;
	[tilespmem:$0x1A090] =	vst v63  }
0x1cc: {  	_ =	swait.ge @p1 [sflag:s5], $0x2000  }
0x1cd: {  	[sflag:s5] =	ssyncset.done @p1 $0x0  }
0x1ce: {  	s11 =	simm.s32 @!p1 $0xD00;
	[sflag:s5] =	ssyncadd.s32 @p1 $0xFFFFE000  }
0x1cf: {  	[spmem:s4] =	stream.indirect.scatter.add.f32 @!p1 [tilespmem:s22], [sflag:$0x5], $0x8, s11, s9, $0xb8;
	[tilespmem:$0x1A090] =	vst v63  }
0x1d0: {  	s11 =	simm.s32 @!p1 $0xA00  }
0x1d1: {  	[tilespmem:s19], [sflag:$0x1] =	stream.indirect.gather @!p1 [spmem:s2], $0x40, s11, s9, $0xb8;
	[tilespmem:$0x1A090] =	vst v63  }
0x1d2: {  	_ =	swait.ge @!p1 [sflag:s1], $0x2000  }
0x1d3: {  	[sflag:s1] =	ssyncset.done @!p1 $0x0  }
0x1d4: {  	s24 =	simm.s32 @!p1 $0xD80;
	[sflag:s1] =	ssyncadd.s32 @!p1 $0xFFFFE000  }
0x1d5: {  	[spmem:s3] =	stream.indirect.scatter.add.f32 @!p1 [tilespmem:s25], [sflag:$0x6], $0x40, s24, s9, $0xb8;
	[tilespmem:$0x1A090] =	vst v63  }
0x1d6: {  	_ =	swait.ge @!p1 [sflag:s30], $0x2000  }
0x1d7: {  	[sflag:s30] =	ssyncset.done @!p1 $0x0  }
0x1d8: {  	[sflag:s30] =	ssyncadd.s32 @!p1 $0xFFFFE000  }
0x1d9: {  	[spmem:s4] =	stream.indirect.scatter.add.f32 @!p1 [tilespmem:s22], [sflag:$0x5], $0x8, s24, s9, $0xb8;
	[tilespmem:$0x1A090] =	vst v63  }
0x1da: {  	s11 =	rddreg [dreg:$0x12]  }
0x1db: {  	[tilespmem:s29], [sflag:$0x2] =	stream.indirect.gather [spmem:s2], $0x40, s11, s26, $0xb8;
	[tilespmem:$0x1A090] =	vst v63  }
0x1dc: {  	_ =	swait.ge [sflag:s18], $0x2000  }
0x1dd: {  	[sflag:s18] =	ssyncset.done $0x0  }
0x1de: {  	s24 =	rddreg [dreg:$0x13];
	[sflag:s18] =	ssyncadd.s32 $0xFFFFE000  }
0x1df: {  	[spmem:s3] =	stream.indirect.scatter.add.f32 [tilespmem:s28], [sflag:$0x6], $0x40, s24, s26, $0xb8;
	[tilespmem:$0x1A090] =	vst v63  }
0x1e0: {  	_ =	swait.ge [sflag:s21], $0x2000  }
0x1e1: {  	[sflag:s21] =	ssyncset.done $0x0  }
0x1e2: {  	s11 =	simm.s32 @p1 $0xB00;
	[sflag:s21] =	ssyncadd.s32 $0xFFFFE000  }
0x1e3: {  	[tilespmem:s7], [sflag:$0x1] =	stream.indirect.gather @p1 [spmem:s2], $0x40, s11, s15, $0xb8;
	[tilespmem:$0x1A090] =	vst v63  }
0x1e4: {  	_ =	swait.ge @p1 [sflag:s10], $0x2000  }
0x1e5: {  	[sflag:s10] =	ssyncset.done @p1 $0x0  }
0x1e6: {  	s11 =	simm.s32 @p1 $0xE80;
	[sflag:s10] =	ssyncadd.s32 @p1 $0xFFFFE000  }
0x1e7: {  	[spmem:s3] =	stream.indirect.scatter.add.f32 @p1 [tilespmem:s16], [sflag:$0x6], $0x40, s11, s15, $0xb8;
	[tilespmem:$0x1A090] =	vst v63  }
0x1e8: {  	_ =	swait.ge @p1 [sflag:s5], $0x2000  }
0x1e9: {  	[sflag:s5] =	ssyncset.done @p1 $0x0  }
0x1ea: {  	s11 =	simm.s32 @!p1 $0xE00;
	[sflag:s5] =	ssyncadd.s32 @p1 $0xFFFFE000  }
0x1eb: {  	[spmem:s4] =	stream.indirect.scatter.add.f32 @!p1 [tilespmem:s22], [sflag:$0x5], $0x8, s11, s9, $0xb8;
	[tilespmem:$0x1A090] =	vst v63  }
0x1ec: {  	s11 =	simm.s32 @!p1 $0xB00  }
0x1ed: {  	[tilespmem:s19], [sflag:$0x1] =	stream.indirect.gather @!p1 [spmem:s2], $0x40, s11, s9, $0xb8;
	[tilespmem:$0x1A090] =	vst v63  }
0x1ee: {  	_ =	swait.ge @!p1 [sflag:s1], $0x2000  }
0x1ef: {  	[sflag:s1] =	ssyncset.done @!p1 $0x0  }
0x1f0: {  	s24 =	simm.s32 @!p1 $0xE80;
	[sflag:s1] =	ssyncadd.s32 @!p1 $0xFFFFE000  }
0x1f1: {  	[spmem:s3] =	stream.indirect.scatter.add.f32 @!p1 [tilespmem:s25], [sflag:$0x6], $0x40, s24, s9, $0xb8;
	[tilespmem:$0x1A090] =	vst v63  }
0x1f2: {  	_ =	swait.ge @!p1 [sflag:s30], $0x2000  }
0x1f3: {  	[sflag:s30] =	ssyncset.done @!p1 $0x0  }
0x1f4: {  	[sflag:s30] =	ssyncadd.s32 @!p1 $0xFFFFE000  }
0x1f5: {  	[spmem:s4] =	stream.indirect.scatter.add.f32 @!p1 [tilespmem:s22], [sflag:$0x5], $0x8, s24, s9, $0xb8;
	[tilespmem:$0x1A090] =	vst v63  }
0x1f6: {  	s11 =	rddreg [dreg:$0x14];
	s24 =	simm.s32 $0x3  }
0x1f7: {  	[tilespmem:s29], [sflag:$0x2] =	stream.indirect.gather [spmem:s2], $0x40, s11, s26, $0xb8;
	[tilespmem:$0x1A090] =	vst v63  }
0x1f8: {  	_ =	swait.ge [sflag:s24], $0x800  }
0x1f9: {  	[sflag:s24] =	ssyncset.done $0x0  }
0x1fa: {  	[sflag:s24] =	ssyncadd.s32 $0xFFFFF800  }
0x1fb: {  	_ =	swait.ge [sflag:s18], $0x2000  }
0x1fc: {  	[sflag:s18] =	ssyncset.done $0x0  }
0x1fd: {  	s24 =	rddreg [dreg:$0x15];
	[sflag:s18] =	ssyncadd.s32 $0xFFFFE000  }
0x1fe: {  	[spmem:s3] =	stream.indirect.scatter.add.f32 [tilespmem:s28], [sflag:$0x6], $0x40, s24, s26, $0xb8;
	[tilespmem:$0x1A090] =	vst v63  }
0x1ff: {  	_ =	swait.ge [sflag:s21], $0x2000  }
0x200: {  	[sflag:s21] =	ssyncset.done $0x0  }
0x201: {  	s24 =	simm.s32 @p1 $0x0;
	[sflag:s21] =	ssyncadd.s32 $0xFFFFE000  }
0x202: {  	[tilespmem:s7], [sflag:$0x1] =	stream.indirect.gather @p1 [spmem:s2], $0x40, s24, s15, $0xb8;
	[tilespmem:$0x1A090] =	vst v63  }
0x203: {  	_ =	swait.ge @p1 [sflag:s10], $0x2000  }
0x204: {  	[sflag:s10] =	ssyncset.done @p1 $0x0  }
0x205: {  	s7 =	simm.s32 @p1 $0xF80;
	[sflag:s10] =	ssyncadd.s32 @p1 $0xFFFFE000  }
0x206: {  	[spmem:s3] =	stream.indirect.scatter.add.f32 @p1 [tilespmem:s16], [sflag:$0x6], $0x40, s7, s15, $0xb8;
	[tilespmem:$0x1A090] =	vst v63  }
0x207: {  	_ =	swait.ge @p1 [sflag:s5], $0x2000  }
0x208: {  	[sflag:s5] =	ssyncset.done @p1 $0x0  }
0x209: {  	s7 =	simm.s32 @!p1 $0xF00;
	[sflag:s5] =	ssyncadd.s32 @p1 $0xFFFFE000  }
0x20a: {  	[spmem:s4] =	stream.indirect.scatter.add.f32 @!p1 [tilespmem:s22], [sflag:$0x5], $0x8, s7, s9, $0xb8;
	[tilespmem:$0x1A090] =	vst v63  }
0x20b: {  	s7 =	simm.s32 @!p1 $0x0  }
0x20c: {  	[tilespmem:s19], [sflag:$0x1] =	stream.indirect.gather @!p1 [spmem:s2], $0x40, s7, s9, $0xb8;
	[tilespmem:$0x1A090] =	vst v63  }
0x20d: {  	_ =	swait.ge @!p1 [sflag:s1], $0x2000  }
0x20e: {  	[sflag:s1] =	ssyncset.done @!p1 $0x0  }
0x20f: {  	s0 =	sadd.s32 $0x200, s0;
	s7 =	simm.s32 @!p1 $0xF80;
	[sflag:s1] =	ssyncadd.s32 @!p1 $0xFFFFE000  }
0x210: {  	[spmem:s3] =	stream.indirect.scatter.add.f32 @!p1 [tilespmem:s25], [sflag:$0x6], $0x40, s7, s9, $0xb8;
	[tilespmem:$0x1A090] =	vst v63  }
0x211: {  	p2 =	sne.s32 s0, $0x0;
	_ =	swait.ge @!p1 [sflag:s30], $0x2000  }
.Ltmp0:
0x212: {  	[sflag:s30] =	ssyncset.done @!p1 $0x0;
	(pc) =	sbr.rel @p2 .LBB2_2-.Ltmp0, $4  }
0x213: {  	[sflag:s30] =	ssyncadd.s32 @!p1 $0xFFFFE000  }
0x214: {  	[spmem:s4] =	stream.indirect.scatter.add.f32 @!p1 [tilespmem:s22], [sflag:$0x5], $0x8, s7, s9, $0xb8;
	[tilespmem:$0x1A090] =	vst v63  }
0x215: {  	s20 =	sadd.s32 $0x1700, s20;
	s11 =	simm.s32 $0x800  }
0x216: {  	[tilespmem:s29], [sflag:$0x2] =	stream.indirect.gather [spmem:s2], $0x40, s26, s26, $0xb8;
	[tilespmem:$0x1A090] =	vst v63  }
0x217: {  	[tilespmem:s11], [sflag:$0x4] =	stream.linear.gather [hbm4b:s20+s17], $0x800, $0x38;
	[tilespmem:$0x1A090] =	vst v63  }
0x218: {  	_ =	swait.ge [sflag:s18], $0x2000  }
0x219: {  	[sflag:s18] =	ssyncset.done $0x0  }
0x21a: {  	s0 =	simm.s32 $0x2;
	[sflag:s18] =	ssyncadd.s32 $0xFFFFE000  }
0x21b: {  	_ =	swait.ge [sflag:s0], $0x2000  }
0x21c: {  	[sflag:s0] =	ssyncset.done $0x0  }
0x21d: {  	s31 =	simm.s32 $0x4;
	[sflag:s0] =	ssyncadd.s32 $0xFFFFE000  }
0x21e: {  	_ =	swait.ge [sflag:s31], $0x800  }
0x21f: {  	[sflag:s31] =	ssyncset.done $0x0  }
0x220: {  	s1 =	simm.s32 $0x5;
	[sflag:s31] =	ssyncadd.s32 $0xFFFFF800  }
0x221: {  	_ =	swait.ge [sflag:s1], $0x400  }
0x222: {  	s9 =	simm.s32 $0x4;
	s0 =	simm.s32 $0x4F;
	[sflag:s1] =	ssyncset.done $0x0  }
.LBB2_4:
0x223: {  	p2 =	sne.s32 s0, $0x1;
	s0 =	sadd.s32 $0xFFFFFFFF, s0;
	[sflag:s1] =	ssyncadd.s32 $0xFFFFFC00  }
.Ltmp1:
0x224: {  	(pc) =	sbr.rel @p2 .LBB2_4-.Ltmp1, $3  }
0x225: {  	_ =	sdelay $0x1  }
0x226: {  	_ =	swait.ge [sflag:s1], $0x400  }
0x227: {  	[sflag:s1] =	ssyncset.done $0x0  }
0x228: {  	[sflag:s1] =	ssyncadd.s32 $0xFFFFFC00  }
0x229: {  	[bflag:$0x0] =	sbarrier.arrive $0xFFFF  }
0x22a: {  	s7 =	sld [smem:$0x7FD]  }
0x22b: {  	s13 =	rddreg [dreg:$0x1a]  }
0x22c: {  	s0 =	rddreg [dreg:$0x1e]  }
0x22d: {  	[hbm:s0], [sflag:s13] =	dma.local [spmem:s7], $0x1390  }
0x22e: {  	_ =	swait.ge [sflag:s21], $0x1390  }
0x22f: {  	s25 =	sld [smem:$0x7FA]  }
0x230: {  	[sflag:s21] =	ssyncset.done $0x0  }
0x231: {  	s24 =	rddreg [dreg:$0x1f];
	[sflag:s21] =	ssyncadd.s32 $0xFFFFEC70  }
0x232: {  	[hbm:s24], [sflag:s13] =	dma.local [spmem:s25], $0x272  }
0x233: {  	_ =	swait.ge [sflag:s21], $0x272  }
0x234: {  	s30 =	sld [smem:$0x7F9]  }
0x235: {  	s31 =	sld [smem:$0x7FB];
	_ =	sdelay $0x1  }
0x236: {  	s1 =	sadd.s32 $0x1, s30  }
0x237: {  	p2 =	sne.s32 s1, s31  }
.Ltmp2:
0x238: {  	_ = 	snop;
	(pc) =	sbr.rel @p2 .LBB2_1-.Ltmp2, $3  }
0x239: {  	_ =	sdelay $0x1  }
0x23a: {  	[sflag:s21] =	ssyncset.done $0x0  }
0x23b: {  	s8 =	simm.s32 $0x3;
	[sflag:s21] =	ssyncadd.s32 $0xFFFFFD8E  }
0x23c: {  	_ =	sfence.sel $0x180000  }
0x23d: {  	[bflag:$0x0] =	sbarrier.arrive $0xFFFF  }
0x23e: {  	_ =	strace $0x90000047  }
0x23f: {  	s0 =	stileid.u32;
	[bflag:$0x2] =	sbarrier.arrive $0xFFFF  }
0x240: {  	p0 =	sne.s32 s0, $0x0;
	s0 =	rddreg [dreg:$0x5]  }
0x241: {  	s0 =	sadd.s32 @!p0 $0x100000, s0  }
0x242: {  	[sflag:s0] =	ssyncadd.tile.s32 @!p0 $0x1;
	_ =	shalt  }
.Lfunc_end2:
_tile_overlayer_lowered:
.L_overlay_start_2:
0x243: {  	(tag) =	ssettag $0x2  }
0x244: {  	s0 =	rddreg [dreg:$0x0];
	s2 =	stileid.u32  }
0x245: {  	s1 =	rddreg [dreg:$0x1];
	p0 =	sne.s32 s2, $0x0  }
0x246: {  	s3 =	rddreg [dreg:$0x2];
	[bflag:$0x3] =	sbarrier.arrive $0xFFFF;
	s2 =	simm.s32 @!p0 $0x1C06  }
0x247: {  	[timem:s3], [sflag:s2] =	dma.local @!p0 [hbm:s0], s1  }
0x248: {  	s0 =	simm.s32 @!p0 $0x6  }
0x249: {  	_ =	swait.ge @!p0 [sflag:s0], s1  }
0x24a: {  	s1 =	ssub.s32 @!p0 $0x0, s1;
	[sflag:s0] =	ssyncset.done @!p0 $0x0  }
0x24b: {  	[sflag:s0] =	ssyncadd.s32 @!p0 s1  }
0x24c: {  	[bflag:$0x3] =	sbarrier.arrive $0xFFFF  }
0x24d: {  	_ =	shalt  }

// kernel: kernel.9.cloned.1.call-start
scs
__scs_entry_jumppad:
0x0: {  	(pc) =	sbr.rel $0x88, $3  }
0x1: {  	(tag) =	ssettag $0x0;
	lr =	simm.s32 $0x1  }
0x2: {  	[smem:$0x3F99] =	sst lr;
	_ =	strace $0xD0000000  }
0x3: {  	_ = 	snop  }
0x4: {  	_ = 	snop  }
0x5: {  	_ = 	snop  }
0x6: {  	_ = 	snop  }
0x7: {  	_ = 	snop  }
__scs_overlays_trampoline_lowered:
0x8: {  	[smem:$0x3FA8] =	sst s0  }
0x9: {  	[smem:$0x3FA9] =	sst s1  }
0xa: {  	[smem:$0x3FAA] =	sst s2  }
0xb: {  	[smem:$0x3FAB] =	sst s3  }
0xc: {  	[smem:$0x3FAC] =	sst s4  }
0xd: {  	[smem:$0x3FAD] =	sst s5  }
0xe: {  	[smem:$0x3FAE] =	sst s6  }
0xf: {  	[smem:$0x3FAF] =	sst s7  }
0x10: {  	[smem:$0x3FB0] =	sst s8  }
0x11: {  	[smem:$0x3FB1] =	sst s9;
	s0 =	simm.s32 @!p0 $0x0  }
0x12: {  	s1 =	sld [smem:$0x3F97];
	s0 =	simm.s32 @p0 $0x1  }
0x13: {  	[smem:$0x3FB2] =	sst s0;
	s0 =	simm.s32 @!p1 $0x0  }
0x14: {  	s2 =	sld [smem:$0x3F96];
	s0 =	simm.s32 @p1 $0x1  }
0x15: {  	[smem:$0x3FB3] =	sst s0;
	s0 =	simm.s32 @!p2 $0x0  }
0x16: {  	s3 =	sld [smem:$0x3FDB];
	s0 =	simm.s32 @p2 $0x1  }
0x17: {  	s4 =	simm.s32 $0x1BF5;
	[smem:$0x3FB5] =	sst s0  }
0x18: {  	s0 =	sld [smem:$0x3F98];
	_ =	swait.ge [sflag:s4], $0x0  }
0x19: {  	s7 =	sld [smem:$0x3F99]  }
0x1a: {  	s8 =	sadd.s32 $0xFFFFE003, lr  }
0x1b: {  	s9 =	sadd.s32 $0xFFFFFEF7, lr;
	s5 =	simm.s32 $0xFFFFFFFF;
	p2 =	slt.u32 s8, $0xFFFFF086  }
0x1c: {  	p1 =	slt.u32 s9, $0xF7A;
	s5 =	simm.s32 @!p2 $0x0  }
0x1d: {  	s5 =	simm.s32 @p1 $0x1;
	p0 =	seq.s32 s7, s2  }
0x1e: {  	s7 =	smul.u32 @!p0 $0xF7A, s2;
	p2 =	seq.s32 @!p0 s5, $0x0  }
0x1f: {  	s9 =	smul.u32 $0xF7A, s1;
	s8 =	simm.s32 @!p0 $0x1BF5;
	p2 =	por !p2, p0  }
0x20: {  	[sflag:s8] =	ssyncset.s32 @!p0 $0xFFFFF086;
	s6 =	sadd.s32 @!p0 s3, s7;
	s7 =	simm.s32 @!p0 $0x108  }
0x21: {  	s3 =	sadd.s32 s3, s9;
	s6 =	sadd.s32 @!p0 $0x88, s6;
	s7 =	simm.s32 @p2 $0x1082  }
0x22: {  	[simem:s7], [sflag:s8] =	dma.local @!p0 [hbm:s6], $0xF7A  }
0x23: {  	s9 =	sor.u32 $0xD0000000, s2;
	s6 =	simm.s32 $0x108;
	_ =	swait.ge @!p0 [sflag:s8], $0x0  }
0x24: {  	s3 =	sadd.s32 $0x88, s3;
	s6 =	simm.s32 @!p1 $0x1082;
	[sflag:s4] =	ssyncset.s32 $0xFFFFF086  }
0x25: {  	[simem:s6], [sflag:s4] =	dma.local [hbm:s3], $0xF7A  }
0x26: {  	[smem:$0x3F99] =	sst s1;
	(tag) =	ssettag s2;
	_ =	strace s9  }
0x27: {  	s1 =	sld [smem:$0x3FA9]  }
0x28: {  	s2 =	sld [smem:$0x3FAA]  }
0x29: {  	s4 =	sld [smem:$0x3FAC]  }
0x2a: {  	p0 =	seq.s32 s5, $0x0;
	s5 =	sld [smem:$0x3FAD]  }
0x2b: {  	s6 =	sld [smem:$0x3FAE]  }
0x2c: {  	s7 =	sld [smem:$0x3FAF]  }
0x2d: {  	s3 =	simm.s32 $0x108;
	s8 =	sld [smem:$0x3FB0]  }
0x2e: {  	s3 =	simm.s32 @!p0 $0x1082;
	s9 =	sld [smem:$0x3FB1]  }
0x2f: {  	lr =	sadd.s32 s0, s3;
	s0 =	sld [smem:$0x3FA8]  }
0x30: {  	s3 =	sld [smem:$0x3FAB]  }
0x31: {  	[smem:$0x3FB4] =	sst s10  }
0x32: {  	s10 =	sld [smem:$0x3FB2];
	_ =	sdelay $0x3  }
0x33: {  	p0 =	seq.s32 s10, $0x1;
	s10 =	sld [smem:$0x3FB4];
	_ =	sdelay $0x3  }
0x34: {  	[smem:$0x3FB4] =	sst s10  }
0x35: {  	s10 =	sld [smem:$0x3FB3];
	_ =	sdelay $0x3  }
0x36: {  	p1 =	seq.s32 s10, $0x1;
	s10 =	sld [smem:$0x3FB4];
	_ =	sdelay $0x3  }
0x37: {  	[smem:$0x3FB4] =	sst s10  }
0x38: {  	s10 =	sld [smem:$0x3FB5]  }
0x39: {  	_ = 	snop;
	(pc) =	sbr.ind lr, $3  }
0x3a: {  	_ = 	snop  }
0x3b: {  	_ = 	snop  }
0x3c: {  	p2 =	seq.s32 s10, $0x1;
	s10 =	sld [smem:$0x3FB4]  }
0x3d: {  	_ =	shalt  }
0x3e: {  	_ =	shalt  }
0x3f: {  	_ =	shalt  }
0x40: {  	_ =	shalt  }
0x41: {  	_ =	shalt  }
0x42: {  	_ =	shalt  }
0x43: {  	_ =	shalt  }
0x44: {  	_ =	shalt  }
0x45: {  	_ =	shalt  }
0x46: {  	_ =	shalt  }
0x47: {  	_ =	shalt  }
0x48: {  	_ =	shalt  }
0x49: {  	_ =	shalt  }
0x4a: {  	_ =	shalt  }
0x4b: {  	_ =	shalt  }
0x4c: {  	_ =	shalt  }
0x4d: {  	_ =	shalt  }
0x4e: {  	_ =	shalt  }
0x4f: {  	_ =	shalt  }
0x50: {  	_ =	shalt  }
0x51: {  	_ =	shalt  }
0x52: {  	_ =	shalt  }
0x53: {  	_ =	shalt  }
0x54: {  	_ =	shalt  }
0x55: {  	_ =	shalt  }
0x56: {  	_ =	shalt  }
0x57: {  	_ =	shalt  }
0x58: {  	_ =	shalt  }
0x59: {  	_ =	shalt  }
0x5a: {  	_ =	shalt  }
0x5b: {  	_ =	shalt  }
0x5c: {  	_ =	shalt  }
0x5d: {  	_ =	shalt  }
0x5e: {  	_ =	shalt  }
0x5f: {  	_ =	shalt  }
0x60: {  	_ =	shalt  }
0x61: {  	_ =	shalt  }
0x62: {  	_ =	shalt  }
0x63: {  	_ =	shalt  }
0x64: {  	_ =	shalt  }
0x65: {  	_ =	shalt  }
0x66: {  	_ =	shalt  }
0x67: {  	_ =	shalt  }
0x68: {  	_ =	shalt  }
0x69: {  	_ =	shalt  }
0x6a: {  	_ =	shalt  }
0x6b: {  	_ =	shalt  }
0x6c: {  	_ =	shalt  }
0x6d: {  	_ =	shalt  }
0x6e: {  	_ =	shalt  }
0x6f: {  	_ =	shalt  }
0x70: {  	_ =	shalt  }
0x71: {  	_ =	shalt  }
0x72: {  	_ =	shalt  }
0x73: {  	_ =	shalt  }
0x74: {  	_ =	shalt  }
0x75: {  	_ =	shalt  }
0x76: {  	_ =	shalt  }
0x77: {  	_ =	shalt  }
0x78: {  	_ =	shalt  }
0x79: {  	_ =	shalt  }
0x7a: {  	_ =	shalt  }
0x7b: {  	_ =	shalt  }
0x7c: {  	_ =	shalt  }
0x7d: {  	_ =	shalt  }
0x7e: {  	_ =	shalt  }
0x7f: {  	_ =	shalt  }
0x80: {  	_ =	shalt  }
0x81: {  	_ =	shalt  }
0x82: {  	_ =	shalt  }
0x83: {  	_ =	shalt  }
0x84: {  	_ =	shalt  }
0x85: {  	_ =	shalt  }
0x86: {  	_ =	shalt  }
0x87: {  	_ =	shalt  }
.Lfunc_end0:
.L_simem_size_0:
called_computation.1_lowered:
.L_overlay_start_0:
0x88: {  	s2 =	sld [smem:$0x3FD9]  }
0x89: {  	s3 =	sld [smem:$0x3FFE];
	_ =	sdelay $0x1  }
0x8a: {  	s1 =	srdreg.scid  }
0x8b: {  	s0 =	sand.u32 $0x1, s1  }
0x8c: {  	s17 =	sshll.u32 s0, $0xA;
	s2 =	sadd.s32 s3, s2  }
0x8d: {  	s2 =	sadd.s32 s2, s17  }
0x8e: {  	[smem:$0x3FC0] =	sst s2  }
0x8f: {  	_ = 	snop  }
0x90: {  	s2 =	sld [smem:$0x3FD0];
	(tm) =	ssettm $0x1  }
0x91: {  	s18 =	sld [smem:$0x3FFB];
	_ =	sdelay $0x3  }
0x92: {  	_ =	strace s18  }
0x93: {  	s3 =	sld [smem:$0x3FFC];
	_ =	sdelay $0x3  }
0x94: {  	_ =	strace s3  }
0x95: {  	s3 =	sld [smem:$0x3FFD];
	_ =	sdelay $0x3  }
0x96: {  	_ =	strace s3  }
0x97: {  	_ =	strace $0x8FFFFFFF  }
0x98: {  	s19 =	sld [smem:$0x3FDB];
	_ =	sdelay $0x1  }
0x99: {  	s4 =	simm.s32 $_scs_section_size  }
0x9a: {  	s5 =	simm.s32 $_size__tile_overlayer_lowered;
	s6 =	simm.s32 $_tile_overlayer_lowered  }
0x9b: {  	s22 =	simm.s32 $0x1BFF;
	s21 =	sshll.u32 s6, $0x1;
	s3 =	sadd.s32 s4, s19  }
0x9c: {  	s7 =	simm.s32 $0x0;
	s20 =	sshll.u32 s5, $0x1;
	s5 =	sadd.s32 s21, s3  }
0x9d: {  	[timem:s7], [sflag:s22] =	dma.local [hbm:s5], s20  }
0x9e: {  	_ =	swait.ge [sflag:s22], s20  }
0x9f: {  	s4 =	ssub.s32 $0x0, s20;
	[sflag:s22] =	ssyncset.done $0x0  }
0xa0: {  	[sflag:s22] =	ssyncadd.s32 s4;
	_ =	sdelay $0x1  }
0xa1: {  	s23 =	simm.s32 $0x1B8B  }
0xa2: {  	_ =	swait.ge [sflag:s23], $0x1  }
0xa3: {  	[sflag:s23] =	ssyncset.done $0x0  }
0xa4: {  	s25 =	simm.s32 $0x1B8E;
	s24 =	sld [smem:$0x3FFE];
	[sflag:s23] =	ssyncadd.s32 $0xFFFFFFFF  }
0xa5: {  	s26 =	simm.s32 $execute0_lowered;
	[smem:$0x3FD2] =	sst s25  }
0xa6: {  	s5 =	sshll.u32 s26, $0x1;
	_ =	strace $0x80000049;
	[dreg:$0x1] =	wrdreg $0xFFFFFFFF  }
0xa7: {  	s28 =	simm.s32 $_size_execute0_lowered;
	s3 =	sadd.s32 s3, s5;
	[dreg:$0x0] =	wrdreg $0x0  }
0xa8: {  	s5 =	sshll.u32 s28, $0x1;
	[dreg:$0x2] =	wrdreg s3  }
0xa9: {  	[dreg:$0x3] =	wrdreg s5  }
0xaa: {  	[dreg:$0x4] =	wrdreg $0xC0  }
0xab: {  	_ =	task [dreg:s7], $0x5FFFF  }
0xac: {  	[dreg:$0x1] =	wrdreg $0xFFFFFFFF  }
0xad: {  	[dreg:$0x0] =	wrdreg $0x60  }
0xae: {  	[dreg:$0x2] =	wrdreg s24  }
0xaf: {  	[dreg:$0x3] =	wrdreg s2  }
0xb0: {  	[dreg:$0x4] =	wrdreg $0x50000  }
0xb1: {  	[dreg:$0x5] =	wrdreg $0xEC800  }
0xb2: {  	[dreg:$0x6] =	wrdreg $0x9  }
0xb3: {  	_ =	task.clear_ibuf [dreg:s7], $0x7FFFF;
	_ =	strace $0x90000049  }
0xb4: {  	s29 =	simm.s32 $0x9;
	_ =	strace $0x8000004B  }
0xb5: {  	_ =	swait.ge [sflag:s29], $0x1  }
0xb6: {  	[sflag:s29] =	ssyncadd.s32 $0xFFFFFFFF  }
0xb7: {  	_ =	strace $0x9000004B  }
0xb8: {  	_ =	sfence  }
0xb9: {  	s30 =	sld [smem:$0x0];
	_ =	sdelay $0x2  }
0xba: {  	s31 =	sshll.u32 s1, $0xD;
	s1 =	sshrl.u32 s1, $0x2  }
0xbb: {  	s3 =	sand.u32 $0x4000, s31;
	s1 =	sadd.s32 s1, s30  }
0xbc: {  	s0 =	sor.u32 s3, s0;
	s1 =	sshll.u32 s1, $0x11  }
0xbd: {  	s0 =	sor.u32 s1, s0  }
0xbe: {  	s0 =	sadd.s32 $0x8F2B, s0  }
0xbf: {  	[sflag:s0] =	ssyncadd.remote.s32 $0x1  }
0xc0: {  	_ =	sfence.sel $0xFFFF  }
0xc1: {  	[dreg:$0x0] =	wrdreg $0xFFFFFFFF;
	(pc) =	sbr.abs _section_cstart, $3  }
0xc2: {  	[dreg:$0x1] =	wrdreg $0xFFFFFFFF  }
0xc3: {  	_ =	task.clear_ibuf [dreg:s7], $0x2FFFF;
	_ =	strace $0x9FFFFFFF  }
0xc4: {  	(tm) =	ssettm $0x7FFFFFFF  }
0xc5: {  	_ =	shalt  }
tec
execute0_lowered:
.L_overlay_start_1:
0x0: {  	(tag) =	ssettag $0x1  }
0x1: {  	s0 =	rddreg [dreg:$0x0]  }
0x2: {  	s1 =	rddreg [dreg:$0x1]  }
0x3: {  	s2 =	rddreg [dreg:$0x2];
	s4 =	srdreg.scid  }
0x4: {  	s10 =	stileid.u32;
	s3 =	rddreg [dreg:$0x3];
	s24 =	simm.s32 $0x400  }
0x5: {  	s25 =	simm.s32 $0x100;
	s26 =	simm.s32 $0x480;
	s13 =	simm.s32 $0x1  }
0x6: {  	s14 =	simm.s32 $0x280;
	s15 =	simm.s32 $0x600;
	s28 =	simm.s32 $0xC80  }
0x7: {  	s29 =	simm.s32 $0x980;
	s30 =	simm.s32 $0xD00;
	s6 =	smul.u32 $0x13900, s10  }
0x8: {  	s31 =	simm.s32 $0xA00;
	s5 =	sand.u32 $0x1, s4;
	s8 =	smul.u32 $0x9C80, s10  }
0x9: {  	s4 =	simm.s32 $0x0;
	s9 =	sadd.s32 $0x2A800, s0;
	s18 =	smul.u32 $0xB000, s10  }
0xa: {  	s19 =	sshll.u32 s10, $0x6;
	s10 =	smul.u32 $0x1600, s10;
	s7 =	sshll.u32 s5, $0x6  }
0xb: {  	s16 =	smul.u32 $0x9C800, s5;
	[smem:$0x7FF] =	sst s4;
	s5 =	ssub.s32 $0x2, s5  }
0xc: {  	s12 =	sor.u32 $0x1C05, s19;
	_ =	strace $0x8000004A;
	[dreg:$0x15] =	wrdreg s9  }
0xd: {  	s19 =	simm.s32 $0x3;
	s6 =	sor.u32 s7, s6;
	[dreg:$0x6] =	wrdreg s24  }
0xe: {  	s17 =	sshrl.u32 s5, $0x1;
	s11 =	sadd.s32 s8, s2;
	[dreg:$0x7] =	wrdreg s25  }
0xf: {  	s20 =	sadd.s32 s8, s3;
	s21 =	sshrl.u32 s18, $0x3;
	[dreg:$0x8] =	wrdreg s26  }
0x10: {  	s22 =	sadd.s32 s10, s1;
	s9 =	simm.s32 $0x500;
	[dreg:$0xd] =	wrdreg s14  }
0x11: {  	s10 =	simm.s32 $0x200;
	[dreg:$0xe] =	wrdreg s15;
	s18 =	simm.s32 $0x800  }
0x12: {  	s24 =	simm.s32 $0x700;
	s25 =	simm.s32 $0x780;
	[dreg:$0x17] =	wrdreg s12  }
0x13: {  	s26 =	simm.s32 $0x880;
	s14 =	simm.s32 $0xE00;
	[dreg:$0x5] =	wrdreg s22  }
0x14: {  	s15 =	simm.s32 $0xB00;
	s6 =	sshrl.u32 s6, $0x3;
	[dreg:$0xa] =	wrdreg s9  }
0x15: {  	s7 =	sadd.s32 s8, s16;
	s5 =	ssub.s32 s5, s17;
	[dreg:$0xb] =	wrdreg s10  }
0x16: {  	s23 =	sadd.s32 s1, s21;
	s8 =	sshrl.u32 s11, $0x3;
	[dreg:$0x12] =	wrdreg s24  }
0x17: {  	s11 =	simm.s32 $0x580;
	s16 =	simm.s32 $0x5;
	[dreg:$0x13] =	wrdreg s25  }
0x18: {  	s17 =	sshrl.u32 s20, $0x3;
	s21 =	simm.s32 $0x300;
	[dreg:$0x14] =	wrdreg s26  }
0x19: {  	s22 =	simm.s32 $0x680;
	s20 =	simm.s32 $0x80;
	[dreg:$0x18] =	wrdreg s23  }
0x1a: {  	s24 =	simm.s32 $0x4;
	s25 =	simm.s32 $0xC00;
	[dreg:$0x1c] =	wrdreg s8  }
0x1b: {  	s26 =	simm.s32 $0x900;
	s1 =	simm.s32 $0xD80;
	[dreg:$0xc] =	wrdreg s11  }
0x1c: {  	s9 =	simm.s32 $0xF00;
	s10 =	simm.s32 $0xF80;
	[dreg:$0xf] =	wrdreg s21  }
0x1d: {  	s6 =	sadd.s32 s6, s0;
	s7 =	sshrl.u32 s7, $0x3;
	[dreg:$0x10] =	wrdreg s22  }
0x1e: {  	s5 =	smax.u32 s5, $0x1;
	s21 =	simm.s32 $0x1000;
	[dreg:$0x1e] =	wrdreg s17  }
0x1f: {  	s22 =	simm.s32 $0x3000;
	s6 =	sadd.s32 $0x3000, s6;
	[dreg:$0x1b] =	wrdreg s5  }
0x20: {  	s0 =	sadd.s32 s7, s0;
	s7 =	sadd.s32 $0x100, s23;
	[dreg:$0x16] =	wrdreg s6  }
0x21: {  	s8 =	simm.s32 $0x0;
	s23 =	simm.s32 $0x380;
	[dreg:$0x19] =	wrdreg s7  }
0x22: {  	s5 =	simm.s32 $0xE80;
	s0 =	sadd.s32 $0x2BC00, s0;
	[dreg:$0x11] =	wrdreg s23  }
0x23: {  	s7 =	simm.s32 $0x180;
	s23 =	simm.s32 $0x2;
	[dreg:$0x1a] =	wrdreg s0  }
0x24: {  	s6 =	simm.s32 $0xB80;
	[dreg:$0x9] =	wrdreg s7;
	s0 =	simm.s32 $0xA80  }
.LBB2_1:
0x25: {  	[dreg:$0x1d] =	wrdreg s8  }
0x26: {  	s7 =	rddreg [dreg:$0x16]  }
0x27: {  	s8 =	rddreg [dreg:$0x1c];
	s17 =	simm.s32 $0x8;
	s11 =	simm.s32 $0x10  }
0x28: {  	[spmem:s8@s17], [sflag:s12] =	dma.strided [hbm:s7@s11], $0x1390, s13, $0x8   }
0x29: {  	s11 =	rddreg [dreg:$0x1e];
	_ =	swait.ge [sflag:s16], $0x1390  }
0x2a: {  	[sflag:s16] =	ssyncset.done $0x0  }
0x2b: {  	s8 =	rddreg [dreg:$0x15];
	[sflag:s16] =	ssyncadd.s32 $0xFFFFEC70  }
0x2c: {  	[spmem:s11], [sflag:s12] =	dma.local [hbm:s8], $0x1390  }
0x2d: {  	_ =	swait.ge [sflag:s16], $0x1390  }
0x2e: {  	[sflag:s16] =	ssyncset.done $0x0  }
0x2f: {  	s12 =	rddreg [dreg:$0x18];
	[sflag:s16] =	ssyncadd.s32 $0xFFFFEC70  }
0x30: {  	[tilespmem:s4], [sflag:$0x3] =	stream.linear.gather [hbm4b:s12+s4], $0x800, $0x38;
	[tilespmem:$0x18900] =	vst v63  }
0x31: {  	s17 =	rddreg [dreg:$0x19]  }
0x32: {  	[tilespmem:s18], [sflag:$0x4] =	stream.linear.gather [hbm4b:s17+s4], $0x800, $0x38;
	[tilespmem:$0x18900] =	vst v63  }
0x33: {  	_ =	swait.ge [sflag:s19], $0x800  }
0x34: {  	[sflag:s19] =	ssyncset.done $0x0  }
0x35: {  	[sflag:s19] =	ssyncadd.s32 $0xFFFFF800  }
0x36: {  	[bflag:$0x0] =	sbarrier.arrive $0xFFFF  }
0x37: {  	[tilespmem:s21], [sflag:$0x1] =	stream.indirect.gather [spmem:s2], $0x40, s4, s20, $0xb8;
	[tilespmem:$0x18900] =	vst v63  }
0x38: {  	_ = 	snop  }
0x39: {  	[tilespmem:s22], [sflag:$0x2] =	stream.indirect.gather [spmem:s2], $0x40, s20, s20, $0xb8;
	[tilespmem:$0x18900] =	vst v63  }
0x3a: {  	_ =	swait.ge [sflag:s13], $0x2000  }
0x3b: {  	[sflag:s13] =	ssyncset.done $0x0  }
0x3c: {  	s7 =	rddreg [dreg:$0x6];
	[sflag:s13] =	ssyncadd.s32 $0xFFFFE000  }
0x3d: {  	[spmem:s3] =	stream.indirect.scatter.add.f32 [tilespmem:s21], [sflag:$0x5], $0x40, s7, s20, $0xb8;
	[tilespmem:$0x18900] =	vst v63  }
0x3e: {  	_ =	swait.ge [sflag:s16], $0x2000  }
0x3f: {  	[sflag:s16] =	ssyncset.done $0x0  }
0x40: {  	s12 =	rddreg [dreg:$0x7];
	[sflag:s16] =	ssyncadd.s32 $0xFFFFE000  }
0x41: {  	[tilespmem:s21], [sflag:$0x1] =	stream.indirect.gather [spmem:s2], $0x40, s12, s20, $0xb8;
	[tilespmem:$0x18900] =	vst v63  }
0x42: {  	_ =	swait.ge [sflag:s23], $0x2000  }
0x43: {  	[sflag:s23] =	ssyncset.done $0x0  }
0x44: {  	s17 =	rddreg [dreg:$0x8];
	[sflag:s23] =	ssyncadd.s32 $0xFFFFE000  }
0x45: {  	[spmem:s3] =	stream.indirect.scatter.add.f32 [tilespmem:s22], [sflag:$0x5], $0x40, s17, s20, $0xb8;
	[tilespmem:$0x18900] =	vst v63  }
0x46: {  	_ =	swait.ge [sflag:s16], $0x2000  }
0x47: {  	[sflag:s16] =	ssyncset.done $0x0  }
0x48: {  	s7 =	rddreg [dreg:$0x9];
	[sflag:s16] =	ssyncadd.s32 $0xFFFFE000  }
0x49: {  	[tilespmem:s22], [sflag:$0x2] =	stream.indirect.gather [spmem:s2], $0x40, s7, s20, $0xb8;
	[tilespmem:$0x18900] =	vst v63  }
0x4a: {  	_ =	swait.ge [sflag:s13], $0x2000  }
0x4b: {  	[sflag:s13] =	ssyncset.done $0x0  }
0x4c: {  	s12 =	rddreg [dreg:$0xa];
	[sflag:s13] =	ssyncadd.s32 $0xFFFFE000  }
0x4d: {  	[spmem:s3] =	stream.indirect.scatter.add.f32 [tilespmem:s21], [sflag:$0x5], $0x40, s12, s20, $0xb8;
	[tilespmem:$0x18900] =	vst v63  }
0x4e: {  	_ =	swait.ge [sflag:s16], $0x2000  }
0x4f: {  	[sflag:s16] =	ssyncset.done $0x0  }
0x50: {  	s17 =	rddreg [dreg:$0xb];
	[sflag:s16] =	ssyncadd.s32 $0xFFFFE000  }
0x51: {  	[tilespmem:s21], [sflag:$0x1] =	stream.indirect.gather [spmem:s2], $0x40, s17, s20, $0xb8;
	[tilespmem:$0x18900] =	vst v63  }
0x52: {  	_ =	swait.ge [sflag:s23], $0x2000  }
0x53: {  	[sflag:s23] =	ssyncset.done $0x0  }
0x54: {  	s7 =	rddreg [dreg:$0xc];
	[sflag:s23] =	ssyncadd.s32 $0xFFFFE000  }
0x55: {  	[spmem:s3] =	stream.indirect.scatter.add.f32 [tilespmem:s22], [sflag:$0x5], $0x40, s7, s20, $0xb8;
	[tilespmem:$0x18900] =	vst v63  }
0x56: {  	_ =	swait.ge [sflag:s16], $0x2000  }
0x57: {  	[sflag:s16] =	ssyncset.done $0x0  }
0x58: {  	s12 =	rddreg [dreg:$0xd];
	[sflag:s16] =	ssyncadd.s32 $0xFFFFE000  }
0x59: {  	[tilespmem:s22], [sflag:$0x2] =	stream.indirect.gather [spmem:s2], $0x40, s12, s20, $0xb8;
	[tilespmem:$0x18900] =	vst v63  }
0x5a: {  	_ =	swait.ge [sflag:s13], $0x2000  }
0x5b: {  	[sflag:s13] =	ssyncset.done $0x0  }
0x5c: {  	s17 =	rddreg [dreg:$0xe];
	[sflag:s13] =	ssyncadd.s32 $0xFFFFE000  }
0x5d: {  	[spmem:s3] =	stream.indirect.scatter.add.f32 [tilespmem:s21], [sflag:$0x5], $0x40, s17, s20, $0xb8;
	[tilespmem:$0x18900] =	vst v63  }
0x5e: {  	_ =	swait.ge [sflag:s16], $0x2000  }
0x5f: {  	[sflag:s16] =	ssyncset.done $0x0  }
0x60: {  	s7 =	rddreg [dreg:$0xf];
	[sflag:s16] =	ssyncadd.s32 $0xFFFFE000  }
0x61: {  	[tilespmem:s21], [sflag:$0x1] =	stream.indirect.gather [spmem:s2], $0x40, s7, s20, $0xb8;
	[tilespmem:$0x18900] =	vst v63  }
0x62: {  	_ =	swait.ge [sflag:s23], $0x2000  }
0x63: {  	[sflag:s23] =	ssyncset.done $0x0  }
0x64: {  	s12 =	rddreg [dreg:$0x10];
	[sflag:s23] =	ssyncadd.s32 $0xFFFFE000  }
0x65: {  	[spmem:s3] =	stream.indirect.scatter.add.f32 [tilespmem:s22], [sflag:$0x5], $0x40, s12, s20, $0xb8;
	[tilespmem:$0x18900] =	vst v63  }
0x66: {  	_ =	swait.ge [sflag:s16], $0x2000  }
0x67: {  	[sflag:s16] =	ssyncset.done $0x0  }
0x68: {  	s17 =	rddreg [dreg:$0x11];
	[sflag:s16] =	ssyncadd.s32 $0xFFFFE000  }
0x69: {  	[tilespmem:s22], [sflag:$0x2] =	stream.indirect.gather [spmem:s2], $0x40, s17, s20, $0xb8;
	[tilespmem:$0x18900] =	vst v63  }
0x6a: {  	_ =	swait.ge [sflag:s24], $0x800  }
0x6b: {  	[sflag:s24] =	ssyncset.done $0x0  }
0x6c: {  	[sflag:s24] =	ssyncadd.s32 $0xFFFFF800  }
0x6d: {  	_ =	swait.ge [sflag:s13], $0x2000  }
0x6e: {  	[sflag:s13] =	ssyncset.done $0x0  }
0x6f: {  	s7 =	rddreg [dreg:$0x12];
	[sflag:s13] =	ssyncadd.s32 $0xFFFFE000  }
0x70: {  	[spmem:s3] =	stream.indirect.scatter.add.f32 [tilespmem:s21], [sflag:$0x5], $0x40, s7, s20, $0xb8;
	[tilespmem:$0x18900] =	vst v63  }
0x71: {  	_ =	swait.ge [sflag:s16], $0x2000  }
0x72: {  	[sflag:s16] =	ssyncset.done $0x0  }
0x73: {  	[sflag:s16] =	ssyncadd.s32 $0xFFFFE000  }
0x74: {  	[tilespmem:s21], [sflag:$0x1] =	stream.indirect.gather [spmem:s2], $0x40, s18, s20, $0xb8;
	[tilespmem:$0x18900] =	vst v63  }
0x75: {  	_ =	swait.ge [sflag:s23], $0x2000  }
0x76: {  	[sflag:s23] =	ssyncset.done $0x0  }
0x77: {  	s12 =	rddreg [dreg:$0x13];
	[sflag:s23] =	ssyncadd.s32 $0xFFFFE000  }
0x78: {  	[spmem:s3] =	stream.indirect.scatter.add.f32 [tilespmem:s22], [sflag:$0x5], $0x40, s12, s20, $0xb8;
	[tilespmem:$0x18900] =	vst v63  }
0x79: {  	_ =	swait.ge [sflag:s16], $0x2000  }
0x7a: {  	s17 =	rddreg [dreg:$0x14];
	[sflag:s16] =	ssyncset.done $0x0  }
0x7b: {  	s7 =	rddreg [dreg:$0x5];
	[sflag:s16] =	ssyncadd.s32 $0xFFFFE000  }
0x7c: {  	[tilespmem:s22], [sflag:$0x2] =	stream.indirect.gather [spmem:s2], $0x40, s17, s20, $0xb8;
	[tilespmem:$0x18900] =	vst v63  }
0x7d: {  	s17 =	sadd.s32 $0xFFFFEC00, s7  }
0x7e: {  	s12 =	sadd.s32 $0x1600, s17  }
0x7f: {  	[tilespmem:s4], [sflag:$0x3] =	stream.linear.gather [hbm4b:s12+s4], $0x800, $0x38;
	[tilespmem:$0x18900] =	vst v63  }
0x80: {  	_ =	swait.ge [sflag:s13], $0x2000  }
0x81: {  	[sflag:s13] =	ssyncset.done $0x0  }
0x82: {  	[sflag:s13] =	ssyncadd.s32 $0xFFFFE000  }
0x83: {  	[spmem:s3] =	stream.indirect.scatter.add.f32 [tilespmem:s21], [sflag:$0x5], $0x40, s25, s20, $0xb8;
	[tilespmem:$0x18900] =	vst v63  }
0x84: {  	_ =	swait.ge [sflag:s16], $0x2000  }
0x85: {  	[sflag:s16] =	ssyncset.done $0x0  }
0x86: {  	[sflag:s16] =	ssyncadd.s32 $0xFFFFE000  }
0x87: {  	[tilespmem:s21], [sflag:$0x1] =	stream.indirect.gather [spmem:s2], $0x40, s26, s20, $0xb8;
	[tilespmem:$0x18900] =	vst v63  }
0x88: {  	_ =	swait.ge [sflag:s23], $0x2000  }
0x89: {  	[sflag:s23] =	ssyncset.done $0x0  }
0x8a: {  	[sflag:s23] =	ssyncadd.s32 $0xFFFFE000  }
0x8b: {  	[spmem:s3] =	stream.indirect.scatter.add.f32 [tilespmem:s22], [sflag:$0x5], $0x40, s28, s20, $0xb8;
	[tilespmem:$0x18900] =	vst v63  }
0x8c: {  	_ =	swait.ge [sflag:s16], $0x2000  }
0x8d: {  	[sflag:s16] =	ssyncset.done $0x0  }
0x8e: {  	[sflag:s16] =	ssyncadd.s32 $0xFFFFE000  }
0x8f: {  	[tilespmem:s22], [sflag:$0x2] =	stream.indirect.gather [spmem:s2], $0x40, s29, s20, $0xb8;
	[tilespmem:$0x18900] =	vst v63  }
0x90: {  	_ =	swait.ge [sflag:s13], $0x2000  }
0x91: {  	[sflag:s13] =	ssyncset.done $0x0  }
0x92: {  	[sflag:s13] =	ssyncadd.s32 $0xFFFFE000  }
0x93: {  	[spmem:s3] =	stream.indirect.scatter.add.f32 [tilespmem:s21], [sflag:$0x5], $0x40, s30, s20, $0xb8;
	[tilespmem:$0x18900] =	vst v63  }
0x94: {  	_ =	swait.ge [sflag:s16], $0x2000  }
0x95: {  	[sflag:s16] =	ssyncset.done $0x0  }
0x96: {  	[sflag:s16] =	ssyncadd.s32 $0xFFFFE000  }
0x97: {  	[tilespmem:s21], [sflag:$0x1] =	stream.indirect.gather [spmem:s2], $0x40, s31, s20, $0xb8;
	[tilespmem:$0x18900] =	vst v63  }
0x98: {  	_ =	swait.ge [sflag:s23], $0x2000  }
0x99: {  	[sflag:s23] =	ssyncset.done $0x0  }
0x9a: {  	[sflag:s23] =	ssyncadd.s32 $0xFFFFE000  }
0x9b: {  	[spmem:s3] =	stream.indirect.scatter.add.f32 [tilespmem:s22], [sflag:$0x5], $0x40, s1, s20, $0xb8;
	[tilespmem:$0x18900] =	vst v63  }
0x9c: {  	_ =	swait.ge [sflag:s16], $0x2000  }
0x9d: {  	[sflag:s16] =	ssyncset.done $0x0  }
0x9e: {  	[sflag:s16] =	ssyncadd.s32 $0xFFFFE000  }
0x9f: {  	[tilespmem:s22], [sflag:$0x2] =	stream.indirect.gather [spmem:s2], $0x40, s0, s20, $0xb8;
	[tilespmem:$0x18900] =	vst v63  }
0xa0: {  	_ =	swait.ge [sflag:s13], $0x2000  }
0xa1: {  	[sflag:s13] =	ssyncset.done $0x0  }
0xa2: {  	[sflag:s13] =	ssyncadd.s32 $0xFFFFE000  }
0xa3: {  	[spmem:s3] =	stream.indirect.scatter.add.f32 [tilespmem:s21], [sflag:$0x5], $0x40, s14, s20, $0xb8;
	[tilespmem:$0x18900] =	vst v63  }
0xa4: {  	_ =	swait.ge [sflag:s16], $0x2000  }
0xa5: {  	[sflag:s16] =	ssyncset.done $0x0  }
0xa6: {  	[sflag:s16] =	ssyncadd.s32 $0xFFFFE000  }
0xa7: {  	[tilespmem:s21], [sflag:$0x1] =	stream.indirect.gather [spmem:s2], $0x40, s15, s20, $0xb8;
	[tilespmem:$0x18900] =	vst v63  }
0xa8: {  	_ =	swait.ge [sflag:s23], $0x2000  }
0xa9: {  	[sflag:s23] =	ssyncset.done $0x0  }
0xaa: {  	[sflag:s23] =	ssyncadd.s32 $0xFFFFE000  }
0xab: {  	[spmem:s3] =	stream.indirect.scatter.add.f32 [tilespmem:s22], [sflag:$0x5], $0x40, s5, s20, $0xb8;
	[tilespmem:$0x18900] =	vst v63  }
0xac: {  	_ =	swait.ge [sflag:s16], $0x2000  }
0xad: {  	[sflag:s16] =	ssyncset.done $0x0  }
0xae: {  	[sflag:s16] =	ssyncadd.s32 $0xFFFFE000  }
0xaf: {  	[tilespmem:s22], [sflag:$0x2] =	stream.indirect.gather [spmem:s2], $0x40, s6, s20, $0xb8;
	[tilespmem:$0x18900] =	vst v63  }
0xb0: {  	_ =	swait.ge [sflag:s19], $0x800  }
0xb1: {  	[sflag:s19] =	ssyncset.done $0x0  }
0xb2: {  	[sflag:s19] =	ssyncadd.s32 $0xFFFFF800  }
0xb3: {  	_ =	swait.ge [sflag:s13], $0x2000  }
0xb4: {  	[sflag:s13] =	ssyncset.done $0x0  }
0xb5: {  	[sflag:s13] =	ssyncadd.s32 $0xFFFFE000  }
0xb6: {  	[spmem:s3] =	stream.indirect.scatter.add.f32 [tilespmem:s21], [sflag:$0x5], $0x40, s9, s20, $0xb8;
	[tilespmem:$0x18900] =	vst v63  }
0xb7: {  	_ =	swait.ge [sflag:s16], $0x2000  }
0xb8: {  	[sflag:s16] =	ssyncset.done $0x0  }
0xb9: {  	[sflag:s16] =	ssyncadd.s32 $0xFFFFE000  }
0xba: {  	[tilespmem:s21], [sflag:$0x1] =	stream.indirect.gather [spmem:s2], $0x40, s4, s20, $0xb8;
	[tilespmem:$0x18900] =	vst v63  }
0xbb: {  	_ =	swait.ge [sflag:s23], $0x2000  }
0xbc: {  	[sflag:s23] =	ssyncset.done $0x0  }
0xbd: {  	[sflag:s23] =	ssyncadd.s32 $0xFFFFE000  }
0xbe: {  	[spmem:s3] =	stream.indirect.scatter.add.f32 [tilespmem:s22], [sflag:$0x5], $0x40, s10, s20, $0xb8;
	[tilespmem:$0x18900] =	vst v63  }
0xbf: {  	_ =	swait.ge [sflag:s16], $0x2000  }
0xc0: {  	[sflag:s16] =	ssyncset.done $0x0  }
0xc1: {  	s17 =	sadd.s32 $0x1700, s17;
	s12 =	simm.s32 $0xFFFFEE00;
	[sflag:s16] =	ssyncadd.s32 $0xFFFFE000  }
0xc2: {  	[tilespmem:s22], [sflag:$0x2] =	stream.indirect.gather [spmem:s2], $0x40, s20, s20, $0xb8;
	[tilespmem:$0x18900] =	vst v63  }
.LBB2_2:
0xc3: {  	[tilespmem:s18], [sflag:$0x4] =	stream.linear.gather [hbm4b:s17+s4], $0x800, $0x38;
	[tilespmem:$0x18900] =	vst v63  }
0xc4: {  	_ =	swait.ge [sflag:s13], $0x2000  }
0xc5: {  	[sflag:s13] =	ssyncset.done $0x0  }
0xc6: {  	s7 =	rddreg [dreg:$0x6];
	[sflag:s13] =	ssyncadd.s32 $0xFFFFE000  }
0xc7: {  	[spmem:s3] =	stream.indirect.scatter.add.f32 [tilespmem:s21], [sflag:$0x5], $0x40, s7, s20, $0xb8;
	[tilespmem:$0x18900] =	vst v63  }
0xc8: {  	_ =	swait.ge [sflag:s16], $0x2000  }
0xc9: {  	[sflag:s16] =	ssyncset.done $0x0  }
0xca: {  	s7 =	rddreg [dreg:$0x7];
	[sflag:s16] =	ssyncadd.s32 $0xFFFFE000  }
0xcb: {  	[tilespmem:s21], [sflag:$0x1] =	stream.indirect.gather [spmem:s2], $0x40, s7, s20, $0xb8;
	[tilespmem:$0x18900] =	vst v63  }
0xcc: {  	_ =	swait.ge [sflag:s23], $0x2000  }
0xcd: {  	[sflag:s23] =	ssyncset.done $0x0  }
0xce: {  	s7 =	rddreg [dreg:$0x8];
	[sflag:s23] =	ssyncadd.s32 $0xFFFFE000  }
0xcf: {  	[spmem:s3] =	stream.indirect.scatter.add.f32 [tilespmem:s22], [sflag:$0x5], $0x40, s7, s20, $0xb8;
	[tilespmem:$0x18900] =	vst v63  }
0xd0: {  	_ =	swait.ge [sflag:s16], $0x2000  }
0xd1: {  	[sflag:s16] =	ssyncset.done $0x0  }
0xd2: {  	s7 =	rddreg [dreg:$0x9];
	[sflag:s16] =	ssyncadd.s32 $0xFFFFE000  }
0xd3: {  	[tilespmem:s22], [sflag:$0x2] =	stream.indirect.gather [spmem:s2], $0x40, s7, s20, $0xb8;
	[tilespmem:$0x18900] =	vst v63  }
0xd4: {  	_ =	swait.ge [sflag:s13], $0x2000  }
0xd5: {  	[sflag:s13] =	ssyncset.done $0x0  }
0xd6: {  	s7 =	rddreg [dreg:$0xa];
	[sflag:s13] =	ssyncadd.s32 $0xFFFFE000  }
0xd7: {  	[spmem:s3] =	stream.indirect.scatter.add.f32 [tilespmem:s21], [sflag:$0x5], $0x40, s7, s20, $0xb8;
	[tilespmem:$0x18900] =	vst v63  }
0xd8: {  	_ =	swait.ge [sflag:s16], $0x2000  }
0xd9: {  	[sflag:s16] =	ssyncset.done $0x0  }
0xda: {  	s7 =	rddreg [dreg:$0xb];
	[sflag:s16] =	ssyncadd.s32 $0xFFFFE000  }
0xdb: {  	[tilespmem:s21], [sflag:$0x1] =	stream.indirect.gather [spmem:s2], $0x40, s7, s20, $0xb8;
	[tilespmem:$0x18900] =	vst v63  }
0xdc: {  	_ =	swait.ge [sflag:s23], $0x2000  }
0xdd: {  	[sflag:s23] =	ssyncset.done $0x0  }
0xde: {  	s7 =	rddreg [dreg:$0xc];
	[sflag:s23] =	ssyncadd.s32 $0xFFFFE000  }
0xdf: {  	[spmem:s3] =	stream.indirect.scatter.add.f32 [tilespmem:s22], [sflag:$0x5], $0x40, s7, s20, $0xb8;
	[tilespmem:$0x18900] =	vst v63  }
0xe0: {  	_ =	swait.ge [sflag:s16], $0x2000  }
0xe1: {  	[sflag:s16] =	ssyncset.done $0x0  }
0xe2: {  	s7 =	rddreg [dreg:$0xd];
	[sflag:s16] =	ssyncadd.s32 $0xFFFFE000  }
0xe3: {  	[tilespmem:s22], [sflag:$0x2] =	stream.indirect.gather [spmem:s2], $0x40, s7, s20, $0xb8;
	[tilespmem:$0x18900] =	vst v63  }
0xe4: {  	_ =	swait.ge [sflag:s13], $0x2000  }
0xe5: {  	[sflag:s13] =	ssyncset.done $0x0  }
0xe6: {  	s7 =	rddreg [dreg:$0xe];
	[sflag:s13] =	ssyncadd.s32 $0xFFFFE000  }
0xe7: {  	[spmem:s3] =	stream.indirect.scatter.add.f32 [tilespmem:s21], [sflag:$0x5], $0x40, s7, s20, $0xb8;
	[tilespmem:$0x18900] =	vst v63  }
0xe8: {  	_ =	swait.ge [sflag:s16], $0x2000  }
0xe9: {  	[sflag:s16] =	ssyncset.done $0x0  }
0xea: {  	s7 =	rddreg [dreg:$0xf];
	[sflag:s16] =	ssyncadd.s32 $0xFFFFE000  }
0xeb: {  	[tilespmem:s21], [sflag:$0x1] =	stream.indirect.gather [spmem:s2], $0x40, s7, s20, $0xb8;
	[tilespmem:$0x18900] =	vst v63  }
0xec: {  	_ =	swait.ge [sflag:s23], $0x2000  }
0xed: {  	[sflag:s23] =	ssyncset.done $0x0  }
0xee: {  	s7 =	rddreg [dreg:$0x10];
	[sflag:s23] =	ssyncadd.s32 $0xFFFFE000  }
0xef: {  	[spmem:s3] =	stream.indirect.scatter.add.f32 [tilespmem:s22], [sflag:$0x5], $0x40, s7, s20, $0xb8;
	[tilespmem:$0x18900] =	vst v63  }
0xf0: {  	_ =	swait.ge [sflag:s16], $0x2000  }
0xf1: {  	[sflag:s16] =	ssyncset.done $0x0  }
0xf2: {  	s7 =	rddreg [dreg:$0x11];
	[sflag:s16] =	ssyncadd.s32 $0xFFFFE000  }
0xf3: {  	[tilespmem:s22], [sflag:$0x2] =	stream.indirect.gather [spmem:s2], $0x40, s7, s20, $0xb8;
	[tilespmem:$0x18900] =	vst v63  }
0xf4: {  	_ =	swait.ge [sflag:s24], $0x800  }
0xf5: {  	[sflag:s24] =	ssyncset.done $0x0  }
0xf6: {  	[sflag:s24] =	ssyncadd.s32 $0xFFFFF800  }
0xf7: {  	_ =	swait.ge [sflag:s13], $0x2000  }
0xf8: {  	[sflag:s13] =	ssyncset.done $0x0  }
0xf9: {  	s7 =	rddreg [dreg:$0x12];
	[sflag:s13] =	ssyncadd.s32 $0xFFFFE000  }
0xfa: {  	[spmem:s3] =	stream.indirect.scatter.add.f32 [tilespmem:s21], [sflag:$0x5], $0x40, s7, s20, $0xb8;
	[tilespmem:$0x18900] =	vst v63  }
0xfb: {  	_ =	swait.ge [sflag:s16], $0x2000  }
0xfc: {  	[sflag:s16] =	ssyncset.done $0x0  }
0xfd: {  	[sflag:s16] =	ssyncadd.s32 $0xFFFFE000  }
0xfe: {  	[tilespmem:s21], [sflag:$0x1] =	stream.indirect.gather [spmem:s2], $0x40, s18, s20, $0xb8;
	[tilespmem:$0x18900] =	vst v63  }
0xff: {  	_ =	swait.ge [sflag:s23], $0x2000  }
0x100: {  	[sflag:s23] =	ssyncset.done $0x0  }
0x101: {  	s7 =	rddreg [dreg:$0x13];
	[sflag:s23] =	ssyncadd.s32 $0xFFFFE000  }
0x102: {  	[spmem:s3] =	stream.indirect.scatter.add.f32 [tilespmem:s22], [sflag:$0x5], $0x40, s7, s20, $0xb8;
	[tilespmem:$0x18900] =	vst v63  }
0x103: {  	_ =	swait.ge [sflag:s16], $0x2000  }
0x104: {  	s8 =	smov.u32 s12;
	[sflag:s16] =	ssyncset.done $0x0;
	s7 =	rddreg [dreg:$0x5]  }
0x105: {  	s17 =	rddreg [dreg:$0x14];
	[sflag:s16] =	ssyncadd.s32 $0xFFFFE000;
	s8 =	sadd.s32 s8, s7  }
0x106: {  	[tilespmem:s22], [sflag:$0x2] =	stream.indirect.gather [spmem:s2], $0x40, s17, s20, $0xb8;
	[tilespmem:$0x18900] =	vst v63  }
0x107: {  	s7 =	sadd.s32 $0x1600, s8  }
0x108: {  	[tilespmem:s4], [sflag:$0x3] =	stream.linear.gather [hbm4b:s7+s4], $0x800, $0x38;
	[tilespmem:$0x18900] =	vst v63  }
0x109: {  	_ =	swait.ge [sflag:s13], $0x2000  }
0x10a: {  	[sflag:s13] =	ssyncset.done $0x0  }
0x10b: {  	[sflag:s13] =	ssyncadd.s32 $0xFFFFE000  }
0x10c: {  	[spmem:s3] =	stream.indirect.scatter.add.f32 [tilespmem:s21], [sflag:$0x5], $0x40, s25, s20, $0xb8;
	[tilespmem:$0x18900] =	vst v63  }
0x10d: {  	_ =	swait.ge [sflag:s16], $0x2000  }
0x10e: {  	[sflag:s16] =	ssyncset.done $0x0  }
0x10f: {  	[sflag:s16] =	ssyncadd.s32 $0xFFFFE000  }
0x110: {  	[tilespmem:s21], [sflag:$0x1] =	stream.indirect.gather [spmem:s2], $0x40, s26, s20, $0xb8;
	[tilespmem:$0x18900] =	vst v63  }
0x111: {  	_ =	swait.ge [sflag:s23], $0x2000  }
0x112: {  	[sflag:s23] =	ssyncset.done $0x0  }
0x113: {  	[sflag:s23] =	ssyncadd.s32 $0xFFFFE000  }
0x114: {  	[spmem:s3] =	stream.indirect.scatter.add.f32 [tilespmem:s22], [sflag:$0x5], $0x40, s28, s20, $0xb8;
	[tilespmem:$0x18900] =	vst v63  }
0x115: {  	_ =	swait.ge [sflag:s16], $0x2000  }
0x116: {  	[sflag:s16] =	ssyncset.done $0x0  }
0x117: {  	[sflag:s16] =	ssyncadd.s32 $0xFFFFE000  }
0x118: {  	[tilespmem:s22], [sflag:$0x2] =	stream.indirect.gather [spmem:s2], $0x40, s29, s20, $0xb8;
	[tilespmem:$0x18900] =	vst v63  }
0x119: {  	_ =	swait.ge [sflag:s13], $0x2000  }
0x11a: {  	[sflag:s13] =	ssyncset.done $0x0  }
0x11b: {  	[sflag:s13] =	ssyncadd.s32 $0xFFFFE000  }
0x11c: {  	[spmem:s3] =	stream.indirect.scatter.add.f32 [tilespmem:s21], [sflag:$0x5], $0x40, s30, s20, $0xb8;
	[tilespmem:$0x18900] =	vst v63  }
0x11d: {  	_ =	swait.ge [sflag:s16], $0x2000  }
0x11e: {  	[sflag:s16] =	ssyncset.done $0x0  }
0x11f: {  	[sflag:s16] =	ssyncadd.s32 $0xFFFFE000  }
0x120: {  	[tilespmem:s21], [sflag:$0x1] =	stream.indirect.gather [spmem:s2], $0x40, s31, s20, $0xb8;
	[tilespmem:$0x18900] =	vst v63  }
0x121: {  	_ =	swait.ge [sflag:s23], $0x2000  }
0x122: {  	[sflag:s23] =	ssyncset.done $0x0  }
0x123: {  	[sflag:s23] =	ssyncadd.s32 $0xFFFFE000  }
0x124: {  	[spmem:s3] =	stream.indirect.scatter.add.f32 [tilespmem:s22], [sflag:$0x5], $0x40, s1, s20, $0xb8;
	[tilespmem:$0x18900] =	vst v63  }
0x125: {  	_ =	swait.ge [sflag:s16], $0x2000  }
0x126: {  	[sflag:s16] =	ssyncset.done $0x0  }
0x127: {  	[sflag:s16] =	ssyncadd.s32 $0xFFFFE000  }
0x128: {  	[tilespmem:s22], [sflag:$0x2] =	stream.indirect.gather [spmem:s2], $0x40, s0, s20, $0xb8;
	[tilespmem:$0x18900] =	vst v63  }
0x129: {  	_ =	swait.ge [sflag:s13], $0x2000  }
0x12a: {  	[sflag:s13] =	ssyncset.done $0x0  }
0x12b: {  	[sflag:s13] =	ssyncadd.s32 $0xFFFFE000  }
0x12c: {  	[spmem:s3] =	stream.indirect.scatter.add.f32 [tilespmem:s21], [sflag:$0x5], $0x40, s14, s20, $0xb8;
	[tilespmem:$0x18900] =	vst v63  }
0x12d: {  	_ =	swait.ge [sflag:s16], $0x2000  }
0x12e: {  	[sflag:s16] =	ssyncset.done $0x0  }
0x12f: {  	[sflag:s16] =	ssyncadd.s32 $0xFFFFE000  }
0x130: {  	[tilespmem:s21], [sflag:$0x1] =	stream.indirect.gather [spmem:s2], $0x40, s15, s20, $0xb8;
	[tilespmem:$0x18900] =	vst v63  }
0x131: {  	_ =	swait.ge [sflag:s23], $0x2000  }
0x132: {  	[sflag:s23] =	ssyncset.done $0x0  }
0x133: {  	[sflag:s23] =	ssyncadd.s32 $0xFFFFE000  }
0x134: {  	[spmem:s3] =	stream.indirect.scatter.add.f32 [tilespmem:s22], [sflag:$0x5], $0x40, s5, s20, $0xb8;
	[tilespmem:$0x18900] =	vst v63  }
0x135: {  	_ =	swait.ge [sflag:s16], $0x2000  }
0x136: {  	[sflag:s16] =	ssyncset.done $0x0  }
0x137: {  	[sflag:s16] =	ssyncadd.s32 $0xFFFFE000  }
0x138: {  	[tilespmem:s22], [sflag:$0x2] =	stream.indirect.gather [spmem:s2], $0x40, s6, s20, $0xb8;
	[tilespmem:$0x18900] =	vst v63  }
0x139: {  	_ =	swait.ge [sflag:s19], $0x800  }
0x13a: {  	[sflag:s19] =	ssyncset.done $0x0  }
0x13b: {  	[sflag:s19] =	ssyncadd.s32 $0xFFFFF800  }
0x13c: {  	_ =	swait.ge [sflag:s13], $0x2000  }
0x13d: {  	[sflag:s13] =	ssyncset.done $0x0  }
0x13e: {  	[sflag:s13] =	ssyncadd.s32 $0xFFFFE000  }
0x13f: {  	[spmem:s3] =	stream.indirect.scatter.add.f32 [tilespmem:s21], [sflag:$0x5], $0x40, s9, s20, $0xb8;
	[tilespmem:$0x18900] =	vst v63  }
0x140: {  	_ =	swait.ge [sflag:s16], $0x2000  }
0x141: {  	[sflag:s16] =	ssyncset.done $0x0  }
0x142: {  	[sflag:s16] =	ssyncadd.s32 $0xFFFFE000  }
0x143: {  	[tilespmem:s21], [sflag:$0x1] =	stream.indirect.gather [spmem:s2], $0x40, s4, s20, $0xb8;
	[tilespmem:$0x18900] =	vst v63  }
0x144: {  	_ =	swait.ge [sflag:s23], $0x2000  }
0x145: {  	[sflag:s23] =	ssyncset.done $0x0  }
0x146: {  	p0 =	sne.s32 s12, $0xFFFFFE00;
	[sflag:s23] =	ssyncadd.s32 $0xFFFFE000  }
0x147: {  	[spmem:s3] =	stream.indirect.scatter.add.f32 [tilespmem:s22], [sflag:$0x5], $0x40, s10, s20, $0xb8;
	[tilespmem:$0x18900] =	vst v63  }
.Ltmp0:
0x148: {  	_ = 	snop;
	(pc) =	sbr.rel @p0 .LBB2_2-.Ltmp0, $4  }
0x149: {  	_ =	swait.ge [sflag:s16], $0x2000  }
0x14a: {  	[sflag:s16] =	ssyncset.done $0x0  }
0x14b: {  	s12 =	sadd.s32 $0x200, s12;
	s17 =	sadd.s32 $0x1700, s8;
	[sflag:s16] =	ssyncadd.s32 $0xFFFFE000  }
0x14c: {  	[tilespmem:s22], [sflag:$0x2] =	stream.indirect.gather [spmem:s2], $0x40, s20, s20, $0xb8;
	[tilespmem:$0x18900] =	vst v63  }
0x14d: {  	[tilespmem:s18], [sflag:$0x4] =	stream.linear.gather [hbm4b:s17+s4], $0x800, $0x38;
	[tilespmem:$0x18900] =	vst v63  }
0x14e: {  	_ =	swait.ge [sflag:s13], $0x2000  }
0x14f: {  	[sflag:s13] =	ssyncset.done $0x0  }
0x150: {  	[sflag:s13] =	ssyncadd.s32 $0xFFFFE000  }
0x151: {  	_ =	swait.ge [sflag:s23], $0x2000  }
0x152: {  	[sflag:s23] =	ssyncset.done $0x0  }
0x153: {  	[sflag:s23] =	ssyncadd.s32 $0xFFFFE000  }
0x154: {  	_ =	swait.ge [sflag:s24], $0x800  }
0x155: {  	[sflag:s24] =	ssyncset.done $0x0  }
0x156: {  	[sflag:s24] =	ssyncadd.s32 $0xFFFFF800  }
0x157: {  	[bflag:$0x0] =	sbarrier.arrive $0xFFFF  }
0x158: {  	s12 =	rddreg [dreg:$0x17]  }
0x159: {  	s7 =	rddreg [dreg:$0x1a]  }
0x15a: {  	[hbm:s7], [sflag:s12] =	dma.local [spmem:s11], $0x1390  }
0x15b: {  	_ =	swait.ge [sflag:s16], $0x1390  }
0x15c: {  	s8 =	rddreg [dreg:$0x1d]  }
0x15d: {  	s17 =	rddreg [dreg:$0x1b];
	s8 =	sadd.s32 $0x1, s8  }
0x15e: {  	p0 =	sne.s32 s8, s17  }
.Ltmp1:
0x15f: {  	_ = 	snop;
	(pc) =	sbr.rel @p0 .LBB2_1-.Ltmp1, $3  }
0x160: {  	_ =	sdelay $0x1  }
0x161: {  	[sflag:s16] =	ssyncset.done $0x0  }
0x162: {  	[sflag:s16] =	ssyncadd.s32 $0xFFFFEC70  }
0x163: {  	_ =	sfence.sel $0x180000  }
0x164: {  	[bflag:$0x0] =	sbarrier.arrive $0xFFFF  }
0x165: {  	_ =	strace $0x9000004A  }
0x166: {  	s0 =	stileid.u32;
	[bflag:$0x2] =	sbarrier.arrive $0xFFFF  }
0x167: {  	p0 =	sne.s32 s0, $0x0;
	s0 =	rddreg [dreg:$0x4]  }
0x168: {  	s0 =	sadd.s32 @!p0 $0x100000, s0  }
0x169: {  	[sflag:s0] =	ssyncadd.tile.s32 @!p0 $0x1;
	_ =	shalt  }
.Lfunc_end2:
_tile_overlayer_lowered:
.L_overlay_start_2:
0x16a: {  	(tag) =	ssettag $0x2  }
0x16b: {  	s0 =	rddreg [dreg:$0x0];
	s2 =	stileid.u32  }
0x16c: {  	s1 =	rddreg [dreg:$0x1];
	p0 =	sne.s32 s2, $0x0  }
0x16d: {  	s3 =	rddreg [dreg:$0x2];
	[bflag:$0x3] =	sbarrier.arrive $0xFFFF;
	s2 =	simm.s32 @!p0 $0x1C05  }
0x16e: {  	[timem:s3], [sflag:s2] =	dma.local @!p0 [hbm:s0], s1  }
0x16f: {  	s0 =	simm.s32 @!p0 $0x5  }
0x170: {  	_ =	swait.ge @!p0 [sflag:s0], s1  }
0x171: {  	s1 =	ssub.s32 @!p0 $0x0, s1;
	[sflag:s0] =	ssyncset.done @!p0 $0x0  }
0x172: {  	[sflag:s0] =	ssyncadd.s32 @!p0 s1  }
0x173: {  	[bflag:$0x3] =	sbarrier.arrive $0xFFFF  }
0x174: {  	_ =	shalt  }

</sc_bundles>
